<compile_context>
chip_gen: v7x
topology: tpu7x:2x2x1
jax: 0.10.2.dev20260603
libtpu: 0.0.44.dev20260713+nightly
codegen_flags: <defaults>
</compile_context>

<pallas_src>
import functools

import jax
import jax.numpy as jnp
from jax import lax
from jax.experimental import pallas as pl
from jax.experimental.pallas import tpu as pltpu
from jax.experimental.pallas import tpu_sc as plsc

N = 10000
NP = 10240
DH = 64
HH = DH // 2
DUMMY = 10000
C = 128
GROUP = 8
PCHUNKS = 160
E_PAD = 16 * PCHUNKS * C
DCHUNKS = 80
STRIPE = NP // 16
DEG_W = 16
DEG_GROUP = 8
SLAB = 128


@functools.cache
def _mesh():
    return plsc.VectorSubcoreMesh(core_axis_name="c", subcore_axis_name="s",
                                  num_cores=2, num_subcores=16)


def _edge_sweep(u_sh, acc, src_v, dst_v, rows_v, gsem, ssem, gn=GROUP):
    def group(g, carry):
        @pl.when(g > 0)
        def _():
            for b in range(gn):
                pltpu.make_async_copy(rows_v.at[b], acc.at[dst_v.at[0]], ssem).wait()
        for b in range(gn):
            pltpu.async_copy(u_sh.at[src_v.at[g * gn + b]], rows_v.at[b], gsem)
        for b in range(gn):
            pltpu.make_async_copy(u_sh.at[src_v.at[0]], rows_v.at[b], gsem).wait()
        for b in range(gn):
            pltpu.async_copy(rows_v.at[b], acc.at[dst_v.at[g * gn + b]], ssem,
                             add=True)
        return carry

    lax.fori_loop(0, PCHUNKS // gn, group, 0)
    for b in range(gn):
        pltpu.make_async_copy(rows_v.at[b], acc.at[dst_v.at[0]], ssem).wait()


def _prop_body(u_hbm, srcs_hbm, dsts_hbm, out_hbm,
               src_v, dst_v, rows_v, acc, u_sh, gsem, ssem):
    c = lax.axis_index("c")
    s = lax.axis_index("s")
    pltpu.sync_copy(u_hbm.at[c, pl.ds(s * STRIPE, STRIPE)],
                    u_sh.at[pl.ds(s * STRIPE, STRIPE)])
    pltpu.sync_copy(u_hbm.at[c, pl.ds(s * STRIPE, STRIPE)],
                    acc.at[pl.ds(s * STRIPE, STRIPE)])
    pltpu.sync_copy(srcs_hbm.at[pl.ds(s * PCHUNKS, PCHUNKS)], src_v)
    pltpu.sync_copy(dsts_hbm.at[pl.ds(s * PCHUNKS, PCHUNKS)], dst_v)
    plsc.subcore_barrier()
    _edge_sweep(u_sh, acc, src_v, dst_v, rows_v, gsem, ssem)
    plsc.subcore_barrier()
    pltpu.sync_copy(acc.at[pl.ds(s * STRIPE, STRIPE)],
                    out_hbm.at[c, pl.ds(s * STRIPE, STRIPE)])


@functools.cache
def _prop_call():
    return pl.kernel(
        _prop_body,
        out_type=jax.ShapeDtypeStruct((2, NP, HH), jnp.float32),
        mesh=_mesh(),
        scratch_types=[
            pltpu.VMEM((PCHUNKS, C), jnp.int32),
            pltpu.VMEM((PCHUNKS, C), jnp.int32),
            pltpu.VMEM((GROUP, C, HH), jnp.float32),
            pltpu.VMEM_SHARED((NP, HH), jnp.float32),
            pltpu.VMEM_SHARED((NP, HH), jnp.float32),
            pltpu.SemaphoreType.DMA,
            pltpu.SemaphoreType.DMA,
        ],
        compiler_params=pltpu.CompilerParams(use_tc_tiling_on_sc=False),
    )


def _prop23_body(ulo_hbm, uhi_hbm, srcs_hbm, dsts_hbm, dis_hbm, a_hbm, b_hbm,
                 olo_hbm, ohi_hbm, src_v, dst_v, rows_v, sbuf, dis_v, a_v,
                 b_v, acc, u_sh, gsem, ssem):
    c = lax.axis_index("c")
    s = lax.axis_index("s")

    @pl.when(c == 0)
    def _():
        pltpu.sync_copy(ulo_hbm.at[pl.ds(s * STRIPE, STRIPE)],
                        u_sh.at[pl.ds(s * STRIPE, STRIPE)])
        pltpu.sync_copy(ulo_hbm.at[pl.ds(s * STRIPE, STRIPE)],
                        acc.at[pl.ds(s * STRIPE, STRIPE)])

    @pl.when(c == 1)
    def _():
        pltpu.sync_copy(uhi_hbm.at[pl.ds(s * STRIPE, STRIPE)],
                        u_sh.at[pl.ds(s * STRIPE, STRIPE)])
        pltpu.sync_copy(uhi_hbm.at[pl.ds(s * STRIPE, STRIPE)],
                        acc.at[pl.ds(s * STRIPE, STRIPE)])

    pltpu.sync_copy(srcs_hbm.at[pl.ds(s * PCHUNKS, PCHUNKS)], src_v)
    pltpu.sync_copy(dsts_hbm.at[pl.ds(s * PCHUNKS, PCHUNKS)], dst_v)
    pltpu.sync_copy(dis_hbm.at[pl.ds(s * STRIPE, STRIPE)], dis_v)
    pltpu.sync_copy(a_hbm.at[c], a_v)
    pltpu.sync_copy(b_hbm.at[c], b_v)
    plsc.subcore_barrier()
    _edge_sweep(u_sh, acc, src_v, dst_v, rows_v, gsem, ssem)
    plsc.subcore_barrier()
    a0 = a_v[pl.ds(0, 16)]
    a1 = a_v[pl.ds(16, 16)]
    b0 = b_v[pl.ds(0, 16)]
    b1 = b_v[pl.ds(16, 16)]

    def slab(t, carry):
        base = s * STRIPE + t * SLAB
        pltpu.sync_copy(acc.at[pl.ds(base, SLAB)], sbuf)

        def row(j, carry2):
            d = plsc.load_gather(dis_v,
                                 [jnp.full((16,), t * SLAB + j, jnp.int32)])
            r0 = sbuf[j, pl.ds(0, 16)]
            r1 = sbuf[j, pl.ds(16, 16)]
            sbuf[j, pl.ds(0, 16)] = d * jnp.maximum(d * r0 * a0 + b0, 0.0)
            sbuf[j, pl.ds(16, 16)] = d * jnp.maximum(d * r1 * a1 + b1, 0.0)
            return carry2

        lax.fori_loop(0, SLAB, row, 0, unroll=4)
        pltpu.sync_copy(sbuf, u_sh.at[pl.ds(base, SLAB)])
        pltpu.sync_copy(sbuf, acc.at[pl.ds(base, SLAB)])
        return carry

    lax.fori_loop(0, STRIPE // SLAB, slab, 0)
    plsc.subcore_barrier()
    _edge_sweep(u_sh, acc, src_v, dst_v, rows_v, gsem, ssem)
    plsc.subcore_barrier()

    @pl.when(c == 0)
    def _():
        pltpu.sync_copy(acc.at[pl.ds(s * STRIPE, STRIPE)],
                        olo_hbm.at[pl.ds(s * STRIPE, STRIPE)])

    @pl.when(c == 1)
    def _():
        pltpu.sync_copy(acc.at[pl.ds(s * STRIPE, STRIPE)],
                        ohi_hbm.at[pl.ds(s * STRIPE, STRIPE)])


@functools.cache
def _prop23_call():
    return pl.kernel(
        _prop23_body,
        out_type=[jax.ShapeDtypeStruct((NP, HH), jnp.float32),
                  jax.ShapeDtypeStruct((NP, HH), jnp.float32)],
        mesh=_mesh(),
        scratch_types=[
            pltpu.VMEM((PCHUNKS, C), jnp.int32),
            pltpu.VMEM((PCHUNKS, C), jnp.int32),
            pltpu.VMEM((GROUP, C, HH), jnp.float32),
            pltpu.VMEM((SLAB, HH), jnp.float32),
            pltpu.VMEM((STRIPE,), jnp.float32),
            pltpu.VMEM((HH,), jnp.float32),
            pltpu.VMEM((HH,), jnp.float32),
            pltpu.VMEM_SHARED((NP, HH), jnp.float32),
            pltpu.VMEM_SHARED((NP, HH), jnp.float32),
            pltpu.SemaphoreType.DMA,
            pltpu.SemaphoreType.DMA,
        ],
        compiler_params=pltpu.CompilerParams(use_tc_tiling_on_sc=False,
                                             needs_layout_passes=False),
    )


def _deg_body(dsts_hbm, ones_hbm, zeros_hbm, out_hbm,
              dst_v, ones_v, acc, ssem):
    c = lax.axis_index("c")
    s = lax.axis_index("s")
    w = s * 2 + c
    pltpu.sync_copy(zeros_hbm.at[pl.ds(s * STRIPE, STRIPE)],
                    acc.at[pl.ds(s * STRIPE, STRIPE)])
    pltpu.sync_copy(ones_hbm, ones_v)
    pltpu.sync_copy(dsts_hbm.at[pl.ds(w * DCHUNKS, DCHUNKS)], dst_v)
    plsc.subcore_barrier()

    def group(g, carry):
        @pl.when(g > 0)
        def _():
            for b in range(DEG_GROUP):
                pltpu.make_async_copy(ones_v, acc.at[dst_v.at[0]], ssem).wait()
        for b in range(DEG_GROUP):
            pltpu.async_copy(ones_v, acc.at[dst_v.at[g * DEG_GROUP + b]], ssem,
                             add=True)
        return carry

    lax.fori_loop(0, DCHUNKS // DEG_GROUP, group, 0)
    for b in range(DEG_GROUP):
        pltpu.make_async_copy(ones_v, acc.at[dst_v.at[0]], ssem).wait()
    plsc.subcore_barrier()
    pltpu.sync_copy(acc.at[pl.ds(s * STRIPE, STRIPE)],
                    out_hbm.at[c, pl.ds(s * STRIPE, STRIPE)])


@functools.cache
def _deg_call():
    return pl.kernel(
        _deg_body,
        out_type=jax.ShapeDtypeStruct((2, NP, DEG_W), jnp.float32),
        mesh=_mesh(),
        scratch_types=[
            pltpu.VMEM((DCHUNKS, C), jnp.int32),
            pltpu.VMEM((C, DEG_W), jnp.float32),
            pltpu.VMEM_SHARED((NP, DEG_W), jnp.float32),
            pltpu.SemaphoreType.DMA,
        ],
        compiler_params=pltpu.CompilerParams(use_tc_tiling_on_sc=False),
    )



_RB = 1024
_GRID = NP // _RB

_halves = pl.BlockSpec((2, _RB, HH), lambda i: (0, i, 0))


def _split(u, out_ref):
    out_ref[0] = u[:, :HH]
    out_ref[1] = u[:, HH:]


def _tc1a_body(x_ref, w1_ref, h_ref):
    h_ref[...] = jnp.dot(x_ref[...], w1_ref[...],
                         preferred_element_type=jnp.float32)


def _tc1a(x, w1):
    return pl.pallas_call(
        _tc1a_body,
        grid=(_GRID,),
        in_specs=[
            pl.BlockSpec((_RB, 128), lambda i: (i, 0)),
            pl.BlockSpec((128, DH), lambda i: (0, 0)),
        ],
        out_specs=pl.BlockSpec((_RB, DH), lambda i: (i, 0)),
        out_shape=jax.ShapeDtypeStruct((NP, DH), jnp.float32),
    )(x, w1)


def _tc1b_body(h_ref, d0_ref, d1_ref, u1_ref, dis_ref):
    cnt = d0_ref[:, 0:1] + d1_ref[:, 0:1]
    dis = 1.0 / jnp.sqrt(cnt + 1.0)
    dis_ref[...] = dis
    _split(dis * h_ref[...], u1_ref)


def _tc1b(h, d0, d1):
    return pl.pallas_call(
        _tc1b_body,
        grid=(_GRID,),
        in_specs=[
            pl.BlockSpec((_RB, DH), lambda i: (i, 0)),
            pl.BlockSpec((_RB, DEG_W), lambda i: (i, 0)),
            pl.BlockSpec((_RB, DEG_W), lambda i: (i, 0)),
        ],
        out_specs=[
            _halves,
            pl.BlockSpec((_RB, 1), lambda i: (i, 0)),
        ],
        out_shape=[
            jax.ShapeDtypeStruct((2, NP, HH), jnp.float32),
            jax.ShapeDtypeStruct((NP, 1), jnp.float32),
        ],
    )(h, d0, d1)


def _tc2_body(s_ref, dis_ref, b_ref, g_ref, be_ref, rm_ref,
              rv_ref, w_ref, out_ref):
    dis = dis_ref[...]
    su = jnp.concatenate([s_ref[0], s_ref[1]], axis=1)
    t = dis * su + b_ref[...]
    t = (t - rm_ref[...]) / jnp.sqrt(rv_ref[...] + 1e-5) * g_ref[...] + be_ref[...]
    t = jnp.maximum(t, 0.0)
    _split(dis * jnp.dot(t, w_ref[...], preferred_element_type=jnp.float32),
           out_ref)


def _tc2(s, dis, b, g, be, rm, rv, w):
    vec = pl.BlockSpec((1, DH), lambda i: (0, 0))
    return pl.pallas_call(
        _tc2_body,
        grid=(_GRID,),
        in_specs=[_halves, pl.BlockSpec((_RB, 1), lambda i: (i, 0)),
                  vec, vec, vec, vec, vec,
                  pl.BlockSpec((DH, DH), lambda i: (0, 0))],
        out_specs=_halves,
        out_shape=jax.ShapeDtypeStruct((2, NP, HH), jnp.float32),
    )(s, dis, b, g, be, rm, rv, w)


def _tc4_body(s_ref, dis_ref, w_ref, b_ref, out_ref):
    p = dis_ref[...] * jnp.concatenate([s_ref[0], s_ref[1]], axis=1)
    out_ref[...] = jnp.dot(p, w_ref[...],
                           preferred_element_type=jnp.float32) + b_ref[...]


def _tc4(s, dis, w, b):
    return pl.pallas_call(
        _tc4_body,
        grid=(_GRID,),
        in_specs=[_halves, pl.BlockSpec((_RB, 1), lambda i: (i, 0)),
                  pl.BlockSpec((DH, 128), lambda i: (0, 0)),
                  pl.BlockSpec((1, 128), lambda i: (0, 0))],
        out_specs=pl.BlockSpec((_RB, 128), lambda i: (i, 0)),
        out_shape=jax.ShapeDtypeStruct((NP, 128), jnp.float32),
    )(s, dis, w, b)


def kernel(x, edge_index, W1, b1, g1, be1, rm1, rv1, W2, b2, g2, be2, rm2,
           rv2, W3, b3):
    src = edge_index[0].astype(jnp.int32)
    dst = edge_index[1].astype(jnp.int32)
    pad = E_PAD - src.shape[0]
    srcs = jnp.concatenate([src, jnp.zeros((pad,), jnp.int32)]).reshape(-1, C)
    dsts = jnp.concatenate([dst, jnp.full((pad,), DUMMY, jnp.int32)]).reshape(-1, C)
    ones = jnp.ones((C, DEG_W), jnp.float32)
    zeros = jnp.zeros((NP, DEG_W), jnp.float32)
    xp = jnp.pad(x, ((0, NP - x.shape[0]), (0, 0)))

    h1 = _tc1a(xp, W1)
    degp = _deg_call()(dsts, ones, zeros)
    u1, dis = _tc1b(h1, degp[0], degp[1])
    s1 = _prop_call()(u1, srcs, dsts)
    u2 = _tc2(s1, dis, b1.reshape(1, DH), g1.reshape(1, DH),
              be1.reshape(1, DH), rm1.reshape(1, DH), rv1.reshape(1, DH), W2)
    a2 = g2 / jnp.sqrt(rv2 + 1e-5)
    b2f = (b2 - rm2) * a2 + be2
    s3lo, s3hi = _prop23_call()(u2[0], u2[1], srcs, dsts, dis.reshape(NP),
                                a2.reshape(2, HH), b2f.reshape(2, HH))
    s3 = jnp.stack([s3lo, s3hi])
    w3p = jnp.pad(W3, ((0, 0), (0, 128 - W3.shape[1])))
    b3p = jnp.pad(b3, (0, 128 - b3.shape[0])).reshape(1, 128)
    outp = _tc4(s3, dis, w3p, b3p)
    return outp[:N, :b3.shape[0]]

# --- scband reference (transcript-rebuilt; emitter-appended) ---
"""Pipeline reference for scband-gcnmodel-11407433138237 (READ-ONLY COPY).

The authoritative reference and input builder live on the scoring server;
editing this copy changes nothing except your own understanding.
"""

import jax, jax.numpy as jnp
import numpy as np

N_NODES = 10000


def _gcn_layer(x, edge_index, W, b):
    # GCNConv (PyG-style): linear transform, add self-loops, symmetric normalization, scatter-add
    h = x @ W
    n = h.shape[0]
    loop = jnp.arange(n, dtype=edge_index.dtype)
    src = jnp.concatenate([edge_index[0], loop])
    dst = jnp.concatenate([edge_index[1], loop])
    ones = jnp.ones(src.shape[0], dtype=h.dtype)
    deg = jax.ops.segment_sum(ones, dst, num_segments=n)
    dis = jnp.where(deg > 0, 1.0 / jnp.sqrt(deg), 0.0)
    norm = dis[src] * dis[dst]
    msg = h[src] * norm[:, None]
    out = jax.ops.segment_sum(msg, dst, num_segments=n)
    return out + b


def _bn(x, g, be, rm, rv, eps=1e-5):
    # BatchNorm1d in eval mode (running stats)
    return (x - rm) / jnp.sqrt(rv + eps) * g + be


def setup_inputs(seed: int = 0) -> dict:
    key = jax.random.key(seed)
    ks = jax.random.split(key, 8)
    d_in, d_h, d_out = 128, 64, 2
    x = jax.random.normal(ks[0], (N_NODES, d_in), dtype=jnp.float32)
    edge_index = jax.random.randint(ks[1], (2, 320000), 0, N_NODES, dtype=jnp.int64)
    W1 = jax.random.normal(ks[2], (d_in, d_h), dtype=jnp.float32) * 0.05
    b1 = jnp.zeros((d_h,), dtype=jnp.float32)
    W2 = jax.random.normal(ks[3], (d_h, d_h), dtype=jnp.float32) * 0.05
    b2 = jnp.zeros((d_h,), dtype=jnp.float32)
    W3 = jax.random.normal(ks[4], (d_h, d_out), dtype=jnp.float32) * 0.05
    b3 = jnp.zeros((d_out,), dtype=jnp.float32)
    g1 = jnp.ones((d_h,), dtype=jnp.float32); be1 = jnp.zeros((d_h,), dtype=jnp.float32)
    rm1 = jnp.zeros((d_h,), dtype=jnp.float32); rv1 = jnp.ones((d_h,), dtype=jnp.float32)
    g2 = jnp.ones((d_h,), dtype=jnp.float32); be2 = jnp.zeros((d_h,), dtype=jnp.float32)
    rm2 = jnp.zeros((d_h,), dtype=jnp.float32); rv2 = jnp.ones((d_h,), dtype=jnp.float32)
    return {"x": x, "edge_index": edge_index, "W1": W1, "b1": b1, "g1": g1, "be1": be1, "rm1": rm1, "rv1": rv1, "W2": W2, "b2": b2, "g2": g2, "be2": be2, "rm2": rm2, "rv2": rv2, "W3": W3, "b3": b3}


def reference(x, edge_index, W1, b1, g1, be1, rm1, rv1, W2, b2, g2, be2, rm2, rv2, W3, b3):
    h = _gcn_layer(x, edge_index, W1, b1)
    h = _bn(h, g1, be1, rm1, rv1)
    h = jax.nn.relu(h)
    # dropout is identity in eval mode
    h = _gcn_layer(h, edge_index, W2, b2)
    h = _bn(h, g2, be2, rm2, rv2)
    h = jax.nn.relu(h)
    out = _gcn_layer(h, edge_index, W3, b3)
    return out

if __name__ == "__main__":
    import jax
    _d = setup_inputs()
    print(jax.jit(kernel)(*tuple(_d.values())))

</pallas_src>

<mosaic_0001>
#map = affine_map<(d0, d1) -> (0, 0)>
#map1 = affine_map<(d0, d1) -> (0, 0, 0)>
module attributes {stable_mosaic.version = 14 : i64} {
  func.func @_deg_body(%arg0: i32, %arg1: i32, %arg2: memref<2560x128xi32, #tpu.memory_space<hbm>>, %arg3: memref<128x16xf32, #tpu.memory_space<hbm>>, %arg4: memref<10240x16xf32, #tpu.memory_space<hbm>>, %arg5: memref<2x10240x16xf32, #tpu.memory_space<hbm>>, %arg6: memref<80x128xi32, #tpu.memory_space<vmem>>, %arg7: memref<128x16xf32, #tpu.memory_space<vmem>>, %arg8: memref<10240x16xf32, #tpu.memory_space<vmem_shared>>, %arg9: memref<!tpu.dma_semaphore, #tpu.memory_space<semaphore_mem>>) attributes {dimension_semantics = [#tpu.dimension_semantics<core_parallel>, #tpu.dimension_semantics<subcore_parallel>], iteration_bounds = array<i64: 2, 16>, scalar_prefetch = 0 : i64, scratch_operands = 4 : i64, tpu.core_type = #tpu.core_type<sc_vector_subcore>, window_params = [{transform_indices = #map}, {transform_indices = #map}, {transform_indices = #map}, {transform_indices = #map1}]} {
    %mul3A = arith.constant 2 : i32
    %mul3A_0 = arith.muli %arg1, %mul3A : i32
    %add3A = arith.addi %mul3A_0, %arg0 : i32
    %mul3A_1 = arith.constant 640 : i32
    %mul3A_2 = arith.muli %arg1, %mul3A_1 : i32
    %mul3A_3 = arith.constant 640 : i32
    %mul3A_4 = arith.muli %arg1, %mul3A_3 : i32
    "tpu.region"() ({
      %run_scoped3A = tpu.sem_alloc : memref<!tpu.dma_semaphore, #tpu.memory_space<semaphore_mem>>
      %dma_start3A = arith.constant 0 : i32
      %dma_start3A_72 = tpu.memref_slice %arg8[%mul3A_4, %dma_start3A] : memref<10240x16xf32, #tpu.memory_space<vmem_shared>> -> memref<640x16xf32, #tpu.memory_space<vmem_shared>>
      %dma_start3A_73 = arith.constant 0 : i32
      %dma_start3A_74 = tpu.memref_slice %arg4[%mul3A_2, %dma_start3A_73] : memref<10240x16xf32, #tpu.memory_space<hbm>> -> memref<640x16xf32, #tpu.memory_space<hbm>>
      tpu.enqueue_dma source(%dma_start3A_74 : memref<640x16xf32, #tpu.memory_space<hbm>>) target(%dma_start3A_72 : memref<640x16xf32, #tpu.memory_space<vmem_shared>>) target_semaphore(%run_scoped3A : memref<!tpu.dma_semaphore, #tpu.memory_space<semaphore_mem>>)
      %dma_wait3A_75 = arith.constant 0 : i32
      %dma_wait3A_76 = tpu.memref_slice %arg8[%mul3A_4, %dma_wait3A_75] : memref<10240x16xf32, #tpu.memory_space<vmem_shared>> -> memref<640x16xf32, #tpu.memory_space<vmem_shared>>
      %dma_wait3A_77 = arith.constant 0 : i32
      %dma_wait3A_78 = tpu.memref_slice %arg4[%mul3A_2, %dma_wait3A_77] : memref<10240x16xf32, #tpu.memory_space<hbm>> -> memref<640x16xf32, #tpu.memory_space<hbm>>
      tpu.wait_dma2 semaphore(%run_scoped3A : memref<!tpu.dma_semaphore, #tpu.memory_space<semaphore_mem>>) src(%dma_wait3A_78 : memref<640x16xf32, #tpu.memory_space<hbm>>) dst(%dma_wait3A_76 : memref<640x16xf32, #tpu.memory_space<vmem_shared>>)
      tpu.yield
    }) : () -> ()
    "tpu.region"() ({
      %run_scoped3A = tpu.sem_alloc : memref<!tpu.dma_semaphore, #tpu.memory_space<semaphore_mem>>
      tpu.enqueue_dma source(%arg3 : memref<128x16xf32, #tpu.memory_space<hbm>>) target(%arg7 : memref<128x16xf32, #tpu.memory_space<vmem>>) target_semaphore(%run_scoped3A : memref<!tpu.dma_semaphore, #tpu.memory_space<semaphore_mem>>)
      tpu.wait_dma2 semaphore(%run_scoped3A : memref<!tpu.dma_semaphore, #tpu.memory_space<semaphore_mem>>) src(%arg3 : memref<128x16xf32, #tpu.memory_space<hbm>>) dst(%arg7 : memref<128x16xf32, #tpu.memory_space<vmem>>)
      tpu.yield
    }) : () -> ()
    %mul3A_5 = arith.constant 80 : i32
    %mul3A_6 = arith.muli %add3A, %mul3A_5 : i32
    "tpu.region"() ({
      %run_scoped3A = tpu.sem_alloc : memref<!tpu.dma_semaphore, #tpu.memory_space<semaphore_mem>>
      %dma_start3A = arith.constant 0 : i32
      %dma_start3A_72 = tpu.memref_slice %arg2[%mul3A_6, %dma_start3A] : memref<2560x128xi32, #tpu.memory_space<hbm>> -> memref<80x128xi32, #tpu.memory_space<hbm>>
      %dma_start3A_73 = arith.constant 0 : i32
      %dma_start3A_74 = tpu.memref_slice %arg2[%mul3A_6, %dma_start3A_73] : memref<2560x128xi32, #tpu.memory_space<hbm>> -> memref<80x128xi32, #tpu.memory_space<hbm>>
      tpu.enqueue_dma source(%dma_start3A_74 : memref<80x128xi32, #tpu.memory_space<hbm>>) target(%arg6 : memref<80x128xi32, #tpu.memory_space<vmem>>) target_semaphore(%run_scoped3A : memref<!tpu.dma_semaphore, #tpu.memory_space<semaphore_mem>>)
      %dma_wait3A_75 = arith.constant 0 : i32
      %dma_wait3A_76 = tpu.memref_slice %arg2[%mul3A_6, %dma_wait3A_75] : memref<2560x128xi32, #tpu.memory_space<hbm>> -> memref<80x128xi32, #tpu.memory_space<hbm>>
      %dma_wait3A_77 = arith.constant 0 : i32
      %dma_wait3A_78 = tpu.memref_slice %arg2[%mul3A_6, %dma_wait3A_77] : memref<2560x128xi32, #tpu.memory_space<hbm>> -> memref<80x128xi32, #tpu.memory_space<hbm>>
      tpu.wait_dma2 semaphore(%run_scoped3A : memref<!tpu.dma_semaphore, #tpu.memory_space<semaphore_mem>>) src(%dma_wait3A_78 : memref<80x128xi32, #tpu.memory_space<hbm>>) dst(%arg6 : memref<80x128xi32, #tpu.memory_space<vmem>>)
      tpu.yield
    }) : () -> ()
    %barrier3A = arith.constant 0 : index
    tpu.barrier barrier_id(%barrier3A)
    %scan3A = arith.constant 0 : i32
    %scan3A_7 = arith.constant 0 : i32
    %scan3A_8 = arith.constant 10 : i32
    %scan3A_9 = arith.addi %scan3A_7, %scan3A_8 : i32
    %scan3A_10 = arith.constant 1 : i32
    scf.for %scan3A_72 = %scan3A_7 to %scan3A_9 step %scan3A_10  : i32 {
      %gt3A = arith.constant 0 : i32
      %gt3A_73 = arith.cmpi sgt, %scan3A_72, %gt3A : i32
      %convert_element_type3A = arith.extui %gt3A_73 : i1 to i32
      %cond3A = arith.constant 0 : i32
      %cond3A_74 = arith.cmpi ne, %convert_element_type3A, %cond3A : i32
      scf.if %cond3A_74 {
        %dma_wait3A_154 = arith.constant 0 : i32
        %dma_wait3A_155 = arith.constant 0 : i32
        %dma_wait3A_156 = tpu.memref_slice %arg6[%dma_wait3A_154, %dma_wait3A_155] : memref<80x128xi32, #tpu.memory_space<vmem>> -> memref<1x128xi32, #tpu.memory_space<vmem>>
        %dma_wait3A_157 = tpu.memref_squeeze %dma_wait3A_156 : memref<1x128xi32, #tpu.memory_space<vmem>> -> memref<128xi32, #tpu.memory_space<vmem>>
        %dma_wait3A_158 = arith.constant 0 : i32
        %dma_wait3A_159 = arith.constant 0 : i32
        %dma_wait3A_160 = tpu.memref_slice %arg8[%dma_wait3A_158, %dma_wait3A_159] : memref<10240x16xf32, #tpu.memory_space<vmem_shared>> -> memref<10240x16xf32, #tpu.memory_space<vmem_shared>>
        tpu.wait_indirect_dma semaphore(%arg9 : memref<!tpu.dma_semaphore, #tpu.memory_space<semaphore_mem>>) src(%arg7 : memref<128x16xf32, #tpu.memory_space<vmem>>) dst(%dma_wait3A_160 : memref<10240x16xf32, #tpu.memory_space<vmem_shared>>)
        %dma_wait3A_161 = arith.constant 0 : i32
        %dma_wait3A_162 = arith.constant 0 : i32
        %dma_wait3A_163 = tpu.memref_slice %arg6[%dma_wait3A_161, %dma_wait3A_162] : memref<80x128xi32, #tpu.memory_space<vmem>> -> memref<1x128xi32, #tpu.memory_space<vmem>>
        %dma_wait3A_164 = tpu.memref_squeeze %dma_wait3A_163 : memref<1x128xi32, #tpu.memory_space<vmem>> -> memref<128xi32, #tpu.memory_space<vmem>>
        %dma_wait3A_165 = arith.constant 0 : i32
        %dma_wait3A_166 = arith.constant 0 : i32
        %dma_wait3A_167 = tpu.memref_slice %arg8[%dma_wait3A_165, %dma_wait3A_166] : memref<10240x16xf32, #tpu.memory_space<vmem_shared>> -> memref<10240x16xf32, #tpu.memory_space<vmem_shared>>
        tpu.wait_indirect_dma semaphore(%arg9 : memref<!tpu.dma_semaphore, #tpu.memory_space<semaphore_mem>>) src(%arg7 : memref<128x16xf32, #tpu.memory_space<vmem>>) dst(%dma_wait3A_167 : memref<10240x16xf32, #tpu.memory_space<vmem_shared>>)
        %dma_wait3A_168 = arith.constant 0 : i32
        %dma_wait3A_169 = arith.constant 0 : i32
        %dma_wait3A_170 = tpu.memref_slice %arg6[%dma_wait3A_168, %dma_wait3A_169] : memref<80x128xi32, #tpu.memory_space<vmem>> -> memref<1x128xi32, #tpu.memory_space<vmem>>
        %dma_wait3A_171 = tpu.memref_squeeze %dma_wait3A_170 : memref<1x128xi32, #tpu.memory_space<vmem>> -> memref<128xi32, #tpu.memory_space<vmem>>
        %dma_wait3A_172 = arith.constant 0 : i32
        %dma_wait3A_173 = arith.constant 0 : i32
        %dma_wait3A_174 = tpu.memref_slice %arg8[%dma_wait3A_172, %dma_wait3A_173] : memref<10240x16xf32, #tpu.memory_space<vmem_shared>> -> memref<10240x16xf32, #tpu.memory_space<vmem_shared>>
        tpu.wait_indirect_dma semaphore(%arg9 : memref<!tpu.dma_semaphore, #tpu.memory_space<semaphore_mem>>) src(%arg7 : memref<128x16xf32, #tpu.memory_space<vmem>>) dst(%dma_wait3A_174 : memref<10240x16xf32, #tpu.memory_space<vmem_shared>>)
        %dma_wait3A_175 = arith.constant 0 : i32
        %dma_wait3A_176 = arith.constant 0 : i32
        %dma_wait3A_177 = tpu.memref_slice %arg6[%dma_wait3A_175, %dma_wait3A_176] : memref<80x128xi32, #tpu.memory_space<vmem>> -> memref<1x128xi32, #tpu.memory_space<vmem>>
        %dma_wait3A_178 = tpu.memref_squeeze %dma_wait3A_177 : memref<1x128xi32, #tpu.memory_space<vmem>> -> memref<128xi32, #tpu.memory_space<vmem>>
        %dma_wait3A_179 = arith.constant 0 : i32
        %dma_wait3A_180 = arith.constant 0 : i32
        %dma_wait3A_181 = tpu.memref_slice %arg8[%dma_wait3A_179, %dma_wait3A_180] : memref<10240x16xf32, #tpu.memory_space<vmem_shared>> -> memref<10240x16xf32, #tpu.memory_space<vmem_shared>>
        tpu.wait_indirect_dma semaphore(%arg9 : memref<!tpu.dma_semaphore, #tpu.memory_space<semaphore_mem>>) src(%arg7 : memref<128x16xf32, #tpu.memory_space<vmem>>) dst(%dma_wait3A_181 : memref<10240x16xf32, #tpu.memory_space<vmem_shared>>)
        %dma_wait3A_182 = arith.constant 0 : i32
        %dma_wait3A_183 = arith.constant 0 : i32
        %dma_wait3A_184 = tpu.memref_slice %arg6[%dma_wait3A_182, %dma_wait3A_183] : memref<80x128xi32, #tpu.memory_space<vmem>> -> memref<1x128xi32, #tpu.memory_space<vmem>>
        %dma_wait3A_185 = tpu.memref_squeeze %dma_wait3A_184 : memref<1x128xi32, #tpu.memory_space<vmem>> -> memref<128xi32, #tpu.memory_space<vmem>>
        %dma_wait3A_186 = arith.constant 0 : i32
        %dma_wait3A_187 = arith.constant 0 : i32
        %dma_wait3A_188 = tpu.memref_slice %arg8[%dma_wait3A_186, %dma_wait3A_187] : memref<10240x16xf32, #tpu.memory_space<vmem_shared>> -> memref<10240x16xf32, #tpu.memory_space<vmem_shared>>
        tpu.wait_indirect_dma semaphore(%arg9 : memref<!tpu.dma_semaphore, #tpu.memory_space<semaphore_mem>>) src(%arg7 : memref<128x16xf32, #tpu.memory_space<vmem>>) dst(%dma_wait3A_188 : memref<10240x16xf32, #tpu.memory_space<vmem_shared>>)
        %dma_wait3A_189 = arith.constant 0 : i32
        %dma_wait3A_190 = arith.constant 0 : i32
        %dma_wait3A_191 = tpu.memref_slice %arg6[%dma_wait3A_189, %dma_wait3A_190] : memref<80x128xi32, #tpu.memory_space<vmem>> -> memref<1x128xi32, #tpu.memory_space<vmem>>
        %dma_wait3A_192 = tpu.memref_squeeze %dma_wait3A_191 : memref<1x128xi32, #tpu.memory_space<vmem>> -> memref<128xi32, #tpu.memory_space<vmem>>
        %dma_wait3A_193 = arith.constant 0 : i32
        %dma_wait3A_194 = arith.constant 0 : i32
        %dma_wait3A_195 = tpu.memref_slice %arg8[%dma_wait3A_193, %dma_wait3A_194] : memref<10240x16xf32, #tpu.memory_space<vmem_shared>> -> memref<10240x16xf32, #tpu.memory_space<vmem_shared>>
        tpu.wait_indirect_dma semaphore(%arg9 : memref<!tpu.dma_semaphore, #tpu.memory_space<semaphore_mem>>) src(%arg7 : memref<128x16xf32, #tpu.memory_space<vmem>>) dst(%dma_wait3A_195 : memref<10240x16xf32, #tpu.memory_space<vmem_shared>>)
        %dma_wait3A_196 = arith.constant 0 : i32
        %dma_wait3A_197 = arith.constant 0 : i32
        %dma_wait3A_198 = tpu.memref_slice %arg6[%dma_wait3A_196, %dma_wait3A_197] : memref<80x128xi32, #tpu.memory_space<vmem>> -> memref<1x128xi32, #tpu.memory_space<vmem>>
        %dma_wait3A_199 = tpu.memref_squeeze %dma_wait3A_198 : memref<1x128xi32, #tpu.memory_space<vmem>> -> memref<128xi32, #tpu.memory_space<vmem>>
        %dma_wait3A_200 = arith.constant 0 : i32
        %dma_wait3A_201 = arith.constant 0 : i32
        %dma_wait3A_202 = tpu.memref_slice %arg8[%dma_wait3A_200, %dma_wait3A_201] : memref<10240x16xf32, #tpu.memory_space<vmem_shared>> -> memref<10240x16xf32, #tpu.memory_space<vmem_shared>>
        tpu.wait_indirect_dma semaphore(%arg9 : memref<!tpu.dma_semaphore, #tpu.memory_space<semaphore_mem>>) src(%arg7 : memref<128x16xf32, #tpu.memory_space<vmem>>) dst(%dma_wait3A_202 : memref<10240x16xf32, #tpu.memory_space<vmem_shared>>)
        %dma_wait3A_203 = arith.constant 0 : i32
        %dma_wait3A_204 = arith.constant 0 : i32
        %dma_wait3A_205 = tpu.memref_slice %arg6[%dma_wait3A_203, %dma_wait3A_204] : memref<80x128xi32, #tpu.memory_space<vmem>> -> memref<1x128xi32, #tpu.memory_space<vmem>>
        %dma_wait3A_206 = tpu.memref_squeeze %dma_wait3A_205 : memref<1x128xi32, #tpu.memory_space<vmem>> -> memref<128xi32, #tpu.memory_space<vmem>>
        %dma_wait3A_207 = arith.constant 0 : i32
        %dma_wait3A_208 = arith.constant 0 : i32
        %dma_wait3A_209 = tpu.memref_slice %arg8[%dma_wait3A_207, %dma_wait3A_208] : memref<10240x16xf32, #tpu.memory_space<vmem_shared>> -> memref<10240x16xf32, #tpu.memory_space<vmem_shared>>
        tpu.wait_indirect_dma semaphore(%arg9 : memref<!tpu.dma_semaphore, #tpu.memory_space<semaphore_mem>>) src(%arg7 : memref<128x16xf32, #tpu.memory_space<vmem>>) dst(%dma_wait3A_209 : memref<10240x16xf32, #tpu.memory_space<vmem_shared>>)
      } else {
      }
      %mul3A_75 = arith.constant 8 : i32
      %mul3A_76 = arith.muli %scan3A_72, %mul3A_75 : i32
      %add3A_77 = arith.constant 0 : i32
      %add3A_78 = arith.addi %mul3A_76, %add3A_77 : i32
      %dma_start3A = arith.constant 0 : i32
      %dma_start3A_79 = tpu.memref_slice %arg6[%add3A_78, %dma_start3A] : memref<80x128xi32, #tpu.memory_space<vmem>> -> memref<1x128xi32, #tpu.memory_space<vmem>>
      %dma_start3A_80 = tpu.memref_squeeze %dma_start3A_79 : memref<1x128xi32, #tpu.memory_space<vmem>> -> memref<128xi32, #tpu.memory_space<vmem>>
      %dma_start3A_81 = arith.constant 0 : i32
      %dma_start3A_82 = arith.constant 0 : i32
      %dma_start3A_83 = tpu.memref_slice %arg8[%dma_start3A_81, %dma_start3A_82] : memref<10240x16xf32, #tpu.memory_space<vmem_shared>> -> memref<10240x16xf32, #tpu.memory_space<vmem_shared>>
      tpu.enqueue_indirect_dma source(%arg7 : memref<128x16xf32, #tpu.memory_space<vmem>>) target(%dma_start3A_83 : memref<10240x16xf32, #tpu.memory_space<vmem_shared>>) offsets(%dma_start3A_80 : memref<128xi32, #tpu.memory_space<vmem>>) semaphore(%arg9 : memref<!tpu.dma_semaphore, #tpu.memory_space<semaphore_mem>>) {add = true}
      %mul3A_84 = arith.constant 8 : i32
      %mul3A_85 = arith.muli %scan3A_72, %mul3A_84 : i32
      %add3A_86 = arith.constant 1 : i32
      %add3A_87 = arith.addi %mul3A_85, %add3A_86 : i32
      %dma_start3A_88 = arith.constant 0 : i32
      %dma_start3A_89 = tpu.memref_slice %arg6[%add3A_87, %dma_start3A_88] : memref<80x128xi32, #tpu.memory_space<vmem>> -> memref<1x128xi32, #tpu.memory_space<vmem>>
      %dma_start3A_90 = tpu.memref_squeeze %dma_start3A_89 : memref<1x128xi32, #tpu.memory_space<vmem>> -> memref<128xi32, #tpu.memory_space<vmem>>
      %dma_start3A_91 = arith.constant 0 : i32
      %dma_start3A_92 = arith.constant 0 : i32
      %dma_start3A_93 = tpu.memref_slice %arg8[%dma_start3A_91, %dma_start3A_92] : memref<10240x16xf32, #tpu.memory_space<vmem_shared>> -> memref<10240x16xf32, #tpu.memory_space<vmem_shared>>
      tpu.enqueue_indirect_dma source(%arg7 : memref<128x16xf32, #tpu.memory_space<vmem>>) target(%dma_start3A_93 : memref<10240x16xf32, #tpu.memory_space<vmem_shared>>) offsets(%dma_start3A_90 : memref<128xi32, #tpu.memory_space<vmem>>) semaphore(%arg9 : memref<!tpu.dma_semaphore, #tpu.memory_space<semaphore_mem>>) {add = true}
      %mul3A_94 = arith.constant 8 : i32
      %mul3A_95 = arith.muli %scan3A_72, %mul3A_94 : i32
      %add3A_96 = arith.constant 2 : i32
      %add3A_97 = arith.addi %mul3A_95, %add3A_96 : i32
      %dma_start3A_98 = arith.constant 0 : i32
      %dma_start3A_99 = tpu.memref_slice %arg6[%add3A_97, %dma_start3A_98] : memref<80x128xi32, #tpu.memory_space<vmem>> -> memref<1x128xi32, #tpu.memory_space<vmem>>
      %dma_start3A_100 = tpu.memref_squeeze %dma_start3A_99 : memref<1x128xi32, #tpu.memory_space<vmem>> -> memref<128xi32, #tpu.memory_space<vmem>>
      %dma_start3A_101 = arith.constant 0 : i32
      %dma_start3A_102 = arith.constant 0 : i32
      %dma_start3A_103 = tpu.memref_slice %arg8[%dma_start3A_101, %dma_start3A_102] : memref<10240x16xf32, #tpu.memory_space<vmem_shared>> -> memref<10240x16xf32, #tpu.memory_space<vmem_shared>>
      tpu.enqueue_indirect_dma source(%arg7 : memref<128x16xf32, #tpu.memory_space<vmem>>) target(%dma_start3A_103 : memref<10240x16xf32, #tpu.memory_space<vmem_shared>>) offsets(%dma_start3A_100 : memref<128xi32, #tpu.memory_space<vmem>>) semaphore(%arg9 : memref<!tpu.dma_semaphore, #tpu.memory_space<semaphore_mem>>) {add = true}
      %mul3A_104 = arith.constant 8 : i32
      %mul3A_105 = arith.muli %scan3A_72, %mul3A_104 : i32
      %add3A_106 = arith.constant 3 : i32
      %add3A_107 = arith.addi %mul3A_105, %add3A_106 : i32
      %dma_start3A_108 = arith.constant 0 : i32
      %dma_start3A_109 = tpu.memref_slice %arg6[%add3A_107, %dma_start3A_108] : memref<80x128xi32, #tpu.memory_space<vmem>> -> memref<1x128xi32, #tpu.memory_space<vmem>>
      %dma_start3A_110 = tpu.memref_squeeze %dma_start3A_109 : memref<1x128xi32, #tpu.memory_space<vmem>> -> memref<128xi32, #tpu.memory_space<vmem>>
      %dma_start3A_111 = arith.constant 0 : i32
      %dma_start3A_112 = arith.constant 0 : i32
      %dma_start3A_113 = tpu.memref_slice %arg8[%dma_start3A_111, %dma_start3A_112] : memref<10240x16xf32, #tpu.memory_space<vmem_shared>> -> memref<10240x16xf32, #tpu.memory_space<vmem_shared>>
      tpu.enqueue_indirect_dma source(%arg7 : memref<128x16xf32, #tpu.memory_space<vmem>>) target(%dma_start3A_113 : memref<10240x16xf32, #tpu.memory_space<vmem_shared>>) offsets(%dma_start3A_110 : memref<128xi32, #tpu.memory_space<vmem>>) semaphore(%arg9 : memref<!tpu.dma_semaphore, #tpu.memory_space<semaphore_mem>>) {add = true}
      %mul3A_114 = arith.constant 8 : i32
      %mul3A_115 = arith.muli %scan3A_72, %mul3A_114 : i32
      %add3A_116 = arith.constant 4 : i32
      %add3A_117 = arith.addi %mul3A_115, %add3A_116 : i32
      %dma_start3A_118 = arith.constant 0 : i32
      %dma_start3A_119 = tpu.memref_slice %arg6[%add3A_117, %dma_start3A_118] : memref<80x128xi32, #tpu.memory_space<vmem>> -> memref<1x128xi32, #tpu.memory_space<vmem>>
      %dma_start3A_120 = tpu.memref_squeeze %dma_start3A_119 : memref<1x128xi32, #tpu.memory_space<vmem>> -> memref<128xi32, #tpu.memory_space<vmem>>
      %dma_start3A_121 = arith.constant 0 : i32
      %dma_start3A_122 = arith.constant 0 : i32
      %dma_start3A_123 = tpu.memref_slice %arg8[%dma_start3A_121, %dma_start3A_122] : memref<10240x16xf32, #tpu.memory_space<vmem_shared>> -> memref<10240x16xf32, #tpu.memory_space<vmem_shared>>
      tpu.enqueue_indirect_dma source(%arg7 : memref<128x16xf32, #tpu.memory_space<vmem>>) target(%dma_start3A_123 : memref<10240x16xf32, #tpu.memory_space<vmem_shared>>) offsets(%dma_start3A_120 : memref<128xi32, #tpu.memory_space<vmem>>) semaphore(%arg9 : memref<!tpu.dma_semaphore, #tpu.memory_space<semaphore_mem>>) {add = true}
      %mul3A_124 = arith.constant 8 : i32
      %mul3A_125 = arith.muli %scan3A_72, %mul3A_124 : i32
      %add3A_126 = arith.constant 5 : i32
      %add3A_127 = arith.addi %mul3A_125, %add3A_126 : i32
      %dma_start3A_128 = arith.constant 0 : i32
      %dma_start3A_129 = tpu.memref_slice %arg6[%add3A_127, %dma_start3A_128] : memref<80x128xi32, #tpu.memory_space<vmem>> -> memref<1x128xi32, #tpu.memory_space<vmem>>
      %dma_start3A_130 = tpu.memref_squeeze %dma_start3A_129 : memref<1x128xi32, #tpu.memory_space<vmem>> -> memref<128xi32, #tpu.memory_space<vmem>>
      %dma_start3A_131 = arith.constant 0 : i32
      %dma_start3A_132 = arith.constant 0 : i32
      %dma_start3A_133 = tpu.memref_slice %arg8[%dma_start3A_131, %dma_start3A_132] : memref<10240x16xf32, #tpu.memory_space<vmem_shared>> -> memref<10240x16xf32, #tpu.memory_space<vmem_shared>>
      tpu.enqueue_indirect_dma source(%arg7 : memref<128x16xf32, #tpu.memory_space<vmem>>) target(%dma_start3A_133 : memref<10240x16xf32, #tpu.memory_space<vmem_shared>>) offsets(%dma_start3A_130 : memref<128xi32, #tpu.memory_space<vmem>>) semaphore(%arg9 : memref<!tpu.dma_semaphore, #tpu.memory_space<semaphore_mem>>) {add = true}
      %mul3A_134 = arith.constant 8 : i32
      %mul3A_135 = arith.muli %scan3A_72, %mul3A_134 : i32
      %add3A_136 = arith.constant 6 : i32
      %add3A_137 = arith.addi %mul3A_135, %add3A_136 : i32
      %dma_start3A_138 = arith.constant 0 : i32
      %dma_start3A_139 = tpu.memref_slice %arg6[%add3A_137, %dma_start3A_138] : memref<80x128xi32, #tpu.memory_space<vmem>> -> memref<1x128xi32, #tpu.memory_space<vmem>>
      %dma_start3A_140 = tpu.memref_squeeze %dma_start3A_139 : memref<1x128xi32, #tpu.memory_space<vmem>> -> memref<128xi32, #tpu.memory_space<vmem>>
      %dma_start3A_141 = arith.constant 0 : i32
      %dma_start3A_142 = arith.constant 0 : i32
      %dma_start3A_143 = tpu.memref_slice %arg8[%dma_start3A_141, %dma_start3A_142] : memref<10240x16xf32, #tpu.memory_space<vmem_shared>> -> memref<10240x16xf32, #tpu.memory_space<vmem_shared>>
      tpu.enqueue_indirect_dma source(%arg7 : memref<128x16xf32, #tpu.memory_space<vmem>>) target(%dma_start3A_143 : memref<10240x16xf32, #tpu.memory_space<vmem_shared>>) offsets(%dma_start3A_140 : memref<128xi32, #tpu.memory_space<vmem>>) semaphore(%arg9 : memref<!tpu.dma_semaphore, #tpu.memory_space<semaphore_mem>>) {add = true}
      %mul3A_144 = arith.constant 8 : i32
      %mul3A_145 = arith.muli %scan3A_72, %mul3A_144 : i32
      %add3A_146 = arith.constant 7 : i32
      %add3A_147 = arith.addi %mul3A_145, %add3A_146 : i32
      %dma_start3A_148 = arith.constant 0 : i32
      %dma_start3A_149 = tpu.memref_slice %arg6[%add3A_147, %dma_start3A_148] : memref<80x128xi32, #tpu.memory_space<vmem>> -> memref<1x128xi32, #tpu.memory_space<vmem>>
      %dma_start3A_150 = tpu.memref_squeeze %dma_start3A_149 : memref<1x128xi32, #tpu.memory_space<vmem>> -> memref<128xi32, #tpu.memory_space<vmem>>
      %dma_start3A_151 = arith.constant 0 : i32
      %dma_start3A_152 = arith.constant 0 : i32
      %dma_start3A_153 = tpu.memref_slice %arg8[%dma_start3A_151, %dma_start3A_152] : memref<10240x16xf32, #tpu.memory_space<vmem_shared>> -> memref<10240x16xf32, #tpu.memory_space<vmem_shared>>
      tpu.enqueue_indirect_dma source(%arg7 : memref<128x16xf32, #tpu.memory_space<vmem>>) target(%dma_start3A_153 : memref<10240x16xf32, #tpu.memory_space<vmem_shared>>) offsets(%dma_start3A_150 : memref<128xi32, #tpu.memory_space<vmem>>) semaphore(%arg9 : memref<!tpu.dma_semaphore, #tpu.memory_space<semaphore_mem>>) {add = true}
    }
    %scan3A_11 = arith.constant 10 : i32
    %dma_wait3A = arith.constant 0 : i32
    %dma_wait3A_12 = arith.constant 0 : i32
    %dma_wait3A_13 = tpu.memref_slice %arg6[%dma_wait3A, %dma_wait3A_12] : memref<80x128xi32, #tpu.memory_space<vmem>> -> memref<1x128xi32, #tpu.memory_space<vmem>>
    %dma_wait3A_14 = tpu.memref_squeeze %dma_wait3A_13 : memref<1x128xi32, #tpu.memory_space<vmem>> -> memref<128xi32, #tpu.memory_space<vmem>>
    %dma_wait3A_15 = arith.constant 0 : i32
    %dma_wait3A_16 = arith.constant 0 : i32
    %dma_wait3A_17 = tpu.memref_slice %arg8[%dma_wait3A_15, %dma_wait3A_16] : memref<10240x16xf32, #tpu.memory_space<vmem_shared>> -> memref<10240x16xf32, #tpu.memory_space<vmem_shared>>
    tpu.wait_indirect_dma semaphore(%arg9 : memref<!tpu.dma_semaphore, #tpu.memory_space<semaphore_mem>>) src(%arg7 : memref<128x16xf32, #tpu.memory_space<vmem>>) dst(%dma_wait3A_17 : memref<10240x16xf32, #tpu.memory_space<vmem_shared>>)
    %dma_wait3A_18 = arith.constant 0 : i32
    %dma_wait3A_19 = arith.constant 0 : i32
    %dma_wait3A_20 = tpu.memref_slice %arg6[%dma_wait3A_18, %dma_wait3A_19] : memref<80x128xi32, #tpu.memory_space<vmem>> -> memref<1x128xi32, #tpu.memory_space<vmem>>
    %dma_wait3A_21 = tpu.memref_squeeze %dma_wait3A_20 : memref<1x128xi32, #tpu.memory_space<vmem>> -> memref<128xi32, #tpu.memory_space<vmem>>
    %dma_wait3A_22 = arith.constant 0 : i32
    %dma_wait3A_23 = arith.constant 0 : i32
    %dma_wait3A_24 = tpu.memref_slice %arg8[%dma_wait3A_22, %dma_wait3A_23] : memref<10240x16xf32, #tpu.memory_space<vmem_shared>> -> memref<10240x16xf32, #tpu.memory_space<vmem_shared>>
    tpu.wait_indirect_dma semaphore(%arg9 : memref<!tpu.dma_semaphore, #tpu.memory_space<semaphore_mem>>) src(%arg7 : memref<128x16xf32, #tpu.memory_space<vmem>>) dst(%dma_wait3A_24 : memref<10240x16xf32, #tpu.memory_space<vmem_shared>>)
    %dma_wait3A_25 = arith.constant 0 : i32
    %dma_wait3A_26 = arith.constant 0 : i32
    %dma_wait3A_27 = tpu.memref_slice %arg6[%dma_wait3A_25, %dma_wait3A_26] : memref<80x128xi32, #tpu.memory_space<vmem>> -> memref<1x128xi32, #tpu.memory_space<vmem>>
    %dma_wait3A_28 = tpu.memref_squeeze %dma_wait3A_27 : memref<1x128xi32, #tpu.memory_space<vmem>> -> memref<128xi32, #tpu.memory_space<vmem>>
    %dma_wait3A_29 = arith.constant 0 : i32
    %dma_wait3A_30 = arith.constant 0 : i32
    %dma_wait3A_31 = tpu.memref_slice %arg8[%dma_wait3A_29, %dma_wait3A_30] : memref<10240x16xf32, #tpu.memory_space<vmem_shared>> -> memref<10240x16xf32, #tpu.memory_space<vmem_shared>>
    tpu.wait_indirect_dma semaphore(%arg9 : memref<!tpu.dma_semaphore, #tpu.memory_space<semaphore_mem>>) src(%arg7 : memref<128x16xf32, #tpu.memory_space<vmem>>) dst(%dma_wait3A_31 : memref<10240x16xf32, #tpu.memory_space<vmem_shared>>)
    %dma_wait3A_32 = arith.constant 0 : i32
    %dma_wait3A_33 = arith.constant 0 : i32
    %dma_wait3A_34 = tpu.memref_slice %arg6[%dma_wait3A_32, %dma_wait3A_33] : memref<80x128xi32, #tpu.memory_space<vmem>> -> memref<1x128xi32, #tpu.memory_space<vmem>>
    %dma_wait3A_35 = tpu.memref_squeeze %dma_wait3A_34 : memref<1x128xi32, #tpu.memory_space<vmem>> -> memref<128xi32, #tpu.memory_space<vmem>>
    %dma_wait3A_36 = arith.constant 0 : i32
    %dma_wait3A_37 = arith.constant 0 : i32
    %dma_wait3A_38 = tpu.memref_slice %arg8[%dma_wait3A_36, %dma_wait3A_37] : memref<10240x16xf32, #tpu.memory_space<vmem_shared>> -> memref<10240x16xf32, #tpu.memory_space<vmem_shared>>
    tpu.wait_indirect_dma semaphore(%arg9 : memref<!tpu.dma_semaphore, #tpu.memory_space<semaphore_mem>>) src(%arg7 : memref<128x16xf32, #tpu.memory_space<vmem>>) dst(%dma_wait3A_38 : memref<10240x16xf32, #tpu.memory_space<vmem_shared>>)
    %dma_wait3A_39 = arith.constant 0 : i32
    %dma_wait3A_40 = arith.constant 0 : i32
    %dma_wait3A_41 = tpu.memref_slice %arg6[%dma_wait3A_39, %dma_wait3A_40] : memref<80x128xi32, #tpu.memory_space<vmem>> -> memref<1x128xi32, #tpu.memory_space<vmem>>
    %dma_wait3A_42 = tpu.memref_squeeze %dma_wait3A_41 : memref<1x128xi32, #tpu.memory_space<vmem>> -> memref<128xi32, #tpu.memory_space<vmem>>
    %dma_wait3A_43 = arith.constant 0 : i32
    %dma_wait3A_44 = arith.constant 0 : i32
    %dma_wait3A_45 = tpu.memref_slice %arg8[%dma_wait3A_43, %dma_wait3A_44] : memref<10240x16xf32, #tpu.memory_space<vmem_shared>> -> memref<10240x16xf32, #tpu.memory_space<vmem_shared>>
    tpu.wait_indirect_dma semaphore(%arg9 : memref<!tpu.dma_semaphore, #tpu.memory_space<semaphore_mem>>) src(%arg7 : memref<128x16xf32, #tpu.memory_space<vmem>>) dst(%dma_wait3A_45 : memref<10240x16xf32, #tpu.memory_space<vmem_shared>>)
    %dma_wait3A_46 = arith.constant 0 : i32
    %dma_wait3A_47 = arith.constant 0 : i32
    %dma_wait3A_48 = tpu.memref_slice %arg6[%dma_wait3A_46, %dma_wait3A_47] : memref<80x128xi32, #tpu.memory_space<vmem>> -> memref<1x128xi32, #tpu.memory_space<vmem>>
    %dma_wait3A_49 = tpu.memref_squeeze %dma_wait3A_48 : memref<1x128xi32, #tpu.memory_space<vmem>> -> memref<128xi32, #tpu.memory_space<vmem>>
    %dma_wait3A_50 = arith.constant 0 : i32
    %dma_wait3A_51 = arith.constant 0 : i32
    %dma_wait3A_52 = tpu.memref_slice %arg8[%dma_wait3A_50, %dma_wait3A_51] : memref<10240x16xf32, #tpu.memory_space<vmem_shared>> -> memref<10240x16xf32, #tpu.memory_space<vmem_shared>>
    tpu.wait_indirect_dma semaphore(%arg9 : memref<!tpu.dma_semaphore, #tpu.memory_space<semaphore_mem>>) src(%arg7 : memref<128x16xf32, #tpu.memory_space<vmem>>) dst(%dma_wait3A_52 : memref<10240x16xf32, #tpu.memory_space<vmem_shared>>)
    %dma_wait3A_53 = arith.constant 0 : i32
    %dma_wait3A_54 = arith.constant 0 : i32
    %dma_wait3A_55 = tpu.memref_slice %arg6[%dma_wait3A_53, %dma_wait3A_54] : memref<80x128xi32, #tpu.memory_space<vmem>> -> memref<1x128xi32, #tpu.memory_space<vmem>>
    %dma_wait3A_56 = tpu.memref_squeeze %dma_wait3A_55 : memref<1x128xi32, #tpu.memory_space<vmem>> -> memref<128xi32, #tpu.memory_space<vmem>>
    %dma_wait3A_57 = arith.constant 0 : i32
    %dma_wait3A_58 = arith.constant 0 : i32
    %dma_wait3A_59 = tpu.memref_slice %arg8[%dma_wait3A_57, %dma_wait3A_58] : memref<10240x16xf32, #tpu.memory_space<vmem_shared>> -> memref<10240x16xf32, #tpu.memory_space<vmem_shared>>
    tpu.wait_indirect_dma semaphore(%arg9 : memref<!tpu.dma_semaphore, #tpu.memory_space<semaphore_mem>>) src(%arg7 : memref<128x16xf32, #tpu.memory_space<vmem>>) dst(%dma_wait3A_59 : memref<10240x16xf32, #tpu.memory_space<vmem_shared>>)
    %dma_wait3A_60 = arith.constant 0 : i32
    %dma_wait3A_61 = arith.constant 0 : i32
    %dma_wait3A_62 = tpu.memref_slice %arg6[%dma_wait3A_60, %dma_wait3A_61] : memref<80x128xi32, #tpu.memory_space<vmem>> -> memref<1x128xi32, #tpu.memory_space<vmem>>
    %dma_wait3A_63 = tpu.memref_squeeze %dma_wait3A_62 : memref<1x128xi32, #tpu.memory_space<vmem>> -> memref<128xi32, #tpu.memory_space<vmem>>
    %dma_wait3A_64 = arith.constant 0 : i32
    %dma_wait3A_65 = arith.constant 0 : i32
    %dma_wait3A_66 = tpu.memref_slice %arg8[%dma_wait3A_64, %dma_wait3A_65] : memref<10240x16xf32, #tpu.memory_space<vmem_shared>> -> memref<10240x16xf32, #tpu.memory_space<vmem_shared>>
    tpu.wait_indirect_dma semaphore(%arg9 : memref<!tpu.dma_semaphore, #tpu.memory_space<semaphore_mem>>) src(%arg7 : memref<128x16xf32, #tpu.memory_space<vmem>>) dst(%dma_wait3A_66 : memref<10240x16xf32, #tpu.memory_space<vmem_shared>>)
    %barrier3A_67 = arith.constant 0 : index
    tpu.barrier barrier_id(%barrier3A_67)
    %mul3A_68 = arith.constant 640 : i32
    %mul3A_69 = arith.muli %arg1, %mul3A_68 : i32
    %mul3A_70 = arith.constant 640 : i32
    %mul3A_71 = arith.muli %arg1, %mul3A_70 : i32
    "tpu.region"() ({
      %run_scoped3A = tpu.sem_alloc : memref<!tpu.dma_semaphore, #tpu.memory_space<semaphore_mem>>
      %dma_start3A = arith.constant 0 : i32
      %dma_start3A_72 = tpu.memref_slice %arg5[%arg0, %mul3A_71, %dma_start3A] : memref<2x10240x16xf32, #tpu.memory_space<hbm>> -> memref<1x640x16xf32, #tpu.memory_space<hbm>>
      %dma_start3A_73 = tpu.memref_squeeze %dma_start3A_72 : memref<1x640x16xf32, #tpu.memory_space<hbm>> -> memref<640x16xf32, #tpu.memory_space<hbm>>
      %dma_start3A_74 = arith.constant 0 : i32
      %dma_start3A_75 = tpu.memref_slice %arg8[%mul3A_69, %dma_start3A_74] : memref<10240x16xf32, #tpu.memory_space<vmem_shared>> -> memref<640x16xf32, #tpu.memory_space<vmem_shared>>
      tpu.enqueue_dma source(%dma_start3A_75 : memref<640x16xf32, #tpu.memory_space<vmem_shared>>) target(%dma_start3A_73 : memref<640x16xf32, #tpu.memory_space<hbm>>) target_semaphore(%run_scoped3A : memref<!tpu.dma_semaphore, #tpu.memory_space<semaphore_mem>>)
      %dma_wait3A_76 = arith.constant 0 : i32
      %dma_wait3A_77 = tpu.memref_slice %arg5[%arg0, %mul3A_71, %dma_wait3A_76] : memref<2x10240x16xf32, #tpu.memory_space<hbm>> -> memref<1x640x16xf32, #tpu.memory_space<hbm>>
      %dma_wait3A_78 = tpu.memref_squeeze %dma_wait3A_77 : memref<1x640x16xf32, #tpu.memory_space<hbm>> -> memref<640x16xf32, #tpu.memory_space<hbm>>
      %dma_wait3A_79 = arith.constant 0 : i32
      %dma_wait3A_80 = tpu.memref_slice %arg8[%mul3A_69, %dma_wait3A_79] : memref<10240x16xf32, #tpu.memory_space<vmem_shared>> -> memref<640x16xf32, #tpu.memory_space<vmem_shared>>
      tpu.wait_dma2 semaphore(%run_scoped3A : memref<!tpu.dma_semaphore, #tpu.memory_space<semaphore_mem>>) src(%dma_wait3A_80 : memref<640x16xf32, #tpu.memory_space<vmem_shared>>) dst(%dma_wait3A_78 : memref<640x16xf32, #tpu.memory_space<hbm>>)
      tpu.yield
    }) : () -> ()
    return
  }
}

#map = affine_map<(d0, d1) -> (0, 0)>
#map1 = affine_map<(d0, d1) -> (0)>
module attributes {stable_mosaic.version = 14 : i64} {
  func.func @_prop23_body(%arg0: i32, %arg1: i32, %arg2: memref<10240x32xf32, #tpu.memory_space<hbm>>, %arg3: memref<10240x32xf32, #tpu.memory_space<hbm>>, %arg4: memref<2560x128xi32, #tpu.memory_space<hbm>>, %arg5: memref<2560x128xi32, #tpu.memory_space<hbm>>, %arg6: memref<10240xf32, #tpu.memory_space<hbm>>, %arg7: memref<2x32xf32, #tpu.memory_space<hbm>>, %arg8: memref<2x32xf32, #tpu.memory_space<hbm>>, %arg9: memref<10240x32xf32, #tpu.memory_space<hbm>>, %arg10: memref<10240x32xf32, #tpu.memory_space<hbm>>, %arg11: memref<160x128xi32, #tpu.memory_space<vmem>>, %arg12: memref<160x128xi32, #tpu.memory_space<vmem>>, %arg13: memref<8x128x32xf32, #tpu.memory_space<vmem>>, %arg14: memref<128x32xf32, #tpu.memory_space<vmem>>, %arg15: memref<640xf32, #tpu.memory_space<vmem>>, %arg16: memref<32xf32, #tpu.memory_space<vmem>>, %arg17: memref<32xf32, #tpu.memory_space<vmem>>, %arg18: memref<10240x32xf32, #tpu.memory_space<vmem_shared>>, %arg19: memref<10240x32xf32, #tpu.memory_space<vmem_shared>>, %arg20: memref<!tpu.dma_semaphore, #tpu.memory_space<semaphore_mem>>, %arg21: memref<!tpu.dma_semaphore, #tpu.memory_space<semaphore_mem>>) attributes {dimension_semantics = [#tpu.dimension_semantics<core_parallel>, #tpu.dimension_semantics<subcore_parallel>], iteration_bounds = array<i64: 2, 16>, scalar_prefetch = 0 : i64, scratch_operands = 11 : i64, tpu.core_type = #tpu.core_type<sc_vector_subcore>, window_params = [{transform_indices = #map}, {transform_indices = #map}, {transform_indices = #map}, {transform_indices = #map}, {transform_indices = #map1}, {transform_indices = #map}, {transform_indices = #map}, {transform_indices = #map}, {transform_indices = #map}]} {
    %eq3A = arith.constant 0 : i32
    %eq3A_0 = arith.cmpi eq, %arg0, %eq3A : i32
    %convert_element_type3A = arith.extui %eq3A_0 : i1 to i32
    %cond3A = arith.constant 0 : i32
    %cond3A_1 = arith.cmpi ne, %convert_element_type3A, %cond3A : i32
    scf.if %cond3A_1 {
      %mul3A_240 = arith.constant 640 : i32
      %mul3A_241 = arith.muli %arg1, %mul3A_240 : i32
      %mul3A_242 = arith.constant 640 : i32
      %mul3A_243 = arith.muli %arg1, %mul3A_242 : i32
      "tpu.region"() ({
        %run_scoped3A = tpu.sem_alloc : memref<!tpu.dma_semaphore, #tpu.memory_space<semaphore_mem>>
        %dma_start3A = arith.constant 0 : i32
        %dma_start3A_248 = tpu.memref_slice %arg19[%mul3A_243, %dma_start3A] : memref<10240x32xf32, #tpu.memory_space<vmem_shared>> -> memref<640x32xf32, #tpu.memory_space<vmem_shared>>
        %dma_start3A_249 = arith.constant 0 : i32
        %dma_start3A_250 = tpu.memref_slice %arg2[%mul3A_241, %dma_start3A_249] : memref<10240x32xf32, #tpu.memory_space<hbm>> -> memref<640x32xf32, #tpu.memory_space<hbm>>
        tpu.enqueue_dma source(%dma_start3A_250 : memref<640x32xf32, #tpu.memory_space<hbm>>) target(%dma_start3A_248 : memref<640x32xf32, #tpu.memory_space<vmem_shared>>) target_semaphore(%run_scoped3A : memref<!tpu.dma_semaphore, #tpu.memory_space<semaphore_mem>>)
        %dma_wait3A_251 = arith.constant 0 : i32
        %dma_wait3A_252 = tpu.memref_slice %arg19[%mul3A_243, %dma_wait3A_251] : memref<10240x32xf32, #tpu.memory_space<vmem_shared>> -> memref<640x32xf32, #tpu.memory_space<vmem_shared>>
        %dma_wait3A_253 = arith.constant 0 : i32
        %dma_wait3A_254 = tpu.memref_slice %arg2[%mul3A_241, %dma_wait3A_253] : memref<10240x32xf32, #tpu.memory_space<hbm>> -> memref<640x32xf32, #tpu.memory_space<hbm>>
        tpu.wait_dma2 semaphore(%run_scoped3A : memref<!tpu.dma_semaphore, #tpu.memory_space<semaphore_mem>>) src(%dma_wait3A_254 : memref<640x32xf32, #tpu.memory_space<hbm>>) dst(%dma_wait3A_252 : memref<640x32xf32, #tpu.memory_space<vmem_shared>>)
        tpu.yield
      }) : () -> ()
      %mul3A_244 = arith.constant 640 : i32
      %mul3A_245 = arith.muli %arg1, %mul3A_244 : i32
      %mul3A_246 = arith.constant 640 : i32
      %mul3A_247 = arith.muli %arg1, %mul3A_246 : i32
      "tpu.region"() ({
        %run_scoped3A = tpu.sem_alloc : memref<!tpu.dma_semaphore, #tpu.memory_space<semaphore_mem>>
        %dma_start3A = arith.constant 0 : i32
        %dma_start3A_248 = tpu.memref_slice %arg18[%mul3A_247, %dma_start3A] : memref<10240x32xf32, #tpu.memory_space<vmem_shared>> -> memref<640x32xf32, #tpu.memory_space<vmem_shared>>
        %dma_start3A_249 = arith.constant 0 : i32
        %dma_start3A_250 = tpu.memref_slice %arg2[%mul3A_245, %dma_start3A_249] : memref<10240x32xf32, #tpu.memory_space<hbm>> -> memref<640x32xf32, #tpu.memory_space<hbm>>
        tpu.enqueue_dma source(%dma_start3A_250 : memref<640x32xf32, #tpu.memory_space<hbm>>) target(%dma_start3A_248 : memref<640x32xf32, #tpu.memory_space<vmem_shared>>) target_semaphore(%run_scoped3A : memref<!tpu.dma_semaphore, #tpu.memory_space<semaphore_mem>>)
        %dma_wait3A_251 = arith.constant 0 : i32
        %dma_wait3A_252 = tpu.memref_slice %arg18[%mul3A_247, %dma_wait3A_251] : memref<10240x32xf32, #tpu.memory_space<vmem_shared>> -> memref<640x32xf32, #tpu.memory_space<vmem_shared>>
        %dma_wait3A_253 = arith.constant 0 : i32
        %dma_wait3A_254 = tpu.memref_slice %arg2[%mul3A_245, %dma_wait3A_253] : memref<10240x32xf32, #tpu.memory_space<hbm>> -> memref<640x32xf32, #tpu.memory_space<hbm>>
        tpu.wait_dma2 semaphore(%run_scoped3A : memref<!tpu.dma_semaphore, #tpu.memory_space<semaphore_mem>>) src(%dma_wait3A_254 : memref<640x32xf32, #tpu.memory_space<hbm>>) dst(%dma_wait3A_252 : memref<640x32xf32, #tpu.memory_space<vmem_shared>>)
        tpu.yield
      }) : () -> ()
    } else {
    }
    %eq3A_2 = arith.constant 1 : i32
    %eq3A_3 = arith.cmpi eq, %arg0, %eq3A_2 : i32
    %convert_element_type3A_4 = arith.extui %eq3A_3 : i1 to i32
    %cond3A_5 = arith.constant 0 : i32
    %cond3A_6 = arith.cmpi ne, %convert_element_type3A_4, %cond3A_5 : i32
    scf.if %cond3A_6 {
      %mul3A_240 = arith.constant 640 : i32
      %mul3A_241 = arith.muli %arg1, %mul3A_240 : i32
      %mul3A_242 = arith.constant 640 : i32
      %mul3A_243 = arith.muli %arg1, %mul3A_242 : i32
      "tpu.region"() ({
        %run_scoped3A = tpu.sem_alloc : memref<!tpu.dma_semaphore, #tpu.memory_space<semaphore_mem>>
        %dma_start3A = arith.constant 0 : i32
        %dma_start3A_248 = tpu.memref_slice %arg19[%mul3A_243, %dma_start3A] : memref<10240x32xf32, #tpu.memory_space<vmem_shared>> -> memref<640x32xf32, #tpu.memory_space<vmem_shared>>
        %dma_start3A_249 = arith.constant 0 : i32
        %dma_start3A_250 = tpu.memref_slice %arg3[%mul3A_241, %dma_start3A_249] : memref<10240x32xf32, #tpu.memory_space<hbm>> -> memref<640x32xf32, #tpu.memory_space<hbm>>
        tpu.enqueue_dma source(%dma_start3A_250 : memref<640x32xf32, #tpu.memory_space<hbm>>) target(%dma_start3A_248 : memref<640x32xf32, #tpu.memory_space<vmem_shared>>) target_semaphore(%run_scoped3A : memref<!tpu.dma_semaphore, #tpu.memory_space<semaphore_mem>>)
        %dma_wait3A_251 = arith.constant 0 : i32
        %dma_wait3A_252 = tpu.memref_slice %arg19[%mul3A_243, %dma_wait3A_251] : memref<10240x32xf32, #tpu.memory_space<vmem_shared>> -> memref<640x32xf32, #tpu.memory_space<vmem_shared>>
        %dma_wait3A_253 = arith.constant 0 : i32
        %dma_wait3A_254 = tpu.memref_slice %arg3[%mul3A_241, %dma_wait3A_253] : memref<10240x32xf32, #tpu.memory_space<hbm>> -> memref<640x32xf32, #tpu.memory_space<hbm>>
        tpu.wait_dma2 semaphore(%run_scoped3A : memref<!tpu.dma_semaphore, #tpu.memory_space<semaphore_mem>>) src(%dma_wait3A_254 : memref<640x32xf32, #tpu.memory_space<hbm>>) dst(%dma_wait3A_252 : memref<640x32xf32, #tpu.memory_space<vmem_shared>>)
        tpu.yield
      }) : () -> ()
      %mul3A_244 = arith.constant 640 : i32
      %mul3A_245 = arith.muli %arg1, %mul3A_244 : i32
      %mul3A_246 = arith.constant 640 : i32
      %mul3A_247 = arith.muli %arg1, %mul3A_246 : i32
      "tpu.region"() ({
        %run_scoped3A = tpu.sem_alloc : memref<!tpu.dma_semaphore, #tpu.memory_space<semaphore_mem>>
        %dma_start3A = arith.constant 0 : i32
        %dma_start3A_248 = tpu.memref_slice %arg18[%mul3A_247, %dma_start3A] : memref<10240x32xf32, #tpu.memory_space<vmem_shared>> -> memref<640x32xf32, #tpu.memory_space<vmem_shared>>
        %dma_start3A_249 = arith.constant 0 : i32
        %dma_start3A_250 = tpu.memref_slice %arg3[%mul3A_245, %dma_start3A_249] : memref<10240x32xf32, #tpu.memory_space<hbm>> -> memref<640x32xf32, #tpu.memory_space<hbm>>
        tpu.enqueue_dma source(%dma_start3A_250 : memref<640x32xf32, #tpu.memory_space<hbm>>) target(%dma_start3A_248 : memref<640x32xf32, #tpu.memory_space<vmem_shared>>) target_semaphore(%run_scoped3A : memref<!tpu.dma_semaphore, #tpu.memory_space<semaphore_mem>>)
        %dma_wait3A_251 = arith.constant 0 : i32
        %dma_wait3A_252 = tpu.memref_slice %arg18[%mul3A_247, %dma_wait3A_251] : memref<10240x32xf32, #tpu.memory_space<vmem_shared>> -> memref<640x32xf32, #tpu.memory_space<vmem_shared>>
        %dma_wait3A_253 = arith.constant 0 : i32
        %dma_wait3A_254 = tpu.memref_slice %arg3[%mul3A_245, %dma_wait3A_253] : memref<10240x32xf32, #tpu.memory_space<hbm>> -> memref<640x32xf32, #tpu.memory_space<hbm>>
        tpu.wait_dma2 semaphore(%run_scoped3A : memref<!tpu.dma_semaphore, #tpu.memory_space<semaphore_mem>>) src(%dma_wait3A_254 : memref<640x32xf32, #tpu.memory_space<hbm>>) dst(%dma_wait3A_252 : memref<640x32xf32, #tpu.memory_space<vmem_shared>>)
        tpu.yield
      }) : () -> ()
    } else {
    }
    %mul3A = arith.constant 160 : i32
    %mul3A_7 = arith.muli %arg1, %mul3A : i32
    "tpu.region"() ({
      %run_scoped3A = tpu.sem_alloc : memref<!tpu.dma_semaphore, #tpu.memory_space<semaphore_mem>>
      %dma_start3A = arith.constant 0 : i32
      %dma_start3A_240 = tpu.memref_slice %arg4[%mul3A_7, %dma_start3A] : memref<2560x128xi32, #tpu.memory_space<hbm>> -> memref<160x128xi32, #tpu.memory_space<hbm>>
      %dma_start3A_241 = arith.constant 0 : i32
      %dma_start3A_242 = tpu.memref_slice %arg4[%mul3A_7, %dma_start3A_241] : memref<2560x128xi32, #tpu.memory_space<hbm>> -> memref<160x128xi32, #tpu.memory_space<hbm>>
      tpu.enqueue_dma source(%dma_start3A_242 : memref<160x128xi32, #tpu.memory_space<hbm>>) target(%arg11 : memref<160x128xi32, #tpu.memory_space<vmem>>) target_semaphore(%run_scoped3A : memref<!tpu.dma_semaphore, #tpu.memory_space<semaphore_mem>>)
      %dma_wait3A_243 = arith.constant 0 : i32
      %dma_wait3A_244 = tpu.memref_slice %arg4[%mul3A_7, %dma_wait3A_243] : memref<2560x128xi32, #tpu.memory_space<hbm>> -> memref<160x128xi32, #tpu.memory_space<hbm>>
      %dma_wait3A_245 = arith.constant 0 : i32
      %dma_wait3A_246 = tpu.memref_slice %arg4[%mul3A_7, %dma_wait3A_245] : memref<2560x128xi32, #tpu.memory_space<hbm>> -> memref<160x128xi32, #tpu.memory_space<hbm>>
      tpu.wait_dma2 semaphore(%run_scoped3A : memref<!tpu.dma_semaphore, #tpu.memory_space<semaphore_mem>>) src(%dma_wait3A_246 : memref<160x128xi32, #tpu.memory_space<hbm>>) dst(%arg11 : memref<160x128xi32, #tpu.memory_space<vmem>>)
      tpu.yield
    }) : () -> ()
    %mul3A_8 = arith.constant 160 : i32
    %mul3A_9 = arith.muli %arg1, %mul3A_8 : i32
    "tpu.region"() ({
      %run_scoped3A = tpu.sem_alloc : memref<!tpu.dma_semaphore, #tpu.memory_space<semaphore_mem>>
      %dma_start3A = arith.constant 0 : i32
      %dma_start3A_240 = tpu.memref_slice %arg5[%mul3A_9, %dma_start3A] : memref<2560x128xi32, #tpu.memory_space<hbm>> -> memref<160x128xi32, #tpu.memory_space<hbm>>
      %dma_start3A_241 = arith.constant 0 : i32
      %dma_start3A_242 = tpu.memref_slice %arg5[%mul3A_9, %dma_start3A_241] : memref<2560x128xi32, #tpu.memory_space<hbm>> -> memref<160x128xi32, #tpu.memory_space<hbm>>
      tpu.enqueue_dma source(%dma_start3A_242 : memref<160x128xi32, #tpu.memory_space<hbm>>) target(%arg12 : memref<160x128xi32, #tpu.memory_space<vmem>>) target_semaphore(%run_scoped3A : memref<!tpu.dma_semaphore, #tpu.memory_space<semaphore_mem>>)
      %dma_wait3A_243 = arith.constant 0 : i32
      %dma_wait3A_244 = tpu.memref_slice %arg5[%mul3A_9, %dma_wait3A_243] : memref<2560x128xi32, #tpu.memory_space<hbm>> -> memref<160x128xi32, #tpu.memory_space<hbm>>
      %dma_wait3A_245 = arith.constant 0 : i32
      %dma_wait3A_246 = tpu.memref_slice %arg5[%mul3A_9, %dma_wait3A_245] : memref<2560x128xi32, #tpu.memory_space<hbm>> -> memref<160x128xi32, #tpu.memory_space<hbm>>
      tpu.wait_dma2 semaphore(%run_scoped3A : memref<!tpu.dma_semaphore, #tpu.memory_space<semaphore_mem>>) src(%dma_wait3A_246 : memref<160x128xi32, #tpu.memory_space<hbm>>) dst(%arg12 : memref<160x128xi32, #tpu.memory_space<vmem>>)
      tpu.yield
    }) : () -> ()
    %mul3A_10 = arith.constant 640 : i32
    %mul3A_11 = arith.muli %arg1, %mul3A_10 : i32
    "tpu.region"() ({
      %run_scoped3A = tpu.sem_alloc : memref<!tpu.dma_semaphore, #tpu.memory_space<semaphore_mem>>
      %dma_start3A = tpu.memref_slice %arg6[%mul3A_11] : memref<10240xf32, #tpu.memory_space<hbm>> -> memref<640xf32, #tpu.memory_space<hbm>>
      %dma_start3A_240 = tpu.memref_slice %arg6[%mul3A_11] : memref<10240xf32, #tpu.memory_space<hbm>> -> memref<640xf32, #tpu.memory_space<hbm>>
      tpu.enqueue_dma source(%dma_start3A_240 : memref<640xf32, #tpu.memory_space<hbm>>) target(%arg15 : memref<640xf32, #tpu.memory_space<vmem>>) target_semaphore(%run_scoped3A : memref<!tpu.dma_semaphore, #tpu.memory_space<semaphore_mem>>)
      %dma_wait3A_241 = tpu.memref_slice %arg6[%mul3A_11] : memref<10240xf32, #tpu.memory_space<hbm>> -> memref<640xf32, #tpu.memory_space<hbm>>
      %dma_wait3A_242 = tpu.memref_slice %arg6[%mul3A_11] : memref<10240xf32, #tpu.memory_space<hbm>> -> memref<640xf32, #tpu.memory_space<hbm>>
      tpu.wait_dma2 semaphore(%run_scoped3A : memref<!tpu.dma_semaphore, #tpu.memory_space<semaphore_mem>>) src(%dma_wait3A_242 : memref<640xf32, #tpu.memory_space<hbm>>) dst(%arg15 : memref<640xf32, #tpu.memory_space<vmem>>)
      tpu.yield
    }) : () -> ()
    "tpu.region"() ({
      %run_scoped3A = tpu.sem_alloc : memref<!tpu.dma_semaphore, #tpu.memory_space<semaphore_mem>>
      %dma_start3A = arith.constant 0 : i32
      %dma_start3A_240 = tpu.memref_slice %arg7[%arg0, %dma_start3A] : memref<2x32xf32, #tpu.memory_space<hbm>> -> memref<1x32xf32, #tpu.memory_space<hbm>>
      %dma_start3A_241 = tpu.memref_squeeze %dma_start3A_240 : memref<1x32xf32, #tpu.memory_space<hbm>> -> memref<32xf32, #tpu.memory_space<hbm>>
      %dma_start3A_242 = arith.constant 0 : i32
      %dma_start3A_243 = tpu.memref_slice %arg7[%arg0, %dma_start3A_242] : memref<2x32xf32, #tpu.memory_space<hbm>> -> memref<1x32xf32, #tpu.memory_space<hbm>>
      %dma_start3A_244 = tpu.memref_squeeze %dma_start3A_243 : memref<1x32xf32, #tpu.memory_space<hbm>> -> memref<32xf32, #tpu.memory_space<hbm>>
      tpu.enqueue_dma source(%dma_start3A_244 : memref<32xf32, #tpu.memory_space<hbm>>) target(%arg16 : memref<32xf32, #tpu.memory_space<vmem>>) target_semaphore(%run_scoped3A : memref<!tpu.dma_semaphore, #tpu.memory_space<semaphore_mem>>)
      %dma_wait3A_245 = arith.constant 0 : i32
      %dma_wait3A_246 = tpu.memref_slice %arg7[%arg0, %dma_wait3A_245] : memref<2x32xf32, #tpu.memory_space<hbm>> -> memref<1x32xf32, #tpu.memory_space<hbm>>
      %dma_wait3A_247 = tpu.memref_squeeze %dma_wait3A_246 : memref<1x32xf32, #tpu.memory_space<hbm>> -> memref<32xf32, #tpu.memory_space<hbm>>
      %dma_wait3A_248 = arith.constant 0 : i32
      %dma_wait3A_249 = tpu.memref_slice %arg7[%arg0, %dma_wait3A_248] : memref<2x32xf32, #tpu.memory_space<hbm>> -> memref<1x32xf32, #tpu.memory_space<hbm>>
      %dma_wait3A_250 = tpu.memref_squeeze %dma_wait3A_249 : memref<1x32xf32, #tpu.memory_space<hbm>> -> memref<32xf32, #tpu.memory_space<hbm>>
      tpu.wait_dma2 semaphore(%run_scoped3A : memref<!tpu.dma_semaphore, #tpu.memory_space<semaphore_mem>>) src(%dma_wait3A_250 : memref<32xf32, #tpu.memory_space<hbm>>) dst(%arg16 : memref<32xf32, #tpu.memory_space<vmem>>)
      tpu.yield
    }) : () -> ()
    "tpu.region"() ({
      %run_scoped3A = tpu.sem_alloc : memref<!tpu.dma_semaphore, #tpu.memory_space<semaphore_mem>>
      %dma_start3A = arith.constant 0 : i32
      %dma_start3A_240 = tpu.memref_slice %arg8[%arg0, %dma_start3A] : memref<2x32xf32, #tpu.memory_space<hbm>> -> memref<1x32xf32, #tpu.memory_space<hbm>>
      %dma_start3A_241 = tpu.memref_squeeze %dma_start3A_240 : memref<1x32xf32, #tpu.memory_space<hbm>> -> memref<32xf32, #tpu.memory_space<hbm>>
      %dma_start3A_242 = arith.constant 0 : i32
      %dma_start3A_243 = tpu.memref_slice %arg8[%arg0, %dma_start3A_242] : memref<2x32xf32, #tpu.memory_space<hbm>> -> memref<1x32xf32, #tpu.memory_space<hbm>>
      %dma_start3A_244 = tpu.memref_squeeze %dma_start3A_243 : memref<1x32xf32, #tpu.memory_space<hbm>> -> memref<32xf32, #tpu.memory_space<hbm>>
      tpu.enqueue_dma source(%dma_start3A_244 : memref<32xf32, #tpu.memory_space<hbm>>) target(%arg17 : memref<32xf32, #tpu.memory_space<vmem>>) target_semaphore(%run_scoped3A : memref<!tpu.dma_semaphore, #tpu.memory_space<semaphore_mem>>)
      %dma_wait3A_245 = arith.constant 0 : i32
      %dma_wait3A_246 = tpu.memref_slice %arg8[%arg0, %dma_wait3A_245] : memref<2x32xf32, #tpu.memory_space<hbm>> -> memref<1x32xf32, #tpu.memory_space<hbm>>
      %dma_wait3A_247 = tpu.memref_squeeze %dma_wait3A_246 : memref<1x32xf32, #tpu.memory_space<hbm>> -> memref<32xf32, #tpu.memory_space<hbm>>
      %dma_wait3A_248 = arith.constant 0 : i32
      %dma_wait3A_249 = tpu.memref_slice %arg8[%arg0, %dma_wait3A_248] : memref<2x32xf32, #tpu.memory_space<hbm>> -> memref<1x32xf32, #tpu.memory_space<hbm>>
      %dma_wait3A_250 = tpu.memref_squeeze %dma_wait3A_249 : memref<1x32xf32, #tpu.memory_space<hbm>> -> memref<32xf32, #tpu.memory_space<hbm>>
      tpu.wait_dma2 semaphore(%run_scoped3A : memref<!tpu.dma_semaphore, #tpu.memory_space<semaphore_mem>>) src(%dma_wait3A_250 : memref<32xf32, #tpu.memory_space<hbm>>) dst(%arg17 : memref<32xf32, #tpu.memory_space<vmem>>)
      tpu.yield
    }) : () -> ()
    %barrier3A = arith.constant 0 : index
    tpu.barrier barrier_id(%barrier3A)
    %scan3A = arith.constant 0 : i32
    %scan3A_12 = arith.constant 0 : i32
    %scan3A_13 = arith.constant 20 : i32
    %scan3A_14 = arith.addi %scan3A_12, %scan3A_13 : i32
    %scan3A_15 = arith.constant 1 : i32
    scf.for %scan3A_240 = %scan3A_12 to %scan3A_14 step %scan3A_15  : i32 {
      %gt3A = arith.constant 0 : i32
      %gt3A_241 = arith.cmpi sgt, %scan3A_240, %gt3A : i32
      %convert_element_type3A_242 = arith.extui %gt3A_241 : i1 to i32
      %cond3A_243 = arith.constant 0 : i32
      %cond3A_244 = arith.cmpi ne, %convert_element_type3A_242, %cond3A_243 : i32
      scf.if %cond3A_244 {
        %dma_wait3A_579 = arith.constant 0 : i32
        %dma_wait3A_580 = arith.constant 0 : i32
        %dma_wait3A_581 = arith.constant 0 : i32
        %dma_wait3A_582 = arith.constant 0 : i32
        %dma_wait3A_583 = tpu.memref_slice %arg13[%dma_wait3A_579, %dma_wait3A_581, %dma_wait3A_582] : memref<8x128x32xf32, #tpu.memory_space<vmem>> -> memref<1x128x32xf32, #tpu.memory_space<vmem>>
        %dma_wait3A_584 = tpu.memref_squeeze %dma_wait3A_583 : memref<1x128x32xf32, #tpu.memory_space<vmem>> -> memref<128x32xf32, #tpu.memory_space<vmem>>
        %dma_wait3A_585 = arith.constant 0 : i32
        %dma_wait3A_586 = tpu.memref_slice %arg12[%dma_wait3A_580, %dma_wait3A_585] : memref<160x128xi32, #tpu.memory_space<vmem>> -> memref<1x128xi32, #tpu.memory_space<vmem>>
        %dma_wait3A_587 = tpu.memref_squeeze %dma_wait3A_586 : memref<1x128xi32, #tpu.memory_space<vmem>> -> memref<128xi32, #tpu.memory_space<vmem>>
        %dma_wait3A_588 = arith.constant 0 : i32
        %dma_wait3A_589 = arith.constant 0 : i32
        %dma_wait3A_590 = tpu.memref_slice %arg18[%dma_wait3A_588, %dma_wait3A_589] : memref<10240x32xf32, #tpu.memory_space<vmem_shared>> -> memref<10240x32xf32, #tpu.memory_space<vmem_shared>>
        tpu.wait_indirect_dma semaphore(%arg21 : memref<!tpu.dma_semaphore, #tpu.memory_space<semaphore_mem>>) src(%dma_wait3A_584 : memref<128x32xf32, #tpu.memory_space<vmem>>) dst(%dma_wait3A_590 : memref<10240x32xf32, #tpu.memory_space<vmem_shared>>)
        %dma_wait3A_591 = arith.constant 1 : i32
        %dma_wait3A_592 = arith.constant 0 : i32
        %dma_wait3A_593 = arith.constant 0 : i32
        %dma_wait3A_594 = arith.constant 0 : i32
        %dma_wait3A_595 = tpu.memref_slice %arg13[%dma_wait3A_591, %dma_wait3A_593, %dma_wait3A_594] : memref<8x128x32xf32, #tpu.memory_space<vmem>> -> memref<1x128x32xf32, #tpu.memory_space<vmem>>
        %dma_wait3A_596 = tpu.memref_squeeze %dma_wait3A_595 : memref<1x128x32xf32, #tpu.memory_space<vmem>> -> memref<128x32xf32, #tpu.memory_space<vmem>>
        %dma_wait3A_597 = arith.constant 0 : i32
        %dma_wait3A_598 = tpu.memref_slice %arg12[%dma_wait3A_592, %dma_wait3A_597] : memref<160x128xi32, #tpu.memory_space<vmem>> -> memref<1x128xi32, #tpu.memory_space<vmem>>
        %dma_wait3A_599 = tpu.memref_squeeze %dma_wait3A_598 : memref<1x128xi32, #tpu.memory_space<vmem>> -> memref<128xi32, #tpu.memory_space<vmem>>
        %dma_wait3A_600 = arith.constant 0 : i32
        %dma_wait3A_601 = arith.constant 0 : i32
        %dma_wait3A_602 = tpu.memref_slice %arg18[%dma_wait3A_600, %dma_wait3A_601] : memref<10240x32xf32, #tpu.memory_space<vmem_shared>> -> memref<10240x32xf32, #tpu.memory_space<vmem_shared>>
        tpu.wait_indirect_dma semaphore(%arg21 : memref<!tpu.dma_semaphore, #tpu.memory_space<semaphore_mem>>) src(%dma_wait3A_596 : memref<128x32xf32, #tpu.memory_space<vmem>>) dst(%dma_wait3A_602 : memref<10240x32xf32, #tpu.memory_space<vmem_shared>>)
        %dma_wait3A_603 = arith.constant 2 : i32
        %dma_wait3A_604 = arith.constant 0 : i32
        %dma_wait3A_605 = arith.constant 0 : i32
        %dma_wait3A_606 = arith.constant 0 : i32
        %dma_wait3A_607 = tpu.memref_slice %arg13[%dma_wait3A_603, %dma_wait3A_605, %dma_wait3A_606] : memref<8x128x32xf32, #tpu.memory_space<vmem>> -> memref<1x128x32xf32, #tpu.memory_space<vmem>>
        %dma_wait3A_608 = tpu.memref_squeeze %dma_wait3A_607 : memref<1x128x32xf32, #tpu.memory_space<vmem>> -> memref<128x32xf32, #tpu.memory_space<vmem>>
        %dma_wait3A_609 = arith.constant 0 : i32
        %dma_wait3A_610 = tpu.memref_slice %arg12[%dma_wait3A_604, %dma_wait3A_609] : memref<160x128xi32, #tpu.memory_space<vmem>> -> memref<1x128xi32, #tpu.memory_space<vmem>>
        %dma_wait3A_611 = tpu.memref_squeeze %dma_wait3A_610 : memref<1x128xi32, #tpu.memory_space<vmem>> -> memref<128xi32, #tpu.memory_space<vmem>>
        %dma_wait3A_612 = arith.constant 0 : i32
        %dma_wait3A_613 = arith.constant 0 : i32
        %dma_wait3A_614 = tpu.memref_slice %arg18[%dma_wait3A_612, %dma_wait3A_613] : memref<10240x32xf32, #tpu.memory_space<vmem_shared>> -> memref<10240x32xf32, #tpu.memory_space<vmem_shared>>
        tpu.wait_indirect_dma semaphore(%arg21 : memref<!tpu.dma_semaphore, #tpu.memory_space<semaphore_mem>>) src(%dma_wait3A_608 : memref<128x32xf32, #tpu.memory_space<vmem>>) dst(%dma_wait3A_614 : memref<10240x32xf32, #tpu.memory_space<vmem_shared>>)
        %dma_wait3A_615 = arith.constant 3 : i32
        %dma_wait3A_616 = arith.constant 0 : i32
        %dma_wait3A_617 = arith.constant 0 : i32
        %dma_wait3A_618 = arith.constant 0 : i32
        %dma_wait3A_619 = tpu.memref_slice %arg13[%dma_wait3A_615, %dma_wait3A_617, %dma_wait3A_618] : memref<8x128x32xf32, #tpu.memory_space<vmem>> -> memref<1x128x32xf32, #tpu.memory_space<vmem>>
        %dma_wait3A_620 = tpu.memref_squeeze %dma_wait3A_619 : memref<1x128x32xf32, #tpu.memory_space<vmem>> -> memref<128x32xf32, #tpu.memory_space<vmem>>
        %dma_wait3A_621 = arith.constant 0 : i32
        %dma_wait3A_622 = tpu.memref_slice %arg12[%dma_wait3A_616, %dma_wait3A_621] : memref<160x128xi32, #tpu.memory_space<vmem>> -> memref<1x128xi32, #tpu.memory_space<vmem>>
        %dma_wait3A_623 = tpu.memref_squeeze %dma_wait3A_622 : memref<1x128xi32, #tpu.memory_space<vmem>> -> memref<128xi32, #tpu.memory_space<vmem>>
        %dma_wait3A_624 = arith.constant 0 : i32
        %dma_wait3A_625 = arith.constant 0 : i32
        %dma_wait3A_626 = tpu.memref_slice %arg18[%dma_wait3A_624, %dma_wait3A_625] : memref<10240x32xf32, #tpu.memory_space<vmem_shared>> -> memref<10240x32xf32, #tpu.memory_space<vmem_shared>>
        tpu.wait_indirect_dma semaphore(%arg21 : memref<!tpu.dma_semaphore, #tpu.memory_space<semaphore_mem>>) src(%dma_wait3A_620 : memref<128x32xf32, #tpu.memory_space<vmem>>) dst(%dma_wait3A_626 : memref<10240x32xf32, #tpu.memory_space<vmem_shared>>)
        %dma_wait3A_627 = arith.constant 4 : i32
        %dma_wait3A_628 = arith.constant 0 : i32
        %dma_wait3A_629 = arith.constant 0 : i32
        %dma_wait3A_630 = arith.constant 0 : i32
        %dma_wait3A_631 = tpu.memref_slice %arg13[%dma_wait3A_627, %dma_wait3A_629, %dma_wait3A_630] : memref<8x128x32xf32, #tpu.memory_space<vmem>> -> memref<1x128x32xf32, #tpu.memory_space<vmem>>
        %dma_wait3A_632 = tpu.memref_squeeze %dma_wait3A_631 : memref<1x128x32xf32, #tpu.memory_space<vmem>> -> memref<128x32xf32, #tpu.memory_space<vmem>>
        %dma_wait3A_633 = arith.constant 0 : i32
        %dma_wait3A_634 = tpu.memref_slice %arg12[%dma_wait3A_628, %dma_wait3A_633] : memref<160x128xi32, #tpu.memory_space<vmem>> -> memref<1x128xi32, #tpu.memory_space<vmem>>
        %dma_wait3A_635 = tpu.memref_squeeze %dma_wait3A_634 : memref<1x128xi32, #tpu.memory_space<vmem>> -> memref<128xi32, #tpu.memory_space<vmem>>
        %dma_wait3A_636 = arith.constant 0 : i32
        %dma_wait3A_637 = arith.constant 0 : i32
        %dma_wait3A_638 = tpu.memref_slice %arg18[%dma_wait3A_636, %dma_wait3A_637] : memref<10240x32xf32, #tpu.memory_space<vmem_shared>> -> memref<10240x32xf32, #tpu.memory_space<vmem_shared>>
        tpu.wait_indirect_dma semaphore(%arg21 : memref<!tpu.dma_semaphore, #tpu.memory_space<semaphore_mem>>) src(%dma_wait3A_632 : memref<128x32xf32, #tpu.memory_space<vmem>>) dst(%dma_wait3A_638 : memref<10240x32xf32, #tpu.memory_space<vmem_shared>>)
        %dma_wait3A_639 = arith.constant 5 : i32
        %dma_wait3A_640 = arith.constant 0 : i32
        %dma_wait3A_641 = arith.constant 0 : i32
        %dma_wait3A_642 = arith.constant 0 : i32
        %dma_wait3A_643 = tpu.memref_slice %arg13[%dma_wait3A_639, %dma_wait3A_641, %dma_wait3A_642] : memref<8x128x32xf32, #tpu.memory_space<vmem>> -> memref<1x128x32xf32, #tpu.memory_space<vmem>>
        %dma_wait3A_644 = tpu.memref_squeeze %dma_wait3A_643 : memref<1x128x32xf32, #tpu.memory_space<vmem>> -> memref<128x32xf32, #tpu.memory_space<vmem>>
        %dma_wait3A_645 = arith.constant 0 : i32
        %dma_wait3A_646 = tpu.memref_slice %arg12[%dma_wait3A_640, %dma_wait3A_645] : memref<160x128xi32, #tpu.memory_space<vmem>> -> memref<1x128xi32, #tpu.memory_space<vmem>>
        %dma_wait3A_647 = tpu.memref_squeeze %dma_wait3A_646 : memref<1x128xi32, #tpu.memory_space<vmem>> -> memref<128xi32, #tpu.memory_space<vmem>>
        %dma_wait3A_648 = arith.constant 0 : i32
        %dma_wait3A_649 = arith.constant 0 : i32
        %dma_wait3A_650 = tpu.memref_slice %arg18[%dma_wait3A_648, %dma_wait3A_649] : memref<10240x32xf32, #tpu.memory_space<vmem_shared>> -> memref<10240x32xf32, #tpu.memory_space<vmem_shared>>
        tpu.wait_indirect_dma semaphore(%arg21 : memref<!tpu.dma_semaphore, #tpu.memory_space<semaphore_mem>>) src(%dma_wait3A_644 : memref<128x32xf32, #tpu.memory_space<vmem>>) dst(%dma_wait3A_650 : memref<10240x32xf32, #tpu.memory_space<vmem_shared>>)
        %dma_wait3A_651 = arith.constant 6 : i32
        %dma_wait3A_652 = arith.constant 0 : i32
        %dma_wait3A_653 = arith.constant 0 : i32
        %dma_wait3A_654 = arith.constant 0 : i32
        %dma_wait3A_655 = tpu.memref_slice %arg13[%dma_wait3A_651, %dma_wait3A_653, %dma_wait3A_654] : memref<8x128x32xf32, #tpu.memory_space<vmem>> -> memref<1x128x32xf32, #tpu.memory_space<vmem>>
        %dma_wait3A_656 = tpu.memref_squeeze %dma_wait3A_655 : memref<1x128x32xf32, #tpu.memory_space<vmem>> -> memref<128x32xf32, #tpu.memory_space<vmem>>
        %dma_wait3A_657 = arith.constant 0 : i32
        %dma_wait3A_658 = tpu.memref_slice %arg12[%dma_wait3A_652, %dma_wait3A_657] : memref<160x128xi32, #tpu.memory_space<vmem>> -> memref<1x128xi32, #tpu.memory_space<vmem>>
        %dma_wait3A_659 = tpu.memref_squeeze %dma_wait3A_658 : memref<1x128xi32, #tpu.memory_space<vmem>> -> memref<128xi32, #tpu.memory_space<vmem>>
        %dma_wait3A_660 = arith.constant 0 : i32
        %dma_wait3A_661 = arith.constant 0 : i32
        %dma_wait3A_662 = tpu.memref_slice %arg18[%dma_wait3A_660, %dma_wait3A_661] : memref<10240x32xf32, #tpu.memory_space<vmem_shared>> -> memref<10240x32xf32, #tpu.memory_space<vmem_shared>>
        tpu.wait_indirect_dma semaphore(%arg21 : memref<!tpu.dma_semaphore, #tpu.memory_space<semaphore_mem>>) src(%dma_wait3A_656 : memref<128x32xf32, #tpu.memory_space<vmem>>) dst(%dma_wait3A_662 : memref<10240x32xf32, #tpu.memory_space<vmem_shared>>)
        %dma_wait3A_663 = arith.constant 7 : i32
        %dma_wait3A_664 = arith.constant 0 : i32
        %dma_wait3A_665 = arith.constant 0 : i32
        %dma_wait3A_666 = arith.constant 0 : i32
        %dma_wait3A_667 = tpu.memref_slice %arg13[%dma_wait3A_663, %dma_wait3A_665, %dma_wait3A_666] : memref<8x128x32xf32, #tpu.memory_space<vmem>> -> memref<1x128x32xf32, #tpu.memory_space<vmem>>
        %dma_wait3A_668 = tpu.memref_squeeze %dma_wait3A_667 : memref<1x128x32xf32, #tpu.memory_space<vmem>> -> memref<128x32xf32, #tpu.memory_space<vmem>>
        %dma_wait3A_669 = arith.constant 0 : i32
        %dma_wait3A_670 = tpu.memref_slice %arg12[%dma_wait3A_664, %dma_wait3A_669] : memref<160x128xi32, #tpu.memory_space<vmem>> -> memref<1x128xi32, #tpu.memory_space<vmem>>
        %dma_wait3A_671 = tpu.memref_squeeze %dma_wait3A_670 : memref<1x128xi32, #tpu.memory_space<vmem>> -> memref<128xi32, #tpu.memory_space<vmem>>
        %dma_wait3A_672 = arith.constant 0 : i32
        %dma_wait3A_673 = arith.constant 0 : i32
        %dma_wait3A_674 = tpu.memref_slice %arg18[%dma_wait3A_672, %dma_wait3A_673] : memref<10240x32xf32, #tpu.memory_space<vmem_shared>> -> memref<10240x32xf32, #tpu.memory_space<vmem_shared>>
        tpu.wait_indirect_dma semaphore(%arg21 : memref<!tpu.dma_semaphore, #tpu.memory_space<semaphore_mem>>) src(%dma_wait3A_668 : memref<128x32xf32, #tpu.memory_space<vmem>>) dst(%dma_wait3A_674 : memref<10240x32xf32, #tpu.memory_space<vmem_shared>>)
      } else {
      }
      %mul3A_245 = arith.constant 8 : i32
      %mul3A_246 = arith.muli %scan3A_240, %mul3A_245 : i32
      %add3A = arith.constant 0 : i32
      %add3A_247 = arith.addi %mul3A_246, %add3A : i32
      %dma_start3A = arith.constant 0 : i32
      %dma_start3A_248 = arith.constant 0 : i32
      %dma_start3A_249 = arith.constant 0 : i32
      %dma_start3A_250 = tpu.memref_slice %arg13[%dma_start3A, %dma_start3A_248, %dma_start3A_249] : memref<8x128x32xf32, #tpu.memory_space<vmem>> -> memref<1x128x32xf32, #tpu.memory_space<vmem>>
      %dma_start3A_251 = tpu.memref_squeeze %dma_start3A_250 : memref<1x128x32xf32, #tpu.memory_space<vmem>> -> memref<128x32xf32, #tpu.memory_space<vmem>>
      %dma_start3A_252 = arith.constant 0 : i32
      %dma_start3A_253 = tpu.memref_slice %arg11[%add3A_247, %dma_start3A_252] : memref<160x128xi32, #tpu.memory_space<vmem>> -> memref<1x128xi32, #tpu.memory_space<vmem>>
      %dma_start3A_254 = tpu.memref_squeeze %dma_start3A_253 : memref<1x128xi32, #tpu.memory_space<vmem>> -> memref<128xi32, #tpu.memory_space<vmem>>
      %dma_start3A_255 = arith.constant 0 : i32
      %dma_start3A_256 = arith.constant 0 : i32
      %dma_start3A_257 = tpu.memref_slice %arg19[%dma_start3A_255, %dma_start3A_256] : memref<10240x32xf32, #tpu.memory_space<vmem_shared>> -> memref<10240x32xf32, #tpu.memory_space<vmem_shared>>
      tpu.enqueue_indirect_dma source(%dma_start3A_257 : memref<10240x32xf32, #tpu.memory_space<vmem_shared>>) target(%dma_start3A_251 : memref<128x32xf32, #tpu.memory_space<vmem>>) offsets(%dma_start3A_254 : memref<128xi32, #tpu.memory_space<vmem>>) semaphore(%arg20 : memref<!tpu.dma_semaphore, #tpu.memory_space<semaphore_mem>>)
      %mul3A_258 = arith.constant 8 : i32
      %mul3A_259 = arith.muli %scan3A_240, %mul3A_258 : i32
      %add3A_260 = arith.constant 1 : i32
      %add3A_261 = arith.addi %mul3A_259, %add3A_260 : i32
      %dma_start3A_262 = arith.constant 1 : i32
      %dma_start3A_263 = arith.constant 0 : i32
      %dma_start3A_264 = arith.constant 0 : i32
      %dma_start3A_265 = tpu.memref_slice %arg13[%dma_start3A_262, %dma_start3A_263, %dma_start3A_264] : memref<8x128x32xf32, #tpu.memory_space<vmem>> -> memref<1x128x32xf32, #tpu.memory_space<vmem>>
      %dma_start3A_266 = tpu.memref_squeeze %dma_start3A_265 : memref<1x128x32xf32, #tpu.memory_space<vmem>> -> memref<128x32xf32, #tpu.memory_space<vmem>>
      %dma_start3A_267 = arith.constant 0 : i32
      %dma_start3A_268 = tpu.memref_slice %arg11[%add3A_261, %dma_start3A_267] : memref<160x128xi32, #tpu.memory_space<vmem>> -> memref<1x128xi32, #tpu.memory_space<vmem>>
      %dma_start3A_269 = tpu.memref_squeeze %dma_start3A_268 : memref<1x128xi32, #tpu.memory_space<vmem>> -> memref<128xi32, #tpu.memory_space<vmem>>
      %dma_start3A_270 = arith.constant 0 : i32
      %dma_start3A_271 = arith.constant 0 : i32
      %dma_start3A_272 = tpu.memref_slice %arg19[%dma_start3A_270, %dma_start3A_271] : memref<10240x32xf32, #tpu.memory_space<vmem_shared>> -> memref<10240x32xf32, #tpu.memory_space<vmem_shared>>
      tpu.enqueue_indirect_dma source(%dma_start3A_272 : memref<10240x32xf32, #tpu.memory_space<vmem_shared>>) target(%dma_start3A_266 : memref<128x32xf32, #tpu.memory_space<vmem>>) offsets(%dma_start3A_269 : memref<128xi32, #tpu.memory_space<vmem>>) semaphore(%arg20 : memref<!tpu.dma_semaphore, #tpu.memory_space<semaphore_mem>>)
      %mul3A_273 = arith.constant 8 : i32
      %mul3A_274 = arith.muli %scan3A_240, %mul3A_273 : i32
      %add3A_275 = arith.constant 2 : i32
      %add3A_276 = arith.addi %mul3A_274, %add3A_275 : i32
      %dma_start3A_277 = arith.constant 2 : i32
      %dma_start3A_278 = arith.constant 0 : i32
      %dma_start3A_279 = arith.constant 0 : i32
      %dma_start3A_280 = tpu.memref_slice %arg13[%dma_start3A_277, %dma_start3A_278, %dma_start3A_279] : memref<8x128x32xf32, #tpu.memory_space<vmem>> -> memref<1x128x32xf32, #tpu.memory_space<vmem>>
      %dma_start3A_281 = tpu.memref_squeeze %dma_start3A_280 : memref<1x128x32xf32, #tpu.memory_space<vmem>> -> memref<128x32xf32, #tpu.memory_space<vmem>>
      %dma_start3A_282 = arith.constant 0 : i32
      %dma_start3A_283 = tpu.memref_slice %arg11[%add3A_276, %dma_start3A_282] : memref<160x128xi32, #tpu.memory_space<vmem>> -> memref<1x128xi32, #tpu.memory_space<vmem>>
      %dma_start3A_284 = tpu.memref_squeeze %dma_start3A_283 : memref<1x128xi32, #tpu.memory_space<vmem>> -> memref<128xi32, #tpu.memory_space<vmem>>
      %dma_start3A_285 = arith.constant 0 : i32
      %dma_start3A_286 = arith.constant 0 : i32
      %dma_start3A_287 = tpu.memref_slice %arg19[%dma_start3A_285, %dma_start3A_286] : memref<10240x32xf32, #tpu.memory_space<vmem_shared>> -> memref<10240x32xf32, #tpu.memory_space<vmem_shared>>
      tpu.enqueue_indirect_dma source(%dma_start3A_287 : memref<10240x32xf32, #tpu.memory_space<vmem_shared>>) target(%dma_start3A_281 : memref<128x32xf32, #tpu.memory_space<vmem>>) offsets(%dma_start3A_284 : memref<128xi32, #tpu.memory_space<vmem>>) semaphore(%arg20 : memref<!tpu.dma_semaphore, #tpu.memory_space<semaphore_mem>>)
      %mul3A_288 = arith.constant 8 : i32
      %mul3A_289 = arith.muli %scan3A_240, %mul3A_288 : i32
      %add3A_290 = arith.constant 3 : i32
      %add3A_291 = arith.addi %mul3A_289, %add3A_290 : i32
      %dma_start3A_292 = arith.constant 3 : i32
      %dma_start3A_293 = arith.constant 0 : i32
      %dma_start3A_294 = arith.constant 0 : i32
      %dma_start3A_295 = tpu.memref_slice %arg13[%dma_start3A_292, %dma_start3A_293, %dma_start3A_294] : memref<8x128x32xf32, #tpu.memory_space<vmem>> -> memref<1x128x32xf32, #tpu.memory_space<vmem>>
      %dma_start3A_296 = tpu.memref_squeeze %dma_start3A_295 : memref<1x128x32xf32, #tpu.memory_space<vmem>> -> memref<128x32xf32, #tpu.memory_space<vmem>>
      %dma_start3A_297 = arith.constant 0 : i32
      %dma_start3A_298 = tpu.memref_slice %arg11[%add3A_291, %dma_start3A_297] : memref<160x128xi32, #tpu.memory_space<vmem>> -> memref<1x128xi32, #tpu.memory_space<vmem>>
      %dma_start3A_299 = tpu.memref_squeeze %dma_start3A_298 : memref<1x128xi32, #tpu.memory_space<vmem>> -> memref<128xi32, #tpu.memory_space<vmem>>
      %dma_start3A_300 = arith.constant 0 : i32
      %dma_start3A_301 = arith.constant 0 : i32
      %dma_start3A_302 = tpu.memref_slice %arg19[%dma_start3A_300, %dma_start3A_301] : memref<10240x32xf32, #tpu.memory_space<vmem_shared>> -> memref<10240x32xf32, #tpu.memory_space<vmem_shared>>
      tpu.enqueue_indirect_dma source(%dma_start3A_302 : memref<10240x32xf32, #tpu.memory_space<vmem_shared>>) target(%dma_start3A_296 : memref<128x32xf32, #tpu.memory_space<vmem>>) offsets(%dma_start3A_299 : memref<128xi32, #tpu.memory_space<vmem>>) semaphore(%arg20 : memref<!tpu.dma_semaphore, #tpu.memory_space<semaphore_mem>>)
      %mul3A_303 = arith.constant 8 : i32
      %mul3A_304 = arith.muli %scan3A_240, %mul3A_303 : i32
      %add3A_305 = arith.constant 4 : i32
      %add3A_306 = arith.addi %mul3A_304, %add3A_305 : i32
      %dma_start3A_307 = arith.constant 4 : i32
      %dma_start3A_308 = arith.constant 0 : i32
      %dma_start3A_309 = arith.constant 0 : i32
      %dma_start3A_310 = tpu.memref_slice %arg13[%dma_start3A_307, %dma_start3A_308, %dma_start3A_309] : memref<8x128x32xf32, #tpu.memory_space<vmem>> -> memref<1x128x32xf32, #tpu.memory_space<vmem>>
      %dma_start3A_311 = tpu.memref_squeeze %dma_start3A_310 : memref<1x128x32xf32, #tpu.memory_space<vmem>> -> memref<128x32xf32, #tpu.memory_space<vmem>>
      %dma_start3A_312 = arith.constant 0 : i32
      %dma_start3A_313 = tpu.memref_slice %arg11[%add3A_306, %dma_start3A_312] : memref<160x128xi32, #tpu.memory_space<vmem>> -> memref<1x128xi32, #tpu.memory_space<vmem>>
      %dma_start3A_314 = tpu.memref_squeeze %dma_start3A_313 : memref<1x128xi32, #tpu.memory_space<vmem>> -> memref<128xi32, #tpu.memory_space<vmem>>
      %dma_start3A_315 = arith.constant 0 : i32
      %dma_start3A_316 = arith.constant 0 : i32
      %dma_start3A_317 = tpu.memref_slice %arg19[%dma_start3A_315, %dma_start3A_316] : memref<10240x32xf32, #tpu.memory_space<vmem_shared>> -> memref<10240x32xf32, #tpu.memory_space<vmem_shared>>
      tpu.enqueue_indirect_dma source(%dma_start3A_317 : memref<10240x32xf32, #tpu.memory_space<vmem_shared>>) target(%dma_start3A_311 : memref<128x32xf32, #tpu.memory_space<vmem>>) offsets(%dma_start3A_314 : memref<128xi32, #tpu.memory_space<vmem>>) semaphore(%arg20 : memref<!tpu.dma_semaphore, #tpu.memory_space<semaphore_mem>>)
      %mul3A_318 = arith.constant 8 : i32
      %mul3A_319 = arith.muli %scan3A_240, %mul3A_318 : i32
      %add3A_320 = arith.constant 5 : i32
      %add3A_321 = arith.addi %mul3A_319, %add3A_320 : i32
      %dma_start3A_322 = arith.constant 5 : i32
      %dma_start3A_323 = arith.constant 0 : i32
      %dma_start3A_324 = arith.constant 0 : i32
      %dma_start3A_325 = tpu.memref_slice %arg13[%dma_start3A_322, %dma_start3A_323, %dma_start3A_324] : memref<8x128x32xf32, #tpu.memory_space<vmem>> -> memref<1x128x32xf32, #tpu.memory_space<vmem>>
      %dma_start3A_326 = tpu.memref_squeeze %dma_start3A_325 : memref<1x128x32xf32, #tpu.memory_space<vmem>> -> memref<128x32xf32, #tpu.memory_space<vmem>>
      %dma_start3A_327 = arith.constant 0 : i32
      %dma_start3A_328 = tpu.memref_slice %arg11[%add3A_321, %dma_start3A_327] : memref<160x128xi32, #tpu.memory_space<vmem>> -> memref<1x128xi32, #tpu.memory_space<vmem>>
      %dma_start3A_329 = tpu.memref_squeeze %dma_start3A_328 : memref<1x128xi32, #tpu.memory_space<vmem>> -> memref<128xi32, #tpu.memory_space<vmem>>
      %dma_start3A_330 = arith.constant 0 : i32
      %dma_start3A_331 = arith.constant 0 : i32
      %dma_start3A_332 = tpu.memref_slice %arg19[%dma_start3A_330, %dma_start3A_331] : memref<10240x32xf32, #tpu.memory_space<vmem_shared>> -> memref<10240x32xf32, #tpu.memory_space<vmem_shared>>
      tpu.enqueue_indirect_dma source(%dma_start3A_332 : memref<10240x32xf32, #tpu.memory_space<vmem_shared>>) target(%dma_start3A_326 : memref<128x32xf32, #tpu.memory_space<vmem>>) offsets(%dma_start3A_329 : memref<128xi32, #tpu.memory_space<vmem>>) semaphore(%arg20 : memref<!tpu.dma_semaphore, #tpu.memory_space<semaphore_mem>>)
      %mul3A_333 = arith.constant 8 : i32
      %mul3A_334 = arith.muli %scan3A_240, %mul3A_333 : i32
      %add3A_335 = arith.constant 6 : i32
      %add3A_336 = arith.addi %mul3A_334, %add3A_335 : i32
      %dma_start3A_337 = arith.constant 6 : i32
      %dma_start3A_338 = arith.constant 0 : i32
      %dma_start3A_339 = arith.constant 0 : i32
      %dma_start3A_340 = tpu.memref_slice %arg13[%dma_start3A_337, %dma_start3A_338, %dma_start3A_339] : memref<8x128x32xf32, #tpu.memory_space<vmem>> -> memref<1x128x32xf32, #tpu.memory_space<vmem>>
      %dma_start3A_341 = tpu.memref_squeeze %dma_start3A_340 : memref<1x128x32xf32, #tpu.memory_space<vmem>> -> memref<128x32xf32, #tpu.memory_space<vmem>>
      %dma_start3A_342 = arith.constant 0 : i32
      %dma_start3A_343 = tpu.memref_slice %arg11[%add3A_336, %dma_start3A_342] : memref<160x128xi32, #tpu.memory_space<vmem>> -> memref<1x128xi32, #tpu.memory_space<vmem>>
      %dma_start3A_344 = tpu.memref_squeeze %dma_start3A_343 : memref<1x128xi32, #tpu.memory_space<vmem>> -> memref<128xi32, #tpu.memory_space<vmem>>
      %dma_start3A_345 = arith.constant 0 : i32
      %dma_start3A_346 = arith.constant 0 : i32
      %dma_start3A_347 = tpu.memref_slice %arg19[%dma_start3A_345, %dma_start3A_346] : memref<10240x32xf32, #tpu.memory_space<vmem_shared>> -> memref<10240x32xf32, #tpu.memory_space<vmem_shared>>
      tpu.enqueue_indirect_dma source(%dma_start3A_347 : memref<10240x32xf32, #tpu.memory_space<vmem_shared>>) target(%dma_start3A_341 : memref<128x32xf32, #tpu.memory_space<vmem>>) offsets(%dma_start3A_344 : memref<128xi32, #tpu.memory_space<vmem>>) semaphore(%arg20 : memref<!tpu.dma_semaphore, #tpu.memory_space<semaphore_mem>>)
      %mul3A_348 = arith.constant 8 : i32
      %mul3A_349 = arith.muli %scan3A_240, %mul3A_348 : i32
      %add3A_350 = arith.constant 7 : i32
      %add3A_351 = arith.addi %mul3A_349, %add3A_350 : i32
      %dma_start3A_352 = arith.constant 7 : i32
      %dma_start3A_353 = arith.constant 0 : i32
      %dma_start3A_354 = arith.constant 0 : i32
      %dma_start3A_355 = tpu.memref_slice %arg13[%dma_start3A_352, %dma_start3A_353, %dma_start3A_354] : memref<8x128x32xf32, #tpu.memory_space<vmem>> -> memref<1x128x32xf32, #tpu.memory_space<vmem>>
      %dma_start3A_356 = tpu.memref_squeeze %dma_start3A_355 : memref<1x128x32xf32, #tpu.memory_space<vmem>> -> memref<128x32xf32, #tpu.memory_space<vmem>>
      %dma_start3A_357 = arith.constant 0 : i32
      %dma_start3A_358 = tpu.memref_slice %arg11[%add3A_351, %dma_start3A_357] : memref<160x128xi32, #tpu.memory_space<vmem>> -> memref<1x128xi32, #tpu.memory_space<vmem>>
      %dma_start3A_359 = tpu.memref_squeeze %dma_start3A_358 : memref<1x128xi32, #tpu.memory_space<vmem>> -> memref<128xi32, #tpu.memory_space<vmem>>
      %dma_start3A_360 = arith.constant 0 : i32
      %dma_start3A_361 = arith.constant 0 : i32
      %dma_start3A_362 = tpu.memref_slice %arg19[%dma_start3A_360, %dma_start3A_361] : memref<10240x32xf32, #tpu.memory_space<vmem_shared>> -> memref<10240x32xf32, #tpu.memory_space<vmem_shared>>
      tpu.enqueue_indirect_dma source(%dma_start3A_362 : memref<10240x32xf32, #tpu.memory_space<vmem_shared>>) target(%dma_start3A_356 : memref<128x32xf32, #tpu.memory_space<vmem>>) offsets(%dma_start3A_359 : memref<128xi32, #tpu.memory_space<vmem>>) semaphore(%arg20 : memref<!tpu.dma_semaphore, #tpu.memory_space<semaphore_mem>>)
      %dma_wait3A_363 = arith.constant 0 : i32
      %dma_wait3A_364 = arith.constant 0 : i32
      %dma_wait3A_365 = arith.constant 0 : i32
      %dma_wait3A_366 = arith.constant 0 : i32
      %dma_wait3A_367 = tpu.memref_slice %arg13[%dma_wait3A_364, %dma_wait3A_365, %dma_wait3A_366] : memref<8x128x32xf32, #tpu.memory_space<vmem>> -> memref<1x128x32xf32, #tpu.memory_space<vmem>>
      %dma_wait3A_368 = tpu.memref_squeeze %dma_wait3A_367 : memref<1x128x32xf32, #tpu.memory_space<vmem>> -> memref<128x32xf32, #tpu.memory_space<vmem>>
      %dma_wait3A_369 = arith.constant 0 : i32
      %dma_wait3A_370 = tpu.memref_slice %arg11[%dma_wait3A_363, %dma_wait3A_369] : memref<160x128xi32, #tpu.memory_space<vmem>> -> memref<1x128xi32, #tpu.memory_space<vmem>>
      %dma_wait3A_371 = tpu.memref_squeeze %dma_wait3A_370 : memref<1x128xi32, #tpu.memory_space<vmem>> -> memref<128xi32, #tpu.memory_space<vmem>>
      %dma_wait3A_372 = arith.constant 0 : i32
      %dma_wait3A_373 = arith.constant 0 : i32
      %dma_wait3A_374 = tpu.memref_slice %arg19[%dma_wait3A_372, %dma_wait3A_373] : memref<10240x32xf32, #tpu.memory_space<vmem_shared>> -> memref<10240x32xf32, #tpu.memory_space<vmem_shared>>
      tpu.wait_indirect_dma semaphore(%arg20 : memref<!tpu.dma_semaphore, #tpu.memory_space<semaphore_mem>>) src(%dma_wait3A_374 : memref<10240x32xf32, #tpu.memory_space<vmem_shared>>) dst(%dma_wait3A_368 : memref<128x32xf32, #tpu.memory_space<vmem>>)
      %dma_wait3A_375 = arith.constant 0 : i32
      %dma_wait3A_376 = arith.constant 1 : i32
      %dma_wait3A_377 = arith.constant 0 : i32
      %dma_wait3A_378 = arith.constant 0 : i32
      %dma_wait3A_379 = tpu.memref_slice %arg13[%dma_wait3A_376, %dma_wait3A_377, %dma_wait3A_378] : memref<8x128x32xf32, #tpu.memory_space<vmem>> -> memref<1x128x32xf32, #tpu.memory_space<vmem>>
      %dma_wait3A_380 = tpu.memref_squeeze %dma_wait3A_379 : memref<1x128x32xf32, #tpu.memory_space<vmem>> -> memref<128x32xf32, #tpu.memory_space<vmem>>
      %dma_wait3A_381 = arith.constant 0 : i32
      %dma_wait3A_382 = tpu.memref_slice %arg11[%dma_wait3A_375, %dma_wait3A_381] : memref<160x128xi32, #tpu.memory_space<vmem>> -> memref<1x128xi32, #tpu.memory_space<vmem>>
      %dma_wait3A_383 = tpu.memref_squeeze %dma_wait3A_382 : memref<1x128xi32, #tpu.memory_space<vmem>> -> memref<128xi32, #tpu.memory_space<vmem>>
      %dma_wait3A_384 = arith.constant 0 : i32
      %dma_wait3A_385 = arith.constant 0 : i32
      %dma_wait3A_386 = tpu.memref_slice %arg19[%dma_wait3A_384, %dma_wait3A_385] : memref<10240x32xf32, #tpu.memory_space<vmem_shared>> -> memref<10240x32xf32, #tpu.memory_space<vmem_shared>>
      tpu.wait_indirect_dma semaphore(%arg20 : memref<!tpu.dma_semaphore, #tpu.memory_space<semaphore_mem>>) src(%dma_wait3A_386 : memref<10240x32xf32, #tpu.memory_space<vmem_shared>>) dst(%dma_wait3A_380 : memref<128x32xf32, #tpu.memory_space<vmem>>)
      %dma_wait3A_387 = arith.constant 0 : i32
      %dma_wait3A_388 = arith.constant 2 : i32
      %dma_wait3A_389 = arith.constant 0 : i32
      %dma_wait3A_390 = arith.constant 0 : i32
      %dma_wait3A_391 = tpu.memref_slice %arg13[%dma_wait3A_388, %dma_wait3A_389, %dma_wait3A_390] : memref<8x128x32xf32, #tpu.memory_space<vmem>> -> memref<1x128x32xf32, #tpu.memory_space<vmem>>
      %dma_wait3A_392 = tpu.memref_squeeze %dma_wait3A_391 : memref<1x128x32xf32, #tpu.memory_space<vmem>> -> memref<128x32xf32, #tpu.memory_space<vmem>>
      %dma_wait3A_393 = arith.constant 0 : i32
      %dma_wait3A_394 = tpu.memref_slice %arg11[%dma_wait3A_387, %dma_wait3A_393] : memref<160x128xi32, #tpu.memory_space<vmem>> -> memref<1x128xi32, #tpu.memory_space<vmem>>
      %dma_wait3A_395 = tpu.memref_squeeze %dma_wait3A_394 : memref<1x128xi32, #tpu.memory_space<vmem>> -> memref<128xi32, #tpu.memory_space<vmem>>
      %dma_wait3A_396 = arith.constant 0 : i32
      %dma_wait3A_397 = arith.constant 0 : i32
      %dma_wait3A_398 = tpu.memref_slice %arg19[%dma_wait3A_396, %dma_wait3A_397] : memref<10240x32xf32, #tpu.memory_space<vmem_shared>> -> memref<10240x32xf32, #tpu.memory_space<vmem_shared>>
      tpu.wait_indirect_dma semaphore(%arg20 : memref<!tpu.dma_semaphore, #tpu.memory_space<semaphore_mem>>) src(%dma_wait3A_398 : memref<10240x32xf32, #tpu.memory_space<vmem_shared>>) dst(%dma_wait3A_392 : memref<128x32xf32, #tpu.memory_space<vmem>>)
      %dma_wait3A_399 = arith.constant 0 : i32
      %dma_wait3A_400 = arith.constant 3 : i32
      %dma_wait3A_401 = arith.constant 0 : i32
      %dma_wait3A_402 = arith.constant 0 : i32
      %dma_wait3A_403 = tpu.memref_slice %arg13[%dma_wait3A_400, %dma_wait3A_401, %dma_wait3A_402] : memref<8x128x32xf32, #tpu.memory_space<vmem>> -> memref<1x128x32xf32, #tpu.memory_space<vmem>>
      %dma_wait3A_404 = tpu.memref_squeeze %dma_wait3A_403 : memref<1x128x32xf32, #tpu.memory_space<vmem>> -> memref<128x32xf32, #tpu.memory_space<vmem>>
      %dma_wait3A_405 = arith.constant 0 : i32
      %dma_wait3A_406 = tpu.memref_slice %arg11[%dma_wait3A_399, %dma_wait3A_405] : memref<160x128xi32, #tpu.memory_space<vmem>> -> memref<1x128xi32, #tpu.memory_space<vmem>>
      %dma_wait3A_407 = tpu.memref_squeeze %dma_wait3A_406 : memref<1x128xi32, #tpu.memory_space<vmem>> -> memref<128xi32, #tpu.memory_space<vmem>>
      %dma_wait3A_408 = arith.constant 0 : i32
      %dma_wait3A_409 = arith.constant 0 : i32
      %dma_wait3A_410 = tpu.memref_slice %arg19[%dma_wait3A_408, %dma_wait3A_409] : memref<10240x32xf32, #tpu.memory_space<vmem_shared>> -> memref<10240x32xf32, #tpu.memory_space<vmem_shared>>
      tpu.wait_indirect_dma semaphore(%arg20 : memref<!tpu.dma_semaphore, #tpu.memory_space<semaphore_mem>>) src(%dma_wait3A_410 : memref<10240x32xf32, #tpu.memory_space<vmem_shared>>) dst(%dma_wait3A_404 : memref<128x32xf32, #tpu.memory_space<vmem>>)
      %dma_wait3A_411 = arith.constant 0 : i32
      %dma_wait3A_412 = arith.constant 4 : i32
      %dma_wait3A_413 = arith.constant 0 : i32
      %dma_wait3A_414 = arith.constant 0 : i32
      %dma_wait3A_415 = tpu.memref_slice %arg13[%dma_wait3A_412, %dma_wait3A_413, %dma_wait3A_414] : memref<8x128x32xf32, #tpu.memory_space<vmem>> -> memref<1x128x32xf32, #tpu.memory_space<vmem>>
      %dma_wait3A_416 = tpu.memref_squeeze %dma_wait3A_415 : memref<1x128x32xf32, #tpu.memory_space<vmem>> -> memref<128x32xf32, #tpu.memory_space<vmem>>
      %dma_wait3A_417 = arith.constant 0 : i32
      %dma_wait3A_418 = tpu.memref_slice %arg11[%dma_wait3A_411, %dma_wait3A_417] : memref<160x128xi32, #tpu.memory_space<vmem>> -> memref<1x128xi32, #tpu.memory_space<vmem>>
      %dma_wait3A_419 = tpu.memref_squeeze %dma_wait3A_418 : memref<1x128xi32, #tpu.memory_space<vmem>> -> memref<128xi32, #tpu.memory_space<vmem>>
      %dma_wait3A_420 = arith.constant 0 : i32
      %dma_wait3A_421 = arith.constant 0 : i32
      %dma_wait3A_422 = tpu.memref_slice %arg19[%dma_wait3A_420, %dma_wait3A_421] : memref<10240x32xf32, #tpu.memory_space<vmem_shared>> -> memref<10240x32xf32, #tpu.memory_space<vmem_shared>>
      tpu.wait_indirect_dma semaphore(%arg20 : memref<!tpu.dma_semaphore, #tpu.memory_space<semaphore_mem>>) src(%dma_wait3A_422 : memref<10240x32xf32, #tpu.memory_space<vmem_shared>>) dst(%dma_wait3A_416 : memref<128x32xf32, #tpu.memory_space<vmem>>)
      %dma_wait3A_423 = arith.constant 0 : i32
      %dma_wait3A_424 = arith.constant 5 : i32
      %dma_wait3A_425 = arith.constant 0 : i32
      %dma_wait3A_426 = arith.constant 0 : i32
      %dma_wait3A_427 = tpu.memref_slice %arg13[%dma_wait3A_424, %dma_wait3A_425, %dma_wait3A_426] : memref<8x128x32xf32, #tpu.memory_space<vmem>> -> memref<1x128x32xf32, #tpu.memory_space<vmem>>
      %dma_wait3A_428 = tpu.memref_squeeze %dma_wait3A_427 : memref<1x128x32xf32, #tpu.memory_space<vmem>> -> memref<128x32xf32, #tpu.memory_space<vmem>>
      %dma_wait3A_429 = arith.constant 0 : i32
      %dma_wait3A_430 = tpu.memref_slice %arg11[%dma_wait3A_423, %dma_wait3A_429] : memref<160x128xi32, #tpu.memory_space<vmem>> -> memref<1x128xi32, #tpu.memory_space<vmem>>
      %dma_wait3A_431 = tpu.memref_squeeze %dma_wait3A_430 : memref<1x128xi32, #tpu.memory_space<vmem>> -> memref<128xi32, #tpu.memory_space<vmem>>
      %dma_wait3A_432 = arith.constant 0 : i32
      %dma_wait3A_433 = arith.constant 0 : i32
      %dma_wait3A_434 = tpu.memref_slice %arg19[%dma_wait3A_432, %dma_wait3A_433] : memref<10240x32xf32, #tpu.memory_space<vmem_shared>> -> memref<10240x32xf32, #tpu.memory_space<vmem_shared>>
      tpu.wait_indirect_dma semaphore(%arg20 : memref<!tpu.dma_semaphore, #tpu.memory_space<semaphore_mem>>) src(%dma_wait3A_434 : memref<10240x32xf32, #tpu.memory_space<vmem_shared>>) dst(%dma_wait3A_428 : memref<128x32xf32, #tpu.memory_space<vmem>>)
      %dma_wait3A_435 = arith.constant 0 : i32
      %dma_wait3A_436 = arith.constant 6 : i32
      %dma_wait3A_437 = arith.constant 0 : i32
      %dma_wait3A_438 = arith.constant 0 : i32
      %dma_wait3A_439 = tpu.memref_slice %arg13[%dma_wait3A_436, %dma_wait3A_437, %dma_wait3A_438] : memref<8x128x32xf32, #tpu.memory_space<vmem>> -> memref<1x128x32xf32, #tpu.memory_space<vmem>>
      %dma_wait3A_440 = tpu.memref_squeeze %dma_wait3A_439 : memref<1x128x32xf32, #tpu.memory_space<vmem>> -> memref<128x32xf32, #tpu.memory_space<vmem>>
      %dma_wait3A_441 = arith.constant 0 : i32
      %dma_wait3A_442 = tpu.memref_slice %arg11[%dma_wait3A_435, %dma_wait3A_441] : memref<160x128xi32, #tpu.memory_space<vmem>> -> memref<1x128xi32, #tpu.memory_space<vmem>>
      %dma_wait3A_443 = tpu.memref_squeeze %dma_wait3A_442 : memref<1x128xi32, #tpu.memory_space<vmem>> -> memref<128xi32, #tpu.memory_space<vmem>>
      %dma_wait3A_444 = arith.constant 0 : i32
      %dma_wait3A_445 = arith.constant 0 : i32
      %dma_wait3A_446 = tpu.memref_slice %arg19[%dma_wait3A_444, %dma_wait3A_445] : memref<10240x32xf32, #tpu.memory_space<vmem_shared>> -> memref<10240x32xf32, #tpu.memory_space<vmem_shared>>
      tpu.wait_indirect_dma semaphore(%arg20 : memref<!tpu.dma_semaphore, #tpu.memory_space<semaphore_mem>>) src(%dma_wait3A_446 : memref<10240x32xf32, #tpu.memory_space<vmem_shared>>) dst(%dma_wait3A_440 : memref<128x32xf32, #tpu.memory_space<vmem>>)
      %dma_wait3A_447 = arith.constant 0 : i32
      %dma_wait3A_448 = arith.constant 7 : i32
      %dma_wait3A_449 = arith.constant 0 : i32
      %dma_wait3A_450 = arith.constant 0 : i32
      %dma_wait3A_451 = tpu.memref_slice %arg13[%dma_wait3A_448, %dma_wait3A_449, %dma_wait3A_450] : memref<8x128x32xf32, #tpu.memory_space<vmem>> -> memref<1x128x32xf32, #tpu.memory_space<vmem>>
      %dma_wait3A_452 = tpu.memref_squeeze %dma_wait3A_451 : memref<1x128x32xf32, #tpu.memory_space<vmem>> -> memref<128x32xf32, #tpu.memory_space<vmem>>
      %dma_wait3A_453 = arith.constant 0 : i32
      %dma_wait3A_454 = tpu.memref_slice %arg11[%dma_wait3A_447, %dma_wait3A_453] : memref<160x128xi32, #tpu.memory_space<vmem>> -> memref<1x128xi32, #tpu.memory_space<vmem>>
      %dma_wait3A_455 = tpu.memref_squeeze %dma_wait3A_454 : memref<1x128xi32, #tpu.memory_space<vmem>> -> memref<128xi32, #tpu.memory_space<vmem>>
      %dma_wait3A_456 = arith.constant 0 : i32
      %dma_wait3A_457 = arith.constant 0 : i32
      %dma_wait3A_458 = tpu.memref_slice %arg19[%dma_wait3A_456, %dma_wait3A_457] : memref<10240x32xf32, #tpu.memory_space<vmem_shared>> -> memref<10240x32xf32, #tpu.memory_space<vmem_shared>>
      tpu.wait_indirect_dma semaphore(%arg20 : memref<!tpu.dma_semaphore, #tpu.memory_space<semaphore_mem>>) src(%dma_wait3A_458 : memref<10240x32xf32, #tpu.memory_space<vmem_shared>>) dst(%dma_wait3A_452 : memref<128x32xf32, #tpu.memory_space<vmem>>)
      %mul3A_459 = arith.constant 8 : i32
      %mul3A_460 = arith.muli %scan3A_240, %mul3A_459 : i32
      %add3A_461 = arith.constant 0 : i32
      %add3A_462 = arith.addi %mul3A_460, %add3A_461 : i32
      %dma_start3A_463 = arith.constant 0 : i32
      %dma_start3A_464 = arith.constant 0 : i32
      %dma_start3A_465 = arith.constant 0 : i32
      %dma_start3A_466 = tpu.memref_slice %arg13[%dma_start3A_463, %dma_start3A_464, %dma_start3A_465] : memref<8x128x32xf32, #tpu.memory_space<vmem>> -> memref<1x128x32xf32, #tpu.memory_space<vmem>>
      %dma_start3A_467 = tpu.memref_squeeze %dma_start3A_466 : memref<1x128x32xf32, #tpu.memory_space<vmem>> -> memref<128x32xf32, #tpu.memory_space<vmem>>
      %dma_start3A_468 = arith.constant 0 : i32
      %dma_start3A_469 = tpu.memref_slice %arg12[%add3A_462, %dma_start3A_468] : memref<160x128xi32, #tpu.memory_space<vmem>> -> memref<1x128xi32, #tpu.memory_space<vmem>>
      %dma_start3A_470 = tpu.memref_squeeze %dma_start3A_469 : memref<1x128xi32, #tpu.memory_space<vmem>> -> memref<128xi32, #tpu.memory_space<vmem>>
      %dma_start3A_471 = arith.constant 0 : i32
      %dma_start3A_472 = arith.constant 0 : i32
      %dma_start3A_473 = tpu.memref_slice %arg18[%dma_start3A_471, %dma_start3A_472] : memref<10240x32xf32, #tpu.memory_space<vmem_shared>> -> memref<10240x32xf32, #tpu.memory_space<vmem_shared>>
      tpu.enqueue_indirect_dma source(%dma_start3A_467 : memref<128x32xf32, #tpu.memory_space<vmem>>) target(%dma_start3A_473 : memref<10240x32xf32, #tpu.memory_space<vmem_shared>>) offsets(%dma_start3A_470 : memref<128xi32, #tpu.memory_space<vmem>>) semaphore(%arg21 : memref<!tpu.dma_semaphore, #tpu.memory_space<semaphore_mem>>) {add = true}
      %mul3A_474 = arith.constant 8 : i32
      %mul3A_475 = arith.muli %scan3A_240, %mul3A_474 : i32
      %add3A_476 = arith.constant 1 : i32
      %add3A_477 = arith.addi %mul3A_475, %add3A_476 : i32
      %dma_start3A_478 = arith.constant 1 : i32
      %dma_start3A_479 = arith.constant 0 : i32
      %dma_start3A_480 = arith.constant 0 : i32
      %dma_start3A_481 = tpu.memref_slice %arg13[%dma_start3A_478, %dma_start3A_479, %dma_start3A_480] : memref<8x128x32xf32, #tpu.memory_space<vmem>> -> memref<1x128x32xf32, #tpu.memory_space<vmem>>
      %dma_start3A_482 = tpu.memref_squeeze %dma_start3A_481 : memref<1x128x32xf32, #tpu.memory_space<vmem>> -> memref<128x32xf32, #tpu.memory_space<vmem>>
      %dma_start3A_483 = arith.constant 0 : i32
      %dma_start3A_484 = tpu.memref_slice %arg12[%add3A_477, %dma_start3A_483] : memref<160x128xi32, #tpu.memory_space<vmem>> -> memref<1x128xi32, #tpu.memory_space<vmem>>
      %dma_start3A_485 = tpu.memref_squeeze %dma_start3A_484 : memref<1x128xi32, #tpu.memory_space<vmem>> -> memref<128xi32, #tpu.memory_space<vmem>>
      %dma_start3A_486 = arith.constant 0 : i32
      %dma_start3A_487 = arith.constant 0 : i32
      %dma_start3A_488 = tpu.memref_slice %arg18[%dma_start3A_486, %dma_start3A_487] : memref<10240x32xf32, #tpu.memory_space<vmem_shared>> -> memref<10240x32xf32, #tpu.memory_space<vmem_shared>>
      tpu.enqueue_indirect_dma source(%dma_start3A_482 : memref<128x32xf32, #tpu.memory_space<vmem>>) target(%dma_start3A_488 : memref<10240x32xf32, #tpu.memory_space<vmem_shared>>) offsets(%dma_start3A_485 : memref<128xi32, #tpu.memory_space<vmem>>) semaphore(%arg21 : memref<!tpu.dma_semaphore, #tpu.memory_space<semaphore_mem>>) {add = true}
      %mul3A_489 = arith.constant 8 : i32
      %mul3A_490 = arith.muli %scan3A_240, %mul3A_489 : i32
      %add3A_491 = arith.constant 2 : i32
      %add3A_492 = arith.addi %mul3A_490, %add3A_491 : i32
      %dma_start3A_493 = arith.constant 2 : i32
      %dma_start3A_494 = arith.constant 0 : i32
      %dma_start3A_495 = arith.constant 0 : i32
      %dma_start3A_496 = tpu.memref_slice %arg13[%dma_start3A_493, %dma_start3A_494, %dma_start3A_495] : memref<8x128x32xf32, #tpu.memory_space<vmem>> -> memref<1x128x32xf32, #tpu.memory_space<vmem>>
      %dma_start3A_497 = tpu.memref_squeeze %dma_start3A_496 : memref<1x128x32xf32, #tpu.memory_space<vmem>> -> memref<128x32xf32, #tpu.memory_space<vmem>>
      %dma_start3A_498 = arith.constant 0 : i32
      %dma_start3A_499 = tpu.memref_slice %arg12[%add3A_492, %dma_start3A_498] : memref<160x128xi32, #tpu.memory_space<vmem>> -> memref<1x128xi32, #tpu.memory_space<vmem>>
      %dma_start3A_500 = tpu.memref_squeeze %dma_start3A_499 : memref<1x128xi32, #tpu.memory_space<vmem>> -> memref<128xi32, #tpu.memory_space<vmem>>
      %dma_start3A_501 = arith.constant 0 : i32
      %dma_start3A_502 = arith.constant 0 : i32
      %dma_start3A_503 = tpu.memref_slice %arg18[%dma_start3A_501, %dma_start3A_502] : memref<10240x32xf32, #tpu.memory_space<vmem_shared>> -> memref<10240x32xf32, #tpu.memory_space<vmem_shared>>
      tpu.enqueue_indirect_dma source(%dma_start3A_497 : memref<128x32xf32, #tpu.memory_space<vmem>>) target(%dma_start3A_503 : memref<10240x32xf32, #tpu.memory_space<vmem_shared>>) offsets(%dma_start3A_500 : memref<128xi32, #tpu.memory_space<vmem>>) semaphore(%arg21 : memref<!tpu.dma_semaphore, #tpu.memory_space<semaphore_mem>>) {add = true}
      %mul3A_504 = arith.constant 8 : i32
      %mul3A_505 = arith.muli %scan3A_240, %mul3A_504 : i32
      %add3A_506 = arith.constant 3 : i32
      %add3A_507 = arith.addi %mul3A_505, %add3A_506 : i32
      %dma_start3A_508 = arith.constant 3 : i32
      %dma_start3A_509 = arith.constant 0 : i32
      %dma_start3A_510 = arith.constant 0 : i32
      %dma_start3A_511 = tpu.memref_slice %arg13[%dma_start3A_508, %dma_start3A_509, %dma_start3A_510] : memref<8x128x32xf32, #tpu.memory_space<vmem>> -> memref<1x128x32xf32, #tpu.memory_space<vmem>>
      %dma_start3A_512 = tpu.memref_squeeze %dma_start3A_511 : memref<1x128x32xf32, #tpu.memory_space<vmem>> -> memref<128x32xf32, #tpu.memory_space<vmem>>
      %dma_start3A_513 = arith.constant 0 : i32
      %dma_start3A_514 = tpu.memref_slice %arg12[%add3A_507, %dma_start3A_513] : memref<160x128xi32, #tpu.memory_space<vmem>> -> memref<1x128xi32, #tpu.memory_space<vmem>>
      %dma_start3A_515 = tpu.memref_squeeze %dma_start3A_514 : memref<1x128xi32, #tpu.memory_space<vmem>> -> memref<128xi32, #tpu.memory_space<vmem>>
      %dma_start3A_516 = arith.constant 0 : i32
      %dma_start3A_517 = arith.constant 0 : i32
      %dma_start3A_518 = tpu.memref_slice %arg18[%dma_start3A_516, %dma_start3A_517] : memref<10240x32xf32, #tpu.memory_space<vmem_shared>> -> memref<10240x32xf32, #tpu.memory_space<vmem_shared>>
      tpu.enqueue_indirect_dma source(%dma_start3A_512 : memref<128x32xf32, #tpu.memory_space<vmem>>) target(%dma_start3A_518 : memref<10240x32xf32, #tpu.memory_space<vmem_shared>>) offsets(%dma_start3A_515 : memref<128xi32, #tpu.memory_space<vmem>>) semaphore(%arg21 : memref<!tpu.dma_semaphore, #tpu.memory_space<semaphore_mem>>) {add = true}
      %mul3A_519 = arith.constant 8 : i32
      %mul3A_520 = arith.muli %scan3A_240, %mul3A_519 : i32
      %add3A_521 = arith.constant 4 : i32
      %add3A_522 = arith.addi %mul3A_520, %add3A_521 : i32
      %dma_start3A_523 = arith.constant 4 : i32
      %dma_start3A_524 = arith.constant 0 : i32
      %dma_start3A_525 = arith.constant 0 : i32
      %dma_start3A_526 = tpu.memref_slice %arg13[%dma_start3A_523, %dma_start3A_524, %dma_start3A_525] : memref<8x128x32xf32, #tpu.memory_space<vmem>> -> memref<1x128x32xf32, #tpu.memory_space<vmem>>
      %dma_start3A_527 = tpu.memref_squeeze %dma_start3A_526 : memref<1x128x32xf32, #tpu.memory_space<vmem>> -> memref<128x32xf32, #tpu.memory_space<vmem>>
      %dma_start3A_528 = arith.constant 0 : i32
      %dma_start3A_529 = tpu.memref_slice %arg12[%add3A_522, %dma_start3A_528] : memref<160x128xi32, #tpu.memory_space<vmem>> -> memref<1x128xi32, #tpu.memory_space<vmem>>
      %dma_start3A_530 = tpu.memref_squeeze %dma_start3A_529 : memref<1x128xi32, #tpu.memory_space<vmem>> -> memref<128xi32, #tpu.memory_space<vmem>>
      %dma_start3A_531 = arith.constant 0 : i32
      %dma_start3A_532 = arith.constant 0 : i32
      %dma_start3A_533 = tpu.memref_slice %arg18[%dma_start3A_531, %dma_start3A_532] : memref<10240x32xf32, #tpu.memory_space<vmem_shared>> -> memref<10240x32xf32, #tpu.memory_space<vmem_shared>>
      tpu.enqueue_indirect_dma source(%dma_start3A_527 : memref<128x32xf32, #tpu.memory_space<vmem>>) target(%dma_start3A_533 : memref<10240x32xf32, #tpu.memory_space<vmem_shared>>) offsets(%dma_start3A_530 : memref<128xi32, #tpu.memory_space<vmem>>) semaphore(%arg21 : memref<!tpu.dma_semaphore, #tpu.memory_space<semaphore_mem>>) {add = true}
      %mul3A_534 = arith.constant 8 : i32
      %mul3A_535 = arith.muli %scan3A_240, %mul3A_534 : i32
      %add3A_536 = arith.constant 5 : i32
      %add3A_537 = arith.addi %mul3A_535, %add3A_536 : i32
      %dma_start3A_538 = arith.constant 5 : i32
      %dma_start3A_539 = arith.constant 0 : i32
      %dma_start3A_540 = arith.constant 0 : i32
      %dma_start3A_541 = tpu.memref_slice %arg13[%dma_start3A_538, %dma_start3A_539, %dma_start3A_540] : memref<8x128x32xf32, #tpu.memory_space<vmem>> -> memref<1x128x32xf32, #tpu.memory_space<vmem>>
      %dma_start3A_542 = tpu.memref_squeeze %dma_start3A_541 : memref<1x128x32xf32, #tpu.memory_space<vmem>> -> memref<128x32xf32, #tpu.memory_space<vmem>>
      %dma_start3A_543 = arith.constant 0 : i32
      %dma_start3A_544 = tpu.memref_slice %arg12[%add3A_537, %dma_start3A_543] : memref<160x128xi32, #tpu.memory_space<vmem>> -> memref<1x128xi32, #tpu.memory_space<vmem>>
      %dma_start3A_545 = tpu.memref_squeeze %dma_start3A_544 : memref<1x128xi32, #tpu.memory_space<vmem>> -> memref<128xi32, #tpu.memory_space<vmem>>
      %dma_start3A_546 = arith.constant 0 : i32
      %dma_start3A_547 = arith.constant 0 : i32
      %dma_start3A_548 = tpu.memref_slice %arg18[%dma_start3A_546, %dma_start3A_547] : memref<10240x32xf32, #tpu.memory_space<vmem_shared>> -> memref<10240x32xf32, #tpu.memory_space<vmem_shared>>
      tpu.enqueue_indirect_dma source(%dma_start3A_542 : memref<128x32xf32, #tpu.memory_space<vmem>>) target(%dma_start3A_548 : memref<10240x32xf32, #tpu.memory_space<vmem_shared>>) offsets(%dma_start3A_545 : memref<128xi32, #tpu.memory_space<vmem>>) semaphore(%arg21 : memref<!tpu.dma_semaphore, #tpu.memory_space<semaphore_mem>>) {add = true}
      %mul3A_549 = arith.constant 8 : i32
      %mul3A_550 = arith.muli %scan3A_240, %mul3A_549 : i32
      %add3A_551 = arith.constant 6 : i32
      %add3A_552 = arith.addi %mul3A_550, %add3A_551 : i32
      %dma_start3A_553 = arith.constant 6 : i32
      %dma_start3A_554 = arith.constant 0 : i32
      %dma_start3A_555 = arith.constant 0 : i32
      %dma_start3A_556 = tpu.memref_slice %arg13[%dma_start3A_553, %dma_start3A_554, %dma_start3A_555] : memref<8x128x32xf32, #tpu.memory_space<vmem>> -> memref<1x128x32xf32, #tpu.memory_space<vmem>>
      %dma_start3A_557 = tpu.memref_squeeze %dma_start3A_556 : memref<1x128x32xf32, #tpu.memory_space<vmem>> -> memref<128x32xf32, #tpu.memory_space<vmem>>
      %dma_start3A_558 = arith.constant 0 : i32
      %dma_start3A_559 = tpu.memref_slice %arg12[%add3A_552, %dma_start3A_558] : memref<160x128xi32, #tpu.memory_space<vmem>> -> memref<1x128xi32, #tpu.memory_space<vmem>>
      %dma_start3A_560 = tpu.memref_squeeze %dma_start3A_559 : memref<1x128xi32, #tpu.memory_space<vmem>> -> memref<128xi32, #tpu.memory_space<vmem>>
      %dma_start3A_561 = arith.constant 0 : i32
      %dma_start3A_562 = arith.constant 0 : i32
      %dma_start3A_563 = tpu.memref_slice %arg18[%dma_start3A_561, %dma_start3A_562] : memref<10240x32xf32, #tpu.memory_space<vmem_shared>> -> memref<10240x32xf32, #tpu.memory_space<vmem_shared>>
      tpu.enqueue_indirect_dma source(%dma_start3A_557 : memref<128x32xf32, #tpu.memory_space<vmem>>) target(%dma_start3A_563 : memref<10240x32xf32, #tpu.memory_space<vmem_shared>>) offsets(%dma_start3A_560 : memref<128xi32, #tpu.memory_space<vmem>>) semaphore(%arg21 : memref<!tpu.dma_semaphore, #tpu.memory_space<semaphore_mem>>) {add = true}
      %mul3A_564 = arith.constant 8 : i32
      %mul3A_565 = arith.muli %scan3A_240, %mul3A_564 : i32
      %add3A_566 = arith.constant 7 : i32
      %add3A_567 = arith.addi %mul3A_565, %add3A_566 : i32
      %dma_start3A_568 = arith.constant 7 : i32
      %dma_start3A_569 = arith.constant 0 : i32
      %dma_start3A_570 = arith.constant 0 : i32
      %dma_start3A_571 = tpu.memref_slice %arg13[%dma_start3A_568, %dma_start3A_569, %dma_start3A_570] : memref<8x128x32xf32, #tpu.memory_space<vmem>> -> memref<1x128x32xf32, #tpu.memory_space<vmem>>
      %dma_start3A_572 = tpu.memref_squeeze %dma_start3A_571 : memref<1x128x32xf32, #tpu.memory_space<vmem>> -> memref<128x32xf32, #tpu.memory_space<vmem>>
      %dma_start3A_573 = arith.constant 0 : i32
      %dma_start3A_574 = tpu.memref_slice %arg12[%add3A_567, %dma_start3A_573] : memref<160x128xi32, #tpu.memory_space<vmem>> -> memref<1x128xi32, #tpu.memory_space<vmem>>
      %dma_start3A_575 = tpu.memref_squeeze %dma_start3A_574 : memref<1x128xi32, #tpu.memory_space<vmem>> -> memref<128xi32, #tpu.memory_space<vmem>>
      %dma_start3A_576 = arith.constant 0 : i32
      %dma_start3A_577 = arith.constant 0 : i32
      %dma_start3A_578 = tpu.memref_slice %arg18[%dma_start3A_576, %dma_start3A_577] : memref<10240x32xf32, #tpu.memory_space<vmem_shared>> -> memref<10240x32xf32, #tpu.memory_space<vmem_shared>>
      tpu.enqueue_indirect_dma source(%dma_start3A_572 : memref<128x32xf32, #tpu.memory_space<vmem>>) target(%dma_start3A_578 : memref<10240x32xf32, #tpu.memory_space<vmem_shared>>) offsets(%dma_start3A_575 : memref<128xi32, #tpu.memory_space<vmem>>) semaphore(%arg21 : memref<!tpu.dma_semaphore, #tpu.memory_space<semaphore_mem>>) {add = true}
    }
    %scan3A_16 = arith.constant 20 : i32
    %dma_wait3A = arith.constant 0 : i32
    %dma_wait3A_17 = arith.constant 0 : i32
    %dma_wait3A_18 = arith.constant 0 : i32
    %dma_wait3A_19 = arith.constant 0 : i32
    %dma_wait3A_20 = tpu.memref_slice %arg13[%dma_wait3A, %dma_wait3A_18, %dma_wait3A_19] : memref<8x128x32xf32, #tpu.memory_space<vmem>> -> memref<1x128x32xf32, #tpu.memory_space<vmem>>
    %dma_wait3A_21 = tpu.memref_squeeze %dma_wait3A_20 : memref<1x128x32xf32, #tpu.memory_space<vmem>> -> memref<128x32xf32, #tpu.memory_space<vmem>>
    %dma_wait3A_22 = arith.constant 0 : i32
    %dma_wait3A_23 = tpu.memref_slice %arg12[%dma_wait3A_17, %dma_wait3A_22] : memref<160x128xi32, #tpu.memory_space<vmem>> -> memref<1x128xi32, #tpu.memory_space<vmem>>
    %dma_wait3A_24 = tpu.memref_squeeze %dma_wait3A_23 : memref<1x128xi32, #tpu.memory_space<vmem>> -> memref<128xi32, #tpu.memory_space<vmem>>
    %dma_wait3A_25 = arith.constant 0 : i32
    %dma_wait3A_26 = arith.constant 0 : i32
    %dma_wait3A_27 = tpu.memref_slice %arg18[%dma_wait3A_25, %dma_wait3A_26] : memref<10240x32xf32, #tpu.memory_space<vmem_shared>> -> memref<10240x32xf32, #tpu.memory_space<vmem_shared>>
    tpu.wait_indirect_dma semaphore(%arg21 : memref<!tpu.dma_semaphore, #tpu.memory_space<semaphore_mem>>) src(%dma_wait3A_21 : memref<128x32xf32, #tpu.memory_space<vmem>>) dst(%dma_wait3A_27 : memref<10240x32xf32, #tpu.memory_space<vmem_shared>>)
    %dma_wait3A_28 = arith.constant 1 : i32
    %dma_wait3A_29 = arith.constant 0 : i32
    %dma_wait3A_30 = arith.constant 0 : i32
    %dma_wait3A_31 = arith.constant 0 : i32
    %dma_wait3A_32 = tpu.memref_slice %arg13[%dma_wait3A_28, %dma_wait3A_30, %dma_wait3A_31] : memref<8x128x32xf32, #tpu.memory_space<vmem>> -> memref<1x128x32xf32, #tpu.memory_space<vmem>>
    %dma_wait3A_33 = tpu.memref_squeeze %dma_wait3A_32 : memref<1x128x32xf32, #tpu.memory_space<vmem>> -> memref<128x32xf32, #tpu.memory_space<vmem>>
    %dma_wait3A_34 = arith.constant 0 : i32
    %dma_wait3A_35 = tpu.memref_slice %arg12[%dma_wait3A_29, %dma_wait3A_34] : memref<160x128xi32, #tpu.memory_space<vmem>> -> memref<1x128xi32, #tpu.memory_space<vmem>>
    %dma_wait3A_36 = tpu.memref_squeeze %dma_wait3A_35 : memref<1x128xi32, #tpu.memory_space<vmem>> -> memref<128xi32, #tpu.memory_space<vmem>>
    %dma_wait3A_37 = arith.constant 0 : i32
    %dma_wait3A_38 = arith.constant 0 : i32
    %dma_wait3A_39 = tpu.memref_slice %arg18[%dma_wait3A_37, %dma_wait3A_38] : memref<10240x32xf32, #tpu.memory_space<vmem_shared>> -> memref<10240x32xf32, #tpu.memory_space<vmem_shared>>
    tpu.wait_indirect_dma semaphore(%arg21 : memref<!tpu.dma_semaphore, #tpu.memory_space<semaphore_mem>>) src(%dma_wait3A_33 : memref<128x32xf32, #tpu.memory_space<vmem>>) dst(%dma_wait3A_39 : memref<10240x32xf32, #tpu.memory_space<vmem_shared>>)
    %dma_wait3A_40 = arith.constant 2 : i32
    %dma_wait3A_41 = arith.constant 0 : i32
    %dma_wait3A_42 = arith.constant 0 : i32
    %dma_wait3A_43 = arith.constant 0 : i32
    %dma_wait3A_44 = tpu.memref_slice %arg13[%dma_wait3A_40, %dma_wait3A_42, %dma_wait3A_43] : memref<8x128x32xf32, #tpu.memory_space<vmem>> -> memref<1x128x32xf32, #tpu.memory_space<vmem>>
    %dma_wait3A_45 = tpu.memref_squeeze %dma_wait3A_44 : memref<1x128x32xf32, #tpu.memory_space<vmem>> -> memref<128x32xf32, #tpu.memory_space<vmem>>
    %dma_wait3A_46 = arith.constant 0 : i32
    %dma_wait3A_47 = tpu.memref_slice %arg12[%dma_wait3A_41, %dma_wait3A_46] : memref<160x128xi32, #tpu.memory_space<vmem>> -> memref<1x128xi32, #tpu.memory_space<vmem>>
    %dma_wait3A_48 = tpu.memref_squeeze %dma_wait3A_47 : memref<1x128xi32, #tpu.memory_space<vmem>> -> memref<128xi32, #tpu.memory_space<vmem>>
    %dma_wait3A_49 = arith.constant 0 : i32
    %dma_wait3A_50 = arith.constant 0 : i32
    %dma_wait3A_51 = tpu.memref_slice %arg18[%dma_wait3A_49, %dma_wait3A_50] : memref<10240x32xf32, #tpu.memory_space<vmem_shared>> -> memref<10240x32xf32, #tpu.memory_space<vmem_shared>>
    tpu.wait_indirect_dma semaphore(%arg21 : memref<!tpu.dma_semaphore, #tpu.memory_space<semaphore_mem>>) src(%dma_wait3A_45 : memref<128x32xf32, #tpu.memory_space<vmem>>) dst(%dma_wait3A_51 : memref<10240x32xf32, #tpu.memory_space<vmem_shared>>)
    %dma_wait3A_52 = arith.constant 3 : i32
    %dma_wait3A_53 = arith.constant 0 : i32
    %dma_wait3A_54 = arith.constant 0 : i32
    %dma_wait3A_55 = arith.constant 0 : i32
    %dma_wait3A_56 = tpu.memref_slice %arg13[%dma_wait3A_52, %dma_wait3A_54, %dma_wait3A_55] : memref<8x128x32xf32, #tpu.memory_space<vmem>> -> memref<1x128x32xf32, #tpu.memory_space<vmem>>
    %dma_wait3A_57 = tpu.memref_squeeze %dma_wait3A_56 : memref<1x128x32xf32, #tpu.memory_space<vmem>> -> memref<128x32xf32, #tpu.memory_space<vmem>>
    %dma_wait3A_58 = arith.constant 0 : i32
    %dma_wait3A_59 = tpu.memref_slice %arg12[%dma_wait3A_53, %dma_wait3A_58] : memref<160x128xi32, #tpu.memory_space<vmem>> -> memref<1x128xi32, #tpu.memory_space<vmem>>
    %dma_wait3A_60 = tpu.memref_squeeze %dma_wait3A_59 : memref<1x128xi32, #tpu.memory_space<vmem>> -> memref<128xi32, #tpu.memory_space<vmem>>
    %dma_wait3A_61 = arith.constant 0 : i32
    %dma_wait3A_62 = arith.constant 0 : i32
    %dma_wait3A_63 = tpu.memref_slice %arg18[%dma_wait3A_61, %dma_wait3A_62] : memref<10240x32xf32, #tpu.memory_space<vmem_shared>> -> memref<10240x32xf32, #tpu.memory_space<vmem_shared>>
    tpu.wait_indirect_dma semaphore(%arg21 : memref<!tpu.dma_semaphore, #tpu.memory_space<semaphore_mem>>) src(%dma_wait3A_57 : memref<128x32xf32, #tpu.memory_space<vmem>>) dst(%dma_wait3A_63 : memref<10240x32xf32, #tpu.memory_space<vmem_shared>>)
    %dma_wait3A_64 = arith.constant 4 : i32
    %dma_wait3A_65 = arith.constant 0 : i32
    %dma_wait3A_66 = arith.constant 0 : i32
    %dma_wait3A_67 = arith.constant 0 : i32
    %dma_wait3A_68 = tpu.memref_slice %arg13[%dma_wait3A_64, %dma_wait3A_66, %dma_wait3A_67] : memref<8x128x32xf32, #tpu.memory_space<vmem>> -> memref<1x128x32xf32, #tpu.memory_space<vmem>>
    %dma_wait3A_69 = tpu.memref_squeeze %dma_wait3A_68 : memref<1x128x32xf32, #tpu.memory_space<vmem>> -> memref<128x32xf32, #tpu.memory_space<vmem>>
    %dma_wait3A_70 = arith.constant 0 : i32
    %dma_wait3A_71 = tpu.memref_slice %arg12[%dma_wait3A_65, %dma_wait3A_70] : memref<160x128xi32, #tpu.memory_space<vmem>> -> memref<1x128xi32, #tpu.memory_space<vmem>>
    %dma_wait3A_72 = tpu.memref_squeeze %dma_wait3A_71 : memref<1x128xi32, #tpu.memory_space<vmem>> -> memref<128xi32, #tpu.memory_space<vmem>>
    %dma_wait3A_73 = arith.constant 0 : i32
    %dma_wait3A_74 = arith.constant 0 : i32
    %dma_wait3A_75 = tpu.memref_slice %arg18[%dma_wait3A_73, %dma_wait3A_74] : memref<10240x32xf32, #tpu.memory_space<vmem_shared>> -> memref<10240x32xf32, #tpu.memory_space<vmem_shared>>
    tpu.wait_indirect_dma semaphore(%arg21 : memref<!tpu.dma_semaphore, #tpu.memory_space<semaphore_mem>>) src(%dma_wait3A_69 : memref<128x32xf32, #tpu.memory_space<vmem>>) dst(%dma_wait3A_75 : memref<10240x32xf32, #tpu.memory_space<vmem_shared>>)
    %dma_wait3A_76 = arith.constant 5 : i32
    %dma_wait3A_77 = arith.constant 0 : i32
    %dma_wait3A_78 = arith.constant 0 : i32
    %dma_wait3A_79 = arith.constant 0 : i32
    %dma_wait3A_80 = tpu.memref_slice %arg13[%dma_wait3A_76, %dma_wait3A_78, %dma_wait3A_79] : memref<8x128x32xf32, #tpu.memory_space<vmem>> -> memref<1x128x32xf32, #tpu.memory_space<vmem>>
    %dma_wait3A_81 = tpu.memref_squeeze %dma_wait3A_80 : memref<1x128x32xf32, #tpu.memory_space<vmem>> -> memref<128x32xf32, #tpu.memory_space<vmem>>
    %dma_wait3A_82 = arith.constant 0 : i32
    %dma_wait3A_83 = tpu.memref_slice %arg12[%dma_wait3A_77, %dma_wait3A_82] : memref<160x128xi32, #tpu.memory_space<vmem>> -> memref<1x128xi32, #tpu.memory_space<vmem>>
    %dma_wait3A_84 = tpu.memref_squeeze %dma_wait3A_83 : memref<1x128xi32, #tpu.memory_space<vmem>> -> memref<128xi32, #tpu.memory_space<vmem>>
    %dma_wait3A_85 = arith.constant 0 : i32
    %dma_wait3A_86 = arith.constant 0 : i32
    %dma_wait3A_87 = tpu.memref_slice %arg18[%dma_wait3A_85, %dma_wait3A_86] : memref<10240x32xf32, #tpu.memory_space<vmem_shared>> -> memref<10240x32xf32, #tpu.memory_space<vmem_shared>>
    tpu.wait_indirect_dma semaphore(%arg21 : memref<!tpu.dma_semaphore, #tpu.memory_space<semaphore_mem>>) src(%dma_wait3A_81 : memref<128x32xf32, #tpu.memory_space<vmem>>) dst(%dma_wait3A_87 : memref<10240x32xf32, #tpu.memory_space<vmem_shared>>)
    %dma_wait3A_88 = arith.constant 6 : i32
    %dma_wait3A_89 = arith.constant 0 : i32
    %dma_wait3A_90 = arith.constant 0 : i32
    %dma_wait3A_91 = arith.constant 0 : i32
    %dma_wait3A_92 = tpu.memref_slice %arg13[%dma_wait3A_88, %dma_wait3A_90, %dma_wait3A_91] : memref<8x128x32xf32, #tpu.memory_space<vmem>> -> memref<1x128x32xf32, #tpu.memory_space<vmem>>
    %dma_wait3A_93 = tpu.memref_squeeze %dma_wait3A_92 : memref<1x128x32xf32, #tpu.memory_space<vmem>> -> memref<128x32xf32, #tpu.memory_space<vmem>>
    %dma_wait3A_94 = arith.constant 0 : i32
    %dma_wait3A_95 = tpu.memref_slice %arg12[%dma_wait3A_89, %dma_wait3A_94] : memref<160x128xi32, #tpu.memory_space<vmem>> -> memref<1x128xi32, #tpu.memory_space<vmem>>
    %dma_wait3A_96 = tpu.memref_squeeze %dma_wait3A_95 : memref<1x128xi32, #tpu.memory_space<vmem>> -> memref<128xi32, #tpu.memory_space<vmem>>
    %dma_wait3A_97 = arith.constant 0 : i32
    %dma_wait3A_98 = arith.constant 0 : i32
    %dma_wait3A_99 = tpu.memref_slice %arg18[%dma_wait3A_97, %dma_wait3A_98] : memref<10240x32xf32, #tpu.memory_space<vmem_shared>> -> memref<10240x32xf32, #tpu.memory_space<vmem_shared>>
    tpu.wait_indirect_dma semaphore(%arg21 : memref<!tpu.dma_semaphore, #tpu.memory_space<semaphore_mem>>) src(%dma_wait3A_93 : memref<128x32xf32, #tpu.memory_space<vmem>>) dst(%dma_wait3A_99 : memref<10240x32xf32, #tpu.memory_space<vmem_shared>>)
    %dma_wait3A_100 = arith.constant 7 : i32
    %dma_wait3A_101 = arith.constant 0 : i32
    %dma_wait3A_102 = arith.constant 0 : i32
    %dma_wait3A_103 = arith.constant 0 : i32
    %dma_wait3A_104 = tpu.memref_slice %arg13[%dma_wait3A_100, %dma_wait3A_102, %dma_wait3A_103] : memref<8x128x32xf32, #tpu.memory_space<vmem>> -> memref<1x128x32xf32, #tpu.memory_space<vmem>>
    %dma_wait3A_105 = tpu.memref_squeeze %dma_wait3A_104 : memref<1x128x32xf32, #tpu.memory_space<vmem>> -> memref<128x32xf32, #tpu.memory_space<vmem>>
    %dma_wait3A_106 = arith.constant 0 : i32
    %dma_wait3A_107 = tpu.memref_slice %arg12[%dma_wait3A_101, %dma_wait3A_106] : memref<160x128xi32, #tpu.memory_space<vmem>> -> memref<1x128xi32, #tpu.memory_space<vmem>>
    %dma_wait3A_108 = tpu.memref_squeeze %dma_wait3A_107 : memref<1x128xi32, #tpu.memory_space<vmem>> -> memref<128xi32, #tpu.memory_space<vmem>>
    %dma_wait3A_109 = arith.constant 0 : i32
    %dma_wait3A_110 = arith.constant 0 : i32
    %dma_wait3A_111 = tpu.memref_slice %arg18[%dma_wait3A_109, %dma_wait3A_110] : memref<10240x32xf32, #tpu.memory_space<vmem_shared>> -> memref<10240x32xf32, #tpu.memory_space<vmem_shared>>
    tpu.wait_indirect_dma semaphore(%arg21 : memref<!tpu.dma_semaphore, #tpu.memory_space<semaphore_mem>>) src(%dma_wait3A_105 : memref<128x32xf32, #tpu.memory_space<vmem>>) dst(%dma_wait3A_111 : memref<10240x32xf32, #tpu.memory_space<vmem_shared>>)
    %barrier3A_112 = arith.constant 0 : index
    tpu.barrier barrier_id(%barrier3A_112)
    %get3A = arith.constant 0 : index
    %get3A_113 = tpu.vector_load %arg16[%get3A] {strides = array<i32>} : memref<32xf32, #tpu.memory_space<vmem>>, vector<16xf32>,
    %get3A_114 = arith.constant 16 : index
    %get3A_115 = tpu.vector_load %arg16[%get3A_114] {strides = array<i32>} : memref<32xf32, #tpu.memory_space<vmem>>, vector<16xf32>,
    %get3A_116 = arith.constant 0 : index
    %get3A_117 = tpu.vector_load %arg17[%get3A_116] {strides = array<i32>} : memref<32xf32, #tpu.memory_space<vmem>>, vector<16xf32>,
    %get3A_118 = arith.constant 16 : index
    %get3A_119 = tpu.vector_load %arg17[%get3A_118] {strides = array<i32>} : memref<32xf32, #tpu.memory_space<vmem>>, vector<16xf32>,
    %scan3A_120 = arith.constant 0 : i32
    %scan3A_121 = arith.constant 0 : i32
    %scan3A_122 = arith.constant 5 : i32
    %scan3A_123 = arith.addi %scan3A_121, %scan3A_122 : i32
    %scan3A_124 = arith.constant 1 : i32
    scf.for %scan3A_240 = %scan3A_121 to %scan3A_123 step %scan3A_124  : i32 {
      %mul3A_241 = arith.constant 640 : i32
      %mul3A_242 = arith.muli %arg1, %mul3A_241 : i32
      %mul3A_243 = arith.constant 128 : i32
      %mul3A_244 = arith.muli %scan3A_240, %mul3A_243 : i32
      %add3A = arith.addi %mul3A_242, %mul3A_244 : i32
      "tpu.region"() ({
        %run_scoped3A = tpu.sem_alloc : memref<!tpu.dma_semaphore, #tpu.memory_space<semaphore_mem>>
        %dma_start3A = arith.constant 0 : i32
        %dma_start3A_251 = tpu.memref_slice %arg18[%add3A, %dma_start3A] : memref<10240x32xf32, #tpu.memory_space<vmem_shared>> -> memref<128x32xf32, #tpu.memory_space<vmem_shared>>
        %dma_start3A_252 = arith.constant 0 : i32
        %dma_start3A_253 = tpu.memref_slice %arg18[%add3A, %dma_start3A_252] : memref<10240x32xf32, #tpu.memory_space<vmem_shared>> -> memref<128x32xf32, #tpu.memory_space<vmem_shared>>
        tpu.enqueue_dma source(%dma_start3A_253 : memref<128x32xf32, #tpu.memory_space<vmem_shared>>) target(%arg14 : memref<128x32xf32, #tpu.memory_space<vmem>>) target_semaphore(%run_scoped3A : memref<!tpu.dma_semaphore, #tpu.memory_space<semaphore_mem>>)
        %dma_wait3A_254 = arith.constant 0 : i32
        %dma_wait3A_255 = tpu.memref_slice %arg18[%add3A, %dma_wait3A_254] : memref<10240x32xf32, #tpu.memory_space<vmem_shared>> -> memref<128x32xf32, #tpu.memory_space<vmem_shared>>
        %dma_wait3A_256 = arith.constant 0 : i32
        %dma_wait3A_257 = tpu.memref_slice %arg18[%add3A, %dma_wait3A_256] : memref<10240x32xf32, #tpu.memory_space<vmem_shared>> -> memref<128x32xf32, #tpu.memory_space<vmem_shared>>
        tpu.wait_dma2 semaphore(%run_scoped3A : memref<!tpu.dma_semaphore, #tpu.memory_space<semaphore_mem>>) src(%dma_wait3A_257 : memref<128x32xf32, #tpu.memory_space<vmem_shared>>) dst(%arg14 : memref<128x32xf32, #tpu.memory_space<vmem>>)
        tpu.yield
      }) : () -> ()
      %scan3A_245 = arith.constant 0 : i32
      %scan3A_246 = arith.constant 0 : i32
      %scan3A_247 = arith.constant 128 : i32
      %scan3A_248 = arith.addi %scan3A_246, %scan3A_247 : i32
      %scan3A_249 = arith.constant 4 : i32
      scf.for %scan3A_251 = %scan3A_246 to %scan3A_248 step %scan3A_249  : i32 {
        %mul3A_252 = arith.constant 128 : i32
        %mul3A_253 = arith.muli %scan3A_240, %mul3A_252 : i32
        %add3A_254 = arith.addi %mul3A_253, %scan3A_251 : i32
        %broadcast_in_dim3A = vector.broadcast %add3A_254 : i32 to vector<16xi32>
        %gather3A = tpu.vector_load_idx %arg15[%broadcast_in_dim3A] : memref<640xf32, #tpu.memory_space<vmem>>[vector<16xi32>], vector<16xf32>,
        %get3A_255 = arith.index_cast %scan3A_251 : i32 to index
        %get3A_256 = arith.constant 0 : index
        %get3A_257 = tpu.vector_load %arg14[%get3A_255, %get3A_256] {strides = array<i32>} : memref<128x32xf32, #tpu.memory_space<vmem>>, vector<16xf32>,
        %get3A_258 = arith.index_cast %scan3A_251 : i32 to index
        %get3A_259 = arith.constant 16 : index
        %get3A_260 = tpu.vector_load %arg14[%get3A_258, %get3A_259] {strides = array<i32>} : memref<128x32xf32, #tpu.memory_space<vmem>>, vector<16xf32>,
        %mul3A_261 = arith.mulf %gather3A, %get3A_257 : vector<16xf32>
        %mul3A_262 = arith.mulf %mul3A_261, %get3A_113 : vector<16xf32>
        %add3A_263 = arith.addf %mul3A_262, %get3A_117 : vector<16xf32>
        %max3A = arith.constant 0.000000e+00 : f32
        %max3A_264 = vector.broadcast %max3A : f32 to vector<16xf32>
        %max3A_265 = arith.maximumf %add3A_263, %max3A_264 : vector<16xf32>
        %mul3A_266 = arith.mulf %gather3A, %max3A_265 : vector<16xf32>
        %swap3A = arith.index_cast %scan3A_251 : i32 to index
        %swap3A_267 = arith.constant 0 : index
        %swap3A_268 = tpu.vector_load %arg14[%swap3A, %swap3A_267] {strides = array<i32>} : memref<128x32xf32, #tpu.memory_space<vmem>>, vector<16xf32>,
        tpu.vector_store %arg14[%swap3A, %swap3A_267], %mul3A_266 {strides = array<i32>} : memref<128x32xf32, #tpu.memory_space<vmem>>, vector<16xf32>,
        %mul3A_269 = arith.mulf %gather3A, %get3A_260 : vector<16xf32>
        %mul3A_270 = arith.mulf %mul3A_269, %get3A_115 : vector<16xf32>
        %add3A_271 = arith.addf %mul3A_270, %get3A_119 : vector<16xf32>
        %max3A_272 = arith.constant 0.000000e+00 : f32
        %max3A_273 = vector.broadcast %max3A_272 : f32 to vector<16xf32>
        %max3A_274 = arith.maximumf %add3A_271, %max3A_273 : vector<16xf32>
        %mul3A_275 = arith.mulf %gather3A, %max3A_274 : vector<16xf32>
        %swap3A_276 = arith.index_cast %scan3A_251 : i32 to index
        %swap3A_277 = arith.constant 16 : index
        %swap3A_278 = tpu.vector_load %arg14[%swap3A_276, %swap3A_277] {strides = array<i32>} : memref<128x32xf32, #tpu.memory_space<vmem>>, vector<16xf32>,
        tpu.vector_store %arg14[%swap3A_276, %swap3A_277], %mul3A_275 {strides = array<i32>} : memref<128x32xf32, #tpu.memory_space<vmem>>, vector<16xf32>,
        %scan3A_279 = arith.constant 1 : i32
        %scan3A_280 = arith.addi %scan3A_251, %scan3A_279 : i32
        %mul3A_281 = arith.constant 128 : i32
        %mul3A_282 = arith.muli %scan3A_240, %mul3A_281 : i32
        %add3A_283 = arith.addi %mul3A_282, %scan3A_280 : i32
        %broadcast_in_dim3A_284 = vector.broadcast %add3A_283 : i32 to vector<16xi32>
        %gather3A_285 = tpu.vector_load_idx %arg15[%broadcast_in_dim3A_284] : memref<640xf32, #tpu.memory_space<vmem>>[vector<16xi32>], vector<16xf32>,
        %get3A_286 = arith.index_cast %scan3A_280 : i32 to index
        %get3A_287 = arith.constant 0 : index
        %get3A_288 = tpu.vector_load %arg14[%get3A_286, %get3A_287] {strides = array<i32>} : memref<128x32xf32, #tpu.memory_space<vmem>>, vector<16xf32>,
        %get3A_289 = arith.index_cast %scan3A_280 : i32 to index
        %get3A_290 = arith.constant 16 : index
        %get3A_291 = tpu.vector_load %arg14[%get3A_289, %get3A_290] {strides = array<i32>} : memref<128x32xf32, #tpu.memory_space<vmem>>, vector<16xf32>,
        %mul3A_292 = arith.mulf %gather3A_285, %get3A_288 : vector<16xf32>
        %mul3A_293 = arith.mulf %mul3A_292, %get3A_113 : vector<16xf32>
        %add3A_294 = arith.addf %mul3A_293, %get3A_117 : vector<16xf32>
        %max3A_295 = arith.constant 0.000000e+00 : f32
        %max3A_296 = vector.broadcast %max3A_295 : f32 to vector<16xf32>
        %max3A_297 = arith.maximumf %add3A_294, %max3A_296 : vector<16xf32>
        %mul3A_298 = arith.mulf %gather3A_285, %max3A_297 : vector<16xf32>
        %swap3A_299 = arith.index_cast %scan3A_280 : i32 to index
        %swap3A_300 = arith.constant 0 : index
        %swap3A_301 = tpu.vector_load %arg14[%swap3A_299, %swap3A_300] {strides = array<i32>} : memref<128x32xf32, #tpu.memory_space<vmem>>, vector<16xf32>,
        tpu.vector_store %arg14[%swap3A_299, %swap3A_300], %mul3A_298 {strides = array<i32>} : memref<128x32xf32, #tpu.memory_space<vmem>>, vector<16xf32>,
        %mul3A_302 = arith.mulf %gather3A_285, %get3A_291 : vector<16xf32>
        %mul3A_303 = arith.mulf %mul3A_302, %get3A_115 : vector<16xf32>
        %add3A_304 = arith.addf %mul3A_303, %get3A_119 : vector<16xf32>
        %max3A_305 = arith.constant 0.000000e+00 : f32
        %max3A_306 = vector.broadcast %max3A_305 : f32 to vector<16xf32>
        %max3A_307 = arith.maximumf %add3A_304, %max3A_306 : vector<16xf32>
        %mul3A_308 = arith.mulf %gather3A_285, %max3A_307 : vector<16xf32>
        %swap3A_309 = arith.index_cast %scan3A_280 : i32 to index
        %swap3A_310 = arith.constant 16 : index
        %swap3A_311 = tpu.vector_load %arg14[%swap3A_309, %swap3A_310] {strides = array<i32>} : memref<128x32xf32, #tpu.memory_space<vmem>>, vector<16xf32>,
        tpu.vector_store %arg14[%swap3A_309, %swap3A_310], %mul3A_308 {strides = array<i32>} : memref<128x32xf32, #tpu.memory_space<vmem>>, vector<16xf32>,
        %scan3A_312 = arith.constant 2 : i32
        %scan3A_313 = arith.addi %scan3A_251, %scan3A_312 : i32
        %mul3A_314 = arith.constant 128 : i32
        %mul3A_315 = arith.muli %scan3A_240, %mul3A_314 : i32
        %add3A_316 = arith.addi %mul3A_315, %scan3A_313 : i32
        %broadcast_in_dim3A_317 = vector.broadcast %add3A_316 : i32 to vector<16xi32>
        %gather3A_318 = tpu.vector_load_idx %arg15[%broadcast_in_dim3A_317] : memref<640xf32, #tpu.memory_space<vmem>>[vector<16xi32>], vector<16xf32>,
        %get3A_319 = arith.index_cast %scan3A_313 : i32 to index
        %get3A_320 = arith.constant 0 : index
        %get3A_321 = tpu.vector_load %arg14[%get3A_319, %get3A_320] {strides = array<i32>} : memref<128x32xf32, #tpu.memory_space<vmem>>, vector<16xf32>,
        %get3A_322 = arith.index_cast %scan3A_313 : i32 to index
        %get3A_323 = arith.constant 16 : index
        %get3A_324 = tpu.vector_load %arg14[%get3A_322, %get3A_323] {strides = array<i32>} : memref<128x32xf32, #tpu.memory_space<vmem>>, vector<16xf32>,
        %mul3A_325 = arith.mulf %gather3A_318, %get3A_321 : vector<16xf32>
        %mul3A_326 = arith.mulf %mul3A_325, %get3A_113 : vector<16xf32>
        %add3A_327 = arith.addf %mul3A_326, %get3A_117 : vector<16xf32>
        %max3A_328 = arith.constant 0.000000e+00 : f32
        %max3A_329 = vector.broadcast %max3A_328 : f32 to vector<16xf32>
        %max3A_330 = arith.maximumf %add3A_327, %max3A_329 : vector<16xf32>
        %mul3A_331 = arith.mulf %gather3A_318, %max3A_330 : vector<16xf32>
        %swap3A_332 = arith.index_cast %scan3A_313 : i32 to index
        %swap3A_333 = arith.constant 0 : index
        %swap3A_334 = tpu.vector_load %arg14[%swap3A_332, %swap3A_333] {strides = array<i32>} : memref<128x32xf32, #tpu.memory_space<vmem>>, vector<16xf32>,
        tpu.vector_store %arg14[%swap3A_332, %swap3A_333], %mul3A_331 {strides = array<i32>} : memref<128x32xf32, #tpu.memory_space<vmem>>, vector<16xf32>,
        %mul3A_335 = arith.mulf %gather3A_318, %get3A_324 : vector<16xf32>
        %mul3A_336 = arith.mulf %mul3A_335, %get3A_115 : vector<16xf32>
        %add3A_337 = arith.addf %mul3A_336, %get3A_119 : vector<16xf32>
        %max3A_338 = arith.constant 0.000000e+00 : f32
        %max3A_339 = vector.broadcast %max3A_338 : f32 to vector<16xf32>
        %max3A_340 = arith.maximumf %add3A_337, %max3A_339 : vector<16xf32>
        %mul3A_341 = arith.mulf %gather3A_318, %max3A_340 : vector<16xf32>
        %swap3A_342 = arith.index_cast %scan3A_313 : i32 to index
        %swap3A_343 = arith.constant 16 : index
        %swap3A_344 = tpu.vector_load %arg14[%swap3A_342, %swap3A_343] {strides = array<i32>} : memref<128x32xf32, #tpu.memory_space<vmem>>, vector<16xf32>,
        tpu.vector_store %arg14[%swap3A_342, %swap3A_343], %mul3A_341 {strides = array<i32>} : memref<128x32xf32, #tpu.memory_space<vmem>>, vector<16xf32>,
        %scan3A_345 = arith.constant 3 : i32
        %scan3A_346 = arith.addi %scan3A_251, %scan3A_345 : i32
        %mul3A_347 = arith.constant 128 : i32
        %mul3A_348 = arith.muli %scan3A_240, %mul3A_347 : i32
        %add3A_349 = arith.addi %mul3A_348, %scan3A_346 : i32
        %broadcast_in_dim3A_350 = vector.broadcast %add3A_349 : i32 to vector<16xi32>
        %gather3A_351 = tpu.vector_load_idx %arg15[%broadcast_in_dim3A_350] : memref<640xf32, #tpu.memory_space<vmem>>[vector<16xi32>], vector<16xf32>,
        %get3A_352 = arith.index_cast %scan3A_346 : i32 to index
        %get3A_353 = arith.constant 0 : index
        %get3A_354 = tpu.vector_load %arg14[%get3A_352, %get3A_353] {strides = array<i32>} : memref<128x32xf32, #tpu.memory_space<vmem>>, vector<16xf32>,
        %get3A_355 = arith.index_cast %scan3A_346 : i32 to index
        %get3A_356 = arith.constant 16 : index
        %get3A_357 = tpu.vector_load %arg14[%get3A_355, %get3A_356] {strides = array<i32>} : memref<128x32xf32, #tpu.memory_space<vmem>>, vector<16xf32>,
        %mul3A_358 = arith.mulf %gather3A_351, %get3A_354 : vector<16xf32>
        %mul3A_359 = arith.mulf %mul3A_358, %get3A_113 : vector<16xf32>
        %add3A_360 = arith.addf %mul3A_359, %get3A_117 : vector<16xf32>
        %max3A_361 = arith.constant 0.000000e+00 : f32
        %max3A_362 = vector.broadcast %max3A_361 : f32 to vector<16xf32>
        %max3A_363 = arith.maximumf %add3A_360, %max3A_362 : vector<16xf32>
        %mul3A_364 = arith.mulf %gather3A_351, %max3A_363 : vector<16xf32>
        %swap3A_365 = arith.index_cast %scan3A_346 : i32 to index
        %swap3A_366 = arith.constant 0 : index
        %swap3A_367 = tpu.vector_load %arg14[%swap3A_365, %swap3A_366] {strides = array<i32>} : memref<128x32xf32, #tpu.memory_space<vmem>>, vector<16xf32>,
        tpu.vector_store %arg14[%swap3A_365, %swap3A_366], %mul3A_364 {strides = array<i32>} : memref<128x32xf32, #tpu.memory_space<vmem>>, vector<16xf32>,
        %mul3A_368 = arith.mulf %gather3A_351, %get3A_357 : vector<16xf32>
        %mul3A_369 = arith.mulf %mul3A_368, %get3A_115 : vector<16xf32>
        %add3A_370 = arith.addf %mul3A_369, %get3A_119 : vector<16xf32>
        %max3A_371 = arith.constant 0.000000e+00 : f32
        %max3A_372 = vector.broadcast %max3A_371 : f32 to vector<16xf32>
        %max3A_373 = arith.maximumf %add3A_370, %max3A_372 : vector<16xf32>
        %mul3A_374 = arith.mulf %gather3A_351, %max3A_373 : vector<16xf32>
        %swap3A_375 = arith.index_cast %scan3A_346 : i32 to index
        %swap3A_376 = arith.constant 16 : index
        %swap3A_377 = tpu.vector_load %arg14[%swap3A_375, %swap3A_376] {strides = array<i32>} : memref<128x32xf32, #tpu.memory_space<vmem>>, vector<16xf32>,
        tpu.vector_store %arg14[%swap3A_375, %swap3A_376], %mul3A_374 {strides = array<i32>} : memref<128x32xf32, #tpu.memory_space<vmem>>, vector<16xf32>,
      }
      %scan3A_250 = arith.constant 128 : i32
      "tpu.region"() ({
        %run_scoped3A = tpu.sem_alloc : memref<!tpu.dma_semaphore, #tpu.memory_space<semaphore_mem>>
        %dma_start3A = arith.constant 0 : i32
        %dma_start3A_251 = tpu.memref_slice %arg19[%add3A, %dma_start3A] : memref<10240x32xf32, #tpu.memory_space<vmem_shared>> -> memref<128x32xf32, #tpu.memory_space<vmem_shared>>
        %dma_start3A_252 = arith.constant 0 : i32
        %dma_start3A_253 = tpu.memref_slice %arg19[%add3A, %dma_start3A_252] : memref<10240x32xf32, #tpu.memory_space<vmem_shared>> -> memref<128x32xf32, #tpu.memory_space<vmem_shared>>
        tpu.enqueue_dma source(%arg14 : memref<128x32xf32, #tpu.memory_space<vmem>>) target(%dma_start3A_253 : memref<128x32xf32, #tpu.memory_space<vmem_shared>>) target_semaphore(%run_scoped3A : memref<!tpu.dma_semaphore, #tpu.memory_space<semaphore_mem>>)
        %dma_wait3A_254 = arith.constant 0 : i32
        %dma_wait3A_255 = tpu.memref_slice %arg19[%add3A, %dma_wait3A_254] : memref<10240x32xf32, #tpu.memory_space<vmem_shared>> -> memref<128x32xf32, #tpu.memory_space<vmem_shared>>
        %dma_wait3A_256 = arith.constant 0 : i32
        %dma_wait3A_257 = tpu.memref_slice %arg19[%add3A, %dma_wait3A_256] : memref<10240x32xf32, #tpu.memory_space<vmem_shared>> -> memref<128x32xf32, #tpu.memory_space<vmem_shared>>
        tpu.wait_dma2 semaphore(%run_scoped3A : memref<!tpu.dma_semaphore, #tpu.memory_space<semaphore_mem>>) src(%arg14 : memref<128x32xf32, #tpu.memory_space<vmem>>) dst(%dma_wait3A_257 : memref<128x32xf32, #tpu.memory_space<vmem_shared>>)
        tpu.yield
      }) : () -> ()
      "tpu.region"() ({
        %run_scoped3A = tpu.sem_alloc : memref<!tpu.dma_semaphore, #tpu.memory_space<semaphore_mem>>
        %dma_start3A = arith.constant 0 : i32
        %dma_start3A_251 = tpu.memref_slice %arg18[%add3A, %dma_start3A] : memref<10240x32xf32, #tpu.memory_space<vmem_shared>> -> memref<128x32xf32, #tpu.memory_space<vmem_shared>>
        %dma_start3A_252 = arith.constant 0 : i32
        %dma_start3A_253 = tpu.memref_slice %arg18[%add3A, %dma_start3A_252] : memref<10240x32xf32, #tpu.memory_space<vmem_shared>> -> memref<128x32xf32, #tpu.memory_space<vmem_shared>>
        tpu.enqueue_dma source(%arg14 : memref<128x32xf32, #tpu.memory_space<vmem>>) target(%dma_start3A_253 : memref<128x32xf32, #tpu.memory_space<vmem_shared>>) target_semaphore(%run_scoped3A : memref<!tpu.dma_semaphore, #tpu.memory_space<semaphore_mem>>)
        %dma_wait3A_254 = arith.constant 0 : i32
        %dma_wait3A_255 = tpu.memref_slice %arg18[%add3A, %dma_wait3A_254] : memref<10240x32xf32, #tpu.memory_space<vmem_shared>> -> memref<128x32xf32, #tpu.memory_space<vmem_shared>>
        %dma_wait3A_256 = arith.constant 0 : i32
        %dma_wait3A_257 = tpu.memref_slice %arg18[%add3A, %dma_wait3A_256] : memref<10240x32xf32, #tpu.memory_space<vmem_shared>> -> memref<128x32xf32, #tpu.memory_space<vmem_shared>>
        tpu.wait_dma2 semaphore(%run_scoped3A : memref<!tpu.dma_semaphore, #tpu.memory_space<semaphore_mem>>) src(%arg14 : memref<128x32xf32, #tpu.memory_space<vmem>>) dst(%dma_wait3A_257 : memref<128x32xf32, #tpu.memory_space<vmem_shared>>)
        tpu.yield
      }) : () -> ()
    }
    %scan3A_125 = arith.constant 5 : i32
    %barrier3A_126 = arith.constant 0 : index
    tpu.barrier barrier_id(%barrier3A_126)
    %scan3A_127 = arith.constant 0 : i32
    %scan3A_128 = arith.constant 0 : i32
    %scan3A_129 = arith.constant 20 : i32
    %scan3A_130 = arith.addi %scan3A_128, %scan3A_129 : i32
    %scan3A_131 = arith.constant 1 : i32
    scf.for %scan3A_240 = %scan3A_128 to %scan3A_130 step %scan3A_131  : i32 {
      %gt3A = arith.constant 0 : i32
      %gt3A_241 = arith.cmpi sgt, %scan3A_240, %gt3A : i32
      %convert_element_type3A_242 = arith.extui %gt3A_241 : i1 to i32
      %cond3A_243 = arith.constant 0 : i32
      %cond3A_244 = arith.cmpi ne, %convert_element_type3A_242, %cond3A_243 : i32
      scf.if %cond3A_244 {
        %dma_wait3A_579 = arith.constant 0 : i32
        %dma_wait3A_580 = arith.constant 0 : i32
        %dma_wait3A_581 = arith.constant 0 : i32
        %dma_wait3A_582 = arith.constant 0 : i32
        %dma_wait3A_583 = tpu.memref_slice %arg13[%dma_wait3A_579, %dma_wait3A_581, %dma_wait3A_582] : memref<8x128x32xf32, #tpu.memory_space<vmem>> -> memref<1x128x32xf32, #tpu.memory_space<vmem>>
        %dma_wait3A_584 = tpu.memref_squeeze %dma_wait3A_583 : memref<1x128x32xf32, #tpu.memory_space<vmem>> -> memref<128x32xf32, #tpu.memory_space<vmem>>
        %dma_wait3A_585 = arith.constant 0 : i32
        %dma_wait3A_586 = tpu.memref_slice %arg12[%dma_wait3A_580, %dma_wait3A_585] : memref<160x128xi32, #tpu.memory_space<vmem>> -> memref<1x128xi32, #tpu.memory_space<vmem>>
        %dma_wait3A_587 = tpu.memref_squeeze %dma_wait3A_586 : memref<1x128xi32, #tpu.memory_space<vmem>> -> memref<128xi32, #tpu.memory_space<vmem>>
        %dma_wait3A_588 = arith.constant 0 : i32
        %dma_wait3A_589 = arith.constant 0 : i32
        %dma_wait3A_590 = tpu.memref_slice %arg18[%dma_wait3A_588, %dma_wait3A_589] : memref<10240x32xf32, #tpu.memory_space<vmem_shared>> -> memref<10240x32xf32, #tpu.memory_space<vmem_shared>>
        tpu.wait_indirect_dma semaphore(%arg21 : memref<!tpu.dma_semaphore, #tpu.memory_space<semaphore_mem>>) src(%dma_wait3A_584 : memref<128x32xf32, #tpu.memory_space<vmem>>) dst(%dma_wait3A_590 : memref<10240x32xf32, #tpu.memory_space<vmem_shared>>)
        %dma_wait3A_591 = arith.constant 1 : i32
        %dma_wait3A_592 = arith.constant 0 : i32
        %dma_wait3A_593 = arith.constant 0 : i32
        %dma_wait3A_594 = arith.constant 0 : i32
        %dma_wait3A_595 = tpu.memref_slice %arg13[%dma_wait3A_591, %dma_wait3A_593, %dma_wait3A_594] : memref<8x128x32xf32, #tpu.memory_space<vmem>> -> memref<1x128x32xf32, #tpu.memory_space<vmem>>
        %dma_wait3A_596 = tpu.memref_squeeze %dma_wait3A_595 : memref<1x128x32xf32, #tpu.memory_space<vmem>> -> memref<128x32xf32, #tpu.memory_space<vmem>>
        %dma_wait3A_597 = arith.constant 0 : i32
        %dma_wait3A_598 = tpu.memref_slice %arg12[%dma_wait3A_592, %dma_wait3A_597] : memref<160x128xi32, #tpu.memory_space<vmem>> -> memref<1x128xi32, #tpu.memory_space<vmem>>
        %dma_wait3A_599 = tpu.memref_squeeze %dma_wait3A_598 : memref<1x128xi32, #tpu.memory_space<vmem>> -> memref<128xi32, #tpu.memory_space<vmem>>
        %dma_wait3A_600 = arith.constant 0 : i32
        %dma_wait3A_601 = arith.constant 0 : i32
        %dma_wait3A_602 = tpu.memref_slice %arg18[%dma_wait3A_600, %dma_wait3A_601] : memref<10240x32xf32, #tpu.memory_space<vmem_shared>> -> memref<10240x32xf32, #tpu.memory_space<vmem_shared>>
        tpu.wait_indirect_dma semaphore(%arg21 : memref<!tpu.dma_semaphore, #tpu.memory_space<semaphore_mem>>) src(%dma_wait3A_596 : memref<128x32xf32, #tpu.memory_space<vmem>>) dst(%dma_wait3A_602 : memref<10240x32xf32, #tpu.memory_space<vmem_shared>>)
        %dma_wait3A_603 = arith.constant 2 : i32
        %dma_wait3A_604 = arith.constant 0 : i32
        %dma_wait3A_605 = arith.constant 0 : i32
        %dma_wait3A_606 = arith.constant 0 : i32
        %dma_wait3A_607 = tpu.memref_slice %arg13[%dma_wait3A_603, %dma_wait3A_605, %dma_wait3A_606] : memref<8x128x32xf32, #tpu.memory_space<vmem>> -> memref<1x128x32xf32, #tpu.memory_space<vmem>>
        %dma_wait3A_608 = tpu.memref_squeeze %dma_wait3A_607 : memref<1x128x32xf32, #tpu.memory_space<vmem>> -> memref<128x32xf32, #tpu.memory_space<vmem>>
        %dma_wait3A_609 = arith.constant 0 : i32
        %dma_wait3A_610 = tpu.memref_slice %arg12[%dma_wait3A_604, %dma_wait3A_609] : memref<160x128xi32, #tpu.memory_space<vmem>> -> memref<1x128xi32, #tpu.memory_space<vmem>>
        %dma_wait3A_611 = tpu.memref_squeeze %dma_wait3A_610 : memref<1x128xi32, #tpu.memory_space<vmem>> -> memref<128xi32, #tpu.memory_space<vmem>>
        %dma_wait3A_612 = arith.constant 0 : i32
        %dma_wait3A_613 = arith.constant 0 : i32
        %dma_wait3A_614 = tpu.memref_slice %arg18[%dma_wait3A_612, %dma_wait3A_613] : memref<10240x32xf32, #tpu.memory_space<vmem_shared>> -> memref<10240x32xf32, #tpu.memory_space<vmem_shared>>
        tpu.wait_indirect_dma semaphore(%arg21 : memref<!tpu.dma_semaphore, #tpu.memory_space<semaphore_mem>>) src(%dma_wait3A_608 : memref<128x32xf32, #tpu.memory_space<vmem>>) dst(%dma_wait3A_614 : memref<10240x32xf32, #tpu.memory_space<vmem_shared>>)
        %dma_wait3A_615 = arith.constant 3 : i32
        %dma_wait3A_616 = arith.constant 0 : i32
        %dma_wait3A_617 = arith.constant 0 : i32
        %dma_wait3A_618 = arith.constant 0 : i32
        %dma_wait3A_619 = tpu.memref_slice %arg13[%dma_wait3A_615, %dma_wait3A_617, %dma_wait3A_618] : memref<8x128x32xf32, #tpu.memory_space<vmem>> -> memref<1x128x32xf32, #tpu.memory_space<vmem>>
        %dma_wait3A_620 = tpu.memref_squeeze %dma_wait3A_619 : memref<1x128x32xf32, #tpu.memory_space<vmem>> -> memref<128x32xf32, #tpu.memory_space<vmem>>
        %dma_wait3A_621 = arith.constant 0 : i32
        %dma_wait3A_622 = tpu.memref_slice %arg12[%dma_wait3A_616, %dma_wait3A_621] : memref<160x128xi32, #tpu.memory_space<vmem>> -> memref<1x128xi32, #tpu.memory_space<vmem>>
        %dma_wait3A_623 = tpu.memref_squeeze %dma_wait3A_622 : memref<1x128xi32, #tpu.memory_space<vmem>> -> memref<128xi32, #tpu.memory_space<vmem>>
        %dma_wait3A_624 = arith.constant 0 : i32
        %dma_wait3A_625 = arith.constant 0 : i32
        %dma_wait3A_626 = tpu.memref_slice %arg18[%dma_wait3A_624, %dma_wait3A_625] : memref<10240x32xf32, #tpu.memory_space<vmem_shared>> -> memref<10240x32xf32, #tpu.memory_space<vmem_shared>>
        tpu.wait_indirect_dma semaphore(%arg21 : memref<!tpu.dma_semaphore, #tpu.memory_space<semaphore_mem>>) src(%dma_wait3A_620 : memref<128x32xf32, #tpu.memory_space<vmem>>) dst(%dma_wait3A_626 : memref<10240x32xf32, #tpu.memory_space<vmem_shared>>)
        %dma_wait3A_627 = arith.constant 4 : i32
        %dma_wait3A_628 = arith.constant 0 : i32
        %dma_wait3A_629 = arith.constant 0 : i32
        %dma_wait3A_630 = arith.constant 0 : i32
        %dma_wait3A_631 = tpu.memref_slice %arg13[%dma_wait3A_627, %dma_wait3A_629, %dma_wait3A_630] : memref<8x128x32xf32, #tpu.memory_space<vmem>> -> memref<1x128x32xf32, #tpu.memory_space<vmem>>
        %dma_wait3A_632 = tpu.memref_squeeze %dma_wait3A_631 : memref<1x128x32xf32, #tpu.memory_space<vmem>> -> memref<128x32xf32, #tpu.memory_space<vmem>>
        %dma_wait3A_633 = arith.constant 0 : i32
        %dma_wait3A_634 = tpu.memref_slice %arg12[%dma_wait3A_628, %dma_wait3A_633] : memref<160x128xi32, #tpu.memory_space<vmem>> -> memref<1x128xi32, #tpu.memory_space<vmem>>
        %dma_wait3A_635 = tpu.memref_squeeze %dma_wait3A_634 : memref<1x128xi32, #tpu.memory_space<vmem>> -> memref<128xi32, #tpu.memory_space<vmem>>
        %dma_wait3A_636 = arith.constant 0 : i32
        %dma_wait3A_637 = arith.constant 0 : i32
        %dma_wait3A_638 = tpu.memref_slice %arg18[%dma_wait3A_636, %dma_wait3A_637] : memref<10240x32xf32, #tpu.memory_space<vmem_shared>> -> memref<10240x32xf32, #tpu.memory_space<vmem_shared>>
        tpu.wait_indirect_dma semaphore(%arg21 : memref<!tpu.dma_semaphore, #tpu.memory_space<semaphore_mem>>) src(%dma_wait3A_632 : memref<128x32xf32, #tpu.memory_space<vmem>>) dst(%dma_wait3A_638 : memref<10240x32xf32, #tpu.memory_space<vmem_shared>>)
        %dma_wait3A_639 = arith.constant 5 : i32
        %dma_wait3A_640 = arith.constant 0 : i32
        %dma_wait3A_641 = arith.constant 0 : i32
        %dma_wait3A_642 = arith.constant 0 : i32
        %dma_wait3A_643 = tpu.memref_slice %arg13[%dma_wait3A_639, %dma_wait3A_641, %dma_wait3A_642] : memref<8x128x32xf32, #tpu.memory_space<vmem>> -> memref<1x128x32xf32, #tpu.memory_space<vmem>>
        %dma_wait3A_644 = tpu.memref_squeeze %dma_wait3A_643 : memref<1x128x32xf32, #tpu.memory_space<vmem>> -> memref<128x32xf32, #tpu.memory_space<vmem>>
        %dma_wait3A_645 = arith.constant 0 : i32
        %dma_wait3A_646 = tpu.memref_slice %arg12[%dma_wait3A_640, %dma_wait3A_645] : memref<160x128xi32, #tpu.memory_space<vmem>> -> memref<1x128xi32, #tpu.memory_space<vmem>>
        %dma_wait3A_647 = tpu.memref_squeeze %dma_wait3A_646 : memref<1x128xi32, #tpu.memory_space<vmem>> -> memref<128xi32, #tpu.memory_space<vmem>>
        %dma_wait3A_648 = arith.constant 0 : i32
        %dma_wait3A_649 = arith.constant 0 : i32
        %dma_wait3A_650 = tpu.memref_slice %arg18[%dma_wait3A_648, %dma_wait3A_649] : memref<10240x32xf32, #tpu.memory_space<vmem_shared>> -> memref<10240x32xf32, #tpu.memory_space<vmem_shared>>
        tpu.wait_indirect_dma semaphore(%arg21 : memref<!tpu.dma_semaphore, #tpu.memory_space<semaphore_mem>>) src(%dma_wait3A_644 : memref<128x32xf32, #tpu.memory_space<vmem>>) dst(%dma_wait3A_650 : memref<10240x32xf32, #tpu.memory_space<vmem_shared>>)
        %dma_wait3A_651 = arith.constant 6 : i32
        %dma_wait3A_652 = arith.constant 0 : i32
        %dma_wait3A_653 = arith.constant 0 : i32
        %dma_wait3A_654 = arith.constant 0 : i32
        %dma_wait3A_655 = tpu.memref_slice %arg13[%dma_wait3A_651, %dma_wait3A_653, %dma_wait3A_654] : memref<8x128x32xf32, #tpu.memory_space<vmem>> -> memref<1x128x32xf32, #tpu.memory_space<vmem>>
        %dma_wait3A_656 = tpu.memref_squeeze %dma_wait3A_655 : memref<1x128x32xf32, #tpu.memory_space<vmem>> -> memref<128x32xf32, #tpu.memory_space<vmem>>
        %dma_wait3A_657 = arith.constant 0 : i32
        %dma_wait3A_658 = tpu.memref_slice %arg12[%dma_wait3A_652, %dma_wait3A_657] : memref<160x128xi32, #tpu.memory_space<vmem>> -> memref<1x128xi32, #tpu.memory_space<vmem>>
        %dma_wait3A_659 = tpu.memref_squeeze %dma_wait3A_658 : memref<1x128xi32, #tpu.memory_space<vmem>> -> memref<128xi32, #tpu.memory_space<vmem>>
        %dma_wait3A_660 = arith.constant 0 : i32
        %dma_wait3A_661 = arith.constant 0 : i32
        %dma_wait3A_662 = tpu.memref_slice %arg18[%dma_wait3A_660, %dma_wait3A_661] : memref<10240x32xf32, #tpu.memory_space<vmem_shared>> -> memref<10240x32xf32, #tpu.memory_space<vmem_shared>>
        tpu.wait_indirect_dma semaphore(%arg21 : memref<!tpu.dma_semaphore, #tpu.memory_space<semaphore_mem>>) src(%dma_wait3A_656 : memref<128x32xf32, #tpu.memory_space<vmem>>) dst(%dma_wait3A_662 : memref<10240x32xf32, #tpu.memory_space<vmem_shared>>)
        %dma_wait3A_663 = arith.constant 7 : i32
        %dma_wait3A_664 = arith.constant 0 : i32
        %dma_wait3A_665 = arith.constant 0 : i32
        %dma_wait3A_666 = arith.constant 0 : i32
        %dma_wait3A_667 = tpu.memref_slice %arg13[%dma_wait3A_663, %dma_wait3A_665, %dma_wait3A_666] : memref<8x128x32xf32, #tpu.memory_space<vmem>> -> memref<1x128x32xf32, #tpu.memory_space<vmem>>
        %dma_wait3A_668 = tpu.memref_squeeze %dma_wait3A_667 : memref<1x128x32xf32, #tpu.memory_space<vmem>> -> memref<128x32xf32, #tpu.memory_space<vmem>>
        %dma_wait3A_669 = arith.constant 0 : i32
        %dma_wait3A_670 = tpu.memref_slice %arg12[%dma_wait3A_664, %dma_wait3A_669] : memref<160x128xi32, #tpu.memory_space<vmem>> -> memref<1x128xi32, #tpu.memory_space<vmem>>
        %dma_wait3A_671 = tpu.memref_squeeze %dma_wait3A_670 : memref<1x128xi32, #tpu.memory_space<vmem>> -> memref<128xi32, #tpu.memory_space<vmem>>
        %dma_wait3A_672 = arith.constant 0 : i32
        %dma_wait3A_673 = arith.constant 0 : i32
        %dma_wait3A_674 = tpu.memref_slice %arg18[%dma_wait3A_672, %dma_wait3A_673] : memref<10240x32xf32, #tpu.memory_space<vmem_shared>> -> memref<10240x32xf32, #tpu.memory_space<vmem_shared>>
        tpu.wait_indirect_dma semaphore(%arg21 : memref<!tpu.dma_semaphore, #tpu.memory_space<semaphore_mem>>) src(%dma_wait3A_668 : memref<128x32xf32, #tpu.memory_space<vmem>>) dst(%dma_wait3A_674 : memref<10240x32xf32, #tpu.memory_space<vmem_shared>>)
      } else {
      }
      %mul3A_245 = arith.constant 8 : i32
      %mul3A_246 = arith.muli %scan3A_240, %mul3A_245 : i32
      %add3A = arith.constant 0 : i32
      %add3A_247 = arith.addi %mul3A_246, %add3A : i32
      %dma_start3A = arith.constant 0 : i32
      %dma_start3A_248 = arith.constant 0 : i32
      %dma_start3A_249 = arith.constant 0 : i32
      %dma_start3A_250 = tpu.memref_slice %arg13[%dma_start3A, %dma_start3A_248, %dma_start3A_249] : memref<8x128x32xf32, #tpu.memory_space<vmem>> -> memref<1x128x32xf32, #tpu.memory_space<vmem>>
      %dma_start3A_251 = tpu.memref_squeeze %dma_start3A_250 : memref<1x128x32xf32, #tpu.memory_space<vmem>> -> memref<128x32xf32, #tpu.memory_space<vmem>>
      %dma_start3A_252 = arith.constant 0 : i32
      %dma_start3A_253 = tpu.memref_slice %arg11[%add3A_247, %dma_start3A_252] : memref<160x128xi32, #tpu.memory_space<vmem>> -> memref<1x128xi32, #tpu.memory_space<vmem>>
      %dma_start3A_254 = tpu.memref_squeeze %dma_start3A_253 : memref<1x128xi32, #tpu.memory_space<vmem>> -> memref<128xi32, #tpu.memory_space<vmem>>
      %dma_start3A_255 = arith.constant 0 : i32
      %dma_start3A_256 = arith.constant 0 : i32
      %dma_start3A_257 = tpu.memref_slice %arg19[%dma_start3A_255, %dma_start3A_256] : memref<10240x32xf32, #tpu.memory_space<vmem_shared>> -> memref<10240x32xf32, #tpu.memory_space<vmem_shared>>
      tpu.enqueue_indirect_dma source(%dma_start3A_257 : memref<10240x32xf32, #tpu.memory_space<vmem_shared>>) target(%dma_start3A_251 : memref<128x32xf32, #tpu.memory_space<vmem>>) offsets(%dma_start3A_254 : memref<128xi32, #tpu.memory_space<vmem>>) semaphore(%arg20 : memref<!tpu.dma_semaphore, #tpu.memory_space<semaphore_mem>>)
      %mul3A_258 = arith.constant 8 : i32
      %mul3A_259 = arith.muli %scan3A_240, %mul3A_258 : i32
      %add3A_260 = arith.constant 1 : i32
      %add3A_261 = arith.addi %mul3A_259, %add3A_260 : i32
      %dma_start3A_262 = arith.constant 1 : i32
      %dma_start3A_263 = arith.constant 0 : i32
      %dma_start3A_264 = arith.constant 0 : i32
      %dma_start3A_265 = tpu.memref_slice %arg13[%dma_start3A_262, %dma_start3A_263, %dma_start3A_264] : memref<8x128x32xf32, #tpu.memory_space<vmem>> -> memref<1x128x32xf32, #tpu.memory_space<vmem>>
      %dma_start3A_266 = tpu.memref_squeeze %dma_start3A_265 : memref<1x128x32xf32, #tpu.memory_space<vmem>> -> memref<128x32xf32, #tpu.memory_space<vmem>>
      %dma_start3A_267 = arith.constant 0 : i32
      %dma_start3A_268 = tpu.memref_slice %arg11[%add3A_261, %dma_start3A_267] : memref<160x128xi32, #tpu.memory_space<vmem>> -> memref<1x128xi32, #tpu.memory_space<vmem>>
      %dma_start3A_269 = tpu.memref_squeeze %dma_start3A_268 : memref<1x128xi32, #tpu.memory_space<vmem>> -> memref<128xi32, #tpu.memory_space<vmem>>
      %dma_start3A_270 = arith.constant 0 : i32
      %dma_start3A_271 = arith.constant 0 : i32
      %dma_start3A_272 = tpu.memref_slice %arg19[%dma_start3A_270, %dma_start3A_271] : memref<10240x32xf32, #tpu.memory_space<vmem_shared>> -> memref<10240x32xf32, #tpu.memory_space<vmem_shared>>
      tpu.enqueue_indirect_dma source(%dma_start3A_272 : memref<10240x32xf32, #tpu.memory_space<vmem_shared>>) target(%dma_start3A_266 : memref<128x32xf32, #tpu.memory_space<vmem>>) offsets(%dma_start3A_269 : memref<128xi32, #tpu.memory_space<vmem>>) semaphore(%arg20 : memref<!tpu.dma_semaphore, #tpu.memory_space<semaphore_mem>>)
      %mul3A_273 = arith.constant 8 : i32
      %mul3A_274 = arith.muli %scan3A_240, %mul3A_273 : i32
      %add3A_275 = arith.constant 2 : i32
      %add3A_276 = arith.addi %mul3A_274, %add3A_275 : i32
      %dma_start3A_277 = arith.constant 2 : i32
      %dma_start3A_278 = arith.constant 0 : i32
      %dma_start3A_279 = arith.constant 0 : i32
      %dma_start3A_280 = tpu.memref_slice %arg13[%dma_start3A_277, %dma_start3A_278, %dma_start3A_279] : memref<8x128x32xf32, #tpu.memory_space<vmem>> -> memref<1x128x32xf32, #tpu.memory_space<vmem>>
      %dma_start3A_281 = tpu.memref_squeeze %dma_start3A_280 : memref<1x128x32xf32, #tpu.memory_space<vmem>> -> memref<128x32xf32, #tpu.memory_space<vmem>>
      %dma_start3A_282 = arith.constant 0 : i32
      %dma_start3A_283 = tpu.memref_slice %arg11[%add3A_276, %dma_start3A_282] : memref<160x128xi32, #tpu.memory_space<vmem>> -> memref<1x128xi32, #tpu.memory_space<vmem>>
      %dma_start3A_284 = tpu.memref_squeeze %dma_start3A_283 : memref<1x128xi32, #tpu.memory_space<vmem>> -> memref<128xi32, #tpu.memory_space<vmem>>
      %dma_start3A_285 = arith.constant 0 : i32
      %dma_start3A_286 = arith.constant 0 : i32
      %dma_start3A_287 = tpu.memref_slice %arg19[%dma_start3A_285, %dma_start3A_286] : memref<10240x32xf32, #tpu.memory_space<vmem_shared>> -> memref<10240x32xf32, #tpu.memory_space<vmem_shared>>
      tpu.enqueue_indirect_dma source(%dma_start3A_287 : memref<10240x32xf32, #tpu.memory_space<vmem_shared>>) target(%dma_start3A_281 : memref<128x32xf32, #tpu.memory_space<vmem>>) offsets(%dma_start3A_284 : memref<128xi32, #tpu.memory_space<vmem>>) semaphore(%arg20 : memref<!tpu.dma_semaphore, #tpu.memory_space<semaphore_mem>>)
      %mul3A_288 = arith.constant 8 : i32
      %mul3A_289 = arith.muli %scan3A_240, %mul3A_288 : i32
      %add3A_290 = arith.constant 3 : i32
      %add3A_291 = arith.addi %mul3A_289, %add3A_290 : i32
      %dma_start3A_292 = arith.constant 3 : i32
      %dma_start3A_293 = arith.constant 0 : i32
      %dma_start3A_294 = arith.constant 0 : i32
      %dma_start3A_295 = tpu.memref_slice %arg13[%dma_start3A_292, %dma_start3A_293, %dma_start3A_294] : memref<8x128x32xf32, #tpu.memory_space<vmem>> -> memref<1x128x32xf32, #tpu.memory_space<vmem>>
      %dma_start3A_296 = tpu.memref_squeeze %dma_start3A_295 : memref<1x128x32xf32, #tpu.memory_space<vmem>> -> memref<128x32xf32, #tpu.memory_space<vmem>>
      %dma_start3A_297 = arith.constant 0 : i32
      %dma_start3A_298 = tpu.memref_slice %arg11[%add3A_291, %dma_start3A_297] : memref<160x128xi32, #tpu.memory_space<vmem>> -> memref<1x128xi32, #tpu.memory_space<vmem>>
      %dma_start3A_299 = tpu.memref_squeeze %dma_start3A_298 : memref<1x128xi32, #tpu.memory_space<vmem>> -> memref<128xi32, #tpu.memory_space<vmem>>
      %dma_start3A_300 = arith.constant 0 : i32
      %dma_start3A_301 = arith.constant 0 : i32
      %dma_start3A_302 = tpu.memref_slice %arg19[%dma_start3A_300, %dma_start3A_301] : memref<10240x32xf32, #tpu.memory_space<vmem_shared>> -> memref<10240x32xf32, #tpu.memory_space<vmem_shared>>
      tpu.enqueue_indirect_dma source(%dma_start3A_302 : memref<10240x32xf32, #tpu.memory_space<vmem_shared>>) target(%dma_start3A_296 : memref<128x32xf32, #tpu.memory_space<vmem>>) offsets(%dma_start3A_299 : memref<128xi32, #tpu.memory_space<vmem>>) semaphore(%arg20 : memref<!tpu.dma_semaphore, #tpu.memory_space<semaphore_mem>>)
      %mul3A_303 = arith.constant 8 : i32
      %mul3A_304 = arith.muli %scan3A_240, %mul3A_303 : i32
      %add3A_305 = arith.constant 4 : i32
      %add3A_306 = arith.addi %mul3A_304, %add3A_305 : i32
      %dma_start3A_307 = arith.constant 4 : i32
      %dma_start3A_308 = arith.constant 0 : i32
      %dma_start3A_309 = arith.constant 0 : i32
      %dma_start3A_310 = tpu.memref_slice %arg13[%dma_start3A_307, %dma_start3A_308, %dma_start3A_309] : memref<8x128x32xf32, #tpu.memory_space<vmem>> -> memref<1x128x32xf32, #tpu.memory_space<vmem>>
      %dma_start3A_311 = tpu.memref_squeeze %dma_start3A_310 : memref<1x128x32xf32, #tpu.memory_space<vmem>> -> memref<128x32xf32, #tpu.memory_space<vmem>>
      %dma_start3A_312 = arith.constant 0 : i32
      %dma_start3A_313 = tpu.memref_slice %arg11[%add3A_306, %dma_start3A_312] : memref<160x128xi32, #tpu.memory_space<vmem>> -> memref<1x128xi32, #tpu.memory_space<vmem>>
      %dma_start3A_314 = tpu.memref_squeeze %dma_start3A_313 : memref<1x128xi32, #tpu.memory_space<vmem>> -> memref<128xi32, #tpu.memory_space<vmem>>
      %dma_start3A_315 = arith.constant 0 : i32
      %dma_start3A_316 = arith.constant 0 : i32
      %dma_start3A_317 = tpu.memref_slice %arg19[%dma_start3A_315, %dma_start3A_316] : memref<10240x32xf32, #tpu.memory_space<vmem_shared>> -> memref<10240x32xf32, #tpu.memory_space<vmem_shared>>
      tpu.enqueue_indirect_dma source(%dma_start3A_317 : memref<10240x32xf32, #tpu.memory_space<vmem_shared>>) target(%dma_start3A_311 : memref<128x32xf32, #tpu.memory_space<vmem>>) offsets(%dma_start3A_314 : memref<128xi32, #tpu.memory_space<vmem>>) semaphore(%arg20 : memref<!tpu.dma_semaphore, #tpu.memory_space<semaphore_mem>>)
      %mul3A_318 = arith.constant 8 : i32
      %mul3A_319 = arith.muli %scan3A_240, %mul3A_318 : i32
      %add3A_320 = arith.constant 5 : i32
      %add3A_321 = arith.addi %mul3A_319, %add3A_320 : i32
      %dma_start3A_322 = arith.constant 5 : i32
      %dma_start3A_323 = arith.constant 0 : i32
      %dma_start3A_324 = arith.constant 0 : i32
      %dma_start3A_325 = tpu.memref_slice %arg13[%dma_start3A_322, %dma_start3A_323, %dma_start3A_324] : memref<8x128x32xf32, #tpu.memory_space<vmem>> -> memref<1x128x32xf32, #tpu.memory_space<vmem>>
      %dma_start3A_326 = tpu.memref_squeeze %dma_start3A_325 : memref<1x128x32xf32, #tpu.memory_space<vmem>> -> memref<128x32xf32, #tpu.memory_space<vmem>>
      %dma_start3A_327 = arith.constant 0 : i32
      %dma_start3A_328 = tpu.memref_slice %arg11[%add3A_321, %dma_start3A_327] : memref<160x128xi32, #tpu.memory_space<vmem>> -> memref<1x128xi32, #tpu.memory_space<vmem>>
      %dma_start3A_329 = tpu.memref_squeeze %dma_start3A_328 : memref<1x128xi32, #tpu.memory_space<vmem>> -> memref<128xi32, #tpu.memory_space<vmem>>
      %dma_start3A_330 = arith.constant 0 : i32
      %dma_start3A_331 = arith.constant 0 : i32
      %dma_start3A_332 = tpu.memref_slice %arg19[%dma_start3A_330, %dma_start3A_331] : memref<10240x32xf32, #tpu.memory_space<vmem_shared>> -> memref<10240x32xf32, #tpu.memory_space<vmem_shared>>
      tpu.enqueue_indirect_dma source(%dma_start3A_332 : memref<10240x32xf32, #tpu.memory_space<vmem_shared>>) target(%dma_start3A_326 : memref<128x32xf32, #tpu.memory_space<vmem>>) offsets(%dma_start3A_329 : memref<128xi32, #tpu.memory_space<vmem>>) semaphore(%arg20 : memref<!tpu.dma_semaphore, #tpu.memory_space<semaphore_mem>>)
      %mul3A_333 = arith.constant 8 : i32
      %mul3A_334 = arith.muli %scan3A_240, %mul3A_333 : i32
      %add3A_335 = arith.constant 6 : i32
      %add3A_336 = arith.addi %mul3A_334, %add3A_335 : i32
      %dma_start3A_337 = arith.constant 6 : i32
      %dma_start3A_338 = arith.constant 0 : i32
      %dma_start3A_339 = arith.constant 0 : i32
      %dma_start3A_340 = tpu.memref_slice %arg13[%dma_start3A_337, %dma_start3A_338, %dma_start3A_339] : memref<8x128x32xf32, #tpu.memory_space<vmem>> -> memref<1x128x32xf32, #tpu.memory_space<vmem>>
      %dma_start3A_341 = tpu.memref_squeeze %dma_start3A_340 : memref<1x128x32xf32, #tpu.memory_space<vmem>> -> memref<128x32xf32, #tpu.memory_space<vmem>>
      %dma_start3A_342 = arith.constant 0 : i32
      %dma_start3A_343 = tpu.memref_slice %arg11[%add3A_336, %dma_start3A_342] : memref<160x128xi32, #tpu.memory_space<vmem>> -> memref<1x128xi32, #tpu.memory_space<vmem>>
      %dma_start3A_344 = tpu.memref_squeeze %dma_start3A_343 : memref<1x128xi32, #tpu.memory_space<vmem>> -> memref<128xi32, #tpu.memory_space<vmem>>
      %dma_start3A_345 = arith.constant 0 : i32
      %dma_start3A_346 = arith.constant 0 : i32
      %dma_start3A_347 = tpu.memref_slice %arg19[%dma_start3A_345, %dma_start3A_346] : memref<10240x32xf32, #tpu.memory_space<vmem_shared>> -> memref<10240x32xf32, #tpu.memory_space<vmem_shared>>
      tpu.enqueue_indirect_dma source(%dma_start3A_347 : memref<10240x32xf32, #tpu.memory_space<vmem_shared>>) target(%dma_start3A_341 : memref<128x32xf32, #tpu.memory_space<vmem>>) offsets(%dma_start3A_344 : memref<128xi32, #tpu.memory_space<vmem>>) semaphore(%arg20 : memref<!tpu.dma_semaphore, #tpu.memory_space<semaphore_mem>>)
      %mul3A_348 = arith.constant 8 : i32
      %mul3A_349 = arith.muli %scan3A_240, %mul3A_348 : i32
      %add3A_350 = arith.constant 7 : i32
      %add3A_351 = arith.addi %mul3A_349, %add3A_350 : i32
      %dma_start3A_352 = arith.constant 7 : i32
      %dma_start3A_353 = arith.constant 0 : i32
      %dma_start3A_354 = arith.constant 0 : i32
      %dma_start3A_355 = tpu.memref_slice %arg13[%dma_start3A_352, %dma_start3A_353, %dma_start3A_354] : memref<8x128x32xf32, #tpu.memory_space<vmem>> -> memref<1x128x32xf32, #tpu.memory_space<vmem>>
      %dma_start3A_356 = tpu.memref_squeeze %dma_start3A_355 : memref<1x128x32xf32, #tpu.memory_space<vmem>> -> memref<128x32xf32, #tpu.memory_space<vmem>>
      %dma_start3A_357 = arith.constant 0 : i32
      %dma_start3A_358 = tpu.memref_slice %arg11[%add3A_351, %dma_start3A_357] : memref<160x128xi32, #tpu.memory_space<vmem>> -> memref<1x128xi32, #tpu.memory_space<vmem>>
      %dma_start3A_359 = tpu.memref_squeeze %dma_start3A_358 : memref<1x128xi32, #tpu.memory_space<vmem>> -> memref<128xi32, #tpu.memory_space<vmem>>
      %dma_start3A_360 = arith.constant 0 : i32
      %dma_start3A_361 = arith.constant 0 : i32
      %dma_start3A_362 = tpu.memref_slice %arg19[%dma_start3A_360, %dma_start3A_361] : memref<10240x32xf32, #tpu.memory_space<vmem_shared>> -> memref<10240x32xf32, #tpu.memory_space<vmem_shared>>
      tpu.enqueue_indirect_dma source(%dma_start3A_362 : memref<10240x32xf32, #tpu.memory_space<vmem_shared>>) target(%dma_start3A_356 : memref<128x32xf32, #tpu.memory_space<vmem>>) offsets(%dma_start3A_359 : memref<128xi32, #tpu.memory_space<vmem>>) semaphore(%arg20 : memref<!tpu.dma_semaphore, #tpu.memory_space<semaphore_mem>>)
      %dma_wait3A_363 = arith.constant 0 : i32
      %dma_wait3A_364 = arith.constant 0 : i32
      %dma_wait3A_365 = arith.constant 0 : i32
      %dma_wait3A_366 = arith.constant 0 : i32
      %dma_wait3A_367 = tpu.memref_slice %arg13[%dma_wait3A_364, %dma_wait3A_365, %dma_wait3A_366] : memref<8x128x32xf32, #tpu.memory_space<vmem>> -> memref<1x128x32xf32, #tpu.memory_space<vmem>>
      %dma_wait3A_368 = tpu.memref_squeeze %dma_wait3A_367 : memref<1x128x32xf32, #tpu.memory_space<vmem>> -> memref<128x32xf32, #tpu.memory_space<vmem>>
      %dma_wait3A_369 = arith.constant 0 : i32
      %dma_wait3A_370 = tpu.memref_slice %arg11[%dma_wait3A_363, %dma_wait3A_369] : memref<160x128xi32, #tpu.memory_space<vmem>> -> memref<1x128xi32, #tpu.memory_space<vmem>>
      %dma_wait3A_371 = tpu.memref_squeeze %dma_wait3A_370 : memref<1x128xi32, #tpu.memory_space<vmem>> -> memref<128xi32, #tpu.memory_space<vmem>>
      %dma_wait3A_372 = arith.constant 0 : i32
      %dma_wait3A_373 = arith.constant 0 : i32
      %dma_wait3A_374 = tpu.memref_slice %arg19[%dma_wait3A_372, %dma_wait3A_373] : memref<10240x32xf32, #tpu.memory_space<vmem_shared>> -> memref<10240x32xf32, #tpu.memory_space<vmem_shared>>
      tpu.wait_indirect_dma semaphore(%arg20 : memref<!tpu.dma_semaphore, #tpu.memory_space<semaphore_mem>>) src(%dma_wait3A_374 : memref<10240x32xf32, #tpu.memory_space<vmem_shared>>) dst(%dma_wait3A_368 : memref<128x32xf32, #tpu.memory_space<vmem>>)
      %dma_wait3A_375 = arith.constant 0 : i32
      %dma_wait3A_376 = arith.constant 1 : i32
      %dma_wait3A_377 = arith.constant 0 : i32
      %dma_wait3A_378 = arith.constant 0 : i32
      %dma_wait3A_379 = tpu.memref_slice %arg13[%dma_wait3A_376, %dma_wait3A_377, %dma_wait3A_378] : memref<8x128x32xf32, #tpu.memory_space<vmem>> -> memref<1x128x32xf32, #tpu.memory_space<vmem>>
      %dma_wait3A_380 = tpu.memref_squeeze %dma_wait3A_379 : memref<1x128x32xf32, #tpu.memory_space<vmem>> -> memref<128x32xf32, #tpu.memory_space<vmem>>
      %dma_wait3A_381 = arith.constant 0 : i32
      %dma_wait3A_382 = tpu.memref_slice %arg11[%dma_wait3A_375, %dma_wait3A_381] : memref<160x128xi32, #tpu.memory_space<vmem>> -> memref<1x128xi32, #tpu.memory_space<vmem>>
      %dma_wait3A_383 = tpu.memref_squeeze %dma_wait3A_382 : memref<1x128xi32, #tpu.memory_space<vmem>> -> memref<128xi32, #tpu.memory_space<vmem>>
      %dma_wait3A_384 = arith.constant 0 : i32
      %dma_wait3A_385 = arith.constant 0 : i32
      %dma_wait3A_386 = tpu.memref_slice %arg19[%dma_wait3A_384, %dma_wait3A_385] : memref<10240x32xf32, #tpu.memory_space<vmem_shared>> -> memref<10240x32xf32, #tpu.memory_space<vmem_shared>>
      tpu.wait_indirect_dma semaphore(%arg20 : memref<!tpu.dma_semaphore, #tpu.memory_space<semaphore_mem>>) src(%dma_wait3A_386 : memref<10240x32xf32, #tpu.memory_space<vmem_shared>>) dst(%dma_wait3A_380 : memref<128x32xf32, #tpu.memory_space<vmem>>)
      %dma_wait3A_387 = arith.constant 0 : i32
      %dma_wait3A_388 = arith.constant 2 : i32
      %dma_wait3A_389 = arith.constant 0 : i32
      %dma_wait3A_390 = arith.constant 0 : i32
      %dma_wait3A_391 = tpu.memref_slice %arg13[%dma_wait3A_388, %dma_wait3A_389, %dma_wait3A_390] : memref<8x128x32xf32, #tpu.memory_space<vmem>> -> memref<1x128x32xf32, #tpu.memory_space<vmem>>
      %dma_wait3A_392 = tpu.memref_squeeze %dma_wait3A_391 : memref<1x128x32xf32, #tpu.memory_space<vmem>> -> memref<128x32xf32, #tpu.memory_space<vmem>>
      %dma_wait3A_393 = arith.constant 0 : i32
      %dma_wait3A_394 = tpu.memref_slice %arg11[%dma_wait3A_387, %dma_wait3A_393] : memref<160x128xi32, #tpu.memory_space<vmem>> -> memref<1x128xi32, #tpu.memory_space<vmem>>
      %dma_wait3A_395 = tpu.memref_squeeze %dma_wait3A_394 : memref<1x128xi32, #tpu.memory_space<vmem>> -> memref<128xi32, #tpu.memory_space<vmem>>
      %dma_wait3A_396 = arith.constant 0 : i32
      %dma_wait3A_397 = arith.constant 0 : i32
      %dma_wait3A_398 = tpu.memref_slice %arg19[%dma_wait3A_396, %dma_wait3A_397] : memref<10240x32xf32, #tpu.memory_space<vmem_shared>> -> memref<10240x32xf32, #tpu.memory_space<vmem_shared>>
      tpu.wait_indirect_dma semaphore(%arg20 : memref<!tpu.dma_semaphore, #tpu.memory_space<semaphore_mem>>) src(%dma_wait3A_398 : memref<10240x32xf32, #tpu.memory_space<vmem_shared>>) dst(%dma_wait3A_392 : memref<128x32xf32, #tpu.memory_space<vmem>>)
      %dma_wait3A_399 = arith.constant 0 : i32
      %dma_wait3A_400 = arith.constant 3 : i32
      %dma_wait3A_401 = arith.constant 0 : i32
      %dma_wait3A_402 = arith.constant 0 : i32
      %dma_wait3A_403 = tpu.memref_slice %arg13[%dma_wait3A_400, %dma_wait3A_401, %dma_wait3A_402] : memref<8x128x32xf32, #tpu.memory_space<vmem>> -> memref<1x128x32xf32, #tpu.memory_space<vmem>>
      %dma_wait3A_404 = tpu.memref_squeeze %dma_wait3A_403 : memref<1x128x32xf32, #tpu.memory_space<vmem>> -> memref<128x32xf32, #tpu.memory_space<vmem>>
      %dma_wait3A_405 = arith.constant 0 : i32
      %dma_wait3A_406 = tpu.memref_slice %arg11[%dma_wait3A_399, %dma_wait3A_405] : memref<160x128xi32, #tpu.memory_space<vmem>> -> memref<1x128xi32, #tpu.memory_space<vmem>>
      %dma_wait3A_407 = tpu.memref_squeeze %dma_wait3A_406 : memref<1x128xi32, #tpu.memory_space<vmem>> -> memref<128xi32, #tpu.memory_space<vmem>>
      %dma_wait3A_408 = arith.constant 0 : i32
      %dma_wait3A_409 = arith.constant 0 : i32
      %dma_wait3A_410 = tpu.memref_slice %arg19[%dma_wait3A_408, %dma_wait3A_409] : memref<10240x32xf32, #tpu.memory_space<vmem_shared>> -> memref<10240x32xf32, #tpu.memory_space<vmem_shared>>
      tpu.wait_indirect_dma semaphore(%arg20 : memref<!tpu.dma_semaphore, #tpu.memory_space<semaphore_mem>>) src(%dma_wait3A_410 : memref<10240x32xf32, #tpu.memory_space<vmem_shared>>) dst(%dma_wait3A_404 : memref<128x32xf32, #tpu.memory_space<vmem>>)
      %dma_wait3A_411 = arith.constant 0 : i32
      %dma_wait3A_412 = arith.constant 4 : i32
      %dma_wait3A_413 = arith.constant 0 : i32
      %dma_wait3A_414 = arith.constant 0 : i32
      %dma_wait3A_415 = tpu.memref_slice %arg13[%dma_wait3A_412, %dma_wait3A_413, %dma_wait3A_414] : memref<8x128x32xf32, #tpu.memory_space<vmem>> -> memref<1x128x32xf32, #tpu.memory_space<vmem>>
      %dma_wait3A_416 = tpu.memref_squeeze %dma_wait3A_415 : memref<1x128x32xf32, #tpu.memory_space<vmem>> -> memref<128x32xf32, #tpu.memory_space<vmem>>
      %dma_wait3A_417 = arith.constant 0 : i32
      %dma_wait3A_418 = tpu.memref_slice %arg11[%dma_wait3A_411, %dma_wait3A_417] : memref<160x128xi32, #tpu.memory_space<vmem>> -> memref<1x128xi32, #tpu.memory_space<vmem>>
      %dma_wait3A_419 = tpu.memref_squeeze %dma_wait3A_418 : memref<1x128xi32, #tpu.memory_space<vmem>> -> memref<128xi32, #tpu.memory_space<vmem>>
      %dma_wait3A_420 = arith.constant 0 : i32
      %dma_wait3A_421 = arith.constant 0 : i32
      %dma_wait3A_422 = tpu.memref_slice %arg19[%dma_wait3A_420, %dma_wait3A_421] : memref<10240x32xf32, #tpu.memory_space<vmem_shared>> -> memref<10240x32xf32, #tpu.memory_space<vmem_shared>>
      tpu.wait_indirect_dma semaphore(%arg20 : memref<!tpu.dma_semaphore, #tpu.memory_space<semaphore_mem>>) src(%dma_wait3A_422 : memref<10240x32xf32, #tpu.memory_space<vmem_shared>>) dst(%dma_wait3A_416 : memref<128x32xf32, #tpu.memory_space<vmem>>)
      %dma_wait3A_423 = arith.constant 0 : i32
      %dma_wait3A_424 = arith.constant 5 : i32
      %dma_wait3A_425 = arith.constant 0 : i32
      %dma_wait3A_426 = arith.constant 0 : i32
      %dma_wait3A_427 = tpu.memref_slice %arg13[%dma_wait3A_424, %dma_wait3A_425, %dma_wait3A_426] : memref<8x128x32xf32, #tpu.memory_space<vmem>> -> memref<1x128x32xf32, #tpu.memory_space<vmem>>
      %dma_wait3A_428 = tpu.memref_squeeze %dma_wait3A_427 : memref<1x128x32xf32, #tpu.memory_space<vmem>> -> memref<128x32xf32, #tpu.memory_space<vmem>>
      %dma_wait3A_429 = arith.constant 0 : i32
      %dma_wait3A_430 = tpu.memref_slice %arg11[%dma_wait3A_423, %dma_wait3A_429] : memref<160x128xi32, #tpu.memory_space<vmem>> -> memref<1x128xi32, #tpu.memory_space<vmem>>
      %dma_wait3A_431 = tpu.memref_squeeze %dma_wait3A_430 : memref<1x128xi32, #tpu.memory_space<vmem>> -> memref<128xi32, #tpu.memory_space<vmem>>
      %dma_wait3A_432 = arith.constant 0 : i32
      %dma_wait3A_433 = arith.constant 0 : i32
      %dma_wait3A_434 = tpu.memref_slice %arg19[%dma_wait3A_432, %dma_wait3A_433] : memref<10240x32xf32, #tpu.memory_space<vmem_shared>> -> memref<10240x32xf32, #tpu.memory_space<vmem_shared>>
      tpu.wait_indirect_dma semaphore(%arg20 : memref<!tpu.dma_semaphore, #tpu.memory_space<semaphore_mem>>) src(%dma_wait3A_434 : memref<10240x32xf32, #tpu.memory_space<vmem_shared>>) dst(%dma_wait3A_428 : memref<128x32xf32, #tpu.memory_space<vmem>>)
      %dma_wait3A_435 = arith.constant 0 : i32
      %dma_wait3A_436 = arith.constant 6 : i32
      %dma_wait3A_437 = arith.constant 0 : i32
      %dma_wait3A_438 = arith.constant 0 : i32
      %dma_wait3A_439 = tpu.memref_slice %arg13[%dma_wait3A_436, %dma_wait3A_437, %dma_wait3A_438] : memref<8x128x32xf32, #tpu.memory_space<vmem>> -> memref<1x128x32xf32, #tpu.memory_space<vmem>>
      %dma_wait3A_440 = tpu.memref_squeeze %dma_wait3A_439 : memref<1x128x32xf32, #tpu.memory_space<vmem>> -> memref<128x32xf32, #tpu.memory_space<vmem>>
      %dma_wait3A_441 = arith.constant 0 : i32
      %dma_wait3A_442 = tpu.memref_slice %arg11[%dma_wait3A_435, %dma_wait3A_441] : memref<160x128xi32, #tpu.memory_space<vmem>> -> memref<1x128xi32, #tpu.memory_space<vmem>>
      %dma_wait3A_443 = tpu.memref_squeeze %dma_wait3A_442 : memref<1x128xi32, #tpu.memory_space<vmem>> -> memref<128xi32, #tpu.memory_space<vmem>>
      %dma_wait3A_444 = arith.constant 0 : i32
      %dma_wait3A_445 = arith.constant 0 : i32
      %dma_wait3A_446 = tpu.memref_slice %arg19[%dma_wait3A_444, %dma_wait3A_445] : memref<10240x32xf32, #tpu.memory_space<vmem_shared>> -> memref<10240x32xf32, #tpu.memory_space<vmem_shared>>
      tpu.wait_indirect_dma semaphore(%arg20 : memref<!tpu.dma_semaphore, #tpu.memory_space<semaphore_mem>>) src(%dma_wait3A_446 : memref<10240x32xf32, #tpu.memory_space<vmem_shared>>) dst(%dma_wait3A_440 : memref<128x32xf32, #tpu.memory_space<vmem>>)
      %dma_wait3A_447 = arith.constant 0 : i32
      %dma_wait3A_448 = arith.constant 7 : i32
      %dma_wait3A_449 = arith.constant 0 : i32
      %dma_wait3A_450 = arith.constant 0 : i32
      %dma_wait3A_451 = tpu.memref_slice %arg13[%dma_wait3A_448, %dma_wait3A_449, %dma_wait3A_450] : memref<8x128x32xf32, #tpu.memory_space<vmem>> -> memref<1x128x32xf32, #tpu.memory_space<vmem>>
      %dma_wait3A_452 = tpu.memref_squeeze %dma_wait3A_451 : memref<1x128x32xf32, #tpu.memory_space<vmem>> -> memref<128x32xf32, #tpu.memory_space<vmem>>
      %dma_wait3A_453 = arith.constant 0 : i32
      %dma_wait3A_454 = tpu.memref_slice %arg11[%dma_wait3A_447, %dma_wait3A_453] : memref<160x128xi32, #tpu.memory_space<vmem>> -> memref<1x128xi32, #tpu.memory_space<vmem>>
      %dma_wait3A_455 = tpu.memref_squeeze %dma_wait3A_454 : memref<1x128xi32, #tpu.memory_space<vmem>> -> memref<128xi32, #tpu.memory_space<vmem>>
      %dma_wait3A_456 = arith.constant 0 : i32
      %dma_wait3A_457 = arith.constant 0 : i32
      %dma_wait3A_458 = tpu.memref_slice %arg19[%dma_wait3A_456, %dma_wait3A_457] : memref<10240x32xf32, #tpu.memory_space<vmem_shared>> -> memref<10240x32xf32, #tpu.memory_space<vmem_shared>>
      tpu.wait_indirect_dma semaphore(%arg20 : memref<!tpu.dma_semaphore, #tpu.memory_space<semaphore_mem>>) src(%dma_wait3A_458 : memref<10240x32xf32, #tpu.memory_space<vmem_shared>>) dst(%dma_wait3A_452 : memref<128x32xf32, #tpu.memory_space<vmem>>)
      %mul3A_459 = arith.constant 8 : i32
      %mul3A_460 = arith.muli %scan3A_240, %mul3A_459 : i32
      %add3A_461 = arith.constant 0 : i32
      %add3A_462 = arith.addi %mul3A_460, %add3A_461 : i32
      %dma_start3A_463 = arith.constant 0 : i32
      %dma_start3A_464 = arith.constant 0 : i32
      %dma_start3A_465 = arith.constant 0 : i32
      %dma_start3A_466 = tpu.memref_slice %arg13[%dma_start3A_463, %dma_start3A_464, %dma_start3A_465] : memref<8x128x32xf32, #tpu.memory_space<vmem>> -> memref<1x128x32xf32, #tpu.memory_space<vmem>>
      %dma_start3A_467 = tpu.memref_squeeze %dma_start3A_466 : memref<1x128x32xf32, #tpu.memory_space<vmem>> -> memref<128x32xf32, #tpu.memory_space<vmem>>
      %dma_start3A_468 = arith.constant 0 : i32
      %dma_start3A_469 = tpu.memref_slice %arg12[%add3A_462, %dma_start3A_468] : memref<160x128xi32, #tpu.memory_space<vmem>> -> memref<1x128xi32, #tpu.memory_space<vmem>>
      %dma_start3A_470 = tpu.memref_squeeze %dma_start3A_469 : memref<1x128xi32, #tpu.memory_space<vmem>> -> memref<128xi32, #tpu.memory_space<vmem>>
      %dma_start3A_471 = arith.constant 0 : i32
      %dma_start3A_472 = arith.constant 0 : i32
      %dma_start3A_473 = tpu.memref_slice %arg18[%dma_start3A_471, %dma_start3A_472] : memref<10240x32xf32, #tpu.memory_space<vmem_shared>> -> memref<10240x32xf32, #tpu.memory_space<vmem_shared>>
      tpu.enqueue_indirect_dma source(%dma_start3A_467 : memref<128x32xf32, #tpu.memory_space<vmem>>) target(%dma_start3A_473 : memref<10240x32xf32, #tpu.memory_space<vmem_shared>>) offsets(%dma_start3A_470 : memref<128xi32, #tpu.memory_space<vmem>>) semaphore(%arg21 : memref<!tpu.dma_semaphore, #tpu.memory_space<semaphore_mem>>) {add = true}
      %mul3A_474 = arith.constant 8 : i32
      %mul3A_475 = arith.muli %scan3A_240, %mul3A_474 : i32
      %add3A_476 = arith.constant 1 : i32
      %add3A_477 = arith.addi %mul3A_475, %add3A_476 : i32
      %dma_start3A_478 = arith.constant 1 : i32
      %dma_start3A_479 = arith.constant 0 : i32
      %dma_start3A_480 = arith.constant 0 : i32
      %dma_start3A_481 = tpu.memref_slice %arg13[%dma_start3A_478, %dma_start3A_479, %dma_start3A_480] : memref<8x128x32xf32, #tpu.memory_space<vmem>> -> memref<1x128x32xf32, #tpu.memory_space<vmem>>
      %dma_start3A_482 = tpu.memref_squeeze %dma_start3A_481 : memref<1x128x32xf32, #tpu.memory_space<vmem>> -> memref<128x32xf32, #tpu.memory_space<vmem>>
      %dma_start3A_483 = arith.constant 0 : i32
      %dma_start3A_484 = tpu.memref_slice %arg12[%add3A_477, %dma_start3A_483] : memref<160x128xi32, #tpu.memory_space<vmem>> -> memref<1x128xi32, #tpu.memory_space<vmem>>
      %dma_start3A_485 = tpu.memref_squeeze %dma_start3A_484 : memref<1x128xi32, #tpu.memory_space<vmem>> -> memref<128xi32, #tpu.memory_space<vmem>>
      %dma_start3A_486 = arith.constant 0 : i32
      %dma_start3A_487 = arith.constant 0 : i32
      %dma_start3A_488 = tpu.memref_slice %arg18[%dma_start3A_486, %dma_start3A_487] : memref<10240x32xf32, #tpu.memory_space<vmem_shared>> -> memref<10240x32xf32, #tpu.memory_space<vmem_shared>>
      tpu.enqueue_indirect_dma source(%dma_start3A_482 : memref<128x32xf32, #tpu.memory_space<vmem>>) target(%dma_start3A_488 : memref<10240x32xf32, #tpu.memory_space<vmem_shared>>) offsets(%dma_start3A_485 : memref<128xi32, #tpu.memory_space<vmem>>) semaphore(%arg21 : memref<!tpu.dma_semaphore, #tpu.memory_space<semaphore_mem>>) {add = true}
      %mul3A_489 = arith.constant 8 : i32
      %mul3A_490 = arith.muli %scan3A_240, %mul3A_489 : i32
      %add3A_491 = arith.constant 2 : i32
      %add3A_492 = arith.addi %mul3A_490, %add3A_491 : i32
      %dma_start3A_493 = arith.constant 2 : i32
      %dma_start3A_494 = arith.constant 0 : i32
      %dma_start3A_495 = arith.constant 0 : i32
      %dma_start3A_496 = tpu.memref_slice %arg13[%dma_start3A_493, %dma_start3A_494, %dma_start3A_495] : memref<8x128x32xf32, #tpu.memory_space<vmem>> -> memref<1x128x32xf32, #tpu.memory_space<vmem>>
      %dma_start3A_497 = tpu.memref_squeeze %dma_start3A_496 : memref<1x128x32xf32, #tpu.memory_space<vmem>> -> memref<128x32xf32, #tpu.memory_space<vmem>>
      %dma_start3A_498 = arith.constant 0 : i32
      %dma_start3A_499 = tpu.memref_slice %arg12[%add3A_492, %dma_start3A_498] : memref<160x128xi32, #tpu.memory_space<vmem>> -> memref<1x128xi32, #tpu.memory_space<vmem>>
      %dma_start3A_500 = tpu.memref_squeeze %dma_start3A_499 : memref<1x128xi32, #tpu.memory_space<vmem>> -> memref<128xi32, #tpu.memory_space<vmem>>
      %dma_start3A_501 = arith.constant 0 : i32
      %dma_start3A_502 = arith.constant 0 : i32
      %dma_start3A_503 = tpu.memref_slice %arg18[%dma_start3A_501, %dma_start3A_502] : memref<10240x32xf32, #tpu.memory_space<vmem_shared>> -> memref<10240x32xf32, #tpu.memory_space<vmem_shared>>
      tpu.enqueue_indirect_dma source(%dma_start3A_497 : memref<128x32xf32, #tpu.memory_space<vmem>>) target(%dma_start3A_503 : memref<10240x32xf32, #tpu.memory_space<vmem_shared>>) offsets(%dma_start3A_500 : memref<128xi32, #tpu.memory_space<vmem>>) semaphore(%arg21 : memref<!tpu.dma_semaphore, #tpu.memory_space<semaphore_mem>>) {add = true}
      %mul3A_504 = arith.constant 8 : i32
      %mul3A_505 = arith.muli %scan3A_240, %mul3A_504 : i32
      %add3A_506 = arith.constant 3 : i32
      %add3A_507 = arith.addi %mul3A_505, %add3A_506 : i32
      %dma_start3A_508 = arith.constant 3 : i32
      %dma_start3A_509 = arith.constant 0 : i32
      %dma_start3A_510 = arith.constant 0 : i32
      %dma_start3A_511 = tpu.memref_slice %arg13[%dma_start3A_508, %dma_start3A_509, %dma_start3A_510] : memref<8x128x32xf32, #tpu.memory_space<vmem>> -> memref<1x128x32xf32, #tpu.memory_space<vmem>>
      %dma_start3A_512 = tpu.memref_squeeze %dma_start3A_511 : memref<1x128x32xf32, #tpu.memory_space<vmem>> -> memref<128x32xf32, #tpu.memory_space<vmem>>
      %dma_start3A_513 = arith.constant 0 : i32
      %dma_start3A_514 = tpu.memref_slice %arg12[%add3A_507, %dma_start3A_513] : memref<160x128xi32, #tpu.memory_space<vmem>> -> memref<1x128xi32, #tpu.memory_space<vmem>>
      %dma_start3A_515 = tpu.memref_squeeze %dma_start3A_514 : memref<1x128xi32, #tpu.memory_space<vmem>> -> memref<128xi32, #tpu.memory_space<vmem>>
      %dma_start3A_516 = arith.constant 0 : i32
      %dma_start3A_517 = arith.constant 0 : i32
      %dma_start3A_518 = tpu.memref_slice %arg18[%dma_start3A_516, %dma_start3A_517] : memref<10240x32xf32, #tpu.memory_space<vmem_shared>> -> memref<10240x32xf32, #tpu.memory_space<vmem_shared>>
      tpu.enqueue_indirect_dma source(%dma_start3A_512 : memref<128x32xf32, #tpu.memory_space<vmem>>) target(%dma_start3A_518 : memref<10240x32xf32, #tpu.memory_space<vmem_shared>>) offsets(%dma_start3A_515 : memref<128xi32, #tpu.memory_space<vmem>>) semaphore(%arg21 : memref<!tpu.dma_semaphore, #tpu.memory_space<semaphore_mem>>) {add = true}
      %mul3A_519 = arith.constant 8 : i32
      %mul3A_520 = arith.muli %scan3A_240, %mul3A_519 : i32
      %add3A_521 = arith.constant 4 : i32
      %add3A_522 = arith.addi %mul3A_520, %add3A_521 : i32
      %dma_start3A_523 = arith.constant 4 : i32
      %dma_start3A_524 = arith.constant 0 : i32
      %dma_start3A_525 = arith.constant 0 : i32
      %dma_start3A_526 = tpu.memref_slice %arg13[%dma_start3A_523, %dma_start3A_524, %dma_start3A_525] : memref<8x128x32xf32, #tpu.memory_space<vmem>> -> memref<1x128x32xf32, #tpu.memory_space<vmem>>
      %dma_start3A_527 = tpu.memref_squeeze %dma_start3A_526 : memref<1x128x32xf32, #tpu.memory_space<vmem>> -> memref<128x32xf32, #tpu.memory_space<vmem>>
      %dma_start3A_528 = arith.constant 0 : i32
      %dma_start3A_529 = tpu.memref_slice %arg12[%add3A_522, %dma_start3A_528] : memref<160x128xi32, #tpu.memory_space<vmem>> -> memref<1x128xi32, #tpu.memory_space<vmem>>
      %dma_start3A_530 = tpu.memref_squeeze %dma_start3A_529 : memref<1x128xi32, #tpu.memory_space<vmem>> -> memref<128xi32, #tpu.memory_space<vmem>>
      %dma_start3A_531 = arith.constant 0 : i32
      %dma_start3A_532 = arith.constant 0 : i32
      %dma_start3A_533 = tpu.memref_slice %arg18[%dma_start3A_531, %dma_start3A_532] : memref<10240x32xf32, #tpu.memory_space<vmem_shared>> -> memref<10240x32xf32, #tpu.memory_space<vmem_shared>>
      tpu.enqueue_indirect_dma source(%dma_start3A_527 : memref<128x32xf32, #tpu.memory_space<vmem>>) target(%dma_start3A_533 : memref<10240x32xf32, #tpu.memory_space<vmem_shared>>) offsets(%dma_start3A_530 : memref<128xi32, #tpu.memory_space<vmem>>) semaphore(%arg21 : memref<!tpu.dma_semaphore, #tpu.memory_space<semaphore_mem>>) {add = true}
      %mul3A_534 = arith.constant 8 : i32
      %mul3A_535 = arith.muli %scan3A_240, %mul3A_534 : i32
      %add3A_536 = arith.constant 5 : i32
      %add3A_537 = arith.addi %mul3A_535, %add3A_536 : i32
      %dma_start3A_538 = arith.constant 5 : i32
      %dma_start3A_539 = arith.constant 0 : i32
      %dma_start3A_540 = arith.constant 0 : i32
      %dma_start3A_541 = tpu.memref_slice %arg13[%dma_start3A_538, %dma_start3A_539, %dma_start3A_540] : memref<8x128x32xf32, #tpu.memory_space<vmem>> -> memref<1x128x32xf32, #tpu.memory_space<vmem>>
      %dma_start3A_542 = tpu.memref_squeeze %dma_start3A_541 : memref<1x128x32xf32, #tpu.memory_space<vmem>> -> memref<128x32xf32, #tpu.memory_space<vmem>>
      %dma_start3A_543 = arith.constant 0 : i32
      %dma_start3A_544 = tpu.memref_slice %arg12[%add3A_537, %dma_start3A_543] : memref<160x128xi32, #tpu.memory_space<vmem>> -> memref<1x128xi32, #tpu.memory_space<vmem>>
      %dma_start3A_545 = tpu.memref_squeeze %dma_start3A_544 : memref<1x128xi32, #tpu.memory_space<vmem>> -> memref<128xi32, #tpu.memory_space<vmem>>
      %dma_start3A_546 = arith.constant 0 : i32
      %dma_start3A_547 = arith.constant 0 : i32
      %dma_start3A_548 = tpu.memref_slice %arg18[%dma_start3A_546, %dma_start3A_547] : memref<10240x32xf32, #tpu.memory_space<vmem_shared>> -> memref<10240x32xf32, #tpu.memory_space<vmem_shared>>
      tpu.enqueue_indirect_dma source(%dma_start3A_542 : memref<128x32xf32, #tpu.memory_space<vmem>>) target(%dma_start3A_548 : memref<10240x32xf32, #tpu.memory_space<vmem_shared>>) offsets(%dma_start3A_545 : memref<128xi32, #tpu.memory_space<vmem>>) semaphore(%arg21 : memref<!tpu.dma_semaphore, #tpu.memory_space<semaphore_mem>>) {add = true}
      %mul3A_549 = arith.constant 8 : i32
      %mul3A_550 = arith.muli %scan3A_240, %mul3A_549 : i32
      %add3A_551 = arith.constant 6 : i32
      %add3A_552 = arith.addi %mul3A_550, %add3A_551 : i32
      %dma_start3A_553 = arith.constant 6 : i32
      %dma_start3A_554 = arith.constant 0 : i32
      %dma_start3A_555 = arith.constant 0 : i32
      %dma_start3A_556 = tpu.memref_slice %arg13[%dma_start3A_553, %dma_start3A_554, %dma_start3A_555] : memref<8x128x32xf32, #tpu.memory_space<vmem>> -> memref<1x128x32xf32, #tpu.memory_space<vmem>>
      %dma_start3A_557 = tpu.memref_squeeze %dma_start3A_556 : memref<1x128x32xf32, #tpu.memory_space<vmem>> -> memref<128x32xf32, #tpu.memory_space<vmem>>
      %dma_start3A_558 = arith.constant 0 : i32
      %dma_start3A_559 = tpu.memref_slice %arg12[%add3A_552, %dma_start3A_558] : memref<160x128xi32, #tpu.memory_space<vmem>> -> memref<1x128xi32, #tpu.memory_space<vmem>>
      %dma_start3A_560 = tpu.memref_squeeze %dma_start3A_559 : memref<1x128xi32, #tpu.memory_space<vmem>> -> memref<128xi32, #tpu.memory_space<vmem>>
      %dma_start3A_561 = arith.constant 0 : i32
      %dma_start3A_562 = arith.constant 0 : i32
      %dma_start3A_563 = tpu.memref_slice %arg18[%dma_start3A_561, %dma_start3A_562] : memref<10240x32xf32, #tpu.memory_space<vmem_shared>> -> memref<10240x32xf32, #tpu.memory_space<vmem_shared>>
      tpu.enqueue_indirect_dma source(%dma_start3A_557 : memref<128x32xf32, #tpu.memory_space<vmem>>) target(%dma_start3A_563 : memref<10240x32xf32, #tpu.memory_space<vmem_shared>>) offsets(%dma_start3A_560 : memref<128xi32, #tpu.memory_space<vmem>>) semaphore(%arg21 : memref<!tpu.dma_semaphore, #tpu.memory_space<semaphore_mem>>) {add = true}
      %mul3A_564 = arith.constant 8 : i32
      %mul3A_565 = arith.muli %scan3A_240, %mul3A_564 : i32
      %add3A_566 = arith.constant 7 : i32
      %add3A_567 = arith.addi %mul3A_565, %add3A_566 : i32
      %dma_start3A_568 = arith.constant 7 : i32
      %dma_start3A_569 = arith.constant 0 : i32
      %dma_start3A_570 = arith.constant 0 : i32
      %dma_start3A_571 = tpu.memref_slice %arg13[%dma_start3A_568, %dma_start3A_569, %dma_start3A_570] : memref<8x128x32xf32, #tpu.memory_space<vmem>> -> memref<1x128x32xf32, #tpu.memory_space<vmem>>
      %dma_start3A_572 = tpu.memref_squeeze %dma_start3A_571 : memref<1x128x32xf32, #tpu.memory_space<vmem>> -> memref<128x32xf32, #tpu.memory_space<vmem>>
      %dma_start3A_573 = arith.constant 0 : i32
      %dma_start3A_574 = tpu.memref_slice %arg12[%add3A_567, %dma_start3A_573] : memref<160x128xi32, #tpu.memory_space<vmem>> -> memref<1x128xi32, #tpu.memory_space<vmem>>
      %dma_start3A_575 = tpu.memref_squeeze %dma_start3A_574 : memref<1x128xi32, #tpu.memory_space<vmem>> -> memref<128xi32, #tpu.memory_space<vmem>>
      %dma_start3A_576 = arith.constant 0 : i32
      %dma_start3A_577 = arith.constant 0 : i32
      %dma_start3A_578 = tpu.memref_slice %arg18[%dma_start3A_576, %dma_start3A_577] : memref<10240x32xf32, #tpu.memory_space<vmem_shared>> -> memref<10240x32xf32, #tpu.memory_space<vmem_shared>>
      tpu.enqueue_indirect_dma source(%dma_start3A_572 : memref<128x32xf32, #tpu.memory_space<vmem>>) target(%dma_start3A_578 : memref<10240x32xf32, #tpu.memory_space<vmem_shared>>) offsets(%dma_start3A_575 : memref<128xi32, #tpu.memory_space<vmem>>) semaphore(%arg21 : memref<!tpu.dma_semaphore, #tpu.memory_space<semaphore_mem>>) {add = true}
    }
    %scan3A_132 = arith.constant 20 : i32
    %dma_wait3A_133 = arith.constant 0 : i32
    %dma_wait3A_134 = arith.constant 0 : i32
    %dma_wait3A_135 = arith.constant 0 : i32
    %dma_wait3A_136 = arith.constant 0 : i32
    %dma_wait3A_137 = tpu.memref_slice %arg13[%dma_wait3A_133, %dma_wait3A_135, %dma_wait3A_136] : memref<8x128x32xf32, #tpu.memory_space<vmem>> -> memref<1x128x32xf32, #tpu.memory_space<vmem>>
    %dma_wait3A_138 = tpu.memref_squeeze %dma_wait3A_137 : memref<1x128x32xf32, #tpu.memory_space<vmem>> -> memref<128x32xf32, #tpu.memory_space<vmem>>
    %dma_wait3A_139 = arith.constant 0 : i32
    %dma_wait3A_140 = tpu.memref_slice %arg12[%dma_wait3A_134, %dma_wait3A_139] : memref<160x128xi32, #tpu.memory_space<vmem>> -> memref<1x128xi32, #tpu.memory_space<vmem>>
    %dma_wait3A_141 = tpu.memref_squeeze %dma_wait3A_140 : memref<1x128xi32, #tpu.memory_space<vmem>> -> memref<128xi32, #tpu.memory_space<vmem>>
    %dma_wait3A_142 = arith.constant 0 : i32
    %dma_wait3A_143 = arith.constant 0 : i32
    %dma_wait3A_144 = tpu.memref_slice %arg18[%dma_wait3A_142, %dma_wait3A_143] : memref<10240x32xf32, #tpu.memory_space<vmem_shared>> -> memref<10240x32xf32, #tpu.memory_space<vmem_shared>>
    tpu.wait_indirect_dma semaphore(%arg21 : memref<!tpu.dma_semaphore, #tpu.memory_space<semaphore_mem>>) src(%dma_wait3A_138 : memref<128x32xf32, #tpu.memory_space<vmem>>) dst(%dma_wait3A_144 : memref<10240x32xf32, #tpu.memory_space<vmem_shared>>)
    %dma_wait3A_145 = arith.constant 1 : i32
    %dma_wait3A_146 = arith.constant 0 : i32
    %dma_wait3A_147 = arith.constant 0 : i32
    %dma_wait3A_148 = arith.constant 0 : i32
    %dma_wait3A_149 = tpu.memref_slice %arg13[%dma_wait3A_145, %dma_wait3A_147, %dma_wait3A_148] : memref<8x128x32xf32, #tpu.memory_space<vmem>> -> memref<1x128x32xf32, #tpu.memory_space<vmem>>
    %dma_wait3A_150 = tpu.memref_squeeze %dma_wait3A_149 : memref<1x128x32xf32, #tpu.memory_space<vmem>> -> memref<128x32xf32, #tpu.memory_space<vmem>>
    %dma_wait3A_151 = arith.constant 0 : i32
    %dma_wait3A_152 = tpu.memref_slice %arg12[%dma_wait3A_146, %dma_wait3A_151] : memref<160x128xi32, #tpu.memory_space<vmem>> -> memref<1x128xi32, #tpu.memory_space<vmem>>
    %dma_wait3A_153 = tpu.memref_squeeze %dma_wait3A_152 : memref<1x128xi32, #tpu.memory_space<vmem>> -> memref<128xi32, #tpu.memory_space<vmem>>
    %dma_wait3A_154 = arith.constant 0 : i32
    %dma_wait3A_155 = arith.constant 0 : i32
    %dma_wait3A_156 = tpu.memref_slice %arg18[%dma_wait3A_154, %dma_wait3A_155] : memref<10240x32xf32, #tpu.memory_space<vmem_shared>> -> memref<10240x32xf32, #tpu.memory_space<vmem_shared>>
    tpu.wait_indirect_dma semaphore(%arg21 : memref<!tpu.dma_semaphore, #tpu.memory_space<semaphore_mem>>) src(%dma_wait3A_150 : memref<128x32xf32, #tpu.memory_space<vmem>>) dst(%dma_wait3A_156 : memref<10240x32xf32, #tpu.memory_space<vmem_shared>>)
    %dma_wait3A_157 = arith.constant 2 : i32
    %dma_wait3A_158 = arith.constant 0 : i32
    %dma_wait3A_159 = arith.constant 0 : i32
    %dma_wait3A_160 = arith.constant 0 : i32
    %dma_wait3A_161 = tpu.memref_slice %arg13[%dma_wait3A_157, %dma_wait3A_159, %dma_wait3A_160] : memref<8x128x32xf32, #tpu.memory_space<vmem>> -> memref<1x128x32xf32, #tpu.memory_space<vmem>>
    %dma_wait3A_162 = tpu.memref_squeeze %dma_wait3A_161 : memref<1x128x32xf32, #tpu.memory_space<vmem>> -> memref<128x32xf32, #tpu.memory_space<vmem>>
    %dma_wait3A_163 = arith.constant 0 : i32
    %dma_wait3A_164 = tpu.memref_slice %arg12[%dma_wait3A_158, %dma_wait3A_163] : memref<160x128xi32, #tpu.memory_space<vmem>> -> memref<1x128xi32, #tpu.memory_space<vmem>>
    %dma_wait3A_165 = tpu.memref_squeeze %dma_wait3A_164 : memref<1x128xi32, #tpu.memory_space<vmem>> -> memref<128xi32, #tpu.memory_space<vmem>>
    %dma_wait3A_166 = arith.constant 0 : i32
    %dma_wait3A_167 = arith.constant 0 : i32
    %dma_wait3A_168 = tpu.memref_slice %arg18[%dma_wait3A_166, %dma_wait3A_167] : memref<10240x32xf32, #tpu.memory_space<vmem_shared>> -> memref<10240x32xf32, #tpu.memory_space<vmem_shared>>
    tpu.wait_indirect_dma semaphore(%arg21 : memref<!tpu.dma_semaphore, #tpu.memory_space<semaphore_mem>>) src(%dma_wait3A_162 : memref<128x32xf32, #tpu.memory_space<vmem>>) dst(%dma_wait3A_168 : memref<10240x32xf32, #tpu.memory_space<vmem_shared>>)
    %dma_wait3A_169 = arith.constant 3 : i32
    %dma_wait3A_170 = arith.constant 0 : i32
    %dma_wait3A_171 = arith.constant 0 : i32
    %dma_wait3A_172 = arith.constant 0 : i32
    %dma_wait3A_173 = tpu.memref_slice %arg13[%dma_wait3A_169, %dma_wait3A_171, %dma_wait3A_172] : memref<8x128x32xf32, #tpu.memory_space<vmem>> -> memref<1x128x32xf32, #tpu.memory_space<vmem>>
    %dma_wait3A_174 = tpu.memref_squeeze %dma_wait3A_173 : memref<1x128x32xf32, #tpu.memory_space<vmem>> -> memref<128x32xf32, #tpu.memory_space<vmem>>
    %dma_wait3A_175 = arith.constant 0 : i32
    %dma_wait3A_176 = tpu.memref_slice %arg12[%dma_wait3A_170, %dma_wait3A_175] : memref<160x128xi32, #tpu.memory_space<vmem>> -> memref<1x128xi32, #tpu.memory_space<vmem>>
    %dma_wait3A_177 = tpu.memref_squeeze %dma_wait3A_176 : memref<1x128xi32, #tpu.memory_space<vmem>> -> memref<128xi32, #tpu.memory_space<vmem>>
    %dma_wait3A_178 = arith.constant 0 : i32
    %dma_wait3A_179 = arith.constant 0 : i32
    %dma_wait3A_180 = tpu.memref_slice %arg18[%dma_wait3A_178, %dma_wait3A_179] : memref<10240x32xf32, #tpu.memory_space<vmem_shared>> -> memref<10240x32xf32, #tpu.memory_space<vmem_shared>>
    tpu.wait_indirect_dma semaphore(%arg21 : memref<!tpu.dma_semaphore, #tpu.memory_space<semaphore_mem>>) src(%dma_wait3A_174 : memref<128x32xf32, #tpu.memory_space<vmem>>) dst(%dma_wait3A_180 : memref<10240x32xf32, #tpu.memory_space<vmem_shared>>)
    %dma_wait3A_181 = arith.constant 4 : i32
    %dma_wait3A_182 = arith.constant 0 : i32
    %dma_wait3A_183 = arith.constant 0 : i32
    %dma_wait3A_184 = arith.constant 0 : i32
    %dma_wait3A_185 = tpu.memref_slice %arg13[%dma_wait3A_181, %dma_wait3A_183, %dma_wait3A_184] : memref<8x128x32xf32, #tpu.memory_space<vmem>> -> memref<1x128x32xf32, #tpu.memory_space<vmem>>
    %dma_wait3A_186 = tpu.memref_squeeze %dma_wait3A_185 : memref<1x128x32xf32, #tpu.memory_space<vmem>> -> memref<128x32xf32, #tpu.memory_space<vmem>>
    %dma_wait3A_187 = arith.constant 0 : i32
    %dma_wait3A_188 = tpu.memref_slice %arg12[%dma_wait3A_182, %dma_wait3A_187] : memref<160x128xi32, #tpu.memory_space<vmem>> -> memref<1x128xi32, #tpu.memory_space<vmem>>
    %dma_wait3A_189 = tpu.memref_squeeze %dma_wait3A_188 : memref<1x128xi32, #tpu.memory_space<vmem>> -> memref<128xi32, #tpu.memory_space<vmem>>
    %dma_wait3A_190 = arith.constant 0 : i32
    %dma_wait3A_191 = arith.constant 0 : i32
    %dma_wait3A_192 = tpu.memref_slice %arg18[%dma_wait3A_190, %dma_wait3A_191] : memref<10240x32xf32, #tpu.memory_space<vmem_shared>> -> memref<10240x32xf32, #tpu.memory_space<vmem_shared>>
    tpu.wait_indirect_dma semaphore(%arg21 : memref<!tpu.dma_semaphore, #tpu.memory_space<semaphore_mem>>) src(%dma_wait3A_186 : memref<128x32xf32, #tpu.memory_space<vmem>>) dst(%dma_wait3A_192 : memref<10240x32xf32, #tpu.memory_space<vmem_shared>>)
    %dma_wait3A_193 = arith.constant 5 : i32
    %dma_wait3A_194 = arith.constant 0 : i32
    %dma_wait3A_195 = arith.constant 0 : i32
    %dma_wait3A_196 = arith.constant 0 : i32
    %dma_wait3A_197 = tpu.memref_slice %arg13[%dma_wait3A_193, %dma_wait3A_195, %dma_wait3A_196] : memref<8x128x32xf32, #tpu.memory_space<vmem>> -> memref<1x128x32xf32, #tpu.memory_space<vmem>>
    %dma_wait3A_198 = tpu.memref_squeeze %dma_wait3A_197 : memref<1x128x32xf32, #tpu.memory_space<vmem>> -> memref<128x32xf32, #tpu.memory_space<vmem>>
    %dma_wait3A_199 = arith.constant 0 : i32
    %dma_wait3A_200 = tpu.memref_slice %arg12[%dma_wait3A_194, %dma_wait3A_199] : memref<160x128xi32, #tpu.memory_space<vmem>> -> memref<1x128xi32, #tpu.memory_space<vmem>>
    %dma_wait3A_201 = tpu.memref_squeeze %dma_wait3A_200 : memref<1x128xi32, #tpu.memory_space<vmem>> -> memref<128xi32, #tpu.memory_space<vmem>>
    %dma_wait3A_202 = arith.constant 0 : i32
    %dma_wait3A_203 = arith.constant 0 : i32
    %dma_wait3A_204 = tpu.memref_slice %arg18[%dma_wait3A_202, %dma_wait3A_203] : memref<10240x32xf32, #tpu.memory_space<vmem_shared>> -> memref<10240x32xf32, #tpu.memory_space<vmem_shared>>
    tpu.wait_indirect_dma semaphore(%arg21 : memref<!tpu.dma_semaphore, #tpu.memory_space<semaphore_mem>>) src(%dma_wait3A_198 : memref<128x32xf32, #tpu.memory_space<vmem>>) dst(%dma_wait3A_204 : memref<10240x32xf32, #tpu.memory_space<vmem_shared>>)
    %dma_wait3A_205 = arith.constant 6 : i32
    %dma_wait3A_206 = arith.constant 0 : i32
    %dma_wait3A_207 = arith.constant 0 : i32
    %dma_wait3A_208 = arith.constant 0 : i32
    %dma_wait3A_209 = tpu.memref_slice %arg13[%dma_wait3A_205, %dma_wait3A_207, %dma_wait3A_208] : memref<8x128x32xf32, #tpu.memory_space<vmem>> -> memref<1x128x32xf32, #tpu.memory_space<vmem>>
    %dma_wait3A_210 = tpu.memref_squeeze %dma_wait3A_209 : memref<1x128x32xf32, #tpu.memory_space<vmem>> -> memref<128x32xf32, #tpu.memory_space<vmem>>
    %dma_wait3A_211 = arith.constant 0 : i32
    %dma_wait3A_212 = tpu.memref_slice %arg12[%dma_wait3A_206, %dma_wait3A_211] : memref<160x128xi32, #tpu.memory_space<vmem>> -> memref<1x128xi32, #tpu.memory_space<vmem>>
    %dma_wait3A_213 = tpu.memref_squeeze %dma_wait3A_212 : memref<1x128xi32, #tpu.memory_space<vmem>> -> memref<128xi32, #tpu.memory_space<vmem>>
    %dma_wait3A_214 = arith.constant 0 : i32
    %dma_wait3A_215 = arith.constant 0 : i32
    %dma_wait3A_216 = tpu.memref_slice %arg18[%dma_wait3A_214, %dma_wait3A_215] : memref<10240x32xf32, #tpu.memory_space<vmem_shared>> -> memref<10240x32xf32, #tpu.memory_space<vmem_shared>>
    tpu.wait_indirect_dma semaphore(%arg21 : memref<!tpu.dma_semaphore, #tpu.memory_space<semaphore_mem>>) src(%dma_wait3A_210 : memref<128x32xf32, #tpu.memory_space<vmem>>) dst(%dma_wait3A_216 : memref<10240x32xf32, #tpu.memory_space<vmem_shared>>)
    %dma_wait3A_217 = arith.constant 7 : i32
    %dma_wait3A_218 = arith.constant 0 : i32
    %dma_wait3A_219 = arith.constant 0 : i32
    %dma_wait3A_220 = arith.constant 0 : i32
    %dma_wait3A_221 = tpu.memref_slice %arg13[%dma_wait3A_217, %dma_wait3A_219, %dma_wait3A_220] : memref<8x128x32xf32, #tpu.memory_space<vmem>> -> memref<1x128x32xf32, #tpu.memory_space<vmem>>
    %dma_wait3A_222 = tpu.memref_squeeze %dma_wait3A_221 : memref<1x128x32xf32, #tpu.memory_space<vmem>> -> memref<128x32xf32, #tpu.memory_space<vmem>>
    %dma_wait3A_223 = arith.constant 0 : i32
    %dma_wait3A_224 = tpu.memref_slice %arg12[%dma_wait3A_218, %dma_wait3A_223] : memref<160x128xi32, #tpu.memory_space<vmem>> -> memref<1x128xi32, #tpu.memory_space<vmem>>
    %dma_wait3A_225 = tpu.memref_squeeze %dma_wait3A_224 : memref<1x128xi32, #tpu.memory_space<vmem>> -> memref<128xi32, #tpu.memory_space<vmem>>
    %dma_wait3A_226 = arith.constant 0 : i32
    %dma_wait3A_227 = arith.constant 0 : i32
    %dma_wait3A_228 = tpu.memref_slice %arg18[%dma_wait3A_226, %dma_wait3A_227] : memref<10240x32xf32, #tpu.memory_space<vmem_shared>> -> memref<10240x32xf32, #tpu.memory_space<vmem_shared>>
    tpu.wait_indirect_dma semaphore(%arg21 : memref<!tpu.dma_semaphore, #tpu.memory_space<semaphore_mem>>) src(%dma_wait3A_222 : memref<128x32xf32, #tpu.memory_space<vmem>>) dst(%dma_wait3A_228 : memref<10240x32xf32, #tpu.memory_space<vmem_shared>>)
    %barrier3A_229 = arith.constant 0 : index
    tpu.barrier barrier_id(%barrier3A_229)
    %eq3A_230 = arith.constant 0 : i32
    %eq3A_231 = arith.cmpi eq, %arg0, %eq3A_230 : i32
    %convert_element_type3A_232 = arith.extui %eq3A_231 : i1 to i32
    %cond3A_233 = arith.constant 0 : i32
    %cond3A_234 = arith.cmpi ne, %convert_element_type3A_232, %cond3A_233 : i32
    scf.if %cond3A_234 {
      %mul3A_240 = arith.constant 640 : i32
      %mul3A_241 = arith.muli %arg1, %mul3A_240 : i32
      %mul3A_242 = arith.constant 640 : i32
      %mul3A_243 = arith.muli %arg1, %mul3A_242 : i32
      "tpu.region"() ({
        %run_scoped3A = tpu.sem_alloc : memref<!tpu.dma_semaphore, #tpu.memory_space<semaphore_mem>>
        %dma_start3A = arith.constant 0 : i32
        %dma_start3A_244 = tpu.memref_slice %arg9[%mul3A_243, %dma_start3A] : memref<10240x32xf32, #tpu.memory_space<hbm>> -> memref<640x32xf32, #tpu.memory_space<hbm>>
        %dma_start3A_245 = arith.constant 0 : i32
        %dma_start3A_246 = tpu.memref_slice %arg18[%mul3A_241, %dma_start3A_245] : memref<10240x32xf32, #tpu.memory_space<vmem_shared>> -> memref<640x32xf32, #tpu.memory_space<vmem_shared>>
        tpu.enqueue_dma source(%dma_start3A_246 : memref<640x32xf32, #tpu.memory_space<vmem_shared>>) target(%dma_start3A_244 : memref<640x32xf32, #tpu.memory_space<hbm>>) target_semaphore(%run_scoped3A : memref<!tpu.dma_semaphore, #tpu.memory_space<semaphore_mem>>)
        %dma_wait3A_247 = arith.constant 0 : i32
        %dma_wait3A_248 = tpu.memref_slice %arg9[%mul3A_243, %dma_wait3A_247] : memref<10240x32xf32, #tpu.memory_space<hbm>> -> memref<640x32xf32, #tpu.memory_space<hbm>>
        %dma_wait3A_249 = arith.constant 0 : i32
        %dma_wait3A_250 = tpu.memref_slice %arg18[%mul3A_241, %dma_wait3A_249] : memref<10240x32xf32, #tpu.memory_space<vmem_shared>> -> memref<640x32xf32, #tpu.memory_space<vmem_shared>>
        tpu.wait_dma2 semaphore(%run_scoped3A : memref<!tpu.dma_semaphore, #tpu.memory_space<semaphore_mem>>) src(%dma_wait3A_250 : memref<640x32xf32, #tpu.memory_space<vmem_shared>>) dst(%dma_wait3A_248 : memref<640x32xf32, #tpu.memory_space<hbm>>)
        tpu.yield
      }) : () -> ()
    } else {
    }
    %eq3A_235 = arith.constant 1 : i32
    %eq3A_236 = arith.cmpi eq, %arg0, %eq3A_235 : i32
    %convert_element_type3A_237 = arith.extui %eq3A_236 : i1 to i32
    %cond3A_238 = arith.constant 0 : i32
    %cond3A_239 = arith.cmpi ne, %convert_element_type3A_237, %cond3A_238 : i32
    scf.if %cond3A_239 {
      %mul3A_240 = arith.constant 640 : i32
      %mul3A_241 = arith.muli %arg1, %mul3A_240 : i32
      %mul3A_242 = arith.constant 640 : i32
      %mul3A_243 = arith.muli %arg1, %mul3A_242 : i32
      "tpu.region"() ({
        %run_scoped3A = tpu.sem_alloc : memref<!tpu.dma_semaphore, #tpu.memory_space<semaphore_mem>>
        %dma_start3A = arith.constant 0 : i32
        %dma_start3A_244 = tpu.memref_slice %arg10[%mul3A_243, %dma_start3A] : memref<10240x32xf32, #tpu.memory_space<hbm>> -> memref<640x32xf32, #tpu.memory_space<hbm>>
        %dma_start3A_245 = arith.constant 0 : i32
        %dma_start3A_246 = tpu.memref_slice %arg18[%mul3A_241, %dma_start3A_245] : memref<10240x32xf32, #tpu.memory_space<vmem_shared>> -> memref<640x32xf32, #tpu.memory_space<vmem_shared>>
        tpu.enqueue_dma source(%dma_start3A_246 : memref<640x32xf32, #tpu.memory_space<vmem_shared>>) target(%dma_start3A_244 : memref<640x32xf32, #tpu.memory_space<hbm>>) target_semaphore(%run_scoped3A : memref<!tpu.dma_semaphore, #tpu.memory_space<semaphore_mem>>)
        %dma_wait3A_247 = arith.constant 0 : i32
        %dma_wait3A_248 = tpu.memref_slice %arg10[%mul3A_243, %dma_wait3A_247] : memref<10240x32xf32, #tpu.memory_space<hbm>> -> memref<640x32xf32, #tpu.memory_space<hbm>>
        %dma_wait3A_249 = arith.constant 0 : i32
        %dma_wait3A_250 = tpu.memref_slice %arg18[%mul3A_241, %dma_wait3A_249] : memref<10240x32xf32, #tpu.memory_space<vmem_shared>> -> memref<640x32xf32, #tpu.memory_space<vmem_shared>>
        tpu.wait_dma2 semaphore(%run_scoped3A : memref<!tpu.dma_semaphore, #tpu.memory_space<semaphore_mem>>) src(%dma_wait3A_250 : memref<640x32xf32, #tpu.memory_space<vmem_shared>>) dst(%dma_wait3A_248 : memref<640x32xf32, #tpu.memory_space<hbm>>)
        tpu.yield
      }) : () -> ()
    } else {
    }
    return
  }
}

#map = affine_map<(d0, d1) -> (0, 0, 0)>
#map1 = affine_map<(d0, d1) -> (0, 0)>
module attributes {stable_mosaic.version = 14 : i64} {
  func.func @_prop_body(%arg0: i32, %arg1: i32, %arg2: memref<2x10240x32xf32, #tpu.memory_space<hbm>>, %arg3: memref<2560x128xi32, #tpu.memory_space<hbm>>, %arg4: memref<2560x128xi32, #tpu.memory_space<hbm>>, %arg5: memref<2x10240x32xf32, #tpu.memory_space<hbm>>, %arg6: memref<160x128xi32, #tpu.memory_space<vmem>>, %arg7: memref<160x128xi32, #tpu.memory_space<vmem>>, %arg8: memref<8x128x32xf32, #tpu.memory_space<vmem>>, %arg9: memref<10240x32xf32, #tpu.memory_space<vmem_shared>>, %arg10: memref<10240x32xf32, #tpu.memory_space<vmem_shared>>, %arg11: memref<!tpu.dma_semaphore, #tpu.memory_space<semaphore_mem>>, %arg12: memref<!tpu.dma_semaphore, #tpu.memory_space<semaphore_mem>>) attributes {dimension_semantics = [#tpu.dimension_semantics<core_parallel>, #tpu.dimension_semantics<subcore_parallel>], iteration_bounds = array<i64: 2, 16>, scalar_prefetch = 0 : i64, scratch_operands = 7 : i64, tpu.core_type = #tpu.core_type<sc_vector_subcore>, window_params = [{transform_indices = #map}, {transform_indices = #map1}, {transform_indices = #map1}, {transform_indices = #map}]} {
    %mul3A = arith.constant 640 : i32
    %mul3A_0 = arith.muli %arg1, %mul3A : i32
    %mul3A_1 = arith.constant 640 : i32
    %mul3A_2 = arith.muli %arg1, %mul3A_1 : i32
    "tpu.region"() ({
      %run_scoped3A = tpu.sem_alloc : memref<!tpu.dma_semaphore, #tpu.memory_space<semaphore_mem>>
      %dma_start3A = arith.constant 0 : i32
      %dma_start3A_116 = tpu.memref_slice %arg10[%mul3A_2, %dma_start3A] : memref<10240x32xf32, #tpu.memory_space<vmem_shared>> -> memref<640x32xf32, #tpu.memory_space<vmem_shared>>
      %dma_start3A_117 = arith.constant 0 : i32
      %dma_start3A_118 = tpu.memref_slice %arg2[%arg0, %mul3A_0, %dma_start3A_117] : memref<2x10240x32xf32, #tpu.memory_space<hbm>> -> memref<1x640x32xf32, #tpu.memory_space<hbm>>
      %dma_start3A_119 = tpu.memref_squeeze %dma_start3A_118 : memref<1x640x32xf32, #tpu.memory_space<hbm>> -> memref<640x32xf32, #tpu.memory_space<hbm>>
      tpu.enqueue_dma source(%dma_start3A_119 : memref<640x32xf32, #tpu.memory_space<hbm>>) target(%dma_start3A_116 : memref<640x32xf32, #tpu.memory_space<vmem_shared>>) target_semaphore(%run_scoped3A : memref<!tpu.dma_semaphore, #tpu.memory_space<semaphore_mem>>)
      %dma_wait3A_120 = arith.constant 0 : i32
      %dma_wait3A_121 = tpu.memref_slice %arg10[%mul3A_2, %dma_wait3A_120] : memref<10240x32xf32, #tpu.memory_space<vmem_shared>> -> memref<640x32xf32, #tpu.memory_space<vmem_shared>>
      %dma_wait3A_122 = arith.constant 0 : i32
      %dma_wait3A_123 = tpu.memref_slice %arg2[%arg0, %mul3A_0, %dma_wait3A_122] : memref<2x10240x32xf32, #tpu.memory_space<hbm>> -> memref<1x640x32xf32, #tpu.memory_space<hbm>>
      %dma_wait3A_124 = tpu.memref_squeeze %dma_wait3A_123 : memref<1x640x32xf32, #tpu.memory_space<hbm>> -> memref<640x32xf32, #tpu.memory_space<hbm>>
      tpu.wait_dma2 semaphore(%run_scoped3A : memref<!tpu.dma_semaphore, #tpu.memory_space<semaphore_mem>>) src(%dma_wait3A_124 : memref<640x32xf32, #tpu.memory_space<hbm>>) dst(%dma_wait3A_121 : memref<640x32xf32, #tpu.memory_space<vmem_shared>>)
      tpu.yield
    }) : () -> ()
    %mul3A_3 = arith.constant 640 : i32
    %mul3A_4 = arith.muli %arg1, %mul3A_3 : i32
    %mul3A_5 = arith.constant 640 : i32
    %mul3A_6 = arith.muli %arg1, %mul3A_5 : i32
    "tpu.region"() ({
      %run_scoped3A = tpu.sem_alloc : memref<!tpu.dma_semaphore, #tpu.memory_space<semaphore_mem>>
      %dma_start3A = arith.constant 0 : i32
      %dma_start3A_116 = tpu.memref_slice %arg9[%mul3A_6, %dma_start3A] : memref<10240x32xf32, #tpu.memory_space<vmem_shared>> -> memref<640x32xf32, #tpu.memory_space<vmem_shared>>
      %dma_start3A_117 = arith.constant 0 : i32
      %dma_start3A_118 = tpu.memref_slice %arg2[%arg0, %mul3A_4, %dma_start3A_117] : memref<2x10240x32xf32, #tpu.memory_space<hbm>> -> memref<1x640x32xf32, #tpu.memory_space<hbm>>
      %dma_start3A_119 = tpu.memref_squeeze %dma_start3A_118 : memref<1x640x32xf32, #tpu.memory_space<hbm>> -> memref<640x32xf32, #tpu.memory_space<hbm>>
      tpu.enqueue_dma source(%dma_start3A_119 : memref<640x32xf32, #tpu.memory_space<hbm>>) target(%dma_start3A_116 : memref<640x32xf32, #tpu.memory_space<vmem_shared>>) target_semaphore(%run_scoped3A : memref<!tpu.dma_semaphore, #tpu.memory_space<semaphore_mem>>)
      %dma_wait3A_120 = arith.constant 0 : i32
      %dma_wait3A_121 = tpu.memref_slice %arg9[%mul3A_6, %dma_wait3A_120] : memref<10240x32xf32, #tpu.memory_space<vmem_shared>> -> memref<640x32xf32, #tpu.memory_space<vmem_shared>>
      %dma_wait3A_122 = arith.constant 0 : i32
      %dma_wait3A_123 = tpu.memref_slice %arg2[%arg0, %mul3A_4, %dma_wait3A_122] : memref<2x10240x32xf32, #tpu.memory_space<hbm>> -> memref<1x640x32xf32, #tpu.memory_space<hbm>>
      %dma_wait3A_124 = tpu.memref_squeeze %dma_wait3A_123 : memref<1x640x32xf32, #tpu.memory_space<hbm>> -> memref<640x32xf32, #tpu.memory_space<hbm>>
      tpu.wait_dma2 semaphore(%run_scoped3A : memref<!tpu.dma_semaphore, #tpu.memory_space<semaphore_mem>>) src(%dma_wait3A_124 : memref<640x32xf32, #tpu.memory_space<hbm>>) dst(%dma_wait3A_121 : memref<640x32xf32, #tpu.memory_space<vmem_shared>>)
      tpu.yield
    }) : () -> ()
    %mul3A_7 = arith.constant 160 : i32
    %mul3A_8 = arith.muli %arg1, %mul3A_7 : i32
    "tpu.region"() ({
      %run_scoped3A = tpu.sem_alloc : memref<!tpu.dma_semaphore, #tpu.memory_space<semaphore_mem>>
      %dma_start3A = arith.constant 0 : i32
      %dma_start3A_116 = tpu.memref_slice %arg3[%mul3A_8, %dma_start3A] : memref<2560x128xi32, #tpu.memory_space<hbm>> -> memref<160x128xi32, #tpu.memory_space<hbm>>
      %dma_start3A_117 = arith.constant 0 : i32
      %dma_start3A_118 = tpu.memref_slice %arg3[%mul3A_8, %dma_start3A_117] : memref<2560x128xi32, #tpu.memory_space<hbm>> -> memref<160x128xi32, #tpu.memory_space<hbm>>
      tpu.enqueue_dma source(%dma_start3A_118 : memref<160x128xi32, #tpu.memory_space<hbm>>) target(%arg6 : memref<160x128xi32, #tpu.memory_space<vmem>>) target_semaphore(%run_scoped3A : memref<!tpu.dma_semaphore, #tpu.memory_space<semaphore_mem>>)
      %dma_wait3A_119 = arith.constant 0 : i32
      %dma_wait3A_120 = tpu.memref_slice %arg3[%mul3A_8, %dma_wait3A_119] : memref<2560x128xi32, #tpu.memory_space<hbm>> -> memref<160x128xi32, #tpu.memory_space<hbm>>
      %dma_wait3A_121 = arith.constant 0 : i32
      %dma_wait3A_122 = tpu.memref_slice %arg3[%mul3A_8, %dma_wait3A_121] : memref<2560x128xi32, #tpu.memory_space<hbm>> -> memref<160x128xi32, #tpu.memory_space<hbm>>
      tpu.wait_dma2 semaphore(%run_scoped3A : memref<!tpu.dma_semaphore, #tpu.memory_space<semaphore_mem>>) src(%dma_wait3A_122 : memref<160x128xi32, #tpu.memory_space<hbm>>) dst(%arg6 : memref<160x128xi32, #tpu.memory_space<vmem>>)
      tpu.yield
    }) : () -> ()
    %mul3A_9 = arith.constant 160 : i32
    %mul3A_10 = arith.muli %arg1, %mul3A_9 : i32
    "tpu.region"() ({
      %run_scoped3A = tpu.sem_alloc : memref<!tpu.dma_semaphore, #tpu.memory_space<semaphore_mem>>
      %dma_start3A = arith.constant 0 : i32
      %dma_start3A_116 = tpu.memref_slice %arg4[%mul3A_10, %dma_start3A] : memref<2560x128xi32, #tpu.memory_space<hbm>> -> memref<160x128xi32, #tpu.memory_space<hbm>>
      %dma_start3A_117 = arith.constant 0 : i32
      %dma_start3A_118 = tpu.memref_slice %arg4[%mul3A_10, %dma_start3A_117] : memref<2560x128xi32, #tpu.memory_space<hbm>> -> memref<160x128xi32, #tpu.memory_space<hbm>>
      tpu.enqueue_dma source(%dma_start3A_118 : memref<160x128xi32, #tpu.memory_space<hbm>>) target(%arg7 : memref<160x128xi32, #tpu.memory_space<vmem>>) target_semaphore(%run_scoped3A : memref<!tpu.dma_semaphore, #tpu.memory_space<semaphore_mem>>)
      %dma_wait3A_119 = arith.constant 0 : i32
      %dma_wait3A_120 = tpu.memref_slice %arg4[%mul3A_10, %dma_wait3A_119] : memref<2560x128xi32, #tpu.memory_space<hbm>> -> memref<160x128xi32, #tpu.memory_space<hbm>>
      %dma_wait3A_121 = arith.constant 0 : i32
      %dma_wait3A_122 = tpu.memref_slice %arg4[%mul3A_10, %dma_wait3A_121] : memref<2560x128xi32, #tpu.memory_space<hbm>> -> memref<160x128xi32, #tpu.memory_space<hbm>>
      tpu.wait_dma2 semaphore(%run_scoped3A : memref<!tpu.dma_semaphore, #tpu.memory_space<semaphore_mem>>) src(%dma_wait3A_122 : memref<160x128xi32, #tpu.memory_space<hbm>>) dst(%arg7 : memref<160x128xi32, #tpu.memory_space<vmem>>)
      tpu.yield
    }) : () -> ()
    %barrier3A = arith.constant 0 : index
    tpu.barrier barrier_id(%barrier3A)
    %scan3A = arith.constant 0 : i32
    %scan3A_11 = arith.constant 0 : i32
    %scan3A_12 = arith.constant 20 : i32
    %scan3A_13 = arith.addi %scan3A_11, %scan3A_12 : i32
    %scan3A_14 = arith.constant 1 : i32
    scf.for %scan3A_116 = %scan3A_11 to %scan3A_13 step %scan3A_14  : i32 {
      %gt3A = arith.constant 0 : i32
      %gt3A_117 = arith.cmpi sgt, %scan3A_116, %gt3A : i32
      %convert_element_type3A = arith.extui %gt3A_117 : i1 to i32
      %cond3A = arith.constant 0 : i32
      %cond3A_118 = arith.cmpi ne, %convert_element_type3A, %cond3A : i32
      scf.if %cond3A_118 {
        %dma_wait3A_453 = arith.constant 0 : i32
        %dma_wait3A_454 = arith.constant 0 : i32
        %dma_wait3A_455 = arith.constant 0 : i32
        %dma_wait3A_456 = arith.constant 0 : i32
        %dma_wait3A_457 = tpu.memref_slice %arg8[%dma_wait3A_453, %dma_wait3A_455, %dma_wait3A_456] : memref<8x128x32xf32, #tpu.memory_space<vmem>> -> memref<1x128x32xf32, #tpu.memory_space<vmem>>
        %dma_wait3A_458 = tpu.memref_squeeze %dma_wait3A_457 : memref<1x128x32xf32, #tpu.memory_space<vmem>> -> memref<128x32xf32, #tpu.memory_space<vmem>>
        %dma_wait3A_459 = arith.constant 0 : i32
        %dma_wait3A_460 = tpu.memref_slice %arg7[%dma_wait3A_454, %dma_wait3A_459] : memref<160x128xi32, #tpu.memory_space<vmem>> -> memref<1x128xi32, #tpu.memory_space<vmem>>
        %dma_wait3A_461 = tpu.memref_squeeze %dma_wait3A_460 : memref<1x128xi32, #tpu.memory_space<vmem>> -> memref<128xi32, #tpu.memory_space<vmem>>
        %dma_wait3A_462 = arith.constant 0 : i32
        %dma_wait3A_463 = arith.constant 0 : i32
        %dma_wait3A_464 = tpu.memref_slice %arg9[%dma_wait3A_462, %dma_wait3A_463] : memref<10240x32xf32, #tpu.memory_space<vmem_shared>> -> memref<10240x32xf32, #tpu.memory_space<vmem_shared>>
        tpu.wait_indirect_dma semaphore(%arg12 : memref<!tpu.dma_semaphore, #tpu.memory_space<semaphore_mem>>) src(%dma_wait3A_458 : memref<128x32xf32, #tpu.memory_space<vmem>>) dst(%dma_wait3A_464 : memref<10240x32xf32, #tpu.memory_space<vmem_shared>>)
        %dma_wait3A_465 = arith.constant 1 : i32
        %dma_wait3A_466 = arith.constant 0 : i32
        %dma_wait3A_467 = arith.constant 0 : i32
        %dma_wait3A_468 = arith.constant 0 : i32
        %dma_wait3A_469 = tpu.memref_slice %arg8[%dma_wait3A_465, %dma_wait3A_467, %dma_wait3A_468] : memref<8x128x32xf32, #tpu.memory_space<vmem>> -> memref<1x128x32xf32, #tpu.memory_space<vmem>>
        %dma_wait3A_470 = tpu.memref_squeeze %dma_wait3A_469 : memref<1x128x32xf32, #tpu.memory_space<vmem>> -> memref<128x32xf32, #tpu.memory_space<vmem>>
        %dma_wait3A_471 = arith.constant 0 : i32
        %dma_wait3A_472 = tpu.memref_slice %arg7[%dma_wait3A_466, %dma_wait3A_471] : memref<160x128xi32, #tpu.memory_space<vmem>> -> memref<1x128xi32, #tpu.memory_space<vmem>>
        %dma_wait3A_473 = tpu.memref_squeeze %dma_wait3A_472 : memref<1x128xi32, #tpu.memory_space<vmem>> -> memref<128xi32, #tpu.memory_space<vmem>>
        %dma_wait3A_474 = arith.constant 0 : i32
        %dma_wait3A_475 = arith.constant 0 : i32
        %dma_wait3A_476 = tpu.memref_slice %arg9[%dma_wait3A_474, %dma_wait3A_475] : memref<10240x32xf32, #tpu.memory_space<vmem_shared>> -> memref<10240x32xf32, #tpu.memory_space<vmem_shared>>
        tpu.wait_indirect_dma semaphore(%arg12 : memref<!tpu.dma_semaphore, #tpu.memory_space<semaphore_mem>>) src(%dma_wait3A_470 : memref<128x32xf32, #tpu.memory_space<vmem>>) dst(%dma_wait3A_476 : memref<10240x32xf32, #tpu.memory_space<vmem_shared>>)
        %dma_wait3A_477 = arith.constant 2 : i32
        %dma_wait3A_478 = arith.constant 0 : i32
        %dma_wait3A_479 = arith.constant 0 : i32
        %dma_wait3A_480 = arith.constant 0 : i32
        %dma_wait3A_481 = tpu.memref_slice %arg8[%dma_wait3A_477, %dma_wait3A_479, %dma_wait3A_480] : memref<8x128x32xf32, #tpu.memory_space<vmem>> -> memref<1x128x32xf32, #tpu.memory_space<vmem>>
        %dma_wait3A_482 = tpu.memref_squeeze %dma_wait3A_481 : memref<1x128x32xf32, #tpu.memory_space<vmem>> -> memref<128x32xf32, #tpu.memory_space<vmem>>
        %dma_wait3A_483 = arith.constant 0 : i32
        %dma_wait3A_484 = tpu.memref_slice %arg7[%dma_wait3A_478, %dma_wait3A_483] : memref<160x128xi32, #tpu.memory_space<vmem>> -> memref<1x128xi32, #tpu.memory_space<vmem>>
        %dma_wait3A_485 = tpu.memref_squeeze %dma_wait3A_484 : memref<1x128xi32, #tpu.memory_space<vmem>> -> memref<128xi32, #tpu.memory_space<vmem>>
        %dma_wait3A_486 = arith.constant 0 : i32
        %dma_wait3A_487 = arith.constant 0 : i32
        %dma_wait3A_488 = tpu.memref_slice %arg9[%dma_wait3A_486, %dma_wait3A_487] : memref<10240x32xf32, #tpu.memory_space<vmem_shared>> -> memref<10240x32xf32, #tpu.memory_space<vmem_shared>>
        tpu.wait_indirect_dma semaphore(%arg12 : memref<!tpu.dma_semaphore, #tpu.memory_space<semaphore_mem>>) src(%dma_wait3A_482 : memref<128x32xf32, #tpu.memory_space<vmem>>) dst(%dma_wait3A_488 : memref<10240x32xf32, #tpu.memory_space<vmem_shared>>)
        %dma_wait3A_489 = arith.constant 3 : i32
        %dma_wait3A_490 = arith.constant 0 : i32
        %dma_wait3A_491 = arith.constant 0 : i32
        %dma_wait3A_492 = arith.constant 0 : i32
        %dma_wait3A_493 = tpu.memref_slice %arg8[%dma_wait3A_489, %dma_wait3A_491, %dma_wait3A_492] : memref<8x128x32xf32, #tpu.memory_space<vmem>> -> memref<1x128x32xf32, #tpu.memory_space<vmem>>
        %dma_wait3A_494 = tpu.memref_squeeze %dma_wait3A_493 : memref<1x128x32xf32, #tpu.memory_space<vmem>> -> memref<128x32xf32, #tpu.memory_space<vmem>>
        %dma_wait3A_495 = arith.constant 0 : i32
        %dma_wait3A_496 = tpu.memref_slice %arg7[%dma_wait3A_490, %dma_wait3A_495] : memref<160x128xi32, #tpu.memory_space<vmem>> -> memref<1x128xi32, #tpu.memory_space<vmem>>
        %dma_wait3A_497 = tpu.memref_squeeze %dma_wait3A_496 : memref<1x128xi32, #tpu.memory_space<vmem>> -> memref<128xi32, #tpu.memory_space<vmem>>
        %dma_wait3A_498 = arith.constant 0 : i32
        %dma_wait3A_499 = arith.constant 0 : i32
        %dma_wait3A_500 = tpu.memref_slice %arg9[%dma_wait3A_498, %dma_wait3A_499] : memref<10240x32xf32, #tpu.memory_space<vmem_shared>> -> memref<10240x32xf32, #tpu.memory_space<vmem_shared>>
        tpu.wait_indirect_dma semaphore(%arg12 : memref<!tpu.dma_semaphore, #tpu.memory_space<semaphore_mem>>) src(%dma_wait3A_494 : memref<128x32xf32, #tpu.memory_space<vmem>>) dst(%dma_wait3A_500 : memref<10240x32xf32, #tpu.memory_space<vmem_shared>>)
        %dma_wait3A_501 = arith.constant 4 : i32
        %dma_wait3A_502 = arith.constant 0 : i32
        %dma_wait3A_503 = arith.constant 0 : i32
        %dma_wait3A_504 = arith.constant 0 : i32
        %dma_wait3A_505 = tpu.memref_slice %arg8[%dma_wait3A_501, %dma_wait3A_503, %dma_wait3A_504] : memref<8x128x32xf32, #tpu.memory_space<vmem>> -> memref<1x128x32xf32, #tpu.memory_space<vmem>>
        %dma_wait3A_506 = tpu.memref_squeeze %dma_wait3A_505 : memref<1x128x32xf32, #tpu.memory_space<vmem>> -> memref<128x32xf32, #tpu.memory_space<vmem>>
        %dma_wait3A_507 = arith.constant 0 : i32
        %dma_wait3A_508 = tpu.memref_slice %arg7[%dma_wait3A_502, %dma_wait3A_507] : memref<160x128xi32, #tpu.memory_space<vmem>> -> memref<1x128xi32, #tpu.memory_space<vmem>>
        %dma_wait3A_509 = tpu.memref_squeeze %dma_wait3A_508 : memref<1x128xi32, #tpu.memory_space<vmem>> -> memref<128xi32, #tpu.memory_space<vmem>>
        %dma_wait3A_510 = arith.constant 0 : i32
        %dma_wait3A_511 = arith.constant 0 : i32
        %dma_wait3A_512 = tpu.memref_slice %arg9[%dma_wait3A_510, %dma_wait3A_511] : memref<10240x32xf32, #tpu.memory_space<vmem_shared>> -> memref<10240x32xf32, #tpu.memory_space<vmem_shared>>
        tpu.wait_indirect_dma semaphore(%arg12 : memref<!tpu.dma_semaphore, #tpu.memory_space<semaphore_mem>>) src(%dma_wait3A_506 : memref<128x32xf32, #tpu.memory_space<vmem>>) dst(%dma_wait3A_512 : memref<10240x32xf32, #tpu.memory_space<vmem_shared>>)
        %dma_wait3A_513 = arith.constant 5 : i32
        %dma_wait3A_514 = arith.constant 0 : i32
        %dma_wait3A_515 = arith.constant 0 : i32
        %dma_wait3A_516 = arith.constant 0 : i32
        %dma_wait3A_517 = tpu.memref_slice %arg8[%dma_wait3A_513, %dma_wait3A_515, %dma_wait3A_516] : memref<8x128x32xf32, #tpu.memory_space<vmem>> -> memref<1x128x32xf32, #tpu.memory_space<vmem>>
        %dma_wait3A_518 = tpu.memref_squeeze %dma_wait3A_517 : memref<1x128x32xf32, #tpu.memory_space<vmem>> -> memref<128x32xf32, #tpu.memory_space<vmem>>
        %dma_wait3A_519 = arith.constant 0 : i32
        %dma_wait3A_520 = tpu.memref_slice %arg7[%dma_wait3A_514, %dma_wait3A_519] : memref<160x128xi32, #tpu.memory_space<vmem>> -> memref<1x128xi32, #tpu.memory_space<vmem>>
        %dma_wait3A_521 = tpu.memref_squeeze %dma_wait3A_520 : memref<1x128xi32, #tpu.memory_space<vmem>> -> memref<128xi32, #tpu.memory_space<vmem>>
        %dma_wait3A_522 = arith.constant 0 : i32
        %dma_wait3A_523 = arith.constant 0 : i32
        %dma_wait3A_524 = tpu.memref_slice %arg9[%dma_wait3A_522, %dma_wait3A_523] : memref<10240x32xf32, #tpu.memory_space<vmem_shared>> -> memref<10240x32xf32, #tpu.memory_space<vmem_shared>>
        tpu.wait_indirect_dma semaphore(%arg12 : memref<!tpu.dma_semaphore, #tpu.memory_space<semaphore_mem>>) src(%dma_wait3A_518 : memref<128x32xf32, #tpu.memory_space<vmem>>) dst(%dma_wait3A_524 : memref<10240x32xf32, #tpu.memory_space<vmem_shared>>)
        %dma_wait3A_525 = arith.constant 6 : i32
        %dma_wait3A_526 = arith.constant 0 : i32
        %dma_wait3A_527 = arith.constant 0 : i32
        %dma_wait3A_528 = arith.constant 0 : i32
        %dma_wait3A_529 = tpu.memref_slice %arg8[%dma_wait3A_525, %dma_wait3A_527, %dma_wait3A_528] : memref<8x128x32xf32, #tpu.memory_space<vmem>> -> memref<1x128x32xf32, #tpu.memory_space<vmem>>
        %dma_wait3A_530 = tpu.memref_squeeze %dma_wait3A_529 : memref<1x128x32xf32, #tpu.memory_space<vmem>> -> memref<128x32xf32, #tpu.memory_space<vmem>>
        %dma_wait3A_531 = arith.constant 0 : i32
        %dma_wait3A_532 = tpu.memref_slice %arg7[%dma_wait3A_526, %dma_wait3A_531] : memref<160x128xi32, #tpu.memory_space<vmem>> -> memref<1x128xi32, #tpu.memory_space<vmem>>
        %dma_wait3A_533 = tpu.memref_squeeze %dma_wait3A_532 : memref<1x128xi32, #tpu.memory_space<vmem>> -> memref<128xi32, #tpu.memory_space<vmem>>
        %dma_wait3A_534 = arith.constant 0 : i32
        %dma_wait3A_535 = arith.constant 0 : i32
        %dma_wait3A_536 = tpu.memref_slice %arg9[%dma_wait3A_534, %dma_wait3A_535] : memref<10240x32xf32, #tpu.memory_space<vmem_shared>> -> memref<10240x32xf32, #tpu.memory_space<vmem_shared>>
        tpu.wait_indirect_dma semaphore(%arg12 : memref<!tpu.dma_semaphore, #tpu.memory_space<semaphore_mem>>) src(%dma_wait3A_530 : memref<128x32xf32, #tpu.memory_space<vmem>>) dst(%dma_wait3A_536 : memref<10240x32xf32, #tpu.memory_space<vmem_shared>>)
        %dma_wait3A_537 = arith.constant 7 : i32
        %dma_wait3A_538 = arith.constant 0 : i32
        %dma_wait3A_539 = arith.constant 0 : i32
        %dma_wait3A_540 = arith.constant 0 : i32
        %dma_wait3A_541 = tpu.memref_slice %arg8[%dma_wait3A_537, %dma_wait3A_539, %dma_wait3A_540] : memref<8x128x32xf32, #tpu.memory_space<vmem>> -> memref<1x128x32xf32, #tpu.memory_space<vmem>>
        %dma_wait3A_542 = tpu.memref_squeeze %dma_wait3A_541 : memref<1x128x32xf32, #tpu.memory_space<vmem>> -> memref<128x32xf32, #tpu.memory_space<vmem>>
        %dma_wait3A_543 = arith.constant 0 : i32
        %dma_wait3A_544 = tpu.memref_slice %arg7[%dma_wait3A_538, %dma_wait3A_543] : memref<160x128xi32, #tpu.memory_space<vmem>> -> memref<1x128xi32, #tpu.memory_space<vmem>>
        %dma_wait3A_545 = tpu.memref_squeeze %dma_wait3A_544 : memref<1x128xi32, #tpu.memory_space<vmem>> -> memref<128xi32, #tpu.memory_space<vmem>>
        %dma_wait3A_546 = arith.constant 0 : i32
        %dma_wait3A_547 = arith.constant 0 : i32
        %dma_wait3A_548 = tpu.memref_slice %arg9[%dma_wait3A_546, %dma_wait3A_547] : memref<10240x32xf32, #tpu.memory_space<vmem_shared>> -> memref<10240x32xf32, #tpu.memory_space<vmem_shared>>
        tpu.wait_indirect_dma semaphore(%arg12 : memref<!tpu.dma_semaphore, #tpu.memory_space<semaphore_mem>>) src(%dma_wait3A_542 : memref<128x32xf32, #tpu.memory_space<vmem>>) dst(%dma_wait3A_548 : memref<10240x32xf32, #tpu.memory_space<vmem_shared>>)
      } else {
      }
      %mul3A_119 = arith.constant 8 : i32
      %mul3A_120 = arith.muli %scan3A_116, %mul3A_119 : i32
      %add3A = arith.constant 0 : i32
      %add3A_121 = arith.addi %mul3A_120, %add3A : i32
      %dma_start3A = arith.constant 0 : i32
      %dma_start3A_122 = arith.constant 0 : i32
      %dma_start3A_123 = arith.constant 0 : i32
      %dma_start3A_124 = tpu.memref_slice %arg8[%dma_start3A, %dma_start3A_122, %dma_start3A_123] : memref<8x128x32xf32, #tpu.memory_space<vmem>> -> memref<1x128x32xf32, #tpu.memory_space<vmem>>
      %dma_start3A_125 = tpu.memref_squeeze %dma_start3A_124 : memref<1x128x32xf32, #tpu.memory_space<vmem>> -> memref<128x32xf32, #tpu.memory_space<vmem>>
      %dma_start3A_126 = arith.constant 0 : i32
      %dma_start3A_127 = tpu.memref_slice %arg6[%add3A_121, %dma_start3A_126] : memref<160x128xi32, #tpu.memory_space<vmem>> -> memref<1x128xi32, #tpu.memory_space<vmem>>
      %dma_start3A_128 = tpu.memref_squeeze %dma_start3A_127 : memref<1x128xi32, #tpu.memory_space<vmem>> -> memref<128xi32, #tpu.memory_space<vmem>>
      %dma_start3A_129 = arith.constant 0 : i32
      %dma_start3A_130 = arith.constant 0 : i32
      %dma_start3A_131 = tpu.memref_slice %arg10[%dma_start3A_129, %dma_start3A_130] : memref<10240x32xf32, #tpu.memory_space<vmem_shared>> -> memref<10240x32xf32, #tpu.memory_space<vmem_shared>>
      tpu.enqueue_indirect_dma source(%dma_start3A_131 : memref<10240x32xf32, #tpu.memory_space<vmem_shared>>) target(%dma_start3A_125 : memref<128x32xf32, #tpu.memory_space<vmem>>) offsets(%dma_start3A_128 : memref<128xi32, #tpu.memory_space<vmem>>) semaphore(%arg11 : memref<!tpu.dma_semaphore, #tpu.memory_space<semaphore_mem>>)
      %mul3A_132 = arith.constant 8 : i32
      %mul3A_133 = arith.muli %scan3A_116, %mul3A_132 : i32
      %add3A_134 = arith.constant 1 : i32
      %add3A_135 = arith.addi %mul3A_133, %add3A_134 : i32
      %dma_start3A_136 = arith.constant 1 : i32
      %dma_start3A_137 = arith.constant 0 : i32
      %dma_start3A_138 = arith.constant 0 : i32
      %dma_start3A_139 = tpu.memref_slice %arg8[%dma_start3A_136, %dma_start3A_137, %dma_start3A_138] : memref<8x128x32xf32, #tpu.memory_space<vmem>> -> memref<1x128x32xf32, #tpu.memory_space<vmem>>
      %dma_start3A_140 = tpu.memref_squeeze %dma_start3A_139 : memref<1x128x32xf32, #tpu.memory_space<vmem>> -> memref<128x32xf32, #tpu.memory_space<vmem>>
      %dma_start3A_141 = arith.constant 0 : i32
      %dma_start3A_142 = tpu.memref_slice %arg6[%add3A_135, %dma_start3A_141] : memref<160x128xi32, #tpu.memory_space<vmem>> -> memref<1x128xi32, #tpu.memory_space<vmem>>
      %dma_start3A_143 = tpu.memref_squeeze %dma_start3A_142 : memref<1x128xi32, #tpu.memory_space<vmem>> -> memref<128xi32, #tpu.memory_space<vmem>>
      %dma_start3A_144 = arith.constant 0 : i32
      %dma_start3A_145 = arith.constant 0 : i32
      %dma_start3A_146 = tpu.memref_slice %arg10[%dma_start3A_144, %dma_start3A_145] : memref<10240x32xf32, #tpu.memory_space<vmem_shared>> -> memref<10240x32xf32, #tpu.memory_space<vmem_shared>>
      tpu.enqueue_indirect_dma source(%dma_start3A_146 : memref<10240x32xf32, #tpu.memory_space<vmem_shared>>) target(%dma_start3A_140 : memref<128x32xf32, #tpu.memory_space<vmem>>) offsets(%dma_start3A_143 : memref<128xi32, #tpu.memory_space<vmem>>) semaphore(%arg11 : memref<!tpu.dma_semaphore, #tpu.memory_space<semaphore_mem>>)
      %mul3A_147 = arith.constant 8 : i32
      %mul3A_148 = arith.muli %scan3A_116, %mul3A_147 : i32
      %add3A_149 = arith.constant 2 : i32
      %add3A_150 = arith.addi %mul3A_148, %add3A_149 : i32
      %dma_start3A_151 = arith.constant 2 : i32
      %dma_start3A_152 = arith.constant 0 : i32
      %dma_start3A_153 = arith.constant 0 : i32
      %dma_start3A_154 = tpu.memref_slice %arg8[%dma_start3A_151, %dma_start3A_152, %dma_start3A_153] : memref<8x128x32xf32, #tpu.memory_space<vmem>> -> memref<1x128x32xf32, #tpu.memory_space<vmem>>
      %dma_start3A_155 = tpu.memref_squeeze %dma_start3A_154 : memref<1x128x32xf32, #tpu.memory_space<vmem>> -> memref<128x32xf32, #tpu.memory_space<vmem>>
      %dma_start3A_156 = arith.constant 0 : i32
      %dma_start3A_157 = tpu.memref_slice %arg6[%add3A_150, %dma_start3A_156] : memref<160x128xi32, #tpu.memory_space<vmem>> -> memref<1x128xi32, #tpu.memory_space<vmem>>
      %dma_start3A_158 = tpu.memref_squeeze %dma_start3A_157 : memref<1x128xi32, #tpu.memory_space<vmem>> -> memref<128xi32, #tpu.memory_space<vmem>>
      %dma_start3A_159 = arith.constant 0 : i32
      %dma_start3A_160 = arith.constant 0 : i32
      %dma_start3A_161 = tpu.memref_slice %arg10[%dma_start3A_159, %dma_start3A_160] : memref<10240x32xf32, #tpu.memory_space<vmem_shared>> -> memref<10240x32xf32, #tpu.memory_space<vmem_shared>>
      tpu.enqueue_indirect_dma source(%dma_start3A_161 : memref<10240x32xf32, #tpu.memory_space<vmem_shared>>) target(%dma_start3A_155 : memref<128x32xf32, #tpu.memory_space<vmem>>) offsets(%dma_start3A_158 : memref<128xi32, #tpu.memory_space<vmem>>) semaphore(%arg11 : memref<!tpu.dma_semaphore, #tpu.memory_space<semaphore_mem>>)
      %mul3A_162 = arith.constant 8 : i32
      %mul3A_163 = arith.muli %scan3A_116, %mul3A_162 : i32
      %add3A_164 = arith.constant 3 : i32
      %add3A_165 = arith.addi %mul3A_163, %add3A_164 : i32
      %dma_start3A_166 = arith.constant 3 : i32
      %dma_start3A_167 = arith.constant 0 : i32
      %dma_start3A_168 = arith.constant 0 : i32
      %dma_start3A_169 = tpu.memref_slice %arg8[%dma_start3A_166, %dma_start3A_167, %dma_start3A_168] : memref<8x128x32xf32, #tpu.memory_space<vmem>> -> memref<1x128x32xf32, #tpu.memory_space<vmem>>
      %dma_start3A_170 = tpu.memref_squeeze %dma_start3A_169 : memref<1x128x32xf32, #tpu.memory_space<vmem>> -> memref<128x32xf32, #tpu.memory_space<vmem>>
      %dma_start3A_171 = arith.constant 0 : i32
      %dma_start3A_172 = tpu.memref_slice %arg6[%add3A_165, %dma_start3A_171] : memref<160x128xi32, #tpu.memory_space<vmem>> -> memref<1x128xi32, #tpu.memory_space<vmem>>
      %dma_start3A_173 = tpu.memref_squeeze %dma_start3A_172 : memref<1x128xi32, #tpu.memory_space<vmem>> -> memref<128xi32, #tpu.memory_space<vmem>>
      %dma_start3A_174 = arith.constant 0 : i32
      %dma_start3A_175 = arith.constant 0 : i32
      %dma_start3A_176 = tpu.memref_slice %arg10[%dma_start3A_174, %dma_start3A_175] : memref<10240x32xf32, #tpu.memory_space<vmem_shared>> -> memref<10240x32xf32, #tpu.memory_space<vmem_shared>>
      tpu.enqueue_indirect_dma source(%dma_start3A_176 : memref<10240x32xf32, #tpu.memory_space<vmem_shared>>) target(%dma_start3A_170 : memref<128x32xf32, #tpu.memory_space<vmem>>) offsets(%dma_start3A_173 : memref<128xi32, #tpu.memory_space<vmem>>) semaphore(%arg11 : memref<!tpu.dma_semaphore, #tpu.memory_space<semaphore_mem>>)
      %mul3A_177 = arith.constant 8 : i32
      %mul3A_178 = arith.muli %scan3A_116, %mul3A_177 : i32
      %add3A_179 = arith.constant 4 : i32
      %add3A_180 = arith.addi %mul3A_178, %add3A_179 : i32
      %dma_start3A_181 = arith.constant 4 : i32
      %dma_start3A_182 = arith.constant 0 : i32
      %dma_start3A_183 = arith.constant 0 : i32
      %dma_start3A_184 = tpu.memref_slice %arg8[%dma_start3A_181, %dma_start3A_182, %dma_start3A_183] : memref<8x128x32xf32, #tpu.memory_space<vmem>> -> memref<1x128x32xf32, #tpu.memory_space<vmem>>
      %dma_start3A_185 = tpu.memref_squeeze %dma_start3A_184 : memref<1x128x32xf32, #tpu.memory_space<vmem>> -> memref<128x32xf32, #tpu.memory_space<vmem>>
      %dma_start3A_186 = arith.constant 0 : i32
      %dma_start3A_187 = tpu.memref_slice %arg6[%add3A_180, %dma_start3A_186] : memref<160x128xi32, #tpu.memory_space<vmem>> -> memref<1x128xi32, #tpu.memory_space<vmem>>
      %dma_start3A_188 = tpu.memref_squeeze %dma_start3A_187 : memref<1x128xi32, #tpu.memory_space<vmem>> -> memref<128xi32, #tpu.memory_space<vmem>>
      %dma_start3A_189 = arith.constant 0 : i32
      %dma_start3A_190 = arith.constant 0 : i32
      %dma_start3A_191 = tpu.memref_slice %arg10[%dma_start3A_189, %dma_start3A_190] : memref<10240x32xf32, #tpu.memory_space<vmem_shared>> -> memref<10240x32xf32, #tpu.memory_space<vmem_shared>>
      tpu.enqueue_indirect_dma source(%dma_start3A_191 : memref<10240x32xf32, #tpu.memory_space<vmem_shared>>) target(%dma_start3A_185 : memref<128x32xf32, #tpu.memory_space<vmem>>) offsets(%dma_start3A_188 : memref<128xi32, #tpu.memory_space<vmem>>) semaphore(%arg11 : memref<!tpu.dma_semaphore, #tpu.memory_space<semaphore_mem>>)
      %mul3A_192 = arith.constant 8 : i32
      %mul3A_193 = arith.muli %scan3A_116, %mul3A_192 : i32
      %add3A_194 = arith.constant 5 : i32
      %add3A_195 = arith.addi %mul3A_193, %add3A_194 : i32
      %dma_start3A_196 = arith.constant 5 : i32
      %dma_start3A_197 = arith.constant 0 : i32
      %dma_start3A_198 = arith.constant 0 : i32
      %dma_start3A_199 = tpu.memref_slice %arg8[%dma_start3A_196, %dma_start3A_197, %dma_start3A_198] : memref<8x128x32xf32, #tpu.memory_space<vmem>> -> memref<1x128x32xf32, #tpu.memory_space<vmem>>
      %dma_start3A_200 = tpu.memref_squeeze %dma_start3A_199 : memref<1x128x32xf32, #tpu.memory_space<vmem>> -> memref<128x32xf32, #tpu.memory_space<vmem>>
      %dma_start3A_201 = arith.constant 0 : i32
      %dma_start3A_202 = tpu.memref_slice %arg6[%add3A_195, %dma_start3A_201] : memref<160x128xi32, #tpu.memory_space<vmem>> -> memref<1x128xi32, #tpu.memory_space<vmem>>
      %dma_start3A_203 = tpu.memref_squeeze %dma_start3A_202 : memref<1x128xi32, #tpu.memory_space<vmem>> -> memref<128xi32, #tpu.memory_space<vmem>>
      %dma_start3A_204 = arith.constant 0 : i32
      %dma_start3A_205 = arith.constant 0 : i32
      %dma_start3A_206 = tpu.memref_slice %arg10[%dma_start3A_204, %dma_start3A_205] : memref<10240x32xf32, #tpu.memory_space<vmem_shared>> -> memref<10240x32xf32, #tpu.memory_space<vmem_shared>>
      tpu.enqueue_indirect_dma source(%dma_start3A_206 : memref<10240x32xf32, #tpu.memory_space<vmem_shared>>) target(%dma_start3A_200 : memref<128x32xf32, #tpu.memory_space<vmem>>) offsets(%dma_start3A_203 : memref<128xi32, #tpu.memory_space<vmem>>) semaphore(%arg11 : memref<!tpu.dma_semaphore, #tpu.memory_space<semaphore_mem>>)
      %mul3A_207 = arith.constant 8 : i32
      %mul3A_208 = arith.muli %scan3A_116, %mul3A_207 : i32
      %add3A_209 = arith.constant 6 : i32
      %add3A_210 = arith.addi %mul3A_208, %add3A_209 : i32
      %dma_start3A_211 = arith.constant 6 : i32
      %dma_start3A_212 = arith.constant 0 : i32
      %dma_start3A_213 = arith.constant 0 : i32
      %dma_start3A_214 = tpu.memref_slice %arg8[%dma_start3A_211, %dma_start3A_212, %dma_start3A_213] : memref<8x128x32xf32, #tpu.memory_space<vmem>> -> memref<1x128x32xf32, #tpu.memory_space<vmem>>
      %dma_start3A_215 = tpu.memref_squeeze %dma_start3A_214 : memref<1x128x32xf32, #tpu.memory_space<vmem>> -> memref<128x32xf32, #tpu.memory_space<vmem>>
      %dma_start3A_216 = arith.constant 0 : i32
      %dma_start3A_217 = tpu.memref_slice %arg6[%add3A_210, %dma_start3A_216] : memref<160x128xi32, #tpu.memory_space<vmem>> -> memref<1x128xi32, #tpu.memory_space<vmem>>
      %dma_start3A_218 = tpu.memref_squeeze %dma_start3A_217 : memref<1x128xi32, #tpu.memory_space<vmem>> -> memref<128xi32, #tpu.memory_space<vmem>>
      %dma_start3A_219 = arith.constant 0 : i32
      %dma_start3A_220 = arith.constant 0 : i32
      %dma_start3A_221 = tpu.memref_slice %arg10[%dma_start3A_219, %dma_start3A_220] : memref<10240x32xf32, #tpu.memory_space<vmem_shared>> -> memref<10240x32xf32, #tpu.memory_space<vmem_shared>>
      tpu.enqueue_indirect_dma source(%dma_start3A_221 : memref<10240x32xf32, #tpu.memory_space<vmem_shared>>) target(%dma_start3A_215 : memref<128x32xf32, #tpu.memory_space<vmem>>) offsets(%dma_start3A_218 : memref<128xi32, #tpu.memory_space<vmem>>) semaphore(%arg11 : memref<!tpu.dma_semaphore, #tpu.memory_space<semaphore_mem>>)
      %mul3A_222 = arith.constant 8 : i32
      %mul3A_223 = arith.muli %scan3A_116, %mul3A_222 : i32
      %add3A_224 = arith.constant 7 : i32
      %add3A_225 = arith.addi %mul3A_223, %add3A_224 : i32
      %dma_start3A_226 = arith.constant 7 : i32
      %dma_start3A_227 = arith.constant 0 : i32
      %dma_start3A_228 = arith.constant 0 : i32
      %dma_start3A_229 = tpu.memref_slice %arg8[%dma_start3A_226, %dma_start3A_227, %dma_start3A_228] : memref<8x128x32xf32, #tpu.memory_space<vmem>> -> memref<1x128x32xf32, #tpu.memory_space<vmem>>
      %dma_start3A_230 = tpu.memref_squeeze %dma_start3A_229 : memref<1x128x32xf32, #tpu.memory_space<vmem>> -> memref<128x32xf32, #tpu.memory_space<vmem>>
      %dma_start3A_231 = arith.constant 0 : i32
      %dma_start3A_232 = tpu.memref_slice %arg6[%add3A_225, %dma_start3A_231] : memref<160x128xi32, #tpu.memory_space<vmem>> -> memref<1x128xi32, #tpu.memory_space<vmem>>
      %dma_start3A_233 = tpu.memref_squeeze %dma_start3A_232 : memref<1x128xi32, #tpu.memory_space<vmem>> -> memref<128xi32, #tpu.memory_space<vmem>>
      %dma_start3A_234 = arith.constant 0 : i32
      %dma_start3A_235 = arith.constant 0 : i32
      %dma_start3A_236 = tpu.memref_slice %arg10[%dma_start3A_234, %dma_start3A_235] : memref<10240x32xf32, #tpu.memory_space<vmem_shared>> -> memref<10240x32xf32, #tpu.memory_space<vmem_shared>>
      tpu.enqueue_indirect_dma source(%dma_start3A_236 : memref<10240x32xf32, #tpu.memory_space<vmem_shared>>) target(%dma_start3A_230 : memref<128x32xf32, #tpu.memory_space<vmem>>) offsets(%dma_start3A_233 : memref<128xi32, #tpu.memory_space<vmem>>) semaphore(%arg11 : memref<!tpu.dma_semaphore, #tpu.memory_space<semaphore_mem>>)
      %dma_wait3A_237 = arith.constant 0 : i32
      %dma_wait3A_238 = arith.constant 0 : i32
      %dma_wait3A_239 = arith.constant 0 : i32
      %dma_wait3A_240 = arith.constant 0 : i32
      %dma_wait3A_241 = tpu.memref_slice %arg8[%dma_wait3A_238, %dma_wait3A_239, %dma_wait3A_240] : memref<8x128x32xf32, #tpu.memory_space<vmem>> -> memref<1x128x32xf32, #tpu.memory_space<vmem>>
      %dma_wait3A_242 = tpu.memref_squeeze %dma_wait3A_241 : memref<1x128x32xf32, #tpu.memory_space<vmem>> -> memref<128x32xf32, #tpu.memory_space<vmem>>
      %dma_wait3A_243 = arith.constant 0 : i32
      %dma_wait3A_244 = tpu.memref_slice %arg6[%dma_wait3A_237, %dma_wait3A_243] : memref<160x128xi32, #tpu.memory_space<vmem>> -> memref<1x128xi32, #tpu.memory_space<vmem>>
      %dma_wait3A_245 = tpu.memref_squeeze %dma_wait3A_244 : memref<1x128xi32, #tpu.memory_space<vmem>> -> memref<128xi32, #tpu.memory_space<vmem>>
      %dma_wait3A_246 = arith.constant 0 : i32
      %dma_wait3A_247 = arith.constant 0 : i32
      %dma_wait3A_248 = tpu.memref_slice %arg10[%dma_wait3A_246, %dma_wait3A_247] : memref<10240x32xf32, #tpu.memory_space<vmem_shared>> -> memref<10240x32xf32, #tpu.memory_space<vmem_shared>>
      tpu.wait_indirect_dma semaphore(%arg11 : memref<!tpu.dma_semaphore, #tpu.memory_space<semaphore_mem>>) src(%dma_wait3A_248 : memref<10240x32xf32, #tpu.memory_space<vmem_shared>>) dst(%dma_wait3A_242 : memref<128x32xf32, #tpu.memory_space<vmem>>)
      %dma_wait3A_249 = arith.constant 0 : i32
      %dma_wait3A_250 = arith.constant 1 : i32
      %dma_wait3A_251 = arith.constant 0 : i32
      %dma_wait3A_252 = arith.constant 0 : i32
      %dma_wait3A_253 = tpu.memref_slice %arg8[%dma_wait3A_250, %dma_wait3A_251, %dma_wait3A_252] : memref<8x128x32xf32, #tpu.memory_space<vmem>> -> memref<1x128x32xf32, #tpu.memory_space<vmem>>
      %dma_wait3A_254 = tpu.memref_squeeze %dma_wait3A_253 : memref<1x128x32xf32, #tpu.memory_space<vmem>> -> memref<128x32xf32, #tpu.memory_space<vmem>>
      %dma_wait3A_255 = arith.constant 0 : i32
      %dma_wait3A_256 = tpu.memref_slice %arg6[%dma_wait3A_249, %dma_wait3A_255] : memref<160x128xi32, #tpu.memory_space<vmem>> -> memref<1x128xi32, #tpu.memory_space<vmem>>
      %dma_wait3A_257 = tpu.memref_squeeze %dma_wait3A_256 : memref<1x128xi32, #tpu.memory_space<vmem>> -> memref<128xi32, #tpu.memory_space<vmem>>
      %dma_wait3A_258 = arith.constant 0 : i32
      %dma_wait3A_259 = arith.constant 0 : i32
      %dma_wait3A_260 = tpu.memref_slice %arg10[%dma_wait3A_258, %dma_wait3A_259] : memref<10240x32xf32, #tpu.memory_space<vmem_shared>> -> memref<10240x32xf32, #tpu.memory_space<vmem_shared>>
      tpu.wait_indirect_dma semaphore(%arg11 : memref<!tpu.dma_semaphore, #tpu.memory_space<semaphore_mem>>) src(%dma_wait3A_260 : memref<10240x32xf32, #tpu.memory_space<vmem_shared>>) dst(%dma_wait3A_254 : memref<128x32xf32, #tpu.memory_space<vmem>>)
      %dma_wait3A_261 = arith.constant 0 : i32
      %dma_wait3A_262 = arith.constant 2 : i32
      %dma_wait3A_263 = arith.constant 0 : i32
      %dma_wait3A_264 = arith.constant 0 : i32
      %dma_wait3A_265 = tpu.memref_slice %arg8[%dma_wait3A_262, %dma_wait3A_263, %dma_wait3A_264] : memref<8x128x32xf32, #tpu.memory_space<vmem>> -> memref<1x128x32xf32, #tpu.memory_space<vmem>>
      %dma_wait3A_266 = tpu.memref_squeeze %dma_wait3A_265 : memref<1x128x32xf32, #tpu.memory_space<vmem>> -> memref<128x32xf32, #tpu.memory_space<vmem>>
      %dma_wait3A_267 = arith.constant 0 : i32
      %dma_wait3A_268 = tpu.memref_slice %arg6[%dma_wait3A_261, %dma_wait3A_267] : memref<160x128xi32, #tpu.memory_space<vmem>> -> memref<1x128xi32, #tpu.memory_space<vmem>>
      %dma_wait3A_269 = tpu.memref_squeeze %dma_wait3A_268 : memref<1x128xi32, #tpu.memory_space<vmem>> -> memref<128xi32, #tpu.memory_space<vmem>>
      %dma_wait3A_270 = arith.constant 0 : i32
      %dma_wait3A_271 = arith.constant 0 : i32
      %dma_wait3A_272 = tpu.memref_slice %arg10[%dma_wait3A_270, %dma_wait3A_271] : memref<10240x32xf32, #tpu.memory_space<vmem_shared>> -> memref<10240x32xf32, #tpu.memory_space<vmem_shared>>
      tpu.wait_indirect_dma semaphore(%arg11 : memref<!tpu.dma_semaphore, #tpu.memory_space<semaphore_mem>>) src(%dma_wait3A_272 : memref<10240x32xf32, #tpu.memory_space<vmem_shared>>) dst(%dma_wait3A_266 : memref<128x32xf32, #tpu.memory_space<vmem>>)
      %dma_wait3A_273 = arith.constant 0 : i32
      %dma_wait3A_274 = arith.constant 3 : i32
      %dma_wait3A_275 = arith.constant 0 : i32
      %dma_wait3A_276 = arith.constant 0 : i32
      %dma_wait3A_277 = tpu.memref_slice %arg8[%dma_wait3A_274, %dma_wait3A_275, %dma_wait3A_276] : memref<8x128x32xf32, #tpu.memory_space<vmem>> -> memref<1x128x32xf32, #tpu.memory_space<vmem>>
      %dma_wait3A_278 = tpu.memref_squeeze %dma_wait3A_277 : memref<1x128x32xf32, #tpu.memory_space<vmem>> -> memref<128x32xf32, #tpu.memory_space<vmem>>
      %dma_wait3A_279 = arith.constant 0 : i32
      %dma_wait3A_280 = tpu.memref_slice %arg6[%dma_wait3A_273, %dma_wait3A_279] : memref<160x128xi32, #tpu.memory_space<vmem>> -> memref<1x128xi32, #tpu.memory_space<vmem>>
      %dma_wait3A_281 = tpu.memref_squeeze %dma_wait3A_280 : memref<1x128xi32, #tpu.memory_space<vmem>> -> memref<128xi32, #tpu.memory_space<vmem>>
      %dma_wait3A_282 = arith.constant 0 : i32
      %dma_wait3A_283 = arith.constant 0 : i32
      %dma_wait3A_284 = tpu.memref_slice %arg10[%dma_wait3A_282, %dma_wait3A_283] : memref<10240x32xf32, #tpu.memory_space<vmem_shared>> -> memref<10240x32xf32, #tpu.memory_space<vmem_shared>>
      tpu.wait_indirect_dma semaphore(%arg11 : memref<!tpu.dma_semaphore, #tpu.memory_space<semaphore_mem>>) src(%dma_wait3A_284 : memref<10240x32xf32, #tpu.memory_space<vmem_shared>>) dst(%dma_wait3A_278 : memref<128x32xf32, #tpu.memory_space<vmem>>)
      %dma_wait3A_285 = arith.constant 0 : i32
      %dma_wait3A_286 = arith.constant 4 : i32
      %dma_wait3A_287 = arith.constant 0 : i32
      %dma_wait3A_288 = arith.constant 0 : i32
      %dma_wait3A_289 = tpu.memref_slice %arg8[%dma_wait3A_286, %dma_wait3A_287, %dma_wait3A_288] : memref<8x128x32xf32, #tpu.memory_space<vmem>> -> memref<1x128x32xf32, #tpu.memory_space<vmem>>
      %dma_wait3A_290 = tpu.memref_squeeze %dma_wait3A_289 : memref<1x128x32xf32, #tpu.memory_space<vmem>> -> memref<128x32xf32, #tpu.memory_space<vmem>>
      %dma_wait3A_291 = arith.constant 0 : i32
      %dma_wait3A_292 = tpu.memref_slice %arg6[%dma_wait3A_285, %dma_wait3A_291] : memref<160x128xi32, #tpu.memory_space<vmem>> -> memref<1x128xi32, #tpu.memory_space<vmem>>
      %dma_wait3A_293 = tpu.memref_squeeze %dma_wait3A_292 : memref<1x128xi32, #tpu.memory_space<vmem>> -> memref<128xi32, #tpu.memory_space<vmem>>
      %dma_wait3A_294 = arith.constant 0 : i32
      %dma_wait3A_295 = arith.constant 0 : i32
      %dma_wait3A_296 = tpu.memref_slice %arg10[%dma_wait3A_294, %dma_wait3A_295] : memref<10240x32xf32, #tpu.memory_space<vmem_shared>> -> memref<10240x32xf32, #tpu.memory_space<vmem_shared>>
      tpu.wait_indirect_dma semaphore(%arg11 : memref<!tpu.dma_semaphore, #tpu.memory_space<semaphore_mem>>) src(%dma_wait3A_296 : memref<10240x32xf32, #tpu.memory_space<vmem_shared>>) dst(%dma_wait3A_290 : memref<128x32xf32, #tpu.memory_space<vmem>>)
      %dma_wait3A_297 = arith.constant 0 : i32
      %dma_wait3A_298 = arith.constant 5 : i32
      %dma_wait3A_299 = arith.constant 0 : i32
      %dma_wait3A_300 = arith.constant 0 : i32
      %dma_wait3A_301 = tpu.memref_slice %arg8[%dma_wait3A_298, %dma_wait3A_299, %dma_wait3A_300] : memref<8x128x32xf32, #tpu.memory_space<vmem>> -> memref<1x128x32xf32, #tpu.memory_space<vmem>>
      %dma_wait3A_302 = tpu.memref_squeeze %dma_wait3A_301 : memref<1x128x32xf32, #tpu.memory_space<vmem>> -> memref<128x32xf32, #tpu.memory_space<vmem>>
      %dma_wait3A_303 = arith.constant 0 : i32
      %dma_wait3A_304 = tpu.memref_slice %arg6[%dma_wait3A_297, %dma_wait3A_303] : memref<160x128xi32, #tpu.memory_space<vmem>> -> memref<1x128xi32, #tpu.memory_space<vmem>>
      %dma_wait3A_305 = tpu.memref_squeeze %dma_wait3A_304 : memref<1x128xi32, #tpu.memory_space<vmem>> -> memref<128xi32, #tpu.memory_space<vmem>>
      %dma_wait3A_306 = arith.constant 0 : i32
      %dma_wait3A_307 = arith.constant 0 : i32
      %dma_wait3A_308 = tpu.memref_slice %arg10[%dma_wait3A_306, %dma_wait3A_307] : memref<10240x32xf32, #tpu.memory_space<vmem_shared>> -> memref<10240x32xf32, #tpu.memory_space<vmem_shared>>
      tpu.wait_indirect_dma semaphore(%arg11 : memref<!tpu.dma_semaphore, #tpu.memory_space<semaphore_mem>>) src(%dma_wait3A_308 : memref<10240x32xf32, #tpu.memory_space<vmem_shared>>) dst(%dma_wait3A_302 : memref<128x32xf32, #tpu.memory_space<vmem>>)
      %dma_wait3A_309 = arith.constant 0 : i32
      %dma_wait3A_310 = arith.constant 6 : i32
      %dma_wait3A_311 = arith.constant 0 : i32
      %dma_wait3A_312 = arith.constant 0 : i32
      %dma_wait3A_313 = tpu.memref_slice %arg8[%dma_wait3A_310, %dma_wait3A_311, %dma_wait3A_312] : memref<8x128x32xf32, #tpu.memory_space<vmem>> -> memref<1x128x32xf32, #tpu.memory_space<vmem>>
      %dma_wait3A_314 = tpu.memref_squeeze %dma_wait3A_313 : memref<1x128x32xf32, #tpu.memory_space<vmem>> -> memref<128x32xf32, #tpu.memory_space<vmem>>
      %dma_wait3A_315 = arith.constant 0 : i32
      %dma_wait3A_316 = tpu.memref_slice %arg6[%dma_wait3A_309, %dma_wait3A_315] : memref<160x128xi32, #tpu.memory_space<vmem>> -> memref<1x128xi32, #tpu.memory_space<vmem>>
      %dma_wait3A_317 = tpu.memref_squeeze %dma_wait3A_316 : memref<1x128xi32, #tpu.memory_space<vmem>> -> memref<128xi32, #tpu.memory_space<vmem>>
      %dma_wait3A_318 = arith.constant 0 : i32
      %dma_wait3A_319 = arith.constant 0 : i32
      %dma_wait3A_320 = tpu.memref_slice %arg10[%dma_wait3A_318, %dma_wait3A_319] : memref<10240x32xf32, #tpu.memory_space<vmem_shared>> -> memref<10240x32xf32, #tpu.memory_space<vmem_shared>>
      tpu.wait_indirect_dma semaphore(%arg11 : memref<!tpu.dma_semaphore, #tpu.memory_space<semaphore_mem>>) src(%dma_wait3A_320 : memref<10240x32xf32, #tpu.memory_space<vmem_shared>>) dst(%dma_wait3A_314 : memref<128x32xf32, #tpu.memory_space<vmem>>)
      %dma_wait3A_321 = arith.constant 0 : i32
      %dma_wait3A_322 = arith.constant 7 : i32
      %dma_wait3A_323 = arith.constant 0 : i32
      %dma_wait3A_324 = arith.constant 0 : i32
      %dma_wait3A_325 = tpu.memref_slice %arg8[%dma_wait3A_322, %dma_wait3A_323, %dma_wait3A_324] : memref<8x128x32xf32, #tpu.memory_space<vmem>> -> memref<1x128x32xf32, #tpu.memory_space<vmem>>
      %dma_wait3A_326 = tpu.memref_squeeze %dma_wait3A_325 : memref<1x128x32xf32, #tpu.memory_space<vmem>> -> memref<128x32xf32, #tpu.memory_space<vmem>>
      %dma_wait3A_327 = arith.constant 0 : i32
      %dma_wait3A_328 = tpu.memref_slice %arg6[%dma_wait3A_321, %dma_wait3A_327] : memref<160x128xi32, #tpu.memory_space<vmem>> -> memref<1x128xi32, #tpu.memory_space<vmem>>
      %dma_wait3A_329 = tpu.memref_squeeze %dma_wait3A_328 : memref<1x128xi32, #tpu.memory_space<vmem>> -> memref<128xi32, #tpu.memory_space<vmem>>
      %dma_wait3A_330 = arith.constant 0 : i32
      %dma_wait3A_331 = arith.constant 0 : i32
      %dma_wait3A_332 = tpu.memref_slice %arg10[%dma_wait3A_330, %dma_wait3A_331] : memref<10240x32xf32, #tpu.memory_space<vmem_shared>> -> memref<10240x32xf32, #tpu.memory_space<vmem_shared>>
      tpu.wait_indirect_dma semaphore(%arg11 : memref<!tpu.dma_semaphore, #tpu.memory_space<semaphore_mem>>) src(%dma_wait3A_332 : memref<10240x32xf32, #tpu.memory_space<vmem_shared>>) dst(%dma_wait3A_326 : memref<128x32xf32, #tpu.memory_space<vmem>>)
      %mul3A_333 = arith.constant 8 : i32
      %mul3A_334 = arith.muli %scan3A_116, %mul3A_333 : i32
      %add3A_335 = arith.constant 0 : i32
      %add3A_336 = arith.addi %mul3A_334, %add3A_335 : i32
      %dma_start3A_337 = arith.constant 0 : i32
      %dma_start3A_338 = arith.constant 0 : i32
      %dma_start3A_339 = arith.constant 0 : i32
      %dma_start3A_340 = tpu.memref_slice %arg8[%dma_start3A_337, %dma_start3A_338, %dma_start3A_339] : memref<8x128x32xf32, #tpu.memory_space<vmem>> -> memref<1x128x32xf32, #tpu.memory_space<vmem>>
      %dma_start3A_341 = tpu.memref_squeeze %dma_start3A_340 : memref<1x128x32xf32, #tpu.memory_space<vmem>> -> memref<128x32xf32, #tpu.memory_space<vmem>>
      %dma_start3A_342 = arith.constant 0 : i32
      %dma_start3A_343 = tpu.memref_slice %arg7[%add3A_336, %dma_start3A_342] : memref<160x128xi32, #tpu.memory_space<vmem>> -> memref<1x128xi32, #tpu.memory_space<vmem>>
      %dma_start3A_344 = tpu.memref_squeeze %dma_start3A_343 : memref<1x128xi32, #tpu.memory_space<vmem>> -> memref<128xi32, #tpu.memory_space<vmem>>
      %dma_start3A_345 = arith.constant 0 : i32
      %dma_start3A_346 = arith.constant 0 : i32
      %dma_start3A_347 = tpu.memref_slice %arg9[%dma_start3A_345, %dma_start3A_346] : memref<10240x32xf32, #tpu.memory_space<vmem_shared>> -> memref<10240x32xf32, #tpu.memory_space<vmem_shared>>
      tpu.enqueue_indirect_dma source(%dma_start3A_341 : memref<128x32xf32, #tpu.memory_space<vmem>>) target(%dma_start3A_347 : memref<10240x32xf32, #tpu.memory_space<vmem_shared>>) offsets(%dma_start3A_344 : memref<128xi32, #tpu.memory_space<vmem>>) semaphore(%arg12 : memref<!tpu.dma_semaphore, #tpu.memory_space<semaphore_mem>>) {add = true}
      %mul3A_348 = arith.constant 8 : i32
      %mul3A_349 = arith.muli %scan3A_116, %mul3A_348 : i32
      %add3A_350 = arith.constant 1 : i32
      %add3A_351 = arith.addi %mul3A_349, %add3A_350 : i32
      %dma_start3A_352 = arith.constant 1 : i32
      %dma_start3A_353 = arith.constant 0 : i32
      %dma_start3A_354 = arith.constant 0 : i32
      %dma_start3A_355 = tpu.memref_slice %arg8[%dma_start3A_352, %dma_start3A_353, %dma_start3A_354] : memref<8x128x32xf32, #tpu.memory_space<vmem>> -> memref<1x128x32xf32, #tpu.memory_space<vmem>>
      %dma_start3A_356 = tpu.memref_squeeze %dma_start3A_355 : memref<1x128x32xf32, #tpu.memory_space<vmem>> -> memref<128x32xf32, #tpu.memory_space<vmem>>
      %dma_start3A_357 = arith.constant 0 : i32
      %dma_start3A_358 = tpu.memref_slice %arg7[%add3A_351, %dma_start3A_357] : memref<160x128xi32, #tpu.memory_space<vmem>> -> memref<1x128xi32, #tpu.memory_space<vmem>>
      %dma_start3A_359 = tpu.memref_squeeze %dma_start3A_358 : memref<1x128xi32, #tpu.memory_space<vmem>> -> memref<128xi32, #tpu.memory_space<vmem>>
      %dma_start3A_360 = arith.constant 0 : i32
      %dma_start3A_361 = arith.constant 0 : i32
      %dma_start3A_362 = tpu.memref_slice %arg9[%dma_start3A_360, %dma_start3A_361] : memref<10240x32xf32, #tpu.memory_space<vmem_shared>> -> memref<10240x32xf32, #tpu.memory_space<vmem_shared>>
      tpu.enqueue_indirect_dma source(%dma_start3A_356 : memref<128x32xf32, #tpu.memory_space<vmem>>) target(%dma_start3A_362 : memref<10240x32xf32, #tpu.memory_space<vmem_shared>>) offsets(%dma_start3A_359 : memref<128xi32, #tpu.memory_space<vmem>>) semaphore(%arg12 : memref<!tpu.dma_semaphore, #tpu.memory_space<semaphore_mem>>) {add = true}
      %mul3A_363 = arith.constant 8 : i32
      %mul3A_364 = arith.muli %scan3A_116, %mul3A_363 : i32
      %add3A_365 = arith.constant 2 : i32
      %add3A_366 = arith.addi %mul3A_364, %add3A_365 : i32
      %dma_start3A_367 = arith.constant 2 : i32
      %dma_start3A_368 = arith.constant 0 : i32
      %dma_start3A_369 = arith.constant 0 : i32
      %dma_start3A_370 = tpu.memref_slice %arg8[%dma_start3A_367, %dma_start3A_368, %dma_start3A_369] : memref<8x128x32xf32, #tpu.memory_space<vmem>> -> memref<1x128x32xf32, #tpu.memory_space<vmem>>
      %dma_start3A_371 = tpu.memref_squeeze %dma_start3A_370 : memref<1x128x32xf32, #tpu.memory_space<vmem>> -> memref<128x32xf32, #tpu.memory_space<vmem>>
      %dma_start3A_372 = arith.constant 0 : i32
      %dma_start3A_373 = tpu.memref_slice %arg7[%add3A_366, %dma_start3A_372] : memref<160x128xi32, #tpu.memory_space<vmem>> -> memref<1x128xi32, #tpu.memory_space<vmem>>
      %dma_start3A_374 = tpu.memref_squeeze %dma_start3A_373 : memref<1x128xi32, #tpu.memory_space<vmem>> -> memref<128xi32, #tpu.memory_space<vmem>>
      %dma_start3A_375 = arith.constant 0 : i32
      %dma_start3A_376 = arith.constant 0 : i32
      %dma_start3A_377 = tpu.memref_slice %arg9[%dma_start3A_375, %dma_start3A_376] : memref<10240x32xf32, #tpu.memory_space<vmem_shared>> -> memref<10240x32xf32, #tpu.memory_space<vmem_shared>>
      tpu.enqueue_indirect_dma source(%dma_start3A_371 : memref<128x32xf32, #tpu.memory_space<vmem>>) target(%dma_start3A_377 : memref<10240x32xf32, #tpu.memory_space<vmem_shared>>) offsets(%dma_start3A_374 : memref<128xi32, #tpu.memory_space<vmem>>) semaphore(%arg12 : memref<!tpu.dma_semaphore, #tpu.memory_space<semaphore_mem>>) {add = true}
      %mul3A_378 = arith.constant 8 : i32
      %mul3A_379 = arith.muli %scan3A_116, %mul3A_378 : i32
      %add3A_380 = arith.constant 3 : i32
      %add3A_381 = arith.addi %mul3A_379, %add3A_380 : i32
      %dma_start3A_382 = arith.constant 3 : i32
      %dma_start3A_383 = arith.constant 0 : i32
      %dma_start3A_384 = arith.constant 0 : i32
      %dma_start3A_385 = tpu.memref_slice %arg8[%dma_start3A_382, %dma_start3A_383, %dma_start3A_384] : memref<8x128x32xf32, #tpu.memory_space<vmem>> -> memref<1x128x32xf32, #tpu.memory_space<vmem>>
      %dma_start3A_386 = tpu.memref_squeeze %dma_start3A_385 : memref<1x128x32xf32, #tpu.memory_space<vmem>> -> memref<128x32xf32, #tpu.memory_space<vmem>>
      %dma_start3A_387 = arith.constant 0 : i32
      %dma_start3A_388 = tpu.memref_slice %arg7[%add3A_381, %dma_start3A_387] : memref<160x128xi32, #tpu.memory_space<vmem>> -> memref<1x128xi32, #tpu.memory_space<vmem>>
      %dma_start3A_389 = tpu.memref_squeeze %dma_start3A_388 : memref<1x128xi32, #tpu.memory_space<vmem>> -> memref<128xi32, #tpu.memory_space<vmem>>
      %dma_start3A_390 = arith.constant 0 : i32
      %dma_start3A_391 = arith.constant 0 : i32
      %dma_start3A_392 = tpu.memref_slice %arg9[%dma_start3A_390, %dma_start3A_391] : memref<10240x32xf32, #tpu.memory_space<vmem_shared>> -> memref<10240x32xf32, #tpu.memory_space<vmem_shared>>
      tpu.enqueue_indirect_dma source(%dma_start3A_386 : memref<128x32xf32, #tpu.memory_space<vmem>>) target(%dma_start3A_392 : memref<10240x32xf32, #tpu.memory_space<vmem_shared>>) offsets(%dma_start3A_389 : memref<128xi32, #tpu.memory_space<vmem>>) semaphore(%arg12 : memref<!tpu.dma_semaphore, #tpu.memory_space<semaphore_mem>>) {add = true}
      %mul3A_393 = arith.constant 8 : i32
      %mul3A_394 = arith.muli %scan3A_116, %mul3A_393 : i32
      %add3A_395 = arith.constant 4 : i32
      %add3A_396 = arith.addi %mul3A_394, %add3A_395 : i32
      %dma_start3A_397 = arith.constant 4 : i32
      %dma_start3A_398 = arith.constant 0 : i32
      %dma_start3A_399 = arith.constant 0 : i32
      %dma_start3A_400 = tpu.memref_slice %arg8[%dma_start3A_397, %dma_start3A_398, %dma_start3A_399] : memref<8x128x32xf32, #tpu.memory_space<vmem>> -> memref<1x128x32xf32, #tpu.memory_space<vmem>>
      %dma_start3A_401 = tpu.memref_squeeze %dma_start3A_400 : memref<1x128x32xf32, #tpu.memory_space<vmem>> -> memref<128x32xf32, #tpu.memory_space<vmem>>
      %dma_start3A_402 = arith.constant 0 : i32
      %dma_start3A_403 = tpu.memref_slice %arg7[%add3A_396, %dma_start3A_402] : memref<160x128xi32, #tpu.memory_space<vmem>> -> memref<1x128xi32, #tpu.memory_space<vmem>>
      %dma_start3A_404 = tpu.memref_squeeze %dma_start3A_403 : memref<1x128xi32, #tpu.memory_space<vmem>> -> memref<128xi32, #tpu.memory_space<vmem>>
      %dma_start3A_405 = arith.constant 0 : i32
      %dma_start3A_406 = arith.constant 0 : i32
      %dma_start3A_407 = tpu.memref_slice %arg9[%dma_start3A_405, %dma_start3A_406] : memref<10240x32xf32, #tpu.memory_space<vmem_shared>> -> memref<10240x32xf32, #tpu.memory_space<vmem_shared>>
      tpu.enqueue_indirect_dma source(%dma_start3A_401 : memref<128x32xf32, #tpu.memory_space<vmem>>) target(%dma_start3A_407 : memref<10240x32xf32, #tpu.memory_space<vmem_shared>>) offsets(%dma_start3A_404 : memref<128xi32, #tpu.memory_space<vmem>>) semaphore(%arg12 : memref<!tpu.dma_semaphore, #tpu.memory_space<semaphore_mem>>) {add = true}
      %mul3A_408 = arith.constant 8 : i32
      %mul3A_409 = arith.muli %scan3A_116, %mul3A_408 : i32
      %add3A_410 = arith.constant 5 : i32
      %add3A_411 = arith.addi %mul3A_409, %add3A_410 : i32
      %dma_start3A_412 = arith.constant 5 : i32
      %dma_start3A_413 = arith.constant 0 : i32
      %dma_start3A_414 = arith.constant 0 : i32
      %dma_start3A_415 = tpu.memref_slice %arg8[%dma_start3A_412, %dma_start3A_413, %dma_start3A_414] : memref<8x128x32xf32, #tpu.memory_space<vmem>> -> memref<1x128x32xf32, #tpu.memory_space<vmem>>
      %dma_start3A_416 = tpu.memref_squeeze %dma_start3A_415 : memref<1x128x32xf32, #tpu.memory_space<vmem>> -> memref<128x32xf32, #tpu.memory_space<vmem>>
      %dma_start3A_417 = arith.constant 0 : i32
      %dma_start3A_418 = tpu.memref_slice %arg7[%add3A_411, %dma_start3A_417] : memref<160x128xi32, #tpu.memory_space<vmem>> -> memref<1x128xi32, #tpu.memory_space<vmem>>
      %dma_start3A_419 = tpu.memref_squeeze %dma_start3A_418 : memref<1x128xi32, #tpu.memory_space<vmem>> -> memref<128xi32, #tpu.memory_space<vmem>>
      %dma_start3A_420 = arith.constant 0 : i32
      %dma_start3A_421 = arith.constant 0 : i32
      %dma_start3A_422 = tpu.memref_slice %arg9[%dma_start3A_420, %dma_start3A_421] : memref<10240x32xf32, #tpu.memory_space<vmem_shared>> -> memref<10240x32xf32, #tpu.memory_space<vmem_shared>>
      tpu.enqueue_indirect_dma source(%dma_start3A_416 : memref<128x32xf32, #tpu.memory_space<vmem>>) target(%dma_start3A_422 : memref<10240x32xf32, #tpu.memory_space<vmem_shared>>) offsets(%dma_start3A_419 : memref<128xi32, #tpu.memory_space<vmem>>) semaphore(%arg12 : memref<!tpu.dma_semaphore, #tpu.memory_space<semaphore_mem>>) {add = true}
      %mul3A_423 = arith.constant 8 : i32
      %mul3A_424 = arith.muli %scan3A_116, %mul3A_423 : i32
      %add3A_425 = arith.constant 6 : i32
      %add3A_426 = arith.addi %mul3A_424, %add3A_425 : i32
      %dma_start3A_427 = arith.constant 6 : i32
      %dma_start3A_428 = arith.constant 0 : i32
      %dma_start3A_429 = arith.constant 0 : i32
      %dma_start3A_430 = tpu.memref_slice %arg8[%dma_start3A_427, %dma_start3A_428, %dma_start3A_429] : memref<8x128x32xf32, #tpu.memory_space<vmem>> -> memref<1x128x32xf32, #tpu.memory_space<vmem>>
      %dma_start3A_431 = tpu.memref_squeeze %dma_start3A_430 : memref<1x128x32xf32, #tpu.memory_space<vmem>> -> memref<128x32xf32, #tpu.memory_space<vmem>>
      %dma_start3A_432 = arith.constant 0 : i32
      %dma_start3A_433 = tpu.memref_slice %arg7[%add3A_426, %dma_start3A_432] : memref<160x128xi32, #tpu.memory_space<vmem>> -> memref<1x128xi32, #tpu.memory_space<vmem>>
      %dma_start3A_434 = tpu.memref_squeeze %dma_start3A_433 : memref<1x128xi32, #tpu.memory_space<vmem>> -> memref<128xi32, #tpu.memory_space<vmem>>
      %dma_start3A_435 = arith.constant 0 : i32
      %dma_start3A_436 = arith.constant 0 : i32
      %dma_start3A_437 = tpu.memref_slice %arg9[%dma_start3A_435, %dma_start3A_436] : memref<10240x32xf32, #tpu.memory_space<vmem_shared>> -> memref<10240x32xf32, #tpu.memory_space<vmem_shared>>
      tpu.enqueue_indirect_dma source(%dma_start3A_431 : memref<128x32xf32, #tpu.memory_space<vmem>>) target(%dma_start3A_437 : memref<10240x32xf32, #tpu.memory_space<vmem_shared>>) offsets(%dma_start3A_434 : memref<128xi32, #tpu.memory_space<vmem>>) semaphore(%arg12 : memref<!tpu.dma_semaphore, #tpu.memory_space<semaphore_mem>>) {add = true}
      %mul3A_438 = arith.constant 8 : i32
      %mul3A_439 = arith.muli %scan3A_116, %mul3A_438 : i32
      %add3A_440 = arith.constant 7 : i32
      %add3A_441 = arith.addi %mul3A_439, %add3A_440 : i32
      %dma_start3A_442 = arith.constant 7 : i32
      %dma_start3A_443 = arith.constant 0 : i32
      %dma_start3A_444 = arith.constant 0 : i32
      %dma_start3A_445 = tpu.memref_slice %arg8[%dma_start3A_442, %dma_start3A_443, %dma_start3A_444] : memref<8x128x32xf32, #tpu.memory_space<vmem>> -> memref<1x128x32xf32, #tpu.memory_space<vmem>>
      %dma_start3A_446 = tpu.memref_squeeze %dma_start3A_445 : memref<1x128x32xf32, #tpu.memory_space<vmem>> -> memref<128x32xf32, #tpu.memory_space<vmem>>
      %dma_start3A_447 = arith.constant 0 : i32
      %dma_start3A_448 = tpu.memref_slice %arg7[%add3A_441, %dma_start3A_447] : memref<160x128xi32, #tpu.memory_space<vmem>> -> memref<1x128xi32, #tpu.memory_space<vmem>>
      %dma_start3A_449 = tpu.memref_squeeze %dma_start3A_448 : memref<1x128xi32, #tpu.memory_space<vmem>> -> memref<128xi32, #tpu.memory_space<vmem>>
      %dma_start3A_450 = arith.constant 0 : i32
      %dma_start3A_451 = arith.constant 0 : i32
      %dma_start3A_452 = tpu.memref_slice %arg9[%dma_start3A_450, %dma_start3A_451] : memref<10240x32xf32, #tpu.memory_space<vmem_shared>> -> memref<10240x32xf32, #tpu.memory_space<vmem_shared>>
      tpu.enqueue_indirect_dma source(%dma_start3A_446 : memref<128x32xf32, #tpu.memory_space<vmem>>) target(%dma_start3A_452 : memref<10240x32xf32, #tpu.memory_space<vmem_shared>>) offsets(%dma_start3A_449 : memref<128xi32, #tpu.memory_space<vmem>>) semaphore(%arg12 : memref<!tpu.dma_semaphore, #tpu.memory_space<semaphore_mem>>) {add = true}
    }
    %scan3A_15 = arith.constant 20 : i32
    %dma_wait3A = arith.constant 0 : i32
    %dma_wait3A_16 = arith.constant 0 : i32
    %dma_wait3A_17 = arith.constant 0 : i32
    %dma_wait3A_18 = arith.constant 0 : i32
    %dma_wait3A_19 = tpu.memref_slice %arg8[%dma_wait3A, %dma_wait3A_17, %dma_wait3A_18] : memref<8x128x32xf32, #tpu.memory_space<vmem>> -> memref<1x128x32xf32, #tpu.memory_space<vmem>>
    %dma_wait3A_20 = tpu.memref_squeeze %dma_wait3A_19 : memref<1x128x32xf32, #tpu.memory_space<vmem>> -> memref<128x32xf32, #tpu.memory_space<vmem>>
    %dma_wait3A_21 = arith.constant 0 : i32
    %dma_wait3A_22 = tpu.memref_slice %arg7[%dma_wait3A_16, %dma_wait3A_21] : memref<160x128xi32, #tpu.memory_space<vmem>> -> memref<1x128xi32, #tpu.memory_space<vmem>>
    %dma_wait3A_23 = tpu.memref_squeeze %dma_wait3A_22 : memref<1x128xi32, #tpu.memory_space<vmem>> -> memref<128xi32, #tpu.memory_space<vmem>>
    %dma_wait3A_24 = arith.constant 0 : i32
    %dma_wait3A_25 = arith.constant 0 : i32
    %dma_wait3A_26 = tpu.memref_slice %arg9[%dma_wait3A_24, %dma_wait3A_25] : memref<10240x32xf32, #tpu.memory_space<vmem_shared>> -> memref<10240x32xf32, #tpu.memory_space<vmem_shared>>
    tpu.wait_indirect_dma semaphore(%arg12 : memref<!tpu.dma_semaphore, #tpu.memory_space<semaphore_mem>>) src(%dma_wait3A_20 : memref<128x32xf32, #tpu.memory_space<vmem>>) dst(%dma_wait3A_26 : memref<10240x32xf32, #tpu.memory_space<vmem_shared>>)
    %dma_wait3A_27 = arith.constant 1 : i32
    %dma_wait3A_28 = arith.constant 0 : i32
    %dma_wait3A_29 = arith.constant 0 : i32
    %dma_wait3A_30 = arith.constant 0 : i32
    %dma_wait3A_31 = tpu.memref_slice %arg8[%dma_wait3A_27, %dma_wait3A_29, %dma_wait3A_30] : memref<8x128x32xf32, #tpu.memory_space<vmem>> -> memref<1x128x32xf32, #tpu.memory_space<vmem>>
    %dma_wait3A_32 = tpu.memref_squeeze %dma_wait3A_31 : memref<1x128x32xf32, #tpu.memory_space<vmem>> -> memref<128x32xf32, #tpu.memory_space<vmem>>
    %dma_wait3A_33 = arith.constant 0 : i32
    %dma_wait3A_34 = tpu.memref_slice %arg7[%dma_wait3A_28, %dma_wait3A_33] : memref<160x128xi32, #tpu.memory_space<vmem>> -> memref<1x128xi32, #tpu.memory_space<vmem>>
    %dma_wait3A_35 = tpu.memref_squeeze %dma_wait3A_34 : memref<1x128xi32, #tpu.memory_space<vmem>> -> memref<128xi32, #tpu.memory_space<vmem>>
    %dma_wait3A_36 = arith.constant 0 : i32
    %dma_wait3A_37 = arith.constant 0 : i32
    %dma_wait3A_38 = tpu.memref_slice %arg9[%dma_wait3A_36, %dma_wait3A_37] : memref<10240x32xf32, #tpu.memory_space<vmem_shared>> -> memref<10240x32xf32, #tpu.memory_space<vmem_shared>>
    tpu.wait_indirect_dma semaphore(%arg12 : memref<!tpu.dma_semaphore, #tpu.memory_space<semaphore_mem>>) src(%dma_wait3A_32 : memref<128x32xf32, #tpu.memory_space<vmem>>) dst(%dma_wait3A_38 : memref<10240x32xf32, #tpu.memory_space<vmem_shared>>)
    %dma_wait3A_39 = arith.constant 2 : i32
    %dma_wait3A_40 = arith.constant 0 : i32
    %dma_wait3A_41 = arith.constant 0 : i32
    %dma_wait3A_42 = arith.constant 0 : i32
    %dma_wait3A_43 = tpu.memref_slice %arg8[%dma_wait3A_39, %dma_wait3A_41, %dma_wait3A_42] : memref<8x128x32xf32, #tpu.memory_space<vmem>> -> memref<1x128x32xf32, #tpu.memory_space<vmem>>
    %dma_wait3A_44 = tpu.memref_squeeze %dma_wait3A_43 : memref<1x128x32xf32, #tpu.memory_space<vmem>> -> memref<128x32xf32, #tpu.memory_space<vmem>>
    %dma_wait3A_45 = arith.constant 0 : i32
    %dma_wait3A_46 = tpu.memref_slice %arg7[%dma_wait3A_40, %dma_wait3A_45] : memref<160x128xi32, #tpu.memory_space<vmem>> -> memref<1x128xi32, #tpu.memory_space<vmem>>
    %dma_wait3A_47 = tpu.memref_squeeze %dma_wait3A_46 : memref<1x128xi32, #tpu.memory_space<vmem>> -> memref<128xi32, #tpu.memory_space<vmem>>
    %dma_wait3A_48 = arith.constant 0 : i32
    %dma_wait3A_49 = arith.constant 0 : i32
    %dma_wait3A_50 = tpu.memref_slice %arg9[%dma_wait3A_48, %dma_wait3A_49] : memref<10240x32xf32, #tpu.memory_space<vmem_shared>> -> memref<10240x32xf32, #tpu.memory_space<vmem_shared>>
    tpu.wait_indirect_dma semaphore(%arg12 : memref<!tpu.dma_semaphore, #tpu.memory_space<semaphore_mem>>) src(%dma_wait3A_44 : memref<128x32xf32, #tpu.memory_space<vmem>>) dst(%dma_wait3A_50 : memref<10240x32xf32, #tpu.memory_space<vmem_shared>>)
    %dma_wait3A_51 = arith.constant 3 : i32
    %dma_wait3A_52 = arith.constant 0 : i32
    %dma_wait3A_53 = arith.constant 0 : i32
    %dma_wait3A_54 = arith.constant 0 : i32
    %dma_wait3A_55 = tpu.memref_slice %arg8[%dma_wait3A_51, %dma_wait3A_53, %dma_wait3A_54] : memref<8x128x32xf32, #tpu.memory_space<vmem>> -> memref<1x128x32xf32, #tpu.memory_space<vmem>>
    %dma_wait3A_56 = tpu.memref_squeeze %dma_wait3A_55 : memref<1x128x32xf32, #tpu.memory_space<vmem>> -> memref<128x32xf32, #tpu.memory_space<vmem>>
    %dma_wait3A_57 = arith.constant 0 : i32
    %dma_wait3A_58 = tpu.memref_slice %arg7[%dma_wait3A_52, %dma_wait3A_57] : memref<160x128xi32, #tpu.memory_space<vmem>> -> memref<1x128xi32, #tpu.memory_space<vmem>>
    %dma_wait3A_59 = tpu.memref_squeeze %dma_wait3A_58 : memref<1x128xi32, #tpu.memory_space<vmem>> -> memref<128xi32, #tpu.memory_space<vmem>>
    %dma_wait3A_60 = arith.constant 0 : i32
    %dma_wait3A_61 = arith.constant 0 : i32
    %dma_wait3A_62 = tpu.memref_slice %arg9[%dma_wait3A_60, %dma_wait3A_61] : memref<10240x32xf32, #tpu.memory_space<vmem_shared>> -> memref<10240x32xf32, #tpu.memory_space<vmem_shared>>
    tpu.wait_indirect_dma semaphore(%arg12 : memref<!tpu.dma_semaphore, #tpu.memory_space<semaphore_mem>>) src(%dma_wait3A_56 : memref<128x32xf32, #tpu.memory_space<vmem>>) dst(%dma_wait3A_62 : memref<10240x32xf32, #tpu.memory_space<vmem_shared>>)
    %dma_wait3A_63 = arith.constant 4 : i32
    %dma_wait3A_64 = arith.constant 0 : i32
    %dma_wait3A_65 = arith.constant 0 : i32
    %dma_wait3A_66 = arith.constant 0 : i32
    %dma_wait3A_67 = tpu.memref_slice %arg8[%dma_wait3A_63, %dma_wait3A_65, %dma_wait3A_66] : memref<8x128x32xf32, #tpu.memory_space<vmem>> -> memref<1x128x32xf32, #tpu.memory_space<vmem>>
    %dma_wait3A_68 = tpu.memref_squeeze %dma_wait3A_67 : memref<1x128x32xf32, #tpu.memory_space<vmem>> -> memref<128x32xf32, #tpu.memory_space<vmem>>
    %dma_wait3A_69 = arith.constant 0 : i32
    %dma_wait3A_70 = tpu.memref_slice %arg7[%dma_wait3A_64, %dma_wait3A_69] : memref<160x128xi32, #tpu.memory_space<vmem>> -> memref<1x128xi32, #tpu.memory_space<vmem>>
    %dma_wait3A_71 = tpu.memref_squeeze %dma_wait3A_70 : memref<1x128xi32, #tpu.memory_space<vmem>> -> memref<128xi32, #tpu.memory_space<vmem>>
    %dma_wait3A_72 = arith.constant 0 : i32
    %dma_wait3A_73 = arith.constant 0 : i32
    %dma_wait3A_74 = tpu.memref_slice %arg9[%dma_wait3A_72, %dma_wait3A_73] : memref<10240x32xf32, #tpu.memory_space<vmem_shared>> -> memref<10240x32xf32, #tpu.memory_space<vmem_shared>>
    tpu.wait_indirect_dma semaphore(%arg12 : memref<!tpu.dma_semaphore, #tpu.memory_space<semaphore_mem>>) src(%dma_wait3A_68 : memref<128x32xf32, #tpu.memory_space<vmem>>) dst(%dma_wait3A_74 : memref<10240x32xf32, #tpu.memory_space<vmem_shared>>)
    %dma_wait3A_75 = arith.constant 5 : i32
    %dma_wait3A_76 = arith.constant 0 : i32
    %dma_wait3A_77 = arith.constant 0 : i32
    %dma_wait3A_78 = arith.constant 0 : i32
    %dma_wait3A_79 = tpu.memref_slice %arg8[%dma_wait3A_75, %dma_wait3A_77, %dma_wait3A_78] : memref<8x128x32xf32, #tpu.memory_space<vmem>> -> memref<1x128x32xf32, #tpu.memory_space<vmem>>
    %dma_wait3A_80 = tpu.memref_squeeze %dma_wait3A_79 : memref<1x128x32xf32, #tpu.memory_space<vmem>> -> memref<128x32xf32, #tpu.memory_space<vmem>>
    %dma_wait3A_81 = arith.constant 0 : i32
    %dma_wait3A_82 = tpu.memref_slice %arg7[%dma_wait3A_76, %dma_wait3A_81] : memref<160x128xi32, #tpu.memory_space<vmem>> -> memref<1x128xi32, #tpu.memory_space<vmem>>
    %dma_wait3A_83 = tpu.memref_squeeze %dma_wait3A_82 : memref<1x128xi32, #tpu.memory_space<vmem>> -> memref<128xi32, #tpu.memory_space<vmem>>
    %dma_wait3A_84 = arith.constant 0 : i32
    %dma_wait3A_85 = arith.constant 0 : i32
    %dma_wait3A_86 = tpu.memref_slice %arg9[%dma_wait3A_84, %dma_wait3A_85] : memref<10240x32xf32, #tpu.memory_space<vmem_shared>> -> memref<10240x32xf32, #tpu.memory_space<vmem_shared>>
    tpu.wait_indirect_dma semaphore(%arg12 : memref<!tpu.dma_semaphore, #tpu.memory_space<semaphore_mem>>) src(%dma_wait3A_80 : memref<128x32xf32, #tpu.memory_space<vmem>>) dst(%dma_wait3A_86 : memref<10240x32xf32, #tpu.memory_space<vmem_shared>>)
    %dma_wait3A_87 = arith.constant 6 : i32
    %dma_wait3A_88 = arith.constant 0 : i32
    %dma_wait3A_89 = arith.constant 0 : i32
    %dma_wait3A_90 = arith.constant 0 : i32
    %dma_wait3A_91 = tpu.memref_slice %arg8[%dma_wait3A_87, %dma_wait3A_89, %dma_wait3A_90] : memref<8x128x32xf32, #tpu.memory_space<vmem>> -> memref<1x128x32xf32, #tpu.memory_space<vmem>>
    %dma_wait3A_92 = tpu.memref_squeeze %dma_wait3A_91 : memref<1x128x32xf32, #tpu.memory_space<vmem>> -> memref<128x32xf32, #tpu.memory_space<vmem>>
    %dma_wait3A_93 = arith.constant 0 : i32
    %dma_wait3A_94 = tpu.memref_slice %arg7[%dma_wait3A_88, %dma_wait3A_93] : memref<160x128xi32, #tpu.memory_space<vmem>> -> memref<1x128xi32, #tpu.memory_space<vmem>>
    %dma_wait3A_95 = tpu.memref_squeeze %dma_wait3A_94 : memref<1x128xi32, #tpu.memory_space<vmem>> -> memref<128xi32, #tpu.memory_space<vmem>>
    %dma_wait3A_96 = arith.constant 0 : i32
    %dma_wait3A_97 = arith.constant 0 : i32
    %dma_wait3A_98 = tpu.memref_slice %arg9[%dma_wait3A_96, %dma_wait3A_97] : memref<10240x32xf32, #tpu.memory_space<vmem_shared>> -> memref<10240x32xf32, #tpu.memory_space<vmem_shared>>
    tpu.wait_indirect_dma semaphore(%arg12 : memref<!tpu.dma_semaphore, #tpu.memory_space<semaphore_mem>>) src(%dma_wait3A_92 : memref<128x32xf32, #tpu.memory_space<vmem>>) dst(%dma_wait3A_98 : memref<10240x32xf32, #tpu.memory_space<vmem_shared>>)
    %dma_wait3A_99 = arith.constant 7 : i32
    %dma_wait3A_100 = arith.constant 0 : i32
    %dma_wait3A_101 = arith.constant 0 : i32
    %dma_wait3A_102 = arith.constant 0 : i32
    %dma_wait3A_103 = tpu.memref_slice %arg8[%dma_wait3A_99, %dma_wait3A_101, %dma_wait3A_102] : memref<8x128x32xf32, #tpu.memory_space<vmem>> -> memref<1x128x32xf32, #tpu.memory_space<vmem>>
    %dma_wait3A_104 = tpu.memref_squeeze %dma_wait3A_103 : memref<1x128x32xf32, #tpu.memory_space<vmem>> -> memref<128x32xf32, #tpu.memory_space<vmem>>
    %dma_wait3A_105 = arith.constant 0 : i32
    %dma_wait3A_106 = tpu.memref_slice %arg7[%dma_wait3A_100, %dma_wait3A_105] : memref<160x128xi32, #tpu.memory_space<vmem>> -> memref<1x128xi32, #tpu.memory_space<vmem>>
    %dma_wait3A_107 = tpu.memref_squeeze %dma_wait3A_106 : memref<1x128xi32, #tpu.memory_space<vmem>> -> memref<128xi32, #tpu.memory_space<vmem>>
    %dma_wait3A_108 = arith.constant 0 : i32
    %dma_wait3A_109 = arith.constant 0 : i32
    %dma_wait3A_110 = tpu.memref_slice %arg9[%dma_wait3A_108, %dma_wait3A_109] : memref<10240x32xf32, #tpu.memory_space<vmem_shared>> -> memref<10240x32xf32, #tpu.memory_space<vmem_shared>>
    tpu.wait_indirect_dma semaphore(%arg12 : memref<!tpu.dma_semaphore, #tpu.memory_space<semaphore_mem>>) src(%dma_wait3A_104 : memref<128x32xf32, #tpu.memory_space<vmem>>) dst(%dma_wait3A_110 : memref<10240x32xf32, #tpu.memory_space<vmem_shared>>)
    %barrier3A_111 = arith.constant 0 : index
    tpu.barrier barrier_id(%barrier3A_111)
    %mul3A_112 = arith.constant 640 : i32
    %mul3A_113 = arith.muli %arg1, %mul3A_112 : i32
    %mul3A_114 = arith.constant 640 : i32
    %mul3A_115 = arith.muli %arg1, %mul3A_114 : i32
    "tpu.region"() ({
      %run_scoped3A = tpu.sem_alloc : memref<!tpu.dma_semaphore, #tpu.memory_space<semaphore_mem>>
      %dma_start3A = arith.constant 0 : i32
      %dma_start3A_116 = tpu.memref_slice %arg5[%arg0, %mul3A_115, %dma_start3A] : memref<2x10240x32xf32, #tpu.memory_space<hbm>> -> memref<1x640x32xf32, #tpu.memory_space<hbm>>
      %dma_start3A_117 = tpu.memref_squeeze %dma_start3A_116 : memref<1x640x32xf32, #tpu.memory_space<hbm>> -> memref<640x32xf32, #tpu.memory_space<hbm>>
      %dma_start3A_118 = arith.constant 0 : i32
      %dma_start3A_119 = tpu.memref_slice %arg9[%mul3A_113, %dma_start3A_118] : memref<10240x32xf32, #tpu.memory_space<vmem_shared>> -> memref<640x32xf32, #tpu.memory_space<vmem_shared>>
      tpu.enqueue_dma source(%dma_start3A_119 : memref<640x32xf32, #tpu.memory_space<vmem_shared>>) target(%dma_start3A_117 : memref<640x32xf32, #tpu.memory_space<hbm>>) target_semaphore(%run_scoped3A : memref<!tpu.dma_semaphore, #tpu.memory_space<semaphore_mem>>)
      %dma_wait3A_120 = arith.constant 0 : i32
      %dma_wait3A_121 = tpu.memref_slice %arg5[%arg0, %mul3A_115, %dma_wait3A_120] : memref<2x10240x32xf32, #tpu.memory_space<hbm>> -> memref<1x640x32xf32, #tpu.memory_space<hbm>>
      %dma_wait3A_122 = tpu.memref_squeeze %dma_wait3A_121 : memref<1x640x32xf32, #tpu.memory_space<hbm>> -> memref<640x32xf32, #tpu.memory_space<hbm>>
      %dma_wait3A_123 = arith.constant 0 : i32
      %dma_wait3A_124 = tpu.memref_slice %arg9[%mul3A_113, %dma_wait3A_123] : memref<10240x32xf32, #tpu.memory_space<vmem_shared>> -> memref<640x32xf32, #tpu.memory_space<vmem_shared>>
      tpu.wait_dma2 semaphore(%run_scoped3A : memref<!tpu.dma_semaphore, #tpu.memory_space<semaphore_mem>>) src(%dma_wait3A_124 : memref<640x32xf32, #tpu.memory_space<vmem_shared>>) dst(%dma_wait3A_122 : memref<640x32xf32, #tpu.memory_space<hbm>>)
      tpu.yield
    }) : () -> ()
    return
  }
}

module attributes {stable_mosaic.version = 14 : i64} {
  func.func @_tc1a_body(%arg0: i32, %arg1: memref<1024x128xf32, #tpu.memory_space<vmem>>, %arg2: memref<128x64xf32, #tpu.memory_space<vmem>>, %arg3: memref<1024x64xf32, #tpu.memory_space<vmem>>) attributes {dimension_semantics = [#tpu.dimension_semantics<arbitrary>], iteration_bounds = array<i64: 10>, scalar_prefetch = 0 : i64, scratch_operands = 0 : i64, tpu.core_type = #tpu.core_type<tc>, window_params = [{transform_indices = @transform_0, window_bounds = array<i64: 1024, 128>}, {pipeline_mode = #tpu.pipeline_mode<synchronous>, transform_indices = @transform_1, window_bounds = array<i64: 128, 64>}, {transform_indices = @transform_2, window_bounds = array<i64: 1024, 64>}]} {
    %get3A = arith.constant 0 : index
    %get3A_0 = arith.constant 0 : index
    %get3A_1 = vector.load %arg1[%get3A, %get3A_0] : memref<1024x128xf32, #tpu.memory_space<vmem>>, vector<1024x128xf32>
    %get3A_2 = arith.constant 0 : index
    %get3A_3 = arith.constant 0 : index
    %get3A_4 = vector.load %arg2[%get3A_2, %get3A_3] : memref<128x64xf32, #tpu.memory_space<vmem>>, vector<128x64xf32>
    %dot_general3A = arith.constant dense<0.000000e+00> : vector<1024x64xf32>
    %dot_general3A_5 = tpu.matmul %get3A_1, %get3A_4, %dot_general3A {dimension_numbers = #tpu.dot_dimension_numbers<[1], [0], [0], [1], [0, 0, 1, 1], [], []>, transpose_lhs_hint = false} : vector<1024x128xf32>, vector<128x64xf32>, vector<1024x64xf32> -> vector<1024x64xf32>
    %swap3A = arith.constant 0 : index
    %swap3A_6 = arith.constant 0 : index
    %swap3A_7 = vector.load %arg3[%swap3A, %swap3A_6] : memref<1024x64xf32, #tpu.memory_space<vmem>>, vector<1024x64xf32>
    tpu.vector_store %arg3[%swap3A, %swap3A_6], %dot_general3A_5 {strides = array<i32>} : memref<1024x64xf32, #tpu.memory_space<vmem>>, vector<1024x64xf32>,
    return
  }
  func.func @transform_0(%arg0: i32) -> (i32, i32) {
    %c0_i32 = arith.constant 0 : i32
    %c0_i32_0 = arith.constant 0 : i32
    return %arg0, %c0_i32 : i32, i32
  }
  func.func @transform_1(%arg0: i32) -> (i32, i32) {
    %c0_i32 = arith.constant 0 : i32
    %c0_i32_0 = arith.constant 0 : i32
    %c0_i32_1 = arith.constant 0 : i32
    return %c0_i32, %c0_i32_0 : i32, i32
  }
  func.func @transform_2(%arg0: i32) -> (i32, i32) {
    %c0_i32 = arith.constant 0 : i32
    %c0_i32_0 = arith.constant 0 : i32
    return %arg0, %c0_i32 : i32, i32
  }
}

module attributes {stable_mosaic.version = 14 : i64} {
  func.func @_tc1b_body(%arg0: i32, %arg1: memref<1024x64xf32, #tpu.memory_space<vmem>>, %arg2: memref<1024x16xf32, #tpu.memory_space<vmem>>, %arg3: memref<1024x16xf32, #tpu.memory_space<vmem>>, %arg4: memref<2x1024x32xf32, #tpu.memory_space<vmem>>, %arg5: memref<1024x1xf32, #tpu.memory_space<vmem>>) attributes {dimension_semantics = [#tpu.dimension_semantics<arbitrary>], iteration_bounds = array<i64: 10>, scalar_prefetch = 0 : i64, scratch_operands = 0 : i64, tpu.core_type = #tpu.core_type<tc>, window_params = [{transform_indices = @transform_0, window_bounds = array<i64: 1024, 64>}, {transform_indices = @transform_1, window_bounds = array<i64: 1024, 16>}, {transform_indices = @transform_2, window_bounds = array<i64: 1024, 16>}, {transform_indices = @transform_3, window_bounds = array<i64: 2, 1024, 32>}, {transform_indices = @transform_4, window_bounds = array<i64: 1024, 1>}]} {
    %get3A = arith.constant 0 : index
    %get3A_0 = arith.constant 0 : index
    %get3A_1 = vector.load %arg2[%get3A, %get3A_0] : memref<1024x16xf32, #tpu.memory_space<vmem>>, vector<1024x1xf32>
    %get3A_2 = arith.constant 0 : index
    %get3A_3 = arith.constant 0 : index
    %get3A_4 = vector.load %arg3[%get3A_2, %get3A_3] : memref<1024x16xf32, #tpu.memory_space<vmem>>, vector<1024x1xf32>
    %add3A = arith.addf %get3A_1, %get3A_4 : vector<1024x1xf32>
    %add3A_5 = arith.constant 1.000000e+00 : f32
    %add3A_6 = vector.broadcast %add3A_5 : f32 to vector<1024x1xf32>
    %add3A_7 = arith.addf %add3A, %add3A_6 : vector<1024x1xf32>
    %sqrt3A = math.sqrt %add3A_7 : vector<1024x1xf32>
    %div3A = arith.constant 1.000000e+00 : f32
    %div3A_8 = vector.broadcast %div3A : f32 to vector<1024x1xf32>
    %div3A_9 = arith.divf %div3A_8, %sqrt3A : vector<1024x1xf32>
    %swap3A = arith.constant 0 : index
    %swap3A_10 = arith.constant 0 : index
    %swap3A_11 = vector.load %arg5[%swap3A, %swap3A_10] : memref<1024x1xf32, #tpu.memory_space<vmem>>, vector<1024x1xf32>
    tpu.vector_store %arg5[%swap3A, %swap3A_10], %div3A_9 {strides = array<i32>} : memref<1024x1xf32, #tpu.memory_space<vmem>>, vector<1024x1xf32>,
    %get3A_12 = arith.constant 0 : index
    %get3A_13 = arith.constant 0 : index
    %get3A_14 = vector.load %arg1[%get3A_12, %get3A_13] : memref<1024x64xf32, #tpu.memory_space<vmem>>, vector<1024x64xf32>
    %mul3A = vector.broadcast %div3A_9 : vector<1024x1xf32> to vector<1024x64xf32>
    %mul3A_15 = arith.mulf %mul3A, %get3A_14 : vector<1024x64xf32>
    %slice3A = vector.extract_strided_slice %mul3A_15 {offsets = [0, 0], sizes = [1024, 32], strides = [1, 1]} : vector<1024x64xf32> to vector<1024x32xf32>
    %swap3A_16 = arith.constant 0 : index
    %swap3A_17 = arith.constant 0 : index
    %swap3A_18 = arith.constant 0 : index
    %swap3A_19 = vector.load %arg4[%swap3A_16, %swap3A_17, %swap3A_18] : memref<2x1024x32xf32, #tpu.memory_space<vmem>>, vector<1x1024x32xf32>
    %swap3A_20 = vector.shape_cast %swap3A_19 : vector<1x1024x32xf32> to vector<1024x32xf32>
    %swap3A_21 = vector.shape_cast %slice3A : vector<1024x32xf32> to vector<1x1024x32xf32>
    tpu.vector_store %arg4[%swap3A_16, %swap3A_17, %swap3A_18], %swap3A_21 {strides = array<i32>} : memref<2x1024x32xf32, #tpu.memory_space<vmem>>, vector<1x1024x32xf32>,
    %slice3A_22 = vector.extract_strided_slice %mul3A_15 {offsets = [0, 32], sizes = [1024, 32], strides = [1, 1]} : vector<1024x64xf32> to vector<1024x32xf32>
    %swap3A_23 = arith.constant 1 : index
    %swap3A_24 = arith.constant 0 : index
    %swap3A_25 = arith.constant 0 : index
    %swap3A_26 = vector.load %arg4[%swap3A_23, %swap3A_24, %swap3A_25] : memref<2x1024x32xf32, #tpu.memory_space<vmem>>, vector<1x1024x32xf32>
    %swap3A_27 = vector.shape_cast %swap3A_26 : vector<1x1024x32xf32> to vector<1024x32xf32>
    %swap3A_28 = vector.shape_cast %slice3A_22 : vector<1024x32xf32> to vector<1x1024x32xf32>
    tpu.vector_store %arg4[%swap3A_23, %swap3A_24, %swap3A_25], %swap3A_28 {strides = array<i32>} : memref<2x1024x32xf32, #tpu.memory_space<vmem>>, vector<1x1024x32xf32>,
    return
  }
  func.func @transform_0(%arg0: i32) -> (i32, i32) {
    %c0_i32 = arith.constant 0 : i32
    %c0_i32_0 = arith.constant 0 : i32
    return %arg0, %c0_i32 : i32, i32
  }
  func.func @transform_1(%arg0: i32) -> (i32, i32) {
    %c0_i32 = arith.constant 0 : i32
    %c0_i32_0 = arith.constant 0 : i32
    return %arg0, %c0_i32 : i32, i32
  }
  func.func @transform_2(%arg0: i32) -> (i32, i32) {
    %c0_i32 = arith.constant 0 : i32
    %c0_i32_0 = arith.constant 0 : i32
    return %arg0, %c0_i32 : i32, i32
  }
  func.func @transform_3(%arg0: i32) -> (i32, i32, i32) {
    %c0_i32 = arith.constant 0 : i32
    %c0_i32_0 = arith.constant 0 : i32
    %c0_i32_1 = arith.constant 0 : i32
    return %c0_i32, %arg0, %c0_i32_0 : i32, i32, i32
  }
  func.func @transform_4(%arg0: i32) -> (i32, i32) {
    %c0_i32 = arith.constant 0 : i32
    %c0_i32_0 = arith.constant 0 : i32
    return %arg0, %c0_i32 : i32, i32
  }
}

module attributes {stable_mosaic.version = 14 : i64} {
  func.func @_tc2_body(%arg0: i32, %arg1: memref<2x1024x32xf32, #tpu.memory_space<vmem>>, %arg2: memref<1024x1xf32, #tpu.memory_space<vmem>>, %arg3: memref<1x64xf32, #tpu.memory_space<vmem>>, %arg4: memref<1x64xf32, #tpu.memory_space<vmem>>, %arg5: memref<1x64xf32, #tpu.memory_space<vmem>>, %arg6: memref<1x64xf32, #tpu.memory_space<vmem>>, %arg7: memref<1x64xf32, #tpu.memory_space<vmem>>, %arg8: memref<64x64xf32, #tpu.memory_space<vmem>>, %arg9: memref<2x1024x32xf32, #tpu.memory_space<vmem>>) attributes {dimension_semantics = [#tpu.dimension_semantics<arbitrary>], iteration_bounds = array<i64: 10>, scalar_prefetch = 0 : i64, scratch_operands = 0 : i64, tpu.core_type = #tpu.core_type<tc>, window_params = [{transform_indices = @transform_0, window_bounds = array<i64: 2, 1024, 32>}, {transform_indices = @transform_1, window_bounds = array<i64: 1024, 1>}, {pipeline_mode = #tpu.pipeline_mode<synchronous>, transform_indices = @transform_2, window_bounds = array<i64: 1, 64>}, {pipeline_mode = #tpu.pipeline_mode<synchronous>, transform_indices = @transform_3, window_bounds = array<i64: 1, 64>}, {pipeline_mode = #tpu.pipeline_mode<synchronous>, transform_indices = @transform_4, window_bounds = array<i64: 1, 64>}, {pipeline_mode = #tpu.pipeline_mode<synchronous>, transform_indices = @transform_5, window_bounds = array<i64: 1, 64>}, {pipeline_mode = #tpu.pipeline_mode<synchronous>, transform_indices = @transform_6, window_bounds = array<i64: 1, 64>}, {pipeline_mode = #tpu.pipeline_mode<synchronous>, transform_indices = @transform_7, window_bounds = array<i64: 64, 64>}, {transform_indices = @transform_8, window_bounds = array<i64: 2, 1024, 32>}]} {
    %get3A = arith.constant 0 : index
    %get3A_0 = arith.constant 0 : index
    %get3A_1 = vector.load %arg2[%get3A, %get3A_0] : memref<1024x1xf32, #tpu.memory_space<vmem>>, vector<1024x1xf32>
    %get3A_2 = arith.constant 0 : index
    %get3A_3 = arith.constant 0 : index
    %get3A_4 = arith.constant 0 : index
    %get3A_5 = vector.load %arg1[%get3A_2, %get3A_3, %get3A_4] : memref<2x1024x32xf32, #tpu.memory_space<vmem>>, vector<1x1024x32xf32>
    %get3A_6 = vector.shape_cast %get3A_5 : vector<1x1024x32xf32> to vector<1024x32xf32>
    %get3A_7 = arith.constant 1 : index
    %get3A_8 = arith.constant 0 : index
    %get3A_9 = arith.constant 0 : index
    %get3A_10 = vector.load %arg1[%get3A_7, %get3A_8, %get3A_9] : memref<2x1024x32xf32, #tpu.memory_space<vmem>>, vector<1x1024x32xf32>
    %get3A_11 = vector.shape_cast %get3A_10 : vector<1x1024x32xf32> to vector<1024x32xf32>
    %concatenate3A = tpu.concatenate %get3A_6, %get3A_11 in 1 : vector<1024x32xf32>, vector<1024x32xf32> -> vector<1024x64xf32>
    %mul3A = vector.broadcast %get3A_1 : vector<1024x1xf32> to vector<1024x64xf32>
    %mul3A_12 = arith.mulf %mul3A, %concatenate3A : vector<1024x64xf32>
    %get3A_13 = arith.constant 0 : index
    %get3A_14 = arith.constant 0 : index
    %get3A_15 = vector.load %arg3[%get3A_13, %get3A_14] : memref<1x64xf32, #tpu.memory_space<vmem>>, vector<1x64xf32>
    %add3A = vector.broadcast %get3A_15 : vector<1x64xf32> to vector<1024x64xf32>
    %add3A_16 = arith.addf %mul3A_12, %add3A : vector<1024x64xf32>
    %get3A_17 = arith.constant 0 : index
    %get3A_18 = arith.constant 0 : index
    %get3A_19 = vector.load %arg6[%get3A_17, %get3A_18] : memref<1x64xf32, #tpu.memory_space<vmem>>, vector<1x64xf32>
    %sub3A = vector.broadcast %get3A_19 : vector<1x64xf32> to vector<1024x64xf32>
    %sub3A_20 = arith.subf %add3A_16, %sub3A : vector<1024x64xf32>
    %get3A_21 = arith.constant 0 : index
    %get3A_22 = arith.constant 0 : index
    %get3A_23 = vector.load %arg7[%get3A_21, %get3A_22] : memref<1x64xf32, #tpu.memory_space<vmem>>, vector<1x64xf32>
    %add3A_24 = arith.constant 9.99999974E-6 : f32
    %add3A_25 = vector.broadcast %add3A_24 : f32 to vector<1x64xf32>
    %add3A_26 = arith.addf %get3A_23, %add3A_25 : vector<1x64xf32>
    %sqrt3A = math.sqrt %add3A_26 : vector<1x64xf32>
    %div3A = vector.broadcast %sqrt3A : vector<1x64xf32> to vector<1024x64xf32>
    %div3A_27 = arith.divf %sub3A_20, %div3A : vector<1024x64xf32>
    %get3A_28 = arith.constant 0 : index
    %get3A_29 = arith.constant 0 : index
    %get3A_30 = vector.load %arg4[%get3A_28, %get3A_29] : memref<1x64xf32, #tpu.memory_space<vmem>>, vector<1x64xf32>
    %mul3A_31 = vector.broadcast %get3A_30 : vector<1x64xf32> to vector<1024x64xf32>
    %mul3A_32 = arith.mulf %div3A_27, %mul3A_31 : vector<1024x64xf32>
    %get3A_33 = arith.constant 0 : index
    %get3A_34 = arith.constant 0 : index
    %get3A_35 = vector.load %arg5[%get3A_33, %get3A_34] : memref<1x64xf32, #tpu.memory_space<vmem>>, vector<1x64xf32>
    %add3A_36 = vector.broadcast %get3A_35 : vector<1x64xf32> to vector<1024x64xf32>
    %add3A_37 = arith.addf %mul3A_32, %add3A_36 : vector<1024x64xf32>
    %max3A = arith.constant 0.000000e+00 : f32
    %max3A_38 = vector.broadcast %max3A : f32 to vector<1024x64xf32>
    %max3A_39 = arith.maximumf %add3A_37, %max3A_38 : vector<1024x64xf32>
    %get3A_40 = arith.constant 0 : index
    %get3A_41 = arith.constant 0 : index
    %get3A_42 = vector.load %arg8[%get3A_40, %get3A_41] : memref<64x64xf32, #tpu.memory_space<vmem>>, vector<64x64xf32>
    %dot_general3A = arith.constant dense<0.000000e+00> : vector<1024x64xf32>
    %dot_general3A_43 = tpu.matmul %max3A_39, %get3A_42, %dot_general3A {dimension_numbers = #tpu.dot_dimension_numbers<[1], [0], [0], [1], [0, 0, 1, 1], [], []>, transpose_lhs_hint = false} : vector<1024x64xf32>, vector<64x64xf32>, vector<1024x64xf32> -> vector<1024x64xf32>
    %mul3A_44 = vector.broadcast %get3A_1 : vector<1024x1xf32> to vector<1024x64xf32>
    %mul3A_45 = arith.mulf %mul3A_44, %dot_general3A_43 : vector<1024x64xf32>
    %slice3A = vector.extract_strided_slice %mul3A_45 {offsets = [0, 0], sizes = [1024, 32], strides = [1, 1]} : vector<1024x64xf32> to vector<1024x32xf32>
    %swap3A = arith.constant 0 : index
    %swap3A_46 = arith.constant 0 : index
    %swap3A_47 = arith.constant 0 : index
    %swap3A_48 = vector.load %arg9[%swap3A, %swap3A_46, %swap3A_47] : memref<2x1024x32xf32, #tpu.memory_space<vmem>>, vector<1x1024x32xf32>
    %swap3A_49 = vector.shape_cast %swap3A_48 : vector<1x1024x32xf32> to vector<1024x32xf32>
    %swap3A_50 = vector.shape_cast %slice3A : vector<1024x32xf32> to vector<1x1024x32xf32>
    tpu.vector_store %arg9[%swap3A, %swap3A_46, %swap3A_47], %swap3A_50 {strides = array<i32>} : memref<2x1024x32xf32, #tpu.memory_space<vmem>>, vector<1x1024x32xf32>,
    %slice3A_51 = vector.extract_strided_slice %mul3A_45 {offsets = [0, 32], sizes = [1024, 32], strides = [1, 1]} : vector<1024x64xf32> to vector<1024x32xf32>
    %swap3A_52 = arith.constant 1 : index
    %swap3A_53 = arith.constant 0 : index
    %swap3A_54 = arith.constant 0 : index
    %swap3A_55 = vector.load %arg9[%swap3A_52, %swap3A_53, %swap3A_54] : memref<2x1024x32xf32, #tpu.memory_space<vmem>>, vector<1x1024x32xf32>
    %swap3A_56 = vector.shape_cast %swap3A_55 : vector<1x1024x32xf32> to vector<1024x32xf32>
    %swap3A_57 = vector.shape_cast %slice3A_51 : vector<1024x32xf32> to vector<1x1024x32xf32>
    tpu.vector_store %arg9[%swap3A_52, %swap3A_53, %swap3A_54], %swap3A_57 {strides = array<i32>} : memref<2x1024x32xf32, #tpu.memory_space<vmem>>, vector<1x1024x32xf32>,
    return
  }
  func.func @transform_0(%arg0: i32) -> (i32, i32, i32) {
    %c0_i32 = arith.constant 0 : i32
    %c0_i32_0 = arith.constant 0 : i32
    %c0_i32_1 = arith.constant 0 : i32
    return %c0_i32, %arg0, %c0_i32_0 : i32, i32, i32
  }
  func.func @transform_1(%arg0: i32) -> (i32, i32) {
    %c0_i32 = arith.constant 0 : i32
    %c0_i32_0 = arith.constant 0 : i32
    return %arg0, %c0_i32 : i32, i32
  }
  func.func @transform_2(%arg0: i32) -> (i32, i32) {
    %c0_i32 = arith.constant 0 : i32
    %c0_i32_0 = arith.constant 0 : i32
    %c0_i32_1 = arith.constant 0 : i32
    return %c0_i32, %c0_i32_0 : i32, i32
  }
  func.func @transform_3(%arg0: i32) -> (i32, i32) {
    %c0_i32 = arith.constant 0 : i32
    %c0_i32_0 = arith.constant 0 : i32
    %c0_i32_1 = arith.constant 0 : i32
    return %c0_i32, %c0_i32_0 : i32, i32
  }
  func.func @transform_4(%arg0: i32) -> (i32, i32) {
    %c0_i32 = arith.constant 0 : i32
    %c0_i32_0 = arith.constant 0 : i32
    %c0_i32_1 = arith.constant 0 : i32
    return %c0_i32, %c0_i32_0 : i32, i32
  }
  func.func @transform_5(%arg0: i32) -> (i32, i32) {
    %c0_i32 = arith.constant 0 : i32
    %c0_i32_0 = arith.constant 0 : i32
    %c0_i32_1 = arith.constant 0 : i32
    return %c0_i32, %c0_i32_0 : i32, i32
  }
  func.func @transform_6(%arg0: i32) -> (i32, i32) {
    %c0_i32 = arith.constant 0 : i32
    %c0_i32_0 = arith.constant 0 : i32
    %c0_i32_1 = arith.constant 0 : i32
    return %c0_i32, %c0_i32_0 : i32, i32
  }
  func.func @transform_7(%arg0: i32) -> (i32, i32) {
    %c0_i32 = arith.constant 0 : i32
    %c0_i32_0 = arith.constant 0 : i32
    %c0_i32_1 = arith.constant 0 : i32
    return %c0_i32, %c0_i32_0 : i32, i32
  }
  func.func @transform_8(%arg0: i32) -> (i32, i32, i32) {
    %c0_i32 = arith.constant 0 : i32
    %c0_i32_0 = arith.constant 0 : i32
    %c0_i32_1 = arith.constant 0 : i32
    return %c0_i32, %arg0, %c0_i32_0 : i32, i32, i32
  }
}

module attributes {stable_mosaic.version = 14 : i64} {
  func.func @_tc4_body(%arg0: i32, %arg1: memref<2x1024x32xf32, #tpu.memory_space<vmem>>, %arg2: memref<1024x1xf32, #tpu.memory_space<vmem>>, %arg3: memref<64x128xf32, #tpu.memory_space<vmem>>, %arg4: memref<1x128xf32, #tpu.memory_space<vmem>>, %arg5: memref<1024x128xf32, #tpu.memory_space<vmem>>) attributes {dimension_semantics = [#tpu.dimension_semantics<arbitrary>], iteration_bounds = array<i64: 10>, scalar_prefetch = 0 : i64, scratch_operands = 0 : i64, tpu.core_type = #tpu.core_type<tc>, window_params = [{transform_indices = @transform_0, window_bounds = array<i64: 2, 1024, 32>}, {transform_indices = @transform_1, window_bounds = array<i64: 1024, 1>}, {pipeline_mode = #tpu.pipeline_mode<synchronous>, transform_indices = @transform_2, window_bounds = array<i64: 64, 128>}, {pipeline_mode = #tpu.pipeline_mode<synchronous>, transform_indices = @transform_3, window_bounds = array<i64: 1, 128>}, {transform_indices = @transform_4, window_bounds = array<i64: 1024, 128>}]} {
    %get3A = arith.constant 0 : index
    %get3A_0 = arith.constant 0 : index
    %get3A_1 = vector.load %arg2[%get3A, %get3A_0] : memref<1024x1xf32, #tpu.memory_space<vmem>>, vector<1024x1xf32>
    %get3A_2 = arith.constant 0 : index
    %get3A_3 = arith.constant 0 : index
    %get3A_4 = arith.constant 0 : index
    %get3A_5 = vector.load %arg1[%get3A_2, %get3A_3, %get3A_4] : memref<2x1024x32xf32, #tpu.memory_space<vmem>>, vector<1x1024x32xf32>
    %get3A_6 = vector.shape_cast %get3A_5 : vector<1x1024x32xf32> to vector<1024x32xf32>
    %get3A_7 = arith.constant 1 : index
    %get3A_8 = arith.constant 0 : index
    %get3A_9 = arith.constant 0 : index
    %get3A_10 = vector.load %arg1[%get3A_7, %get3A_8, %get3A_9] : memref<2x1024x32xf32, #tpu.memory_space<vmem>>, vector<1x1024x32xf32>
    %get3A_11 = vector.shape_cast %get3A_10 : vector<1x1024x32xf32> to vector<1024x32xf32>
    %concatenate3A = tpu.concatenate %get3A_6, %get3A_11 in 1 : vector<1024x32xf32>, vector<1024x32xf32> -> vector<1024x64xf32>
    %mul3A = vector.broadcast %get3A_1 : vector<1024x1xf32> to vector<1024x64xf32>
    %mul3A_12 = arith.mulf %mul3A, %concatenate3A : vector<1024x64xf32>
    %get3A_13 = arith.constant 0 : index
    %get3A_14 = arith.constant 0 : index
    %get3A_15 = vector.load %arg3[%get3A_13, %get3A_14] : memref<64x128xf32, #tpu.memory_space<vmem>>, vector<64x128xf32>
    %dot_general3A = arith.constant dense<0.000000e+00> : vector<1024x128xf32>
    %dot_general3A_16 = tpu.matmul %mul3A_12, %get3A_15, %dot_general3A {dimension_numbers = #tpu.dot_dimension_numbers<[1], [0], [0], [1], [0, 0, 1, 1], [], []>, transpose_lhs_hint = false} : vector<1024x64xf32>, vector<64x128xf32>, vector<1024x128xf32> -> vector<1024x128xf32>
    %get3A_17 = arith.constant 0 : index
    %get3A_18 = arith.constant 0 : index
    %get3A_19 = vector.load %arg4[%get3A_17, %get3A_18] : memref<1x128xf32, #tpu.memory_space<vmem>>, vector<1x128xf32>
    %add3A = vector.broadcast %get3A_19 : vector<1x128xf32> to vector<1024x128xf32>
    %add3A_20 = arith.addf %dot_general3A_16, %add3A : vector<1024x128xf32>
    %swap3A = arith.constant 0 : index
    %swap3A_21 = arith.constant 0 : index
    %swap3A_22 = vector.load %arg5[%swap3A, %swap3A_21] : memref<1024x128xf32, #tpu.memory_space<vmem>>, vector<1024x128xf32>
    tpu.vector_store %arg5[%swap3A, %swap3A_21], %add3A_20 {strides = array<i32>} : memref<1024x128xf32, #tpu.memory_space<vmem>>, vector<1024x128xf32>,
    return
  }
  func.func @transform_0(%arg0: i32) -> (i32, i32, i32) {
    %c0_i32 = arith.constant 0 : i32
    %c0_i32_0 = arith.constant 0 : i32
    %c0_i32_1 = arith.constant 0 : i32
    return %c0_i32, %arg0, %c0_i32_0 : i32, i32, i32
  }
  func.func @transform_1(%arg0: i32) -> (i32, i32) {
    %c0_i32 = arith.constant 0 : i32
    %c0_i32_0 = arith.constant 0 : i32
    return %arg0, %c0_i32 : i32, i32
  }
  func.func @transform_2(%arg0: i32) -> (i32, i32) {
    %c0_i32 = arith.constant 0 : i32
    %c0_i32_0 = arith.constant 0 : i32
    %c0_i32_1 = arith.constant 0 : i32
    return %c0_i32, %c0_i32_0 : i32, i32
  }
  func.func @transform_3(%arg0: i32) -> (i32, i32) {
    %c0_i32 = arith.constant 0 : i32
    %c0_i32_0 = arith.constant 0 : i32
    %c0_i32_1 = arith.constant 0 : i32
    return %c0_i32, %c0_i32_0 : i32, i32
  }
  func.func @transform_4(%arg0: i32) -> (i32, i32) {
    %c0_i32 = arith.constant 0 : i32
    %c0_i32_0 = arith.constant 0 : i32
    return %arg0, %c0_i32 : i32, i32
  }
}

</mosaic_0001>

<sc_bundles>
// kernel: kernel.12.cloned.1.call-start
scs
__scs_entry_jumppad:
0x0: {  	(pc) =	sbr.rel $0x88, $3  }
0x1: {  	(tag) =	ssettag $0x0;
	lr =	simm.s32 $0x1  }
0x2: {  	[smem:$0x3F91] =	sst lr;
	_ =	strace $0xD0000000  }
0x3: {  	_ = 	snop  }
0x4: {  	_ = 	snop  }
0x5: {  	_ = 	snop  }
0x6: {  	_ = 	snop  }
0x7: {  	_ = 	snop  }
__scs_overlays_trampoline_lowered:
0x8: {  	[smem:$0x3FA0] =	sst s0  }
0x9: {  	[smem:$0x3FA1] =	sst s1  }
0xa: {  	[smem:$0x3FA2] =	sst s2  }
0xb: {  	[smem:$0x3FA3] =	sst s3  }
0xc: {  	[smem:$0x3FA4] =	sst s4  }
0xd: {  	[smem:$0x3FA5] =	sst s5  }
0xe: {  	[smem:$0x3FA6] =	sst s6  }
0xf: {  	[smem:$0x3FA7] =	sst s7  }
0x10: {  	[smem:$0x3FA8] =	sst s8  }
0x11: {  	[smem:$0x3FA9] =	sst s9;
	s0 =	simm.s32 @!p0 $0x0  }
0x12: {  	s1 =	sld [smem:$0x3F8F];
	s0 =	simm.s32 @p0 $0x1  }
0x13: {  	[smem:$0x3FAA] =	sst s0;
	s0 =	simm.s32 @!p1 $0x0  }
0x14: {  	s2 =	sld [smem:$0x3F8E];
	s0 =	simm.s32 @p1 $0x1  }
0x15: {  	[smem:$0x3FAB] =	sst s0;
	s0 =	simm.s32 @!p2 $0x0  }
0x16: {  	s3 =	sld [smem:$0x3FDB];
	s0 =	simm.s32 @p2 $0x1  }
0x17: {  	s4 =	simm.s32 $0x1BF5;
	[smem:$0x3FAD] =	sst s0  }
0x18: {  	s0 =	sld [smem:$0x3F90];
	_ =	swait.ge [sflag:s4], $0x0  }
0x19: {  	s7 =	sld [smem:$0x3F91]  }
0x1a: {  	s8 =	sadd.s32 $0xFFFFE003, lr  }
0x1b: {  	s9 =	sadd.s32 $0xFFFFFEF7, lr;
	s5 =	simm.s32 $0xFFFFFFFF;
	p2 =	slt.u32 s8, $0xFFFFF086  }
0x1c: {  	p1 =	slt.u32 s9, $0xF7A;
	s5 =	simm.s32 @!p2 $0x0  }
0x1d: {  	s5 =	simm.s32 @p1 $0x1;
	p0 =	seq.s32 s7, s2  }
0x1e: {  	s7 =	smul.u32 @!p0 $0xF7A, s2;
	p2 =	seq.s32 @!p0 s5, $0x0  }
0x1f: {  	s9 =	smul.u32 $0xF7A, s1;
	s8 =	simm.s32 @!p0 $0x1BF5;
	p2 =	por !p2, p0  }
0x20: {  	[sflag:s8] =	ssyncset.s32 @!p0 $0xFFFFF086;
	s6 =	sadd.s32 @!p0 s3, s7;
	s7 =	simm.s32 @!p0 $0x108  }
0x21: {  	s3 =	sadd.s32 s3, s9;
	s6 =	sadd.s32 @!p0 $0x88, s6;
	s7 =	simm.s32 @p2 $0x1082  }
0x22: {  	[simem:s7], [sflag:s8] =	dma.local @!p0 [hbm:s6], $0xF7A  }
0x23: {  	s9 =	sor.u32 $0xD0000000, s2;
	s6 =	simm.s32 $0x108;
	_ =	swait.ge @!p0 [sflag:s8], $0x0  }
0x24: {  	s3 =	sadd.s32 $0x88, s3;
	s6 =	simm.s32 @!p1 $0x1082;
	[sflag:s4] =	ssyncset.s32 $0xFFFFF086  }
0x25: {  	[simem:s6], [sflag:s4] =	dma.local [hbm:s3], $0xF7A  }
0x26: {  	[smem:$0x3F91] =	sst s1;
	(tag) =	ssettag s2;
	_ =	strace s9  }
0x27: {  	s1 =	sld [smem:$0x3FA1]  }
0x28: {  	s2 =	sld [smem:$0x3FA2]  }
0x29: {  	s4 =	sld [smem:$0x3FA4]  }
0x2a: {  	p0 =	seq.s32 s5, $0x0;
	s5 =	sld [smem:$0x3FA5]  }
0x2b: {  	s6 =	sld [smem:$0x3FA6]  }
0x2c: {  	s7 =	sld [smem:$0x3FA7]  }
0x2d: {  	s3 =	simm.s32 $0x108;
	s8 =	sld [smem:$0x3FA8]  }
0x2e: {  	s3 =	simm.s32 @!p0 $0x1082;
	s9 =	sld [smem:$0x3FA9]  }
0x2f: {  	lr =	sadd.s32 s0, s3;
	s0 =	sld [smem:$0x3FA0]  }
0x30: {  	s3 =	sld [smem:$0x3FA3]  }
0x31: {  	[smem:$0x3FAC] =	sst s10  }
0x32: {  	s10 =	sld [smem:$0x3FAA];
	_ =	sdelay $0x3  }
0x33: {  	p0 =	seq.s32 s10, $0x1;
	s10 =	sld [smem:$0x3FAC];
	_ =	sdelay $0x3  }
0x34: {  	[smem:$0x3FAC] =	sst s10  }
0x35: {  	s10 =	sld [smem:$0x3FAB];
	_ =	sdelay $0x3  }
0x36: {  	p1 =	seq.s32 s10, $0x1;
	s10 =	sld [smem:$0x3FAC];
	_ =	sdelay $0x3  }
0x37: {  	[smem:$0x3FAC] =	sst s10  }
0x38: {  	s10 =	sld [smem:$0x3FAD]  }
0x39: {  	_ = 	snop;
	(pc) =	sbr.ind lr, $3  }
0x3a: {  	_ = 	snop  }
0x3b: {  	_ = 	snop  }
0x3c: {  	p2 =	seq.s32 s10, $0x1;
	s10 =	sld [smem:$0x3FAC]  }
0x3d: {  	_ =	shalt  }
0x3e: {  	_ =	shalt  }
0x3f: {  	_ =	shalt  }
0x40: {  	_ =	shalt  }
0x41: {  	_ =	shalt  }
0x42: {  	_ =	shalt  }
0x43: {  	_ =	shalt  }
0x44: {  	_ =	shalt  }
0x45: {  	_ =	shalt  }
0x46: {  	_ =	shalt  }
0x47: {  	_ =	shalt  }
0x48: {  	_ =	shalt  }
0x49: {  	_ =	shalt  }
0x4a: {  	_ =	shalt  }
0x4b: {  	_ =	shalt  }
0x4c: {  	_ =	shalt  }
0x4d: {  	_ =	shalt  }
0x4e: {  	_ =	shalt  }
0x4f: {  	_ =	shalt  }
0x50: {  	_ =	shalt  }
0x51: {  	_ =	shalt  }
0x52: {  	_ =	shalt  }
0x53: {  	_ =	shalt  }
0x54: {  	_ =	shalt  }
0x55: {  	_ =	shalt  }
0x56: {  	_ =	shalt  }
0x57: {  	_ =	shalt  }
0x58: {  	_ =	shalt  }
0x59: {  	_ =	shalt  }
0x5a: {  	_ =	shalt  }
0x5b: {  	_ =	shalt  }
0x5c: {  	_ =	shalt  }
0x5d: {  	_ =	shalt  }
0x5e: {  	_ =	shalt  }
0x5f: {  	_ =	shalt  }
0x60: {  	_ =	shalt  }
0x61: {  	_ =	shalt  }
0x62: {  	_ =	shalt  }
0x63: {  	_ =	shalt  }
0x64: {  	_ =	shalt  }
0x65: {  	_ =	shalt  }
0x66: {  	_ =	shalt  }
0x67: {  	_ =	shalt  }
0x68: {  	_ =	shalt  }
0x69: {  	_ =	shalt  }
0x6a: {  	_ =	shalt  }
0x6b: {  	_ =	shalt  }
0x6c: {  	_ =	shalt  }
0x6d: {  	_ =	shalt  }
0x6e: {  	_ =	shalt  }
0x6f: {  	_ =	shalt  }
0x70: {  	_ =	shalt  }
0x71: {  	_ =	shalt  }
0x72: {  	_ =	shalt  }
0x73: {  	_ =	shalt  }
0x74: {  	_ =	shalt  }
0x75: {  	_ =	shalt  }
0x76: {  	_ =	shalt  }
0x77: {  	_ =	shalt  }
0x78: {  	_ =	shalt  }
0x79: {  	_ =	shalt  }
0x7a: {  	_ =	shalt  }
0x7b: {  	_ =	shalt  }
0x7c: {  	_ =	shalt  }
0x7d: {  	_ =	shalt  }
0x7e: {  	_ =	shalt  }
0x7f: {  	_ =	shalt  }
0x80: {  	_ =	shalt  }
0x81: {  	_ =	shalt  }
0x82: {  	_ =	shalt  }
0x83: {  	_ =	shalt  }
0x84: {  	_ =	shalt  }
0x85: {  	_ =	shalt  }
0x86: {  	_ =	shalt  }
0x87: {  	_ =	shalt  }
.Lfunc_end0:
.L_simem_size_0:
called_computation.1_lowered:
.L_overlay_start_0:
0x88: {  	s2 =	sld [smem:$0x3FD9]  }
0x89: {  	s3 =	sld [smem:$0x3FFE];
	_ =	sdelay $0x1  }
0x8a: {  	s1 =	srdreg.scid  }
0x8b: {  	s0 =	sand.u32 $0x1, s1  }
0x8c: {  	s16 =	sshll.u32 s0, $0xA;
	s2 =	sadd.s32 s3, s2  }
0x8d: {  	s2 =	sadd.s32 s2, s16  }
0x8e: {  	[smem:$0x3FB8] =	sst s2  }
0x8f: {  	_ = 	snop  }
0x90: {  	(tm) =	ssettm $0x1  }
0x91: {  	s17 =	sld [smem:$0x3FFB];
	_ =	sdelay $0x3  }
0x92: {  	_ =	strace s17  }
0x93: {  	s2 =	sld [smem:$0x3FFC];
	_ =	sdelay $0x3  }
0x94: {  	_ =	strace s2  }
0x95: {  	s2 =	sld [smem:$0x3FFD];
	_ =	sdelay $0x3  }
0x96: {  	_ =	strace s2  }
0x97: {  	_ =	strace $0x8FFFFFFF  }
0x98: {  	s18 =	sld [smem:$0x3FDB];
	_ =	sdelay $0x1  }
0x99: {  	s19 =	simm.s32 $_scs_section_size  }
0x9a: {  	s4 =	simm.s32 $_size__tile_overlayer_lowered;
	s5 =	simm.s32 $_tile_overlayer_lowered  }
0x9b: {  	s22 =	simm.s32 $0x1BFF;
	s21 =	sshll.u32 s5, $0x1;
	s2 =	sadd.s32 s19, s18  }
0x9c: {  	s6 =	simm.s32 $0x0;
	s20 =	sshll.u32 s4, $0x1;
	s4 =	sadd.s32 s21, s2  }
0x9d: {  	[timem:s6], [sflag:s22] =	dma.local [hbm:s4], s20  }
0x9e: {  	_ =	swait.ge [sflag:s22], s20  }
0x9f: {  	s3 =	ssub.s32 $0x0, s20;
	[sflag:s22] =	ssyncset.done $0x0  }
0xa0: {  	[sflag:s22] =	ssyncadd.s32 s3;
	_ =	sdelay $0x1  }
0xa1: {  	s23 =	simm.s32 $0x1B8B  }
0xa2: {  	_ =	swait.ge [sflag:s23], $0x1  }
0xa3: {  	[sflag:s23] =	ssyncset.done $0x0  }
0xa4: {  	s25 =	simm.s32 $0x1B8E;
	s24 =	sld [smem:$0x3FFE];
	[sflag:s23] =	ssyncadd.s32 $0xFFFFFFFF  }
0xa5: {  	s26 =	simm.s32 $execute0_lowered;
	[smem:$0x3FD2] =	sst s25  }
0xa6: {  	s4 =	sshll.u32 s26, $0x1;
	_ =	strace $0x80000049;
	[dreg:$0x1] =	wrdreg $0xFFFFFFFF  }
0xa7: {  	s28 =	simm.s32 $_size_execute0_lowered;
	s2 =	sadd.s32 s2, s4;
	[dreg:$0x0] =	wrdreg $0x0  }
0xa8: {  	s4 =	sshll.u32 s28, $0x1;
	[dreg:$0x2] =	wrdreg s2  }
0xa9: {  	[dreg:$0x3] =	wrdreg s4  }
0xaa: {  	[dreg:$0x4] =	wrdreg $0xC0  }
0xab: {  	_ =	task [dreg:s6], $0x5FFFF  }
0xac: {  	[dreg:$0x1] =	wrdreg $0xFFFFFFFF  }
0xad: {  	[dreg:$0x0] =	wrdreg $0x60  }
0xae: {  	[dreg:$0x2] =	wrdreg s24  }
0xaf: {  	[dreg:$0x3] =	wrdreg $0x170000  }
0xb0: {  	[dreg:$0x4] =	wrdreg $0x120000  }
0xb1: {  	[dreg:$0x5] =	wrdreg $0x9  }
0xb2: {  	_ =	task.clear_ibuf [dreg:s6], $0x6FFFF;
	_ =	strace $0x90000049  }
0xb3: {  	s29 =	simm.s32 $0x9;
	_ =	strace $0x8000004B  }
0xb4: {  	_ =	swait.ge [sflag:s29], $0x1  }
0xb5: {  	[sflag:s29] =	ssyncadd.s32 $0xFFFFFFFF  }
0xb6: {  	_ =	strace $0x9000004B  }
0xb7: {  	_ =	sfence  }
0xb8: {  	s30 =	sld [smem:$0x0];
	_ =	sdelay $0x2  }
0xb9: {  	s31 =	sshll.u32 s1, $0xD;
	s1 =	sshrl.u32 s1, $0x2  }
0xba: {  	s3 =	sand.u32 $0x4000, s31;
	s1 =	sadd.s32 s1, s30  }
0xbb: {  	s0 =	sor.u32 s3, s0;
	s1 =	sshll.u32 s1, $0x11  }
0xbc: {  	s0 =	sor.u32 s1, s0  }
0xbd: {  	s0 =	sadd.s32 $0x8F2B, s0  }
0xbe: {  	[sflag:s0] =	ssyncadd.remote.s32 $0x1  }
0xbf: {  	_ =	sfence.sel $0xFFFF  }
0xc0: {  	[dreg:$0x0] =	wrdreg $0xFFFFFFFF;
	(pc) =	sbr.abs _section_cstart, $3  }
0xc1: {  	[dreg:$0x1] =	wrdreg $0xFFFFFFFF  }
0xc2: {  	_ =	task.clear_ibuf [dreg:s6], $0x2FFFF;
	_ =	strace $0x9FFFFFFF  }
0xc3: {  	(tm) =	ssettm $0x7FFFFFFF  }
tec
execute0_lowered:
.L_overlay_start_1:
0x0: {  	(tag) =	ssettag $0x1  }
0x1: {  	s5 =	rddreg [dreg:$0x0]  }
0x2: {  	s2 =	rddreg [dreg:$0x1];
	s0 =	srdreg.scid  }
0x3: {  	s3 =	rddreg [dreg:$0x2];
	s1 =	stileid.u32;
	s4 =	simm.s32 $0x0  }
0x4: {  	s14 =	simm.s32 $0x5000;
	s15 =	simm.s32 $0x80;
	s16 =	simm.s32 $0xA000  }
0x5: {  	s17 =	simm.s32 $0xB000;
	s18 =	simm.s32 $0xC000;
	s19 =	simm.s32 $0xD000  }
0x6: {  	s20 =	simm.s32 $0xE000;
	s21 =	simm.s32 $0xF000;
	s22 =	simm.s32 $0x10000  }
0x7: {  	s23 =	simm.s32 $0x11000;
	s24 =	simm.s32 $0x1;
	s25 =	simm.s32 $0x2  }
0x8: {  	s6 =	sand.u32 $0x1, s0;
	s0 =	rddreg [dreg:$0x3];
	s8 =	smul.u32 $0x5000, s1  }
0x9: {  	s26 =	simm.s32 $0x0;
	[smem:$0x7FF] =	sst s4;
	s9 =	smul.u32 $0xA00, s1  }
0xa: {  	s31 =	sshll.u32 s1, $0x6;
	s7 =	smul.u32 $0x50000, s6;
	s6 =	ssub.s32 $0x2, s6  }
0xb: {  	_ =	strace $0x8000004A;
	s9 =	sadd.s32 s9, s5;
	s10 =	sshrl.u32 s6, $0x1  }
0xc: {  	s12 =	sadd.s32 s8, s2;
	s13 =	sadd.s32 s8, s3;
	s7 =	sadd.s32 s8, s7  }
0xd: {  	s10 =	ssub.s32 s6, s10;
	s6 =	sor.u32 $0x1C03, s31;
	s7 =	sshrl.u32 s7, $0x3  }
0xe: {  	s8 =	sadd.s32 $0x3000, s9;
	s13 =	sshrl.u32 s13, $0x3;
	s11 =	sadd.s32 s7, s5  }
0xf: {  	s10 =	smax.u32 s10, $0x1;
	s7 =	sadd.s32 $0x1C000, s9;
	s5 =	sadd.s32 $0x76000, s11  }
0x10: {  	s9 =	sadd.s32 $0x26000, s11;
	s11 =	sshrl.u32 s12, $0x3;
	s12 =	simm.s32 $0x3  }
.LBB2_1:
0x11: {  	[spmem:s11], [sflag:s6] =	dma.local [hbm:s5], $0xA00  }
0x12: {  	_ =	swait.ge [sflag:s12], $0xA00  }
0x13: {  	[sflag:s12] =	ssyncset.done $0x0  }
0x14: {  	[sflag:s12] =	ssyncadd.s32 $0xFFFFF600  }
0x15: {  	[spmem:s13], [sflag:s6] =	dma.local [hbm:s5], $0xA00  }
0x16: {  	_ =	swait.ge [sflag:s12], $0xA00  }
0x17: {  	[sflag:s12] =	ssyncset.done $0x0  }
0x18: {  	[sflag:s12] =	ssyncadd.s32 $0xFFFFF600  }
0x19: {  	[tilespmem:s4], [sflag:$0x3] =	stream.linear.gather [hbm4b:s7+s4], $0x5000, $0x38;
	[tilespmem:$0x1C000] =	vst v63  }
0x1a: {  	_ =	swait.ge [sflag:s12], $0x5000  }
0x1b: {  	[sflag:s12] =	ssyncset.done $0x0  }
0x1c: {  	[sflag:s12] =	ssyncadd.s32 $0xFFFFB000  }
0x1d: {  	[tilespmem:s14], [sflag:$0x3] =	stream.linear.gather [hbm4b:s8+s4], $0x5000, $0x38;
	[tilespmem:$0x1C000] =	vst v63  }
0x1e: {  	_ =	swait.ge [sflag:s12], $0x5000  }
0x1f: {  	p0 =	por $0x1, $0x1;
	[sflag:s12] =	ssyncset.done $0x0  }
0x20: {  	p0 =	por p0, p0;
	[sflag:s12] =	ssyncadd.s32 $0xFFFFB000  }
0x21: {  	s28 =	simm.s32 @!p0 $0x2;
	[bflag:$0x0] =	sbarrier.arrive $0xFFFF  }
0x22: {  	_ =	swait.ge @!p0 [sflag:s28], $0x1000  }
0x23: {  	[sflag:s28] =	ssyncset.done @!p0 $0x0  }
0x24: {  	[sflag:s28] =	ssyncadd.s32 @!p0 $0xFFFFF000  }
0x25: {  	_ =	swait.ge @!p0 [sflag:s28], $0x1000  }
0x26: {  	[sflag:s28] =	ssyncset.done @!p0 $0x0  }
0x27: {  	[sflag:s28] =	ssyncadd.s32 @!p0 $0xFFFFF000  }
0x28: {  	_ =	swait.ge @!p0 [sflag:s28], $0x1000  }
0x29: {  	[sflag:s28] =	ssyncset.done @!p0 $0x0  }
0x2a: {  	[sflag:s28] =	ssyncadd.s32 @!p0 $0xFFFFF000  }
0x2b: {  	_ =	swait.ge @!p0 [sflag:s28], $0x1000  }
0x2c: {  	[sflag:s28] =	ssyncset.done @!p0 $0x0  }
0x2d: {  	[sflag:s28] =	ssyncadd.s32 @!p0 $0xFFFFF000  }
0x2e: {  	_ =	swait.ge @!p0 [sflag:s28], $0x1000  }
0x2f: {  	[sflag:s28] =	ssyncset.done @!p0 $0x0  }
0x30: {  	[sflag:s28] =	ssyncadd.s32 @!p0 $0xFFFFF000  }
0x31: {  	_ =	swait.ge @!p0 [sflag:s28], $0x1000  }
0x32: {  	[sflag:s28] =	ssyncset.done @!p0 $0x0  }
0x33: {  	[sflag:s28] =	ssyncadd.s32 @!p0 $0xFFFFF000  }
0x34: {  	_ =	swait.ge @!p0 [sflag:s28], $0x1000  }
0x35: {  	[sflag:s28] =	ssyncset.done @!p0 $0x0  }
0x36: {  	[sflag:s28] =	ssyncadd.s32 @!p0 $0xFFFFF000  }
0x37: {  	_ =	swait.ge @!p0 [sflag:s28], $0x1000  }
0x38: {  	[sflag:s28] =	ssyncset.done @!p0 $0x0  }
0x39: {  	[sflag:s28] =	ssyncadd.s32 @!p0 $0xFFFFF000;
	s28 =	simm.s32 $0x0  }
0x3a: {  	[tilespmem:s16], [sflag:$0x1] =	stream.indirect.gather [spmem:s2], $0x20, s28, s15, $0xb8;
	[tilespmem:$0x1C000] =	vst v63  }
0x3b: {  	s28 =	simm.s32 $0x80  }
0x3c: {  	[tilespmem:s17], [sflag:$0x1] =	stream.indirect.gather [spmem:s2], $0x20, s28, s15, $0xb8;
	[tilespmem:$0x1C000] =	vst v63  }
0x3d: {  	s28 =	simm.s32 $0x100  }
0x3e: {  	[tilespmem:s18], [sflag:$0x1] =	stream.indirect.gather [spmem:s2], $0x20, s28, s15, $0xb8;
	[tilespmem:$0x1C000] =	vst v63  }
0x3f: {  	s28 =	simm.s32 $0x180  }
0x40: {  	[tilespmem:s19], [sflag:$0x1] =	stream.indirect.gather [spmem:s2], $0x20, s28, s15, $0xb8;
	[tilespmem:$0x1C000] =	vst v63  }
0x41: {  	s28 =	simm.s32 $0x200  }
0x42: {  	[tilespmem:s20], [sflag:$0x1] =	stream.indirect.gather [spmem:s2], $0x20, s28, s15, $0xb8;
	[tilespmem:$0x1C000] =	vst v63  }
0x43: {  	s28 =	simm.s32 $0x280  }
0x44: {  	[tilespmem:s21], [sflag:$0x1] =	stream.indirect.gather [spmem:s2], $0x20, s28, s15, $0xb8;
	[tilespmem:$0x1C000] =	vst v63  }
0x45: {  	s28 =	simm.s32 $0x300  }
0x46: {  	[tilespmem:s22], [sflag:$0x1] =	stream.indirect.gather [spmem:s2], $0x20, s28, s15, $0xb8;
	[tilespmem:$0x1C000] =	vst v63  }
0x47: {  	s28 =	simm.s32 $0x380  }
0x48: {  	[tilespmem:s23], [sflag:$0x1] =	stream.indirect.gather [spmem:s2], $0x20, s28, s15, $0xb8;
	[tilespmem:$0x1C000] =	vst v63  }
0x49: {  	_ =	swait.ge [sflag:s24], $0x1000  }
0x4a: {  	[sflag:s24] =	ssyncset.done $0x0  }
0x4b: {  	[sflag:s24] =	ssyncadd.s32 $0xFFFFF000  }
0x4c: {  	_ =	swait.ge [sflag:s24], $0x1000  }
0x4d: {  	[sflag:s24] =	ssyncset.done $0x0  }
0x4e: {  	[sflag:s24] =	ssyncadd.s32 $0xFFFFF000  }
0x4f: {  	_ =	swait.ge [sflag:s24], $0x1000  }
0x50: {  	[sflag:s24] =	ssyncset.done $0x0  }
0x51: {  	[sflag:s24] =	ssyncadd.s32 $0xFFFFF000  }
0x52: {  	_ =	swait.ge [sflag:s24], $0x1000  }
0x53: {  	[sflag:s24] =	ssyncset.done $0x0  }
0x54: {  	[sflag:s24] =	ssyncadd.s32 $0xFFFFF000  }
0x55: {  	_ =	swait.ge [sflag:s24], $0x1000  }
0x56: {  	[sflag:s24] =	ssyncset.done $0x0  }
0x57: {  	[sflag:s24] =	ssyncadd.s32 $0xFFFFF000  }
0x58: {  	_ =	swait.ge [sflag:s24], $0x1000  }
0x59: {  	[sflag:s24] =	ssyncset.done $0x0  }
0x5a: {  	[sflag:s24] =	ssyncadd.s32 $0xFFFFF000  }
0x5b: {  	_ =	swait.ge [sflag:s24], $0x1000  }
0x5c: {  	[sflag:s24] =	ssyncset.done $0x0  }
0x5d: {  	[sflag:s24] =	ssyncadd.s32 $0xFFFFF000  }
0x5e: {  	_ =	swait.ge [sflag:s24], $0x1000  }
0x5f: {  	[sflag:s24] =	ssyncset.done $0x0  }
0x60: {  	s28 =	simm.s32 $0x5000;
	[sflag:s24] =	ssyncadd.s32 $0xFFFFF000  }
0x61: {  	[spmem:s3] =	stream.indirect.scatter.add.f32 [tilespmem:s16], [sflag:$0x2], $0x20, s28, s15, $0xb8;
	[tilespmem:$0x1C000] =	vst v63  }
0x62: {  	s28 =	simm.s32 $0x5080  }
0x63: {  	[spmem:s3] =	stream.indirect.scatter.add.f32 [tilespmem:s17], [sflag:$0x2], $0x20, s28, s15, $0xb8;
	[tilespmem:$0x1C000] =	vst v63  }
0x64: {  	s28 =	simm.s32 $0x5100  }
0x65: {  	[spmem:s3] =	stream.indirect.scatter.add.f32 [tilespmem:s18], [sflag:$0x2], $0x20, s28, s15, $0xb8;
	[tilespmem:$0x1C000] =	vst v63  }
0x66: {  	s28 =	simm.s32 $0x5180  }
0x67: {  	[spmem:s3] =	stream.indirect.scatter.add.f32 [tilespmem:s19], [sflag:$0x2], $0x20, s28, s15, $0xb8;
	[tilespmem:$0x1C000] =	vst v63  }
0x68: {  	s28 =	simm.s32 $0x5200  }
0x69: {  	[spmem:s3] =	stream.indirect.scatter.add.f32 [tilespmem:s20], [sflag:$0x2], $0x20, s28, s15, $0xb8;
	[tilespmem:$0x1C000] =	vst v63  }
0x6a: {  	s28 =	simm.s32 $0x5280  }
0x6b: {  	[spmem:s3] =	stream.indirect.scatter.add.f32 [tilespmem:s21], [sflag:$0x2], $0x20, s28, s15, $0xb8;
	[tilespmem:$0x1C000] =	vst v63  }
0x6c: {  	p6 =	por $0x0, $0x0;
	s29 =	simm.s32 $0x2000;
	s28 =	simm.s32 $0x5300  }
0x6d: {  	[spmem:s3] =	stream.indirect.scatter.add.f32 [tilespmem:s22], [sflag:$0x2], $0x20, s28, s15, $0xb8;
	[tilespmem:$0x1C000] =	vst v63  }
0x6e: {  	s30 =	simm.s32 $0x5380;
	p0 =	por p6, p6;
	s28 =	simm.s32 $0x1000  }
.LBB2_2:
0x6f: {  	[spmem:s3] =	stream.indirect.scatter.add.f32 [tilespmem:s23], [sflag:$0x2], $0x20, s30, s15, $0xb8;
	[tilespmem:$0x1C000] =	vst v63  }
0x70: {  	s31 =	smov.u32 s29  }
0x71: {  	s29 =	sadd.s32 $0x1000, s29;
	s30 =	simm.s32 @!p0 $0x2;
	p2 =	seq.s32 s31, $0x0  }
0x72: {  	p1 =	sne.s32 s29, $0x14000;
	_ =	swait.ge @!p0 [sflag:s30], $0x1000  }
0x73: {  	[sflag:s30] =	ssyncset.done @!p0 $0x0  }
0x74: {  	[sflag:s30] =	ssyncadd.s32 @!p0 $0xFFFFF000  }
0x75: {  	_ =	swait.ge @!p0 [sflag:s30], $0x1000  }
0x76: {  	[sflag:s30] =	ssyncset.done @!p0 $0x0  }
0x77: {  	[sflag:s30] =	ssyncadd.s32 @!p0 $0xFFFFF000  }
0x78: {  	_ =	swait.ge @!p0 [sflag:s30], $0x1000  }
0x79: {  	[sflag:s30] =	ssyncset.done @!p0 $0x0  }
0x7a: {  	[sflag:s30] =	ssyncadd.s32 @!p0 $0xFFFFF000  }
0x7b: {  	_ =	swait.ge @!p0 [sflag:s30], $0x1000  }
0x7c: {  	[sflag:s30] =	ssyncset.done @!p0 $0x0  }
0x7d: {  	[sflag:s30] =	ssyncadd.s32 @!p0 $0xFFFFF000  }
0x7e: {  	_ =	swait.ge @!p0 [sflag:s30], $0x1000  }
0x7f: {  	[sflag:s30] =	ssyncset.done @!p0 $0x0  }
0x80: {  	[sflag:s30] =	ssyncadd.s32 @!p0 $0xFFFFF000  }
0x81: {  	_ =	swait.ge @!p0 [sflag:s30], $0x1000  }
0x82: {  	[sflag:s30] =	ssyncset.done @!p0 $0x0  }
0x83: {  	[sflag:s30] =	ssyncadd.s32 @!p0 $0xFFFFF000  }
0x84: {  	_ =	swait.ge @!p0 [sflag:s30], $0x1000  }
0x85: {  	[sflag:s30] =	ssyncset.done @!p0 $0x0  }
0x86: {  	[sflag:s30] =	ssyncadd.s32 @!p0 $0xFFFFF000  }
0x87: {  	_ =	swait.ge @!p0 [sflag:s30], $0x1000  }
0x88: {  	[sflag:s30] =	ssyncset.done @!p0 $0x0  }
0x89: {  	[sflag:s30] =	ssyncadd.s32 @!p0 $0xFFFFF000;
	s30 =	sshra.s32 s28, $0x2;
	s28 =	smov.u32 s31  }
0x8a: {  	[tilespmem:s16], [sflag:$0x1] =	stream.indirect.gather [spmem:s2], $0x20, s30, s15, $0xb8;
	[tilespmem:$0x1C000] =	vst v63  }
0x8b: {  	p0 =	por p2, p2;
	s31 =	sadd.s32 $0x80, s30  }
0x8c: {  	[tilespmem:s17], [sflag:$0x1] =	stream.indirect.gather [spmem:s2], $0x20, s31, s15, $0xb8;
	[tilespmem:$0x1C000] =	vst v63  }
0x8d: {  	s31 =	sadd.s32 $0x100, s30  }
0x8e: {  	[tilespmem:s18], [sflag:$0x1] =	stream.indirect.gather [spmem:s2], $0x20, s31, s15, $0xb8;
	[tilespmem:$0x1C000] =	vst v63  }
0x8f: {  	s31 =	sadd.s32 $0x180, s30  }
0x90: {  	[tilespmem:s19], [sflag:$0x1] =	stream.indirect.gather [spmem:s2], $0x20, s31, s15, $0xb8;
	[tilespmem:$0x1C000] =	vst v63  }
0x91: {  	s31 =	sadd.s32 $0x200, s30  }
0x92: {  	[tilespmem:s20], [sflag:$0x1] =	stream.indirect.gather [spmem:s2], $0x20, s31, s15, $0xb8;
	[tilespmem:$0x1C000] =	vst v63  }
0x93: {  	s31 =	sadd.s32 $0x280, s30  }
0x94: {  	[tilespmem:s21], [sflag:$0x1] =	stream.indirect.gather [spmem:s2], $0x20, s31, s15, $0xb8;
	[tilespmem:$0x1C000] =	vst v63  }
0x95: {  	s31 =	sadd.s32 $0x300, s30  }
0x96: {  	[tilespmem:s22], [sflag:$0x1] =	stream.indirect.gather [spmem:s2], $0x20, s31, s15, $0xb8;
	[tilespmem:$0x1C000] =	vst v63  }
0x97: {  	s31 =	sadd.s32 $0x380, s30  }
0x98: {  	[tilespmem:s23], [sflag:$0x1] =	stream.indirect.gather [spmem:s2], $0x20, s31, s15, $0xb8;
	[tilespmem:$0x1C000] =	vst v63  }
0x99: {  	_ =	swait.ge [sflag:s24], $0x1000  }
0x9a: {  	[sflag:s24] =	ssyncset.done $0x0  }
0x9b: {  	[sflag:s24] =	ssyncadd.s32 $0xFFFFF000  }
0x9c: {  	_ =	swait.ge [sflag:s24], $0x1000  }
0x9d: {  	[sflag:s24] =	ssyncset.done $0x0  }
0x9e: {  	[sflag:s24] =	ssyncadd.s32 $0xFFFFF000  }
0x9f: {  	_ =	swait.ge [sflag:s24], $0x1000  }
0xa0: {  	[sflag:s24] =	ssyncset.done $0x0  }
0xa1: {  	[sflag:s24] =	ssyncadd.s32 $0xFFFFF000  }
0xa2: {  	_ =	swait.ge [sflag:s24], $0x1000  }
0xa3: {  	[sflag:s24] =	ssyncset.done $0x0  }
0xa4: {  	[sflag:s24] =	ssyncadd.s32 $0xFFFFF000  }
0xa5: {  	_ =	swait.ge [sflag:s24], $0x1000  }
0xa6: {  	[sflag:s24] =	ssyncset.done $0x0  }
0xa7: {  	[sflag:s24] =	ssyncadd.s32 $0xFFFFF000  }
0xa8: {  	_ =	swait.ge [sflag:s24], $0x1000  }
0xa9: {  	[sflag:s24] =	ssyncset.done $0x0  }
0xaa: {  	[sflag:s24] =	ssyncadd.s32 $0xFFFFF000  }
0xab: {  	_ =	swait.ge [sflag:s24], $0x1000  }
0xac: {  	[sflag:s24] =	ssyncset.done $0x0  }
0xad: {  	[sflag:s24] =	ssyncadd.s32 $0xFFFFF000  }
0xae: {  	_ =	swait.ge [sflag:s24], $0x1000  }
0xaf: {  	[sflag:s24] =	ssyncset.done $0x0  }
0xb0: {  	s31 =	sadd.s32 $0x5000, s30;
	[sflag:s24] =	ssyncadd.s32 $0xFFFFF000  }
0xb1: {  	[spmem:s3] =	stream.indirect.scatter.add.f32 [tilespmem:s16], [sflag:$0x2], $0x20, s31, s15, $0xb8;
	[tilespmem:$0x1C000] =	vst v63  }
0xb2: {  	s31 =	sadd.s32 $0x5080, s30  }
0xb3: {  	[spmem:s3] =	stream.indirect.scatter.add.f32 [tilespmem:s17], [sflag:$0x2], $0x20, s31, s15, $0xb8;
	[tilespmem:$0x1C000] =	vst v63  }
0xb4: {  	s31 =	sadd.s32 $0x5100, s30  }
0xb5: {  	[spmem:s3] =	stream.indirect.scatter.add.f32 [tilespmem:s18], [sflag:$0x2], $0x20, s31, s15, $0xb8;
	[tilespmem:$0x1C000] =	vst v63  }
0xb6: {  	s31 =	sadd.s32 $0x5180, s30  }
0xb7: {  	[spmem:s3] =	stream.indirect.scatter.add.f32 [tilespmem:s19], [sflag:$0x2], $0x20, s31, s15, $0xb8;
	[tilespmem:$0x1C000] =	vst v63  }
0xb8: {  	s31 =	sadd.s32 $0x5200, s30  }
0xb9: {  	[spmem:s3] =	stream.indirect.scatter.add.f32 [tilespmem:s20], [sflag:$0x2], $0x20, s31, s15, $0xb8;
	[tilespmem:$0x1C000] =	vst v63  }
.Ltmp0:
0xba: {  	s31 =	sadd.s32 $0x5280, s30;
	(pc) =	sbr.rel @p1 .LBB2_2-.Ltmp0, $4  }
0xbb: {  	[spmem:s3] =	stream.indirect.scatter.add.f32 [tilespmem:s21], [sflag:$0x2], $0x20, s31, s15, $0xb8;
	[tilespmem:$0x1C000] =	vst v63  }
0xbc: {  	s31 =	sadd.s32 $0x5300, s30  }
0xbd: {  	[spmem:s3] =	stream.indirect.scatter.add.f32 [tilespmem:s22], [sflag:$0x2], $0x20, s31, s15, $0xb8;
	[tilespmem:$0x1C000] =	vst v63  }
0xbe: {  	s30 =	sadd.s32 $0x5380, s30  }
0xbf: {  	[spmem:s3] =	stream.indirect.scatter.add.f32 [tilespmem:s23], [sflag:$0x2], $0x20, s30, s15, $0xb8;
	[tilespmem:$0x1C000] =	vst v63  }
0xc0: {  	s29 =	simm.s32 @!p0 $0x2  }
0xc1: {  	_ =	swait.ge @!p0 [sflag:s29], $0x1000  }
0xc2: {  	[sflag:s29] =	ssyncset.done @!p0 $0x0  }
0xc3: {  	[sflag:s29] =	ssyncadd.s32 @!p0 $0xFFFFF000  }
0xc4: {  	_ =	swait.ge @!p0 [sflag:s29], $0x1000  }
0xc5: {  	[sflag:s29] =	ssyncset.done @!p0 $0x0  }
0xc6: {  	[sflag:s29] =	ssyncadd.s32 @!p0 $0xFFFFF000  }
0xc7: {  	_ =	swait.ge @!p0 [sflag:s29], $0x1000  }
0xc8: {  	[sflag:s29] =	ssyncset.done @!p0 $0x0  }
0xc9: {  	[sflag:s29] =	ssyncadd.s32 @!p0 $0xFFFFF000  }
0xca: {  	_ =	swait.ge @!p0 [sflag:s29], $0x1000  }
0xcb: {  	[sflag:s29] =	ssyncset.done @!p0 $0x0  }
0xcc: {  	[sflag:s29] =	ssyncadd.s32 @!p0 $0xFFFFF000  }
0xcd: {  	_ =	swait.ge @!p0 [sflag:s29], $0x1000  }
0xce: {  	[sflag:s29] =	ssyncset.done @!p0 $0x0  }
0xcf: {  	[sflag:s29] =	ssyncadd.s32 @!p0 $0xFFFFF000  }
0xd0: {  	_ =	swait.ge @!p0 [sflag:s29], $0x1000  }
0xd1: {  	[sflag:s29] =	ssyncset.done @!p0 $0x0  }
0xd2: {  	[sflag:s29] =	ssyncadd.s32 @!p0 $0xFFFFF000  }
0xd3: {  	_ =	swait.ge @!p0 [sflag:s29], $0x1000  }
0xd4: {  	[sflag:s29] =	ssyncset.done @!p0 $0x0  }
0xd5: {  	[sflag:s29] =	ssyncadd.s32 @!p0 $0xFFFFF000  }
0xd6: {  	_ =	swait.ge @!p0 [sflag:s29], $0x1000  }
0xd7: {  	[sflag:s29] =	ssyncset.done @!p0 $0x0  }
0xd8: {  	s28 =	sshra.s32 s28, $0x2;
	[sflag:s29] =	ssyncadd.s32 @!p0 $0xFFFFF000  }
0xd9: {  	[tilespmem:s16], [sflag:$0x1] =	stream.indirect.gather [spmem:s2], $0x20, s28, s15, $0xb8;
	[tilespmem:$0x1C000] =	vst v63  }
0xda: {  	s30 =	sadd.s32 $0x80, s28  }
0xdb: {  	[tilespmem:s17], [sflag:$0x1] =	stream.indirect.gather [spmem:s2], $0x20, s30, s15, $0xb8;
	[tilespmem:$0x1C000] =	vst v63  }
0xdc: {  	s31 =	sadd.s32 $0x100, s28  }
0xdd: {  	[tilespmem:s18], [sflag:$0x1] =	stream.indirect.gather [spmem:s2], $0x20, s31, s15, $0xb8;
	[tilespmem:$0x1C000] =	vst v63  }
0xde: {  	s30 =	sadd.s32 $0x180, s28  }
0xdf: {  	[tilespmem:s19], [sflag:$0x1] =	stream.indirect.gather [spmem:s2], $0x20, s30, s15, $0xb8;
	[tilespmem:$0x1C000] =	vst v63  }
0xe0: {  	s31 =	sadd.s32 $0x200, s28  }
0xe1: {  	[tilespmem:s20], [sflag:$0x1] =	stream.indirect.gather [spmem:s2], $0x20, s31, s15, $0xb8;
	[tilespmem:$0x1C000] =	vst v63  }
0xe2: {  	s30 =	sadd.s32 $0x280, s28  }
0xe3: {  	[tilespmem:s21], [sflag:$0x1] =	stream.indirect.gather [spmem:s2], $0x20, s30, s15, $0xb8;
	[tilespmem:$0x1C000] =	vst v63  }
0xe4: {  	s31 =	sadd.s32 $0x300, s28  }
0xe5: {  	[tilespmem:s22], [sflag:$0x1] =	stream.indirect.gather [spmem:s2], $0x20, s31, s15, $0xb8;
	[tilespmem:$0x1C000] =	vst v63  }
0xe6: {  	s30 =	sadd.s32 $0x380, s28  }
0xe7: {  	[tilespmem:s23], [sflag:$0x1] =	stream.indirect.gather [spmem:s2], $0x20, s30, s15, $0xb8;
	[tilespmem:$0x1C000] =	vst v63  }
0xe8: {  	_ =	swait.ge [sflag:s24], $0x1000  }
0xe9: {  	[sflag:s24] =	ssyncset.done $0x0  }
0xea: {  	[sflag:s24] =	ssyncadd.s32 $0xFFFFF000  }
0xeb: {  	_ =	swait.ge [sflag:s24], $0x1000  }
0xec: {  	[sflag:s24] =	ssyncset.done $0x0  }
0xed: {  	[sflag:s24] =	ssyncadd.s32 $0xFFFFF000  }
0xee: {  	_ =	swait.ge [sflag:s24], $0x1000  }
0xef: {  	[sflag:s24] =	ssyncset.done $0x0  }
0xf0: {  	[sflag:s24] =	ssyncadd.s32 $0xFFFFF000  }
0xf1: {  	_ =	swait.ge [sflag:s24], $0x1000  }
0xf2: {  	[sflag:s24] =	ssyncset.done $0x0  }
0xf3: {  	[sflag:s24] =	ssyncadd.s32 $0xFFFFF000  }
0xf4: {  	_ =	swait.ge [sflag:s24], $0x1000  }
0xf5: {  	[sflag:s24] =	ssyncset.done $0x0  }
0xf6: {  	[sflag:s24] =	ssyncadd.s32 $0xFFFFF000  }
0xf7: {  	_ =	swait.ge [sflag:s24], $0x1000  }
0xf8: {  	[sflag:s24] =	ssyncset.done $0x0  }
0xf9: {  	[sflag:s24] =	ssyncadd.s32 $0xFFFFF000  }
0xfa: {  	_ =	swait.ge [sflag:s24], $0x1000  }
0xfb: {  	[sflag:s24] =	ssyncset.done $0x0  }
0xfc: {  	[sflag:s24] =	ssyncadd.s32 $0xFFFFF000  }
0xfd: {  	_ =	swait.ge [sflag:s24], $0x1000  }
0xfe: {  	[sflag:s24] =	ssyncset.done $0x0  }
0xff: {  	s31 =	sadd.s32 $0x5000, s28;
	[sflag:s24] =	ssyncadd.s32 $0xFFFFF000  }
0x100: {  	[spmem:s3] =	stream.indirect.scatter.add.f32 [tilespmem:s16], [sflag:$0x2], $0x20, s31, s15, $0xb8;
	[tilespmem:$0x1C000] =	vst v63  }
0x101: {  	s30 =	sadd.s32 $0x5080, s28  }
0x102: {  	[spmem:s3] =	stream.indirect.scatter.add.f32 [tilespmem:s17], [sflag:$0x2], $0x20, s30, s15, $0xb8;
	[tilespmem:$0x1C000] =	vst v63  }
0x103: {  	s31 =	sadd.s32 $0x5100, s28  }
0x104: {  	[spmem:s3] =	stream.indirect.scatter.add.f32 [tilespmem:s18], [sflag:$0x2], $0x20, s31, s15, $0xb8;
	[tilespmem:$0x1C000] =	vst v63  }
0x105: {  	s30 =	sadd.s32 $0x5180, s28  }
0x106: {  	[spmem:s3] =	stream.indirect.scatter.add.f32 [tilespmem:s19], [sflag:$0x2], $0x20, s30, s15, $0xb8;
	[tilespmem:$0x1C000] =	vst v63  }
0x107: {  	s31 =	sadd.s32 $0x5200, s28  }
0x108: {  	[spmem:s3] =	stream.indirect.scatter.add.f32 [tilespmem:s20], [sflag:$0x2], $0x20, s31, s15, $0xb8;
	[tilespmem:$0x1C000] =	vst v63  }
0x109: {  	s30 =	sadd.s32 $0x5280, s28  }
0x10a: {  	[spmem:s3] =	stream.indirect.scatter.add.f32 [tilespmem:s21], [sflag:$0x2], $0x20, s30, s15, $0xb8;
	[tilespmem:$0x1C000] =	vst v63  }
0x10b: {  	s31 =	sadd.s32 $0x5300, s28  }
0x10c: {  	[spmem:s3] =	stream.indirect.scatter.add.f32 [tilespmem:s22], [sflag:$0x2], $0x20, s31, s15, $0xb8;
	[tilespmem:$0x1C000] =	vst v63  }
0x10d: {  	s28 =	sadd.s32 $0x5380, s28  }
0x10e: {  	[spmem:s3] =	stream.indirect.scatter.add.f32 [tilespmem:s23], [sflag:$0x2], $0x20, s28, s15, $0xb8;
	[tilespmem:$0x1C000] =	vst v63  }
0x10f: {  	_ =	swait.ge [sflag:s25], $0x1000  }
0x110: {  	[sflag:s25] =	ssyncset.done $0x0  }
0x111: {  	[sflag:s25] =	ssyncadd.s32 $0xFFFFF000  }
0x112: {  	_ =	swait.ge [sflag:s25], $0x1000  }
0x113: {  	[sflag:s25] =	ssyncset.done $0x0  }
0x114: {  	[sflag:s25] =	ssyncadd.s32 $0xFFFFF000  }
0x115: {  	_ =	swait.ge [sflag:s25], $0x1000  }
0x116: {  	[sflag:s25] =	ssyncset.done $0x0  }
0x117: {  	[sflag:s25] =	ssyncadd.s32 $0xFFFFF000  }
0x118: {  	_ =	swait.ge [sflag:s25], $0x1000  }
0x119: {  	[sflag:s25] =	ssyncset.done $0x0  }
0x11a: {  	[sflag:s25] =	ssyncadd.s32 $0xFFFFF000  }
0x11b: {  	_ =	swait.ge [sflag:s25], $0x1000  }
0x11c: {  	[sflag:s25] =	ssyncset.done $0x0  }
0x11d: {  	[sflag:s25] =	ssyncadd.s32 $0xFFFFF000  }
0x11e: {  	_ =	swait.ge [sflag:s25], $0x1000  }
0x11f: {  	[sflag:s25] =	ssyncset.done $0x0  }
0x120: {  	[sflag:s25] =	ssyncadd.s32 $0xFFFFF000  }
0x121: {  	_ =	swait.ge [sflag:s25], $0x1000  }
0x122: {  	[sflag:s25] =	ssyncset.done $0x0  }
0x123: {  	[sflag:s25] =	ssyncadd.s32 $0xFFFFF000  }
0x124: {  	_ =	swait.ge [sflag:s25], $0x1000  }
0x125: {  	s26 =	sadd.s32 $0x1, s26;
	[sflag:s25] =	ssyncset.done $0x0  }
0x126: {  	p0 =	sne.s32 s26, s10;
	[sflag:s25] =	ssyncadd.s32 $0xFFFFF000  }
.Ltmp1:
0x127: {  	[bflag:$0x0] =	sbarrier.arrive $0xFFFF;
	(pc) =	sbr.rel @p0 .LBB2_1-.Ltmp1, $4  }
0x128: {  	[hbm:s9], [sflag:s6] =	dma.local [spmem:s13], $0xA00  }
0x129: {  	_ =	swait.ge [sflag:s12], $0xA00  }
0x12a: {  	[sflag:s12] =	ssyncset.done $0x0  }
0x12b: {  	[sflag:s12] =	ssyncadd.s32 $0xFFFFF600  }
0x12c: {  	_ =	sfence.sel $0x180000  }
0x12d: {  	[bflag:$0x0] =	sbarrier.arrive $0xFFFF  }
0x12e: {  	p0 =	sne.s32 s1, $0x0;
	_ =	strace $0x9000004A  }
0x12f: {  	s0 =	sadd.s32 @!p0 $0x100000, s0;
	[bflag:$0x2] =	sbarrier.arrive $0xFFFF  }
0x130: {  	[sflag:s0] =	ssyncadd.tile.s32 @!p0 $0x1;
	_ =	shalt  }
.Lfunc_end2:
_tile_overlayer_lowered:
.L_overlay_start_2:
0x131: {  	(tag) =	ssettag $0x2  }
0x132: {  	s0 =	rddreg [dreg:$0x0];
	s2 =	stileid.u32  }
0x133: {  	s1 =	rddreg [dreg:$0x1];
	p0 =	sne.s32 s2, $0x0  }
0x134: {  	s3 =	rddreg [dreg:$0x2];
	[bflag:$0x3] =	sbarrier.arrive $0xFFFF;
	s2 =	simm.s32 @!p0 $0x1C03  }
0x135: {  	[timem:s3], [sflag:s2] =	dma.local @!p0 [hbm:s0], s1  }
0x136: {  	s0 =	simm.s32 @!p0 $0x3  }
0x137: {  	_ =	swait.ge @!p0 [sflag:s0], s1  }
0x138: {  	s1 =	ssub.s32 @!p0 $0x0, s1;
	[sflag:s0] =	ssyncset.done @!p0 $0x0  }
0x139: {  	[sflag:s0] =	ssyncadd.s32 @!p0 s1  }
0x13a: {  	[bflag:$0x3] =	sbarrier.arrive $0xFFFF  }
0x13b: {  	_ =	shalt  }

// kernel: kernel.15.cloned.1.call-start
scs
__scs_entry_jumppad:
0x0: {  	(pc) =	sbr.rel $0x88, $3  }
0x1: {  	(tag) =	ssettag $0x0;
	lr =	simm.s32 $0x1  }
0x2: {  	[smem:$0x3F91] =	sst lr;
	_ =	strace $0xD0000000  }
0x3: {  	_ = 	snop  }
0x4: {  	_ = 	snop  }
0x5: {  	_ = 	snop  }
0x6: {  	_ = 	snop  }
0x7: {  	_ = 	snop  }
__scs_overlays_trampoline_lowered:
0x8: {  	[smem:$0x3FA0] =	sst s0  }
0x9: {  	[smem:$0x3FA1] =	sst s1  }
0xa: {  	[smem:$0x3FA2] =	sst s2  }
0xb: {  	[smem:$0x3FA3] =	sst s3  }
0xc: {  	[smem:$0x3FA4] =	sst s4  }
0xd: {  	[smem:$0x3FA5] =	sst s5  }
0xe: {  	[smem:$0x3FA6] =	sst s6  }
0xf: {  	[smem:$0x3FA7] =	sst s7  }
0x10: {  	[smem:$0x3FA8] =	sst s8  }
0x11: {  	[smem:$0x3FA9] =	sst s9;
	s0 =	simm.s32 @!p0 $0x0  }
0x12: {  	s1 =	sld [smem:$0x3F8F];
	s0 =	simm.s32 @p0 $0x1  }
0x13: {  	[smem:$0x3FAA] =	sst s0;
	s0 =	simm.s32 @!p1 $0x0  }
0x14: {  	s2 =	sld [smem:$0x3F8E];
	s0 =	simm.s32 @p1 $0x1  }
0x15: {  	[smem:$0x3FAB] =	sst s0;
	s0 =	simm.s32 @!p2 $0x0  }
0x16: {  	s3 =	sld [smem:$0x3FDB];
	s0 =	simm.s32 @p2 $0x1  }
0x17: {  	s4 =	simm.s32 $0x1BF5;
	[smem:$0x3FAD] =	sst s0  }
0x18: {  	s0 =	sld [smem:$0x3F90];
	_ =	swait.ge [sflag:s4], $0x0  }
0x19: {  	s7 =	sld [smem:$0x3F91]  }
0x1a: {  	s8 =	sadd.s32 $0xFFFFE003, lr  }
0x1b: {  	s9 =	sadd.s32 $0xFFFFFEF7, lr;
	s5 =	simm.s32 $0xFFFFFFFF;
	p2 =	slt.u32 s8, $0xFFFFF086  }
0x1c: {  	p1 =	slt.u32 s9, $0xF7A;
	s5 =	simm.s32 @!p2 $0x0  }
0x1d: {  	s5 =	simm.s32 @p1 $0x1;
	p0 =	seq.s32 s7, s2  }
0x1e: {  	s7 =	smul.u32 @!p0 $0xF7A, s2;
	p2 =	seq.s32 @!p0 s5, $0x0  }
0x1f: {  	s9 =	smul.u32 $0xF7A, s1;
	s8 =	simm.s32 @!p0 $0x1BF5;
	p2 =	por !p2, p0  }
0x20: {  	[sflag:s8] =	ssyncset.s32 @!p0 $0xFFFFF086;
	s6 =	sadd.s32 @!p0 s3, s7;
	s7 =	simm.s32 @!p0 $0x108  }
0x21: {  	s3 =	sadd.s32 s3, s9;
	s6 =	sadd.s32 @!p0 $0x88, s6;
	s7 =	simm.s32 @p2 $0x1082  }
0x22: {  	[simem:s7], [sflag:s8] =	dma.local @!p0 [hbm:s6], $0xF7A  }
0x23: {  	s9 =	sor.u32 $0xD0000000, s2;
	s6 =	simm.s32 $0x108;
	_ =	swait.ge @!p0 [sflag:s8], $0x0  }
0x24: {  	s3 =	sadd.s32 $0x88, s3;
	s6 =	simm.s32 @!p1 $0x1082;
	[sflag:s4] =	ssyncset.s32 $0xFFFFF086  }
0x25: {  	[simem:s6], [sflag:s4] =	dma.local [hbm:s3], $0xF7A  }
0x26: {  	[smem:$0x3F91] =	sst s1;
	(tag) =	ssettag s2;
	_ =	strace s9  }
0x27: {  	s1 =	sld [smem:$0x3FA1]  }
0x28: {  	s2 =	sld [smem:$0x3FA2]  }
0x29: {  	s4 =	sld [smem:$0x3FA4]  }
0x2a: {  	p0 =	seq.s32 s5, $0x0;
	s5 =	sld [smem:$0x3FA5]  }
0x2b: {  	s6 =	sld [smem:$0x3FA6]  }
0x2c: {  	s7 =	sld [smem:$0x3FA7]  }
0x2d: {  	s3 =	simm.s32 $0x108;
	s8 =	sld [smem:$0x3FA8]  }
0x2e: {  	s3 =	simm.s32 @!p0 $0x1082;
	s9 =	sld [smem:$0x3FA9]  }
0x2f: {  	lr =	sadd.s32 s0, s3;
	s0 =	sld [smem:$0x3FA0]  }
0x30: {  	s3 =	sld [smem:$0x3FA3]  }
0x31: {  	[smem:$0x3FAC] =	sst s10  }
0x32: {  	s10 =	sld [smem:$0x3FAA];
	_ =	sdelay $0x3  }
0x33: {  	p0 =	seq.s32 s10, $0x1;
	s10 =	sld [smem:$0x3FAC];
	_ =	sdelay $0x3  }
0x34: {  	[smem:$0x3FAC] =	sst s10  }
0x35: {  	s10 =	sld [smem:$0x3FAB];
	_ =	sdelay $0x3  }
0x36: {  	p1 =	seq.s32 s10, $0x1;
	s10 =	sld [smem:$0x3FAC];
	_ =	sdelay $0x3  }
0x37: {  	[smem:$0x3FAC] =	sst s10  }
0x38: {  	s10 =	sld [smem:$0x3FAD]  }
0x39: {  	_ = 	snop;
	(pc) =	sbr.ind lr, $3  }
0x3a: {  	_ = 	snop  }
0x3b: {  	_ = 	snop  }
0x3c: {  	p2 =	seq.s32 s10, $0x1;
	s10 =	sld [smem:$0x3FAC]  }
0x3d: {  	_ =	shalt  }
0x3e: {  	_ =	shalt  }
0x3f: {  	_ =	shalt  }
0x40: {  	_ =	shalt  }
0x41: {  	_ =	shalt  }
0x42: {  	_ =	shalt  }
0x43: {  	_ =	shalt  }
0x44: {  	_ =	shalt  }
0x45: {  	_ =	shalt  }
0x46: {  	_ =	shalt  }
0x47: {  	_ =	shalt  }
0x48: {  	_ =	shalt  }
0x49: {  	_ =	shalt  }
0x4a: {  	_ =	shalt  }
0x4b: {  	_ =	shalt  }
0x4c: {  	_ =	shalt  }
0x4d: {  	_ =	shalt  }
0x4e: {  	_ =	shalt  }
0x4f: {  	_ =	shalt  }
0x50: {  	_ =	shalt  }
0x51: {  	_ =	shalt  }
0x52: {  	_ =	shalt  }
0x53: {  	_ =	shalt  }
0x54: {  	_ =	shalt  }
0x55: {  	_ =	shalt  }
0x56: {  	_ =	shalt  }
0x57: {  	_ =	shalt  }
0x58: {  	_ =	shalt  }
0x59: {  	_ =	shalt  }
0x5a: {  	_ =	shalt  }
0x5b: {  	_ =	shalt  }
0x5c: {  	_ =	shalt  }
0x5d: {  	_ =	shalt  }
0x5e: {  	_ =	shalt  }
0x5f: {  	_ =	shalt  }
0x60: {  	_ =	shalt  }
0x61: {  	_ =	shalt  }
0x62: {  	_ =	shalt  }
0x63: {  	_ =	shalt  }
0x64: {  	_ =	shalt  }
0x65: {  	_ =	shalt  }
0x66: {  	_ =	shalt  }
0x67: {  	_ =	shalt  }
0x68: {  	_ =	shalt  }
0x69: {  	_ =	shalt  }
0x6a: {  	_ =	shalt  }
0x6b: {  	_ =	shalt  }
0x6c: {  	_ =	shalt  }
0x6d: {  	_ =	shalt  }
0x6e: {  	_ =	shalt  }
0x6f: {  	_ =	shalt  }
0x70: {  	_ =	shalt  }
0x71: {  	_ =	shalt  }
0x72: {  	_ =	shalt  }
0x73: {  	_ =	shalt  }
0x74: {  	_ =	shalt  }
0x75: {  	_ =	shalt  }
0x76: {  	_ =	shalt  }
0x77: {  	_ =	shalt  }
0x78: {  	_ =	shalt  }
0x79: {  	_ =	shalt  }
0x7a: {  	_ =	shalt  }
0x7b: {  	_ =	shalt  }
0x7c: {  	_ =	shalt  }
0x7d: {  	_ =	shalt  }
0x7e: {  	_ =	shalt  }
0x7f: {  	_ =	shalt  }
0x80: {  	_ =	shalt  }
0x81: {  	_ =	shalt  }
0x82: {  	_ =	shalt  }
0x83: {  	_ =	shalt  }
0x84: {  	_ =	shalt  }
0x85: {  	_ =	shalt  }
0x86: {  	_ =	shalt  }
0x87: {  	_ =	shalt  }
.Lfunc_end0:
.L_simem_size_0:
called_computation.2_lowered:
.L_overlay_start_0:
0x88: {  	s2 =	sld [smem:$0x3FD9]  }
0x89: {  	s3 =	sld [smem:$0x3FFE];
	_ =	sdelay $0x1  }
0x8a: {  	s1 =	srdreg.scid  }
0x8b: {  	s0 =	sand.u32 $0x1, s1  }
0x8c: {  	s17 =	sshll.u32 s0, $0xA;
	s2 =	sadd.s32 s3, s2  }
0x8d: {  	s2 =	sadd.s32 s2, s17  }
0x8e: {  	[smem:$0x3FB8] =	sst s2  }
0x8f: {  	_ = 	snop  }
0x90: {  	s2 =	sld [smem:$0x3FD0];
	(tm) =	ssettm $0x1  }
0x91: {  	s18 =	sld [smem:$0x3FFB];
	_ =	sdelay $0x3  }
0x92: {  	_ =	strace s18  }
0x93: {  	s3 =	sld [smem:$0x3FFC];
	_ =	sdelay $0x3  }
0x94: {  	_ =	strace s3  }
0x95: {  	s3 =	sld [smem:$0x3FFD];
	_ =	sdelay $0x3  }
0x96: {  	_ =	strace s3  }
0x97: {  	_ =	strace $0x8FFFFFFF  }
0x98: {  	s19 =	sld [smem:$0x3FDB];
	_ =	sdelay $0x1  }
0x99: {  	s4 =	simm.s32 $_scs_section_size  }
0x9a: {  	s5 =	simm.s32 $_size__tile_overlayer_lowered;
	s6 =	simm.s32 $_tile_overlayer_lowered  }
0x9b: {  	s22 =	simm.s32 $0x1BFF;
	s21 =	sshll.u32 s6, $0x1;
	s3 =	sadd.s32 s4, s19  }
0x9c: {  	s7 =	simm.s32 $0x0;
	s20 =	sshll.u32 s5, $0x1;
	s5 =	sadd.s32 s21, s3  }
0x9d: {  	[timem:s7], [sflag:s22] =	dma.local [hbm:s5], s20  }
0x9e: {  	_ =	swait.ge [sflag:s22], s20  }
0x9f: {  	s4 =	ssub.s32 $0x0, s20;
	[sflag:s22] =	ssyncset.done $0x0  }
0xa0: {  	[sflag:s22] =	ssyncadd.s32 s4;
	_ =	sdelay $0x1  }
0xa1: {  	s23 =	simm.s32 $0x1B8B  }
0xa2: {  	_ =	swait.ge [sflag:s23], $0x1  }
0xa3: {  	[sflag:s23] =	ssyncset.done $0x0  }
0xa4: {  	s25 =	simm.s32 $0x1B8E;
	s24 =	sld [smem:$0x3FFE];
	[sflag:s23] =	ssyncadd.s32 $0xFFFFFFFF  }
0xa5: {  	s26 =	simm.s32 $execute0_lowered;
	[smem:$0x3FD2] =	sst s25  }
0xa6: {  	s5 =	sshll.u32 s26, $0x1;
	_ =	strace $0x8000004C;
	[dreg:$0x1] =	wrdreg $0xFFFFFFFF  }
0xa7: {  	s28 =	simm.s32 $_size_execute0_lowered;
	s3 =	sadd.s32 s3, s5;
	[dreg:$0x0] =	wrdreg $0x0  }
0xa8: {  	s5 =	sshll.u32 s28, $0x1;
	[dreg:$0x2] =	wrdreg s3  }
0xa9: {  	[dreg:$0x3] =	wrdreg s5  }
0xaa: {  	[dreg:$0x4] =	wrdreg $0xC0  }
0xab: {  	_ =	task [dreg:s7], $0x5FFFF  }
0xac: {  	[dreg:$0x1] =	wrdreg $0xFFFFFFFF  }
0xad: {  	[dreg:$0x0] =	wrdreg $0x60  }
0xae: {  	[dreg:$0x2] =	wrdreg s24  }
0xaf: {  	[dreg:$0x3] =	wrdreg s2  }
0xb0: {  	[dreg:$0x4] =	wrdreg $0x182C00  }
0xb1: {  	[dreg:$0x5] =	wrdreg $0x132C00  }
0xb2: {  	[dreg:$0x6] =	wrdreg $0x9  }
0xb3: {  	_ =	task.clear_ibuf [dreg:s7], $0x7FFFF;
	_ =	strace $0x9000004C  }
0xb4: {  	s29 =	simm.s32 $0x9;
	_ =	strace $0x8000004E  }
0xb5: {  	_ =	swait.ge [sflag:s29], $0x1  }
0xb6: {  	[sflag:s29] =	ssyncadd.s32 $0xFFFFFFFF  }
0xb7: {  	_ =	strace $0x9000004E  }
0xb8: {  	_ =	sfence  }
0xb9: {  	s30 =	sld [smem:$0x0];
	_ =	sdelay $0x2  }
0xba: {  	s31 =	sshll.u32 s1, $0xD;
	s1 =	sshrl.u32 s1, $0x2  }
0xbb: {  	s3 =	sand.u32 $0x4000, s31;
	s1 =	sadd.s32 s1, s30  }
0xbc: {  	s0 =	sor.u32 s3, s0;
	s1 =	sshll.u32 s1, $0x11  }
0xbd: {  	s0 =	sor.u32 s1, s0  }
0xbe: {  	s0 =	sadd.s32 $0x8F2B, s0  }
0xbf: {  	[sflag:s0] =	ssyncadd.remote.s32 $0x1  }
0xc0: {  	_ =	sfence.sel $0xFFFF  }
0xc1: {  	[dreg:$0x0] =	wrdreg $0xFFFFFFFF;
	(pc) =	sbr.abs _section_cstart, $3  }
0xc2: {  	[dreg:$0x1] =	wrdreg $0xFFFFFFFF  }
0xc3: {  	_ =	task.clear_ibuf [dreg:s7], $0x2FFFF;
	_ =	strace $0x9FFFFFFF  }
0xc4: {  	(tm) =	ssettm $0x7FFFFFFF  }
0xc5: {  	_ =	shalt  }
tec
execute0_lowered:
.L_overlay_start_1:
0x0: {  	(tag) =	ssettag $0x1  }
0x1: {  	s0 =	rddreg [dreg:$0x0]  }
0x2: {  	s2 =	rddreg [dreg:$0x1]  }
0x3: {  	s1 =	rddreg [dreg:$0x2]  }
0x4: {  	s3 =	rddreg [dreg:$0x3]  }
0x5: {  	s4 =	simm.s32 $0x0;
	s16 =	stileid.u32;
	s6 =	srdreg.scid  }
0x6: {  	s28 =	simm.s32 $0xE000;
	s29 =	simm.s32 $0xF000;
	s30 =	simm.s32 $0x10000  }
0x7: {  	s31 =	simm.s32 $0x11000;
	[smem:$0x7FF] =	sst s4;
	s5 =	smul.u32 $0xA00, s16  }
0x8: {  	s7 =	sadd.s32 $0x26000, s0;
	s6 =	sand.u32 $0x1, s6;
	s8 =	sadd.s32 $0xD400, s0  }
0x9: {  	s11 =	sadd.s32 $0x30000, s0;
	s13 =	smul.u32 $0x5000, s16;
	s25 =	sshll.u32 s16, $0x6  }
0xa: {  	_ =	strace $0x8000004D;
	s17 =	sshll.u32 s6, $0x2;
	s18 =	ssub.s32 $0x2, s6  }
0xb: {  	p0 =	seq.s32 s6, $0x0;
	s9 =	sadd.s32 s5, s0;
	s10 =	sadd.s32 s17, s0  }
0xc: {  	s0 =	sadd.s32 $0x3A000, s0;
	s12 =	sshrl.u32 s18, $0x1;
	s5 =	smul.u32 $0x280, s16  }
0xd: {  	s19 =	sadd.s32 s13, s1;
	s14 =	sshrl.u32 s13, $0x3;
	s15 =	sadd.s32 s13, s3  }
0xe: {  	s8 =	smov.u32 @p0 s7;
	s13 =	sor.u32 $0x1C03, s25;
	s16 =	simm.s32 $0x3  }
0xf: {  	s25 =	simm.s32 $0xC000;
	s12 =	ssub.s32 s18, s12;
	s20 =	sadd.s32 $0x1C000, s9  }
0x10: {  	s9 =	sadd.s32 $0x3000, s9;
	s22 =	sadd.s32 $0xD200, s10;
	[dreg:$0x5] =	wrdreg s20  }
0x11: {  	s23 =	sadd.s32 $0xD000, s10;
	s7 =	sadd.s32 s8, s14;
	[dreg:$0x6] =	wrdreg s9  }
0x12: {  	s0 =	smov.u32 @p0 s11;
	s26 =	sshrl.u32 s19, $0x3;
	[dreg:$0x8] =	wrdreg s22  }
0x13: {  	s8 =	sshrl.u32 s15, $0x3;
	s19 =	simm.s32 $0x13000;
	[dreg:$0x9] =	wrdreg s23  }
0x14: {  	s18 =	simm.s32 $0x12000;
	s21 =	sshrl.u32 s5, $0x3;
	[dreg:$0xb] =	wrdreg s7  }
0x15: {  	s24 =	smax.u32 s12, $0x1;
	s0 =	sadd.s32 s0, s14;
	[dreg:$0xd] =	wrdreg s26  }
0x16: {  	s22 =	simm.s32 $0x80;
	s23 =	simm.s32 $0xA000;
	[dreg:$0xe] =	wrdreg s8  }
0x17: {  	s26 =	simm.s32 $0xD000;
	s20 =	simm.s32 $0x0;
	[dreg:$0xa] =	wrdreg s24  }
0x18: {  	s2 =	sadd.s32 s2, s21;
	[dreg:$0xc] =	wrdreg s0;
	s24 =	simm.s32 $0xB000  }
0x19: {  	s0 =	simm.s32 $0x1;
	[dreg:$0x7] =	wrdreg s2;
	s2 =	simm.s32 $0x2  }
.LBB2_1:
0x1a: {  	s6 =	rddreg [dreg:$0xb]  }
0x1b: {  	s7 =	rddreg [dreg:$0xd]  }
0x1c: {  	[spmem:s7], [sflag:s13] =	dma.local [hbm:s6], $0xA00  }
0x1d: {  	_ =	swait.ge [sflag:s16], $0xA00  }
0x1e: {  	[sflag:s16] =	ssyncset.done $0x0  }
0x1f: {  	[sflag:s16] =	ssyncadd.s32 $0xFFFFF600  }
0x20: {  	[spmem:s8], [sflag:s13] =	dma.local [hbm:s6], $0xA00  }
0x21: {  	_ =	swait.ge [sflag:s16], $0xA00  }
0x22: {  	[sflag:s16] =	ssyncset.done $0x0  }
0x23: {  	s15 =	rddreg [dreg:$0x5];
	[sflag:s16] =	ssyncadd.s32 $0xFFFFF600  }
0x24: {  	[tilespmem:s4], [sflag:$0x3] =	stream.linear.gather [hbm4b:s15+s4], $0x5000, $0x38;
	[tilespmem:$0x1D2C0] =	vst v63  }
0x25: {  	_ =	swait.ge [sflag:s16], $0x5000  }
0x26: {  	[sflag:s16] =	ssyncset.done $0x0  }
0x27: {  	s21 =	simm.s32 $0x5000;
	s17 =	rddreg [dreg:$0x6];
	[sflag:s16] =	ssyncadd.s32 $0xFFFFB000  }
0x28: {  	[tilespmem:s21], [sflag:$0x3] =	stream.linear.gather [hbm4b:s17+s4], $0x5000, $0x38;
	[tilespmem:$0x1D2C0] =	vst v63  }
0x29: {  	_ =	swait.ge [sflag:s16], $0x5000  }
0x2a: {  	[sflag:s16] =	ssyncset.done $0x0  }
0x2b: {  	s7 =	rddreg [dreg:$0x7];
	[sflag:s16] =	ssyncadd.s32 $0xFFFFB000  }
0x2c: {  	[tilespmem:s19], [sflag:$0x3] =	stream.linear.gather [hbm4b:s7+s4], $0x280, $0x38;
	[tilespmem:$0x1D2C0] =	vst v63  }
0x2d: {  	_ =	swait.ge [sflag:s16], $0x280  }
0x2e: {  	[sflag:s16] =	ssyncset.done $0x0  }
0x2f: {  	s9 =	simm.s32 $0x13280;
	s8 =	rddreg [dreg:$0x8];
	[sflag:s16] =	ssyncadd.s32 $0xFFFFFD80  }
0x30: {  	[tilespmem:s9], [sflag:$0x3] =	stream.linear.gather [hbm4b:s8+s4], $0x20, $0x38;
	[tilespmem:$0x1D2C0] =	vst v63  }
0x31: {  	_ =	swait.ge [sflag:s16], $0x20  }
0x32: {  	[sflag:s16] =	ssyncset.done $0x0  }
0x33: {  	s11 =	simm.s32 $0x132A0;
	s10 =	rddreg [dreg:$0x9];
	[sflag:s16] =	ssyncadd.s32 $0xFFFFFFE0  }
0x34: {  	[tilespmem:s11], [sflag:$0x3] =	stream.linear.gather [hbm4b:s10+s4], $0x20, $0x38;
	[tilespmem:$0x1D2C0] =	vst v63  }
0x35: {  	_ =	swait.ge [sflag:s16], $0x20  }
0x36: {  	p0 =	por $0x1, $0x1;
	[sflag:s16] =	ssyncset.done $0x0  }
0x37: {  	p0 =	por p0, p0;
	[sflag:s16] =	ssyncadd.s32 $0xFFFFFFE0  }
0x38: {  	s6 =	simm.s32 @!p0 $0x2;
	[bflag:$0x0] =	sbarrier.arrive $0xFFFF  }
0x39: {  	_ =	swait.ge @!p0 [sflag:s6], $0x1000  }
0x3a: {  	[sflag:s6] =	ssyncset.done @!p0 $0x0  }
0x3b: {  	[sflag:s6] =	ssyncadd.s32 @!p0 $0xFFFFF000  }
0x3c: {  	_ =	swait.ge @!p0 [sflag:s6], $0x1000  }
0x3d: {  	[sflag:s6] =	ssyncset.done @!p0 $0x0  }
0x3e: {  	[sflag:s6] =	ssyncadd.s32 @!p0 $0xFFFFF000  }
0x3f: {  	_ =	swait.ge @!p0 [sflag:s6], $0x1000  }
0x40: {  	[sflag:s6] =	ssyncset.done @!p0 $0x0  }
0x41: {  	[sflag:s6] =	ssyncadd.s32 @!p0 $0xFFFFF000  }
0x42: {  	_ =	swait.ge @!p0 [sflag:s6], $0x1000  }
0x43: {  	[sflag:s6] =	ssyncset.done @!p0 $0x0  }
0x44: {  	[sflag:s6] =	ssyncadd.s32 @!p0 $0xFFFFF000  }
0x45: {  	_ =	swait.ge @!p0 [sflag:s6], $0x1000  }
0x46: {  	[sflag:s6] =	ssyncset.done @!p0 $0x0  }
0x47: {  	[sflag:s6] =	ssyncadd.s32 @!p0 $0xFFFFF000  }
0x48: {  	_ =	swait.ge @!p0 [sflag:s6], $0x1000  }
0x49: {  	[sflag:s6] =	ssyncset.done @!p0 $0x0  }
0x4a: {  	[sflag:s6] =	ssyncadd.s32 @!p0 $0xFFFFF000  }
0x4b: {  	_ =	swait.ge @!p0 [sflag:s6], $0x1000  }
0x4c: {  	[sflag:s6] =	ssyncset.done @!p0 $0x0  }
0x4d: {  	[sflag:s6] =	ssyncadd.s32 @!p0 $0xFFFFF000  }
0x4e: {  	_ =	swait.ge @!p0 [sflag:s6], $0x1000  }
0x4f: {  	[sflag:s6] =	ssyncset.done @!p0 $0x0  }
0x50: {  	s12 =	simm.s32 $0x0;
	[sflag:s6] =	ssyncadd.s32 @!p0 $0xFFFFF000  }
0x51: {  	[tilespmem:s23], [sflag:$0x1] =	stream.indirect.gather [spmem:s1], $0x20, s12, s22, $0xb8;
	[tilespmem:$0x1D2C0] =	vst v63  }
0x52: {  	s14 =	simm.s32 $0x80  }
0x53: {  	[tilespmem:s24], [sflag:$0x1] =	stream.indirect.gather [spmem:s1], $0x20, s14, s22, $0xb8;
	[tilespmem:$0x1D2C0] =	vst v63  }
0x54: {  	s15 =	simm.s32 $0x100  }
0x55: {  	[tilespmem:s25], [sflag:$0x1] =	stream.indirect.gather [spmem:s1], $0x20, s15, s22, $0xb8;
	[tilespmem:$0x1D2C0] =	vst v63  }
0x56: {  	s17 =	simm.s32 $0x180  }
0x57: {  	[tilespmem:s26], [sflag:$0x1] =	stream.indirect.gather [spmem:s1], $0x20, s17, s22, $0xb8;
	[tilespmem:$0x1D2C0] =	vst v63  }
0x58: {  	s21 =	simm.s32 $0x200  }
0x59: {  	[tilespmem:s28], [sflag:$0x1] =	stream.indirect.gather [spmem:s1], $0x20, s21, s22, $0xb8;
	[tilespmem:$0x1D2C0] =	vst v63  }
0x5a: {  	s7 =	simm.s32 $0x280  }
0x5b: {  	[tilespmem:s29], [sflag:$0x1] =	stream.indirect.gather [spmem:s1], $0x20, s7, s22, $0xb8;
	[tilespmem:$0x1D2C0] =	vst v63  }
0x5c: {  	s8 =	simm.s32 $0x300  }
0x5d: {  	[tilespmem:s30], [sflag:$0x1] =	stream.indirect.gather [spmem:s1], $0x20, s8, s22, $0xb8;
	[tilespmem:$0x1D2C0] =	vst v63  }
0x5e: {  	s9 =	simm.s32 $0x380  }
0x5f: {  	[tilespmem:s31], [sflag:$0x1] =	stream.indirect.gather [spmem:s1], $0x20, s9, s22, $0xb8;
	[tilespmem:$0x1D2C0] =	vst v63  }
0x60: {  	_ =	swait.ge [sflag:s0], $0x1000  }
0x61: {  	[sflag:s0] =	ssyncset.done $0x0  }
0x62: {  	[sflag:s0] =	ssyncadd.s32 $0xFFFFF000  }
0x63: {  	_ =	swait.ge [sflag:s0], $0x1000  }
0x64: {  	[sflag:s0] =	ssyncset.done $0x0  }
0x65: {  	[sflag:s0] =	ssyncadd.s32 $0xFFFFF000  }
0x66: {  	_ =	swait.ge [sflag:s0], $0x1000  }
0x67: {  	[sflag:s0] =	ssyncset.done $0x0  }
0x68: {  	[sflag:s0] =	ssyncadd.s32 $0xFFFFF000  }
0x69: {  	_ =	swait.ge [sflag:s0], $0x1000  }
0x6a: {  	[sflag:s0] =	ssyncset.done $0x0  }
0x6b: {  	[sflag:s0] =	ssyncadd.s32 $0xFFFFF000  }
0x6c: {  	_ =	swait.ge [sflag:s0], $0x1000  }
0x6d: {  	[sflag:s0] =	ssyncset.done $0x0  }
0x6e: {  	[sflag:s0] =	ssyncadd.s32 $0xFFFFF000  }
0x6f: {  	_ =	swait.ge [sflag:s0], $0x1000  }
0x70: {  	[sflag:s0] =	ssyncset.done $0x0  }
0x71: {  	[sflag:s0] =	ssyncadd.s32 $0xFFFFF000  }
0x72: {  	_ =	swait.ge [sflag:s0], $0x1000  }
0x73: {  	[sflag:s0] =	ssyncset.done $0x0  }
0x74: {  	[sflag:s0] =	ssyncadd.s32 $0xFFFFF000  }
0x75: {  	_ =	swait.ge [sflag:s0], $0x1000  }
0x76: {  	[sflag:s0] =	ssyncset.done $0x0  }
0x77: {  	s10 =	simm.s32 $0x5000;
	[sflag:s0] =	ssyncadd.s32 $0xFFFFF000  }
0x78: {  	[spmem:s3] =	stream.indirect.scatter.add.f32 [tilespmem:s23], [sflag:$0x2], $0x20, s10, s22, $0xb8;
	[tilespmem:$0x1D2C0] =	vst v63  }
0x79: {  	s11 =	simm.s32 $0x5080  }
0x7a: {  	[spmem:s3] =	stream.indirect.scatter.add.f32 [tilespmem:s24], [sflag:$0x2], $0x20, s11, s22, $0xb8;
	[tilespmem:$0x1D2C0] =	vst v63  }
0x7b: {  	s12 =	simm.s32 $0x5100  }
0x7c: {  	[spmem:s3] =	stream.indirect.scatter.add.f32 [tilespmem:s25], [sflag:$0x2], $0x20, s12, s22, $0xb8;
	[tilespmem:$0x1D2C0] =	vst v63  }
0x7d: {  	s14 =	simm.s32 $0x5180  }
0x7e: {  	[spmem:s3] =	stream.indirect.scatter.add.f32 [tilespmem:s26], [sflag:$0x2], $0x20, s14, s22, $0xb8;
	[tilespmem:$0x1D2C0] =	vst v63  }
0x7f: {  	p6 =	por $0x0, $0x0;
	s15 =	simm.s32 $0x5200  }
0x80: {  	[spmem:s3] =	stream.indirect.scatter.add.f32 [tilespmem:s28], [sflag:$0x2], $0x20, s15, s22, $0xb8;
	[tilespmem:$0x1D2C0] =	vst v63  }
0x81: {  	s6 =	simm.s32 $0x1000;
	p0 =	por p6, p6;
	s17 =	simm.s32 $0x5280  }
0x82: {  	[spmem:s3] =	stream.indirect.scatter.add.f32 [tilespmem:s29], [sflag:$0x2], $0x20, s17, s22, $0xb8;
	[tilespmem:$0x1D2C0] =	vst v63  }
0x83: {  	s21 =	simm.s32 $0x5300;
	s7 =	simm.s32 $0x2000;
	s8 =	simm.s32 $0x5380  }
0x84: {  	[spmem:s3] =	stream.indirect.scatter.add.f32 [tilespmem:s30], [sflag:$0x2], $0x20, s21, s22, $0xb8;
	[tilespmem:$0x1D2C0] =	vst v63  }
.LBB2_2:
0x85: {  	[spmem:s3] =	stream.indirect.scatter.add.f32 [tilespmem:s31], [sflag:$0x2], $0x20, s8, s22, $0xb8;
	[tilespmem:$0x1D2C0] =	vst v63  }
0x86: {  	s9 =	smov.u32 s7  }
0x87: {  	s7 =	sadd.s32 $0x1000, s7;
	s8 =	simm.s32 @!p0 $0x2;
	p2 =	seq.s32 s9, $0x0  }
0x88: {  	p1 =	sne.s32 s7, $0x14000;
	_ =	swait.ge @!p0 [sflag:s8], $0x1000  }
0x89: {  	[sflag:s8] =	ssyncset.done @!p0 $0x0  }
0x8a: {  	[sflag:s8] =	ssyncadd.s32 @!p0 $0xFFFFF000  }
0x8b: {  	_ =	swait.ge @!p0 [sflag:s8], $0x1000  }
0x8c: {  	[sflag:s8] =	ssyncset.done @!p0 $0x0  }
0x8d: {  	[sflag:s8] =	ssyncadd.s32 @!p0 $0xFFFFF000  }
0x8e: {  	_ =	swait.ge @!p0 [sflag:s8], $0x1000  }
0x8f: {  	[sflag:s8] =	ssyncset.done @!p0 $0x0  }
0x90: {  	[sflag:s8] =	ssyncadd.s32 @!p0 $0xFFFFF000  }
0x91: {  	_ =	swait.ge @!p0 [sflag:s8], $0x1000  }
0x92: {  	[sflag:s8] =	ssyncset.done @!p0 $0x0  }
0x93: {  	[sflag:s8] =	ssyncadd.s32 @!p0 $0xFFFFF000  }
0x94: {  	_ =	swait.ge @!p0 [sflag:s8], $0x1000  }
0x95: {  	[sflag:s8] =	ssyncset.done @!p0 $0x0  }
0x96: {  	[sflag:s8] =	ssyncadd.s32 @!p0 $0xFFFFF000  }
0x97: {  	_ =	swait.ge @!p0 [sflag:s8], $0x1000  }
0x98: {  	[sflag:s8] =	ssyncset.done @!p0 $0x0  }
0x99: {  	[sflag:s8] =	ssyncadd.s32 @!p0 $0xFFFFF000  }
0x9a: {  	_ =	swait.ge @!p0 [sflag:s8], $0x1000  }
0x9b: {  	[sflag:s8] =	ssyncset.done @!p0 $0x0  }
0x9c: {  	[sflag:s8] =	ssyncadd.s32 @!p0 $0xFFFFF000  }
0x9d: {  	_ =	swait.ge @!p0 [sflag:s8], $0x1000  }
0x9e: {  	[sflag:s8] =	ssyncset.done @!p0 $0x0  }
0x9f: {  	[sflag:s8] =	ssyncadd.s32 @!p0 $0xFFFFF000;
	s8 =	sshra.s32 s6, $0x2;
	s6 =	smov.u32 s9  }
0xa0: {  	[tilespmem:s23], [sflag:$0x1] =	stream.indirect.gather [spmem:s1], $0x20, s8, s22, $0xb8;
	[tilespmem:$0x1D2C0] =	vst v63  }
0xa1: {  	p0 =	por p2, p2;
	s9 =	sadd.s32 $0x80, s8  }
0xa2: {  	[tilespmem:s24], [sflag:$0x1] =	stream.indirect.gather [spmem:s1], $0x20, s9, s22, $0xb8;
	[tilespmem:$0x1D2C0] =	vst v63  }
0xa3: {  	s9 =	sadd.s32 $0x100, s8  }
0xa4: {  	[tilespmem:s25], [sflag:$0x1] =	stream.indirect.gather [spmem:s1], $0x20, s9, s22, $0xb8;
	[tilespmem:$0x1D2C0] =	vst v63  }
0xa5: {  	s9 =	sadd.s32 $0x180, s8  }
0xa6: {  	[tilespmem:s26], [sflag:$0x1] =	stream.indirect.gather [spmem:s1], $0x20, s9, s22, $0xb8;
	[tilespmem:$0x1D2C0] =	vst v63  }
0xa7: {  	s9 =	sadd.s32 $0x200, s8  }
0xa8: {  	[tilespmem:s28], [sflag:$0x1] =	stream.indirect.gather [spmem:s1], $0x20, s9, s22, $0xb8;
	[tilespmem:$0x1D2C0] =	vst v63  }
0xa9: {  	s9 =	sadd.s32 $0x280, s8  }
0xaa: {  	[tilespmem:s29], [sflag:$0x1] =	stream.indirect.gather [spmem:s1], $0x20, s9, s22, $0xb8;
	[tilespmem:$0x1D2C0] =	vst v63  }
0xab: {  	s9 =	sadd.s32 $0x300, s8  }
0xac: {  	[tilespmem:s30], [sflag:$0x1] =	stream.indirect.gather [spmem:s1], $0x20, s9, s22, $0xb8;
	[tilespmem:$0x1D2C0] =	vst v63  }
0xad: {  	s9 =	sadd.s32 $0x380, s8  }
0xae: {  	[tilespmem:s31], [sflag:$0x1] =	stream.indirect.gather [spmem:s1], $0x20, s9, s22, $0xb8;
	[tilespmem:$0x1D2C0] =	vst v63  }
0xaf: {  	_ =	swait.ge [sflag:s0], $0x1000  }
0xb0: {  	[sflag:s0] =	ssyncset.done $0x0  }
0xb1: {  	[sflag:s0] =	ssyncadd.s32 $0xFFFFF000  }
0xb2: {  	_ =	swait.ge [sflag:s0], $0x1000  }
0xb3: {  	[sflag:s0] =	ssyncset.done $0x0  }
0xb4: {  	[sflag:s0] =	ssyncadd.s32 $0xFFFFF000  }
0xb5: {  	_ =	swait.ge [sflag:s0], $0x1000  }
0xb6: {  	[sflag:s0] =	ssyncset.done $0x0  }
0xb7: {  	[sflag:s0] =	ssyncadd.s32 $0xFFFFF000  }
0xb8: {  	_ =	swait.ge [sflag:s0], $0x1000  }
0xb9: {  	[sflag:s0] =	ssyncset.done $0x0  }
0xba: {  	[sflag:s0] =	ssyncadd.s32 $0xFFFFF000  }
0xbb: {  	_ =	swait.ge [sflag:s0], $0x1000  }
0xbc: {  	[sflag:s0] =	ssyncset.done $0x0  }
0xbd: {  	[sflag:s0] =	ssyncadd.s32 $0xFFFFF000  }
0xbe: {  	_ =	swait.ge [sflag:s0], $0x1000  }
0xbf: {  	[sflag:s0] =	ssyncset.done $0x0  }
0xc0: {  	[sflag:s0] =	ssyncadd.s32 $0xFFFFF000  }
0xc1: {  	_ =	swait.ge [sflag:s0], $0x1000  }
0xc2: {  	[sflag:s0] =	ssyncset.done $0x0  }
0xc3: {  	[sflag:s0] =	ssyncadd.s32 $0xFFFFF000  }
0xc4: {  	_ =	swait.ge [sflag:s0], $0x1000  }
0xc5: {  	[sflag:s0] =	ssyncset.done $0x0  }
0xc6: {  	s9 =	sadd.s32 $0x5000, s8;
	[sflag:s0] =	ssyncadd.s32 $0xFFFFF000  }
0xc7: {  	[spmem:s3] =	stream.indirect.scatter.add.f32 [tilespmem:s23], [sflag:$0x2], $0x20, s9, s22, $0xb8;
	[tilespmem:$0x1D2C0] =	vst v63  }
0xc8: {  	s9 =	sadd.s32 $0x5080, s8  }
0xc9: {  	[spmem:s3] =	stream.indirect.scatter.add.f32 [tilespmem:s24], [sflag:$0x2], $0x20, s9, s22, $0xb8;
	[tilespmem:$0x1D2C0] =	vst v63  }
0xca: {  	s9 =	sadd.s32 $0x5100, s8  }
0xcb: {  	[spmem:s3] =	stream.indirect.scatter.add.f32 [tilespmem:s25], [sflag:$0x2], $0x20, s9, s22, $0xb8;
	[tilespmem:$0x1D2C0] =	vst v63  }
0xcc: {  	s9 =	sadd.s32 $0x5180, s8  }
0xcd: {  	[spmem:s3] =	stream.indirect.scatter.add.f32 [tilespmem:s26], [sflag:$0x2], $0x20, s9, s22, $0xb8;
	[tilespmem:$0x1D2C0] =	vst v63  }
0xce: {  	s9 =	sadd.s32 $0x5200, s8  }
0xcf: {  	[spmem:s3] =	stream.indirect.scatter.add.f32 [tilespmem:s28], [sflag:$0x2], $0x20, s9, s22, $0xb8;
	[tilespmem:$0x1D2C0] =	vst v63  }
.Ltmp0:
0xd0: {  	s9 =	sadd.s32 $0x5280, s8;
	(pc) =	sbr.rel @p1 .LBB2_2-.Ltmp0, $4  }
0xd1: {  	[spmem:s3] =	stream.indirect.scatter.add.f32 [tilespmem:s29], [sflag:$0x2], $0x20, s9, s22, $0xb8;
	[tilespmem:$0x1D2C0] =	vst v63  }
0xd2: {  	s9 =	sadd.s32 $0x5300, s8  }
0xd3: {  	[spmem:s3] =	stream.indirect.scatter.add.f32 [tilespmem:s30], [sflag:$0x2], $0x20, s9, s22, $0xb8;
	[tilespmem:$0x1D2C0] =	vst v63  }
0xd4: {  	s8 =	sadd.s32 $0x5380, s8  }
0xd5: {  	[spmem:s3] =	stream.indirect.scatter.add.f32 [tilespmem:s31], [sflag:$0x2], $0x20, s8, s22, $0xb8;
	[tilespmem:$0x1D2C0] =	vst v63  }
0xd6: {  	s7 =	simm.s32 @!p0 $0x2  }
0xd7: {  	_ =	swait.ge @!p0 [sflag:s7], $0x1000  }
0xd8: {  	[sflag:s7] =	ssyncset.done @!p0 $0x0  }
0xd9: {  	[sflag:s7] =	ssyncadd.s32 @!p0 $0xFFFFF000  }
0xda: {  	_ =	swait.ge @!p0 [sflag:s7], $0x1000  }
0xdb: {  	[sflag:s7] =	ssyncset.done @!p0 $0x0  }
0xdc: {  	[sflag:s7] =	ssyncadd.s32 @!p0 $0xFFFFF000  }
0xdd: {  	_ =	swait.ge @!p0 [sflag:s7], $0x1000  }
0xde: {  	[sflag:s7] =	ssyncset.done @!p0 $0x0  }
0xdf: {  	[sflag:s7] =	ssyncadd.s32 @!p0 $0xFFFFF000  }
0xe0: {  	_ =	swait.ge @!p0 [sflag:s7], $0x1000  }
0xe1: {  	[sflag:s7] =	ssyncset.done @!p0 $0x0  }
0xe2: {  	[sflag:s7] =	ssyncadd.s32 @!p0 $0xFFFFF000  }
0xe3: {  	_ =	swait.ge @!p0 [sflag:s7], $0x1000  }
0xe4: {  	[sflag:s7] =	ssyncset.done @!p0 $0x0  }
0xe5: {  	[sflag:s7] =	ssyncadd.s32 @!p0 $0xFFFFF000  }
0xe6: {  	_ =	swait.ge @!p0 [sflag:s7], $0x1000  }
0xe7: {  	[sflag:s7] =	ssyncset.done @!p0 $0x0  }
0xe8: {  	[sflag:s7] =	ssyncadd.s32 @!p0 $0xFFFFF000  }
0xe9: {  	_ =	swait.ge @!p0 [sflag:s7], $0x1000  }
0xea: {  	[sflag:s7] =	ssyncset.done @!p0 $0x0  }
0xeb: {  	[sflag:s7] =	ssyncadd.s32 @!p0 $0xFFFFF000  }
0xec: {  	_ =	swait.ge @!p0 [sflag:s7], $0x1000  }
0xed: {  	[sflag:s7] =	ssyncset.done @!p0 $0x0  }
0xee: {  	s6 =	sshra.s32 s6, $0x2;
	[sflag:s7] =	ssyncadd.s32 @!p0 $0xFFFFF000  }
0xef: {  	[tilespmem:s23], [sflag:$0x1] =	stream.indirect.gather [spmem:s1], $0x20, s6, s22, $0xb8;
	[tilespmem:$0x1D2C0] =	vst v63  }
0xf0: {  	s12 =	sadd.s32 $0x80, s6  }
0xf1: {  	[tilespmem:s24], [sflag:$0x1] =	stream.indirect.gather [spmem:s1], $0x20, s12, s22, $0xb8;
	[tilespmem:$0x1D2C0] =	vst v63  }
0xf2: {  	s14 =	sadd.s32 $0x100, s6  }
0xf3: {  	[tilespmem:s25], [sflag:$0x1] =	stream.indirect.gather [spmem:s1], $0x20, s14, s22, $0xb8;
	[tilespmem:$0x1D2C0] =	vst v63  }
0xf4: {  	s15 =	sadd.s32 $0x180, s6  }
0xf5: {  	[tilespmem:s26], [sflag:$0x1] =	stream.indirect.gather [spmem:s1], $0x20, s15, s22, $0xb8;
	[tilespmem:$0x1D2C0] =	vst v63  }
0xf6: {  	s17 =	sadd.s32 $0x200, s6  }
0xf7: {  	[tilespmem:s28], [sflag:$0x1] =	stream.indirect.gather [spmem:s1], $0x20, s17, s22, $0xb8;
	[tilespmem:$0x1D2C0] =	vst v63  }
0xf8: {  	s21 =	sadd.s32 $0x280, s6  }
0xf9: {  	[tilespmem:s29], [sflag:$0x1] =	stream.indirect.gather [spmem:s1], $0x20, s21, s22, $0xb8;
	[tilespmem:$0x1D2C0] =	vst v63  }
0xfa: {  	s8 =	sadd.s32 $0x300, s6  }
0xfb: {  	[tilespmem:s30], [sflag:$0x1] =	stream.indirect.gather [spmem:s1], $0x20, s8, s22, $0xb8;
	[tilespmem:$0x1D2C0] =	vst v63  }
0xfc: {  	s9 =	sadd.s32 $0x380, s6  }
0xfd: {  	[tilespmem:s31], [sflag:$0x1] =	stream.indirect.gather [spmem:s1], $0x20, s9, s22, $0xb8;
	[tilespmem:$0x1D2C0] =	vst v63  }
0xfe: {  	_ =	swait.ge [sflag:s0], $0x1000  }
0xff: {  	[sflag:s0] =	ssyncset.done $0x0  }
0x100: {  	[sflag:s0] =	ssyncadd.s32 $0xFFFFF000  }
0x101: {  	_ =	swait.ge [sflag:s0], $0x1000  }
0x102: {  	[sflag:s0] =	ssyncset.done $0x0  }
0x103: {  	[sflag:s0] =	ssyncadd.s32 $0xFFFFF000  }
0x104: {  	_ =	swait.ge [sflag:s0], $0x1000  }
0x105: {  	[sflag:s0] =	ssyncset.done $0x0  }
0x106: {  	[sflag:s0] =	ssyncadd.s32 $0xFFFFF000  }
0x107: {  	_ =	swait.ge [sflag:s0], $0x1000  }
0x108: {  	[sflag:s0] =	ssyncset.done $0x0  }
0x109: {  	[sflag:s0] =	ssyncadd.s32 $0xFFFFF000  }
0x10a: {  	_ =	swait.ge [sflag:s0], $0x1000  }
0x10b: {  	[sflag:s0] =	ssyncset.done $0x0  }
0x10c: {  	[sflag:s0] =	ssyncadd.s32 $0xFFFFF000  }
0x10d: {  	_ =	swait.ge [sflag:s0], $0x1000  }
0x10e: {  	[sflag:s0] =	ssyncset.done $0x0  }
0x10f: {  	[sflag:s0] =	ssyncadd.s32 $0xFFFFF000  }
0x110: {  	_ =	swait.ge [sflag:s0], $0x1000  }
0x111: {  	[sflag:s0] =	ssyncset.done $0x0  }
0x112: {  	[sflag:s0] =	ssyncadd.s32 $0xFFFFF000  }
0x113: {  	_ =	swait.ge [sflag:s0], $0x1000  }
0x114: {  	[sflag:s0] =	ssyncset.done $0x0  }
0x115: {  	s10 =	sadd.s32 $0x5000, s6;
	[sflag:s0] =	ssyncadd.s32 $0xFFFFF000  }
0x116: {  	[spmem:s3] =	stream.indirect.scatter.add.f32 [tilespmem:s23], [sflag:$0x2], $0x20, s10, s22, $0xb8;
	[tilespmem:$0x1D2C0] =	vst v63  }
0x117: {  	s11 =	sadd.s32 $0x5080, s6  }
0x118: {  	[spmem:s3] =	stream.indirect.scatter.add.f32 [tilespmem:s24], [sflag:$0x2], $0x20, s11, s22, $0xb8;
	[tilespmem:$0x1D2C0] =	vst v63  }
0x119: {  	s12 =	sadd.s32 $0x5100, s6  }
0x11a: {  	[spmem:s3] =	stream.indirect.scatter.add.f32 [tilespmem:s25], [sflag:$0x2], $0x20, s12, s22, $0xb8;
	[tilespmem:$0x1D2C0] =	vst v63  }
0x11b: {  	s14 =	sadd.s32 $0x5180, s6  }
0x11c: {  	[spmem:s3] =	stream.indirect.scatter.add.f32 [tilespmem:s26], [sflag:$0x2], $0x20, s14, s22, $0xb8;
	[tilespmem:$0x1D2C0] =	vst v63  }
0x11d: {  	s15 =	sadd.s32 $0x5200, s6  }
0x11e: {  	[spmem:s3] =	stream.indirect.scatter.add.f32 [tilespmem:s28], [sflag:$0x2], $0x20, s15, s22, $0xb8;
	[tilespmem:$0x1D2C0] =	vst v63  }
0x11f: {  	s17 =	sadd.s32 $0x5280, s6  }
0x120: {  	[spmem:s3] =	stream.indirect.scatter.add.f32 [tilespmem:s29], [sflag:$0x2], $0x20, s17, s22, $0xb8;
	[tilespmem:$0x1D2C0] =	vst v63  }
0x121: {  	s21 =	sadd.s32 $0x5300, s6  }
0x122: {  	[spmem:s3] =	stream.indirect.scatter.add.f32 [tilespmem:s30], [sflag:$0x2], $0x20, s21, s22, $0xb8;
	[tilespmem:$0x1D2C0] =	vst v63  }
0x123: {  	s6 =	sadd.s32 $0x5380, s6  }
0x124: {  	[spmem:s3] =	stream.indirect.scatter.add.f32 [tilespmem:s31], [sflag:$0x2], $0x20, s6, s22, $0xb8;
	[tilespmem:$0x1D2C0] =	vst v63  }
0x125: {  	_ =	swait.ge [sflag:s2], $0x1000  }
0x126: {  	[sflag:s2] =	ssyncset.done $0x0  }
0x127: {  	[sflag:s2] =	ssyncadd.s32 $0xFFFFF000  }
0x128: {  	_ =	swait.ge [sflag:s2], $0x1000  }
0x129: {  	[sflag:s2] =	ssyncset.done $0x0  }
0x12a: {  	[sflag:s2] =	ssyncadd.s32 $0xFFFFF000  }
0x12b: {  	_ =	swait.ge [sflag:s2], $0x1000  }
0x12c: {  	[sflag:s2] =	ssyncset.done $0x0  }
0x12d: {  	[sflag:s2] =	ssyncadd.s32 $0xFFFFF000  }
0x12e: {  	_ =	swait.ge [sflag:s2], $0x1000  }
0x12f: {  	[sflag:s2] =	ssyncset.done $0x0  }
0x130: {  	[sflag:s2] =	ssyncadd.s32 $0xFFFFF000  }
0x131: {  	_ =	swait.ge [sflag:s2], $0x1000  }
0x132: {  	[sflag:s2] =	ssyncset.done $0x0  }
0x133: {  	[sflag:s2] =	ssyncadd.s32 $0xFFFFF000  }
0x134: {  	_ =	swait.ge [sflag:s2], $0x1000  }
0x135: {  	[sflag:s2] =	ssyncset.done $0x0  }
0x136: {  	[sflag:s2] =	ssyncadd.s32 $0xFFFFF000  }
0x137: {  	_ =	swait.ge [sflag:s2], $0x1000  }
0x138: {  	[sflag:s2] =	ssyncset.done $0x0  }
0x139: {  	[sflag:s2] =	ssyncadd.s32 $0xFFFFF000  }
0x13a: {  	_ =	swait.ge [sflag:s2], $0x1000  }
0x13b: {  	[sflag:s2] =	ssyncset.done $0x0  }
0x13c: {  	[sflag:s2] =	ssyncadd.s32 $0xFFFFF000  }
0x13d: {  	[bflag:$0x0] =	sbarrier.arrive $0xFFFF  }
0x13e: {  	v0 =	vld [tilespmem:$0x13280]  }
0x13f: {  	v1 =	vld [tilespmem:$0x13290]  }
0x140: {  	v2 =	vld [tilespmem:$0x132A0]  }
0x141: {  	s21 =	simm.s32 $0x0;
	s6 =	simm.s32 $0x0;
	v3 =	vld [tilespmem:$0x132B0]  }
.LBB2_4:
0x142: {  	s10 =	sadd.s32 $0xFFFFFFFC, s21  }
0x143: {  	s7 =	sshll.u32 s6, $0x7;
	s8 =	sadd.s32 $0x4, s10  }
0x144: {  	s7 =	sadd.s32 s5, s7;
	v4 =	vmov s8  }
0x145: {  	s8 =	sshll.u32 s7, $0x5;
	v4 =	vand.u32 $0xFFFFFFFC, v4  }
0x146: {  	s7 =	sadd.s32 s8, s3;
	v4 =	vbroadcast v4, $0x0  }
0x147: {  	[tilespmem:s18], [sflag:$0x3] =	stream.linear.gather [spmem:s7], $0x1000, $0x38;
	[tilespmem:$0x1D2C0] =	vst v63  }
0x148: {  	_ =	swait.ge [sflag:s16], $0x1000  }
0x149: {  	[sflag:s16] =	ssyncset.done $0x0  }
0x14a: {  	s9 =	simm.s32 $0x12040;
	[sflag:s16] =	ssyncadd.s32 $0xFFFFF000  }
0x14b: {  	v5 =	vld [tilespmem:s9+$0xFFFFFFC0]  }
0x14c: {  	v4 =	vld.idx.msk [tilespmem:v4+s19+$0x0], $0xffff  }
0x14d: {  	v6 =	vld [tilespmem:s9+$0xFFFFFFD0];
	_ =	sdelay $0x3  }
0x14e: {  	v5 =	vmul.f32 v5, v4  }
0x14f: {  	v6 =	vmul.f32 v6, v4  }
0x150: {  	s11 =	sadd.s32 $0x5, s10;
	v5 =	vmul.f32 v5, v0  }
0x151: {  	v7 =	vmov s11;
	v6 =	vmul.f32 v6, v1  }
0x152: {  	v7 =	vand.u32 $0xFFFFFFFD, v7;
	v5 =	vadd.f32 v5, v2  }
0x153: {  	v7 =	vbroadcast v7, $0x0;
	v6 =	vadd.f32 v6, v3  }
0x154: {  	v5 =	vmax.f32 v5, $0.0e+00  }
0x155: {  	v6 =	vmax.f32 v6, $0.0e+00;
	v5 =	vmul.f32 v5, v4  }
0x156: {  	v4 =	vmul.f32 v6, v4  }
0x157: {  	[tilespmem:s9+$0xFFFFFFC0] =	vst v5  }
0x158: {  	[tilespmem:s9+$0xFFFFFFD0] =	vst v4;
	v5 =	vld [tilespmem:s9+$0xFFFFFFE0]  }
0x159: {  	v4 =	vld.idx.msk [tilespmem:v7+s19+$0x0], $0xffff  }
0x15a: {  	v6 =	vld [tilespmem:s9+$0xFFFFFFF0];
	_ =	sdelay $0x3  }
0x15b: {  	v5 =	vmul.f32 v5, v4  }
0x15c: {  	v6 =	vmul.f32 v6, v4  }
0x15d: {  	s17 =	sadd.s32 $0x6, s10;
	v5 =	vmul.f32 v5, v0  }
0x15e: {  	v7 =	vmov s17;
	v6 =	vmul.f32 v6, v1  }
0x15f: {  	v7 =	vand.u32 $0xFFFFFFFE, v7;
	v5 =	vadd.f32 v5, v2  }
0x160: {  	v7 =	vbroadcast v7, $0x0;
	v6 =	vadd.f32 v6, v3  }
0x161: {  	v5 =	vmax.f32 v5, $0.0e+00  }
0x162: {  	v6 =	vmax.f32 v6, $0.0e+00;
	v5 =	vmul.f32 v5, v4  }
0x163: {  	v4 =	vmul.f32 v6, v4  }
0x164: {  	[tilespmem:s9+$0xFFFFFFE0] =	vst v5  }
0x165: {  	[tilespmem:s9+$0xFFFFFFF0] =	vst v4;
	v4 =	vld [tilespmem:s9+$0x0]  }
0x166: {  	v5 =	vld.idx.msk [tilespmem:v7+s19+$0x0], $0xffff  }
0x167: {  	v6 =	vld [tilespmem:s9+$0x10];
	_ =	sdelay $0x3  }
0x168: {  	v4 =	vmul.f32 v4, v5  }
0x169: {  	v6 =	vmul.f32 v6, v5  }
0x16a: {  	v4 =	vmul.f32 v4, v0  }
0x16b: {  	v6 =	vmul.f32 v6, v1  }
0x16c: {  	v4 =	vadd.f32 v4, v2  }
0x16d: {  	s10 =	sadd.s32 $0x7, s10;
	v6 =	vadd.f32 v6, v3  }
0x16e: {  	v7 =	vmov s10;
	v4 =	vmax.f32 v4, $0.0e+00  }
0x16f: {  	v6 =	vmax.f32 v6, $0.0e+00;
	v4 =	vmul.f32 v4, v5  }
0x170: {  	v5 =	vmul.f32 v6, v5  }
0x171: {  	v6 =	vld [tilespmem:s9+$0x30];
	[tilespmem:s9+$0x0] =	vst v4  }
0x172: {  	[tilespmem:s9+$0x10] =	vst v5;
	v4 =	vld [tilespmem:s9+$0x20]  }
0x173: {  	v5 =	vld.idx.msk [tilespmem:v7+s19+$0x0], $0xffff;
	_ =	sdelay $0x4  }
0x174: {  	v4 =	vmul.f32 v4, v5;
	v6 =	vmul.f32 v6, v5  }
0x175: {  	s12 =	sadd.s32 $0x0, s21  }
0x176: {  	s14 =	sadd.s32 $0x5, s12;
	s15 =	sadd.s32 $0x6, s12;
	s17 =	sadd.s32 $0x4, s12;
	v4 =	vmul.f32 v4, v0;
	v6 =	vmul.f32 v6, v1  }
0x177: {  	v10 =	vmov s14;
	v11 =	vmov s15;
	v7 =	vmov s17  }
0x178: {  	v7 =	vand.u32 $0xFFFFFFFC, v7;
	v8 =	vadd.f32 v4, v2;
	v9 =	vadd.f32 v6, v3  }
0x179: {  	s14 =	simm.s32 $0x4;
	s11 =	simm.s32 $0x12040;
	s10 =	sadd.s32 $0x7, s12;
	v7 =	vbroadcast v7, $0x0;
	v6 =	vand.u32 $0xFFFFFFFD, v10;
	v4 =	vand.u32 $0xFFFFFFFE, v11  }
.LBB2_5:
0x17a: {  	v8 =	vmax.f32 v8, $0.0e+00;
	v9 =	vmax.f32 v9, $0.0e+00;
	s9 =	sadd.s32 $0x80, s9;
	s15 =	smov.u32 s14;
	s14 =	sadd.s32 $0x4, s14  }
0x17b: {  	p0 =	slt.u32 s14, $0x7C;
	v8 =	vmul.f32 v8, v5;
	v5 =	vmul.f32 v9, v5;
	_ =	sdelay $0x1  }
0x17c: {  	[tilespmem:s11+$0x20] =	vst v8  }
0x17d: {  	v8 =	vld [tilespmem:s9+$0xFFFFFFC0];
	[tilespmem:s11+$0x30] =	vst v5;
	s11 =	smov.u32 s9  }
0x17e: {  	v5 =	vld.idx.msk [tilespmem:v7+s19+$0x0], $0xffff  }
0x17f: {  	v7 =	vld [tilespmem:s9+$0xFFFFFFD0];
	_ =	sdelay $0x4  }
0x180: {  	v8 =	vmul.f32 v8, v5;
	v7 =	vmul.f32 v7, v5;
	_ =	sdelay $0x1  }
0x181: {  	v8 =	vmul.f32 v8, v0;
	v7 =	vmul.f32 v7, v1;
	_ =	sdelay $0x1  }
0x182: {  	v6 =	vbroadcast v6, $0x0;
	v8 =	vadd.f32 v8, v2;
	v7 =	vadd.f32 v7, v3;
	_ =	sdelay $0x1  }
0x183: {  	v8 =	vmax.f32 v8, $0.0e+00;
	v7 =	vmax.f32 v7, $0.0e+00  }
0x184: {  	v8 =	vmul.f32 v8, v5;
	v5 =	vmul.f32 v7, v5;
	_ =	sdelay $0x1  }
0x185: {  	[tilespmem:s9+$0xFFFFFFC0] =	vst v8  }
0x186: {  	[tilespmem:s9+$0xFFFFFFD0] =	vst v5;
	v5 =	vld [tilespmem:s9+$0xFFFFFFF0]  }
0x187: {  	v6 =	vld.idx.msk [tilespmem:v6+s19+$0x0], $0xffff  }
0x188: {  	v7 =	vld [tilespmem:s9+$0xFFFFFFE0];
	_ =	sdelay $0x4  }
0x189: {  	v5 =	vmul.f32 v5, v6;
	v7 =	vmul.f32 v7, v6;
	_ =	sdelay $0x1  }
0x18a: {  	v5 =	vmul.f32 v5, v1;
	v7 =	vmul.f32 v7, v0  }
0x18b: {  	v4 =	vbroadcast v4, $0x0  }
0x18c: {  	v5 =	vadd.f32 v5, v3;
	v7 =	vadd.f32 v7, v2;
	_ =	sdelay $0x1  }
0x18d: {  	v5 =	vmax.f32 v5, $0.0e+00;
	v7 =	vmax.f32 v7, $0.0e+00  }
0x18e: {  	v5 =	vmul.f32 v5, v6;
	v7 =	vmul.f32 v7, v6;
	_ =	sdelay $0x1  }
0x18f: {  	[tilespmem:s9+$0xFFFFFFE0] =	vst v7  }
0x190: {  	[tilespmem:s9+$0xFFFFFFF0] =	vst v5;
	v5 =	vld [tilespmem:s9+$0x0]  }
0x191: {  	v4 =	vld.idx.msk [tilespmem:v4+s19+$0x0], $0xffff  }
0x192: {  	v6 =	vld [tilespmem:s9+$0x10];
	_ =	sdelay $0x4  }
0x193: {  	v5 =	vmul.f32 v5, v4;
	v6 =	vmul.f32 v6, v4;
	_ =	sdelay $0x1  }
0x194: {  	v5 =	vmul.f32 v5, v0;
	v6 =	vmul.f32 v6, v1  }
0x195: {  	v7 =	vmov s10  }
0x196: {  	v5 =	vadd.f32 v5, v2;
	v6 =	vadd.f32 v6, v3;
	_ =	sdelay $0x1  }
0x197: {  	v5 =	vmax.f32 v5, $0.0e+00;
	v6 =	vmax.f32 v6, $0.0e+00  }
0x198: {  	v5 =	vmul.f32 v5, v4;
	v4 =	vmul.f32 v6, v4;
	_ =	sdelay $0x1  }
0x199: {  	[tilespmem:s9+$0x0] =	vst v5  }
0x19a: {  	[tilespmem:s9+$0x10] =	vst v4;
	v4 =	vld [tilespmem:s9+$0x20]  }
0x19b: {  	v5 =	vld.idx.msk [tilespmem:v7+s19+$0x0], $0xffff  }
0x19c: {  	v6 =	vld [tilespmem:s9+$0x30];
	_ =	sdelay $0x4  }
0x19d: {  	v4 =	vmul.f32 v4, v5;
	v6 =	vmul.f32 v6, v5  }
.Ltmp1:
0x19e: {  	s10 =	sadd.s32 s15, s21;
	(pc) =	sbr.rel @p0 .LBB2_5-.Ltmp1, $4  }
0x19f: {  	s15 =	sadd.s32 $0x4, s10;
	s12 =	sadd.s32 $0x5, s10;
	s17 =	sadd.s32 $0x6, s10;
	v4 =	vmul.f32 v4, v0;
	v6 =	vmul.f32 v6, v1  }
0x1a0: {  	s10 =	sadd.s32 $0x7, s10;
	v10 =	vmov s12;
	v11 =	vmov s17;
	v7 =	vmov s15  }
0x1a1: {  	v7 =	vand.u32 $0xFFFFFFFC, v7;
	v8 =	vadd.f32 v4, v2;
	v9 =	vadd.f32 v6, v3  }
0x1a2: {  	v7 =	vbroadcast v7, $0x0;
	v4 =	vand.u32 $0xFFFFFFFE, v11;
	v6 =	vand.u32 $0xFFFFFFFD, v10  }
0x1a3: {  	v8 =	vmax.f32 v8, $0.0e+00  }
0x1a4: {  	v9 =	vmax.f32 v9, $0.0e+00;
	v8 =	vmul.f32 v8, v5  }
0x1a5: {  	v5 =	vmul.f32 v9, v5  }
0x1a6: {  	s9 =	sadd.s32 $0x80, s9;
	[tilespmem:s11+$0x20] =	vst v8  }
0x1a7: {  	v57 =	vld [tilespmem:s9+$0xFFFFFFC0];
	[tilespmem:s11+$0x30] =	vst v5  }
0x1a8: {  	v5 =	vld.idx.msk [tilespmem:v7+s19+$0x0], $0xffff  }
0x1a9: {  	v58 =	vld [tilespmem:s9+$0xFFFFFFD0];
	_ =	sdelay $0x3  }
0x1aa: {  	v8 =	vmul.f32 v57, v5  }
0x1ab: {  	v7 =	vmul.f32 v58, v5  }
0x1ac: {  	v8 =	vmul.f32 v8, v0  }
0x1ad: {  	v7 =	vmul.f32 v7, v1  }
0x1ae: {  	v8 =	vadd.f32 v8, v2  }
0x1af: {  	v6 =	vbroadcast v6, $0x0;
	v7 =	vadd.f32 v7, v3  }
0x1b0: {  	v8 =	vmax.f32 v8, $0.0e+00  }
0x1b1: {  	v7 =	vmax.f32 v7, $0.0e+00;
	v8 =	vmul.f32 v8, v5  }
0x1b2: {  	v5 =	vmul.f32 v7, v5  }
0x1b3: {  	[tilespmem:s9+$0xFFFFFFC0] =	vst v8  }
0x1b4: {  	v59 =	vld [tilespmem:s9+$0xFFFFFFE0];
	[tilespmem:s9+$0xFFFFFFD0] =	vst v5  }
0x1b5: {  	v5 =	vld.idx.msk [tilespmem:v6+s19+$0x0], $0xffff  }
0x1b6: {  	v60 =	vld [tilespmem:s9+$0xFFFFFFF0];
	_ =	sdelay $0x3  }
0x1b7: {  	v6 =	vmul.f32 v59, v5  }
0x1b8: {  	v7 =	vmul.f32 v60, v5  }
0x1b9: {  	v6 =	vmul.f32 v6, v0  }
0x1ba: {  	v7 =	vmul.f32 v7, v1  }
0x1bb: {  	v6 =	vadd.f32 v6, v2  }
0x1bc: {  	v4 =	vbroadcast v4, $0x0;
	v7 =	vadd.f32 v7, v3  }
0x1bd: {  	v6 =	vmax.f32 v6, $0.0e+00  }
0x1be: {  	v7 =	vmax.f32 v7, $0.0e+00;
	v6 =	vmul.f32 v6, v5  }
0x1bf: {  	v5 =	vmul.f32 v7, v5  }
0x1c0: {  	[tilespmem:s9+$0xFFFFFFE0] =	vst v6  }
0x1c1: {  	[tilespmem:s9+$0xFFFFFFF0] =	vst v5;
	v5 =	vld [tilespmem:s9+$0x0]  }
0x1c2: {  	v4 =	vld.idx.msk [tilespmem:v4+s19+$0x0], $0xffff  }
0x1c3: {  	v61 =	vld [tilespmem:s9+$0x10];
	_ =	sdelay $0x3  }
0x1c4: {  	v5 =	vmul.f32 v5, v4  }
0x1c5: {  	v6 =	vmul.f32 v61, v4  }
0x1c6: {  	v5 =	vmul.f32 v5, v0  }
0x1c7: {  	v6 =	vmul.f32 v6, v1  }
0x1c8: {  	v5 =	vadd.f32 v5, v2  }
0x1c9: {  	v6 =	vadd.f32 v6, v3  }
0x1ca: {  	v62 =	vmov s10;
	v5 =	vmax.f32 v5, $0.0e+00  }
0x1cb: {  	v6 =	vmax.f32 v6, $0.0e+00;
	v5 =	vmul.f32 v5, v4  }
0x1cc: {  	v4 =	vmul.f32 v6, v4  }
0x1cd: {  	[tilespmem:s9+$0x0] =	vst v5  }
0x1ce: {  	[tilespmem:s9+$0x10] =	vst v4;
	v4 =	vld [tilespmem:s9+$0x20]  }
0x1cf: {  	v5 =	vld.idx.msk [tilespmem:v62+s19+$0x0], $0xffff  }
0x1d0: {  	v63 =	vld [tilespmem:s9+$0x30];
	_ =	sdelay $0x3  }
0x1d1: {  	v4 =	vmul.f32 v4, v5  }
0x1d2: {  	v6 =	vmul.f32 v63, v5  }
0x1d3: {  	v4 =	vmul.f32 v4, v0  }
0x1d4: {  	v6 =	vmul.f32 v6, v1  }
0x1d5: {  	v4 =	vadd.f32 v4, v2  }
0x1d6: {  	v6 =	vadd.f32 v6, v3  }
0x1d7: {  	v4 =	vmax.f32 v4, $0.0e+00  }
0x1d8: {  	v6 =	vmax.f32 v6, $0.0e+00;
	v4 =	vmul.f32 v4, v5  }
0x1d9: {  	v5 =	vmul.f32 v6, v5  }
0x1da: {  	[tilespmem:s9+$0x20] =	vst v4  }
0x1db: {  	s8 =	sadd.s32 s8, s1;
	[tilespmem:s9+$0x30] =	vst v5  }
0x1dc: {  	[spmem:s8] =	stream.linear.scatter [tilespmem:s18], [sflag:$0x3], $0x1000, $0x38;
	[tilespmem:$0x1D2C0] =	vst v63  }
0x1dd: {  	s6 =	sadd.s32 $0x1, s6;
	_ =	swait.ge [sflag:s16], $0x1000  }
0x1de: {  	p0 =	sne.s32 s6, $0x5;
	[sflag:s16] =	ssyncset.done $0x0  }
.Ltmp2:
0x1df: {  	[sflag:s16] =	ssyncadd.s32 $0xFFFFF000;
	(pc) =	sbr.rel @p0 .LBB2_4-.Ltmp2, $4  }
0x1e0: {  	[spmem:s7] =	stream.linear.scatter [tilespmem:s18], [sflag:$0x3], $0x1000, $0x38;
	[tilespmem:$0x1D2C0] =	vst v63  }
0x1e1: {  	_ =	swait.ge [sflag:s16], $0x1000  }
0x1e2: {  	[sflag:s16] =	ssyncset.done $0x0  }
0x1e3: {  	s21 =	sadd.s32 $0x80, s21;
	[sflag:s16] =	ssyncadd.s32 $0xFFFFF000  }
0x1e4: {  	p0 =	por $0x1, $0x1  }
0x1e5: {  	p0 =	por p0, p0  }
0x1e6: {  	[bflag:$0x0] =	sbarrier.arrive $0xFFFF;
	s6 =	simm.s32 @!p0 $0x2  }
0x1e7: {  	_ =	swait.ge @!p0 [sflag:s6], $0x1000  }
0x1e8: {  	[sflag:s6] =	ssyncset.done @!p0 $0x0  }
0x1e9: {  	[sflag:s6] =	ssyncadd.s32 @!p0 $0xFFFFF000  }
0x1ea: {  	_ =	swait.ge @!p0 [sflag:s6], $0x1000  }
0x1eb: {  	[sflag:s6] =	ssyncset.done @!p0 $0x0  }
0x1ec: {  	[sflag:s6] =	ssyncadd.s32 @!p0 $0xFFFFF000  }
0x1ed: {  	_ =	swait.ge @!p0 [sflag:s6], $0x1000  }
0x1ee: {  	[sflag:s6] =	ssyncset.done @!p0 $0x0  }
0x1ef: {  	[sflag:s6] =	ssyncadd.s32 @!p0 $0xFFFFF000  }
0x1f0: {  	_ =	swait.ge @!p0 [sflag:s6], $0x1000  }
0x1f1: {  	[sflag:s6] =	ssyncset.done @!p0 $0x0  }
0x1f2: {  	[sflag:s6] =	ssyncadd.s32 @!p0 $0xFFFFF000  }
0x1f3: {  	_ =	swait.ge @!p0 [sflag:s6], $0x1000  }
0x1f4: {  	[sflag:s6] =	ssyncset.done @!p0 $0x0  }
0x1f5: {  	[sflag:s6] =	ssyncadd.s32 @!p0 $0xFFFFF000  }
0x1f6: {  	_ =	swait.ge @!p0 [sflag:s6], $0x1000  }
0x1f7: {  	[sflag:s6] =	ssyncset.done @!p0 $0x0  }
0x1f8: {  	[sflag:s6] =	ssyncadd.s32 @!p0 $0xFFFFF000  }
0x1f9: {  	_ =	swait.ge @!p0 [sflag:s6], $0x1000  }
0x1fa: {  	[sflag:s6] =	ssyncset.done @!p0 $0x0  }
0x1fb: {  	[sflag:s6] =	ssyncadd.s32 @!p0 $0xFFFFF000  }
0x1fc: {  	_ =	swait.ge @!p0 [sflag:s6], $0x1000  }
0x1fd: {  	[sflag:s6] =	ssyncset.done @!p0 $0x0  }
0x1fe: {  	s12 =	simm.s32 $0x0;
	[sflag:s6] =	ssyncadd.s32 @!p0 $0xFFFFF000  }
0x1ff: {  	[tilespmem:s23], [sflag:$0x1] =	stream.indirect.gather [spmem:s1], $0x20, s12, s22, $0xb8;
	[tilespmem:$0x1D2C0] =	vst v63  }
0x200: {  	s14 =	simm.s32 $0x80  }
0x201: {  	[tilespmem:s24], [sflag:$0x1] =	stream.indirect.gather [spmem:s1], $0x20, s14, s22, $0xb8;
	[tilespmem:$0x1D2C0] =	vst v63  }
0x202: {  	s15 =	simm.s32 $0x100  }
0x203: {  	[tilespmem:s25], [sflag:$0x1] =	stream.indirect.gather [spmem:s1], $0x20, s15, s22, $0xb8;
	[tilespmem:$0x1D2C0] =	vst v63  }
0x204: {  	s17 =	simm.s32 $0x180  }
0x205: {  	[tilespmem:s26], [sflag:$0x1] =	stream.indirect.gather [spmem:s1], $0x20, s17, s22, $0xb8;
	[tilespmem:$0x1D2C0] =	vst v63  }
0x206: {  	s21 =	simm.s32 $0x200  }
0x207: {  	[tilespmem:s28], [sflag:$0x1] =	stream.indirect.gather [spmem:s1], $0x20, s21, s22, $0xb8;
	[tilespmem:$0x1D2C0] =	vst v63  }
0x208: {  	s7 =	simm.s32 $0x280  }
0x209: {  	[tilespmem:s29], [sflag:$0x1] =	stream.indirect.gather [spmem:s1], $0x20, s7, s22, $0xb8;
	[tilespmem:$0x1D2C0] =	vst v63  }
0x20a: {  	s8 =	simm.s32 $0x300  }
0x20b: {  	[tilespmem:s30], [sflag:$0x1] =	stream.indirect.gather [spmem:s1], $0x20, s8, s22, $0xb8;
	[tilespmem:$0x1D2C0] =	vst v63  }
0x20c: {  	s9 =	simm.s32 $0x380  }
0x20d: {  	[tilespmem:s31], [sflag:$0x1] =	stream.indirect.gather [spmem:s1], $0x20, s9, s22, $0xb8;
	[tilespmem:$0x1D2C0] =	vst v63  }
0x20e: {  	_ =	swait.ge [sflag:s0], $0x1000  }
0x20f: {  	[sflag:s0] =	ssyncset.done $0x0  }
0x210: {  	[sflag:s0] =	ssyncadd.s32 $0xFFFFF000  }
0x211: {  	_ =	swait.ge [sflag:s0], $0x1000  }
0x212: {  	[sflag:s0] =	ssyncset.done $0x0  }
0x213: {  	[sflag:s0] =	ssyncadd.s32 $0xFFFFF000  }
0x214: {  	_ =	swait.ge [sflag:s0], $0x1000  }
0x215: {  	[sflag:s0] =	ssyncset.done $0x0  }
0x216: {  	[sflag:s0] =	ssyncadd.s32 $0xFFFFF000  }
0x217: {  	_ =	swait.ge [sflag:s0], $0x1000  }
0x218: {  	[sflag:s0] =	ssyncset.done $0x0  }
0x219: {  	[sflag:s0] =	ssyncadd.s32 $0xFFFFF000  }
0x21a: {  	_ =	swait.ge [sflag:s0], $0x1000  }
0x21b: {  	[sflag:s0] =	ssyncset.done $0x0  }
0x21c: {  	[sflag:s0] =	ssyncadd.s32 $0xFFFFF000  }
0x21d: {  	_ =	swait.ge [sflag:s0], $0x1000  }
0x21e: {  	[sflag:s0] =	ssyncset.done $0x0  }
0x21f: {  	[sflag:s0] =	ssyncadd.s32 $0xFFFFF000  }
0x220: {  	_ =	swait.ge [sflag:s0], $0x1000  }
0x221: {  	[sflag:s0] =	ssyncset.done $0x0  }
0x222: {  	[sflag:s0] =	ssyncadd.s32 $0xFFFFF000  }
0x223: {  	_ =	swait.ge [sflag:s0], $0x1000  }
0x224: {  	[sflag:s0] =	ssyncset.done $0x0  }
0x225: {  	s10 =	simm.s32 $0x5000;
	[sflag:s0] =	ssyncadd.s32 $0xFFFFF000  }
0x226: {  	[spmem:s3] =	stream.indirect.scatter.add.f32 [tilespmem:s23], [sflag:$0x2], $0x20, s10, s22, $0xb8;
	[tilespmem:$0x1D2C0] =	vst v63  }
0x227: {  	s11 =	simm.s32 $0x5080  }
0x228: {  	[spmem:s3] =	stream.indirect.scatter.add.f32 [tilespmem:s24], [sflag:$0x2], $0x20, s11, s22, $0xb8;
	[tilespmem:$0x1D2C0] =	vst v63  }
0x229: {  	s12 =	simm.s32 $0x5100  }
0x22a: {  	[spmem:s3] =	stream.indirect.scatter.add.f32 [tilespmem:s25], [sflag:$0x2], $0x20, s12, s22, $0xb8;
	[tilespmem:$0x1D2C0] =	vst v63  }
0x22b: {  	s14 =	simm.s32 $0x5180  }
0x22c: {  	[spmem:s3] =	stream.indirect.scatter.add.f32 [tilespmem:s26], [sflag:$0x2], $0x20, s14, s22, $0xb8;
	[tilespmem:$0x1D2C0] =	vst v63  }
0x22d: {  	p6 =	por $0x0, $0x0;
	s15 =	simm.s32 $0x5200  }
0x22e: {  	[spmem:s3] =	stream.indirect.scatter.add.f32 [tilespmem:s28], [sflag:$0x2], $0x20, s15, s22, $0xb8;
	[tilespmem:$0x1D2C0] =	vst v63  }
0x22f: {  	s6 =	simm.s32 $0x1000;
	p0 =	por p6, p6;
	s17 =	simm.s32 $0x5280  }
0x230: {  	[spmem:s3] =	stream.indirect.scatter.add.f32 [tilespmem:s29], [sflag:$0x2], $0x20, s17, s22, $0xb8;
	[tilespmem:$0x1D2C0] =	vst v63  }
0x231: {  	s21 =	simm.s32 $0x5300;
	s7 =	simm.s32 $0x2000;
	s8 =	simm.s32 $0x5380  }
0x232: {  	[spmem:s3] =	stream.indirect.scatter.add.f32 [tilespmem:s30], [sflag:$0x2], $0x20, s21, s22, $0xb8;
	[tilespmem:$0x1D2C0] =	vst v63  }
.LBB2_8:
0x233: {  	[spmem:s3] =	stream.indirect.scatter.add.f32 [tilespmem:s31], [sflag:$0x2], $0x20, s8, s22, $0xb8;
	[tilespmem:$0x1D2C0] =	vst v63  }
0x234: {  	s9 =	smov.u32 s7  }
0x235: {  	s7 =	sadd.s32 $0x1000, s7;
	s8 =	simm.s32 @!p0 $0x2;
	p2 =	seq.s32 s9, $0x0  }
0x236: {  	p1 =	sne.s32 s7, $0x14000;
	_ =	swait.ge @!p0 [sflag:s8], $0x1000  }
0x237: {  	[sflag:s8] =	ssyncset.done @!p0 $0x0  }
0x238: {  	[sflag:s8] =	ssyncadd.s32 @!p0 $0xFFFFF000  }
0x239: {  	_ =	swait.ge @!p0 [sflag:s8], $0x1000  }
0x23a: {  	[sflag:s8] =	ssyncset.done @!p0 $0x0  }
0x23b: {  	[sflag:s8] =	ssyncadd.s32 @!p0 $0xFFFFF000  }
0x23c: {  	_ =	swait.ge @!p0 [sflag:s8], $0x1000  }
0x23d: {  	[sflag:s8] =	ssyncset.done @!p0 $0x0  }
0x23e: {  	[sflag:s8] =	ssyncadd.s32 @!p0 $0xFFFFF000  }
0x23f: {  	_ =	swait.ge @!p0 [sflag:s8], $0x1000  }
0x240: {  	[sflag:s8] =	ssyncset.done @!p0 $0x0  }
0x241: {  	[sflag:s8] =	ssyncadd.s32 @!p0 $0xFFFFF000  }
0x242: {  	_ =	swait.ge @!p0 [sflag:s8], $0x1000  }
0x243: {  	[sflag:s8] =	ssyncset.done @!p0 $0x0  }
0x244: {  	[sflag:s8] =	ssyncadd.s32 @!p0 $0xFFFFF000  }
0x245: {  	_ =	swait.ge @!p0 [sflag:s8], $0x1000  }
0x246: {  	[sflag:s8] =	ssyncset.done @!p0 $0x0  }
0x247: {  	[sflag:s8] =	ssyncadd.s32 @!p0 $0xFFFFF000  }
0x248: {  	_ =	swait.ge @!p0 [sflag:s8], $0x1000  }
0x249: {  	[sflag:s8] =	ssyncset.done @!p0 $0x0  }
0x24a: {  	[sflag:s8] =	ssyncadd.s32 @!p0 $0xFFFFF000  }
0x24b: {  	_ =	swait.ge @!p0 [sflag:s8], $0x1000  }
0x24c: {  	[sflag:s8] =	ssyncset.done @!p0 $0x0  }
0x24d: {  	[sflag:s8] =	ssyncadd.s32 @!p0 $0xFFFFF000;
	s8 =	sshra.s32 s6, $0x2;
	s6 =	smov.u32 s9  }
0x24e: {  	[tilespmem:s23], [sflag:$0x1] =	stream.indirect.gather [spmem:s1], $0x20, s8, s22, $0xb8;
	[tilespmem:$0x1D2C0] =	vst v63  }
0x24f: {  	p0 =	por p2, p2;
	s9 =	sadd.s32 $0x80, s8  }
0x250: {  	[tilespmem:s24], [sflag:$0x1] =	stream.indirect.gather [spmem:s1], $0x20, s9, s22, $0xb8;
	[tilespmem:$0x1D2C0] =	vst v63  }
0x251: {  	s9 =	sadd.s32 $0x100, s8  }
0x252: {  	[tilespmem:s25], [sflag:$0x1] =	stream.indirect.gather [spmem:s1], $0x20, s9, s22, $0xb8;
	[tilespmem:$0x1D2C0] =	vst v63  }
0x253: {  	s9 =	sadd.s32 $0x180, s8  }
0x254: {  	[tilespmem:s26], [sflag:$0x1] =	stream.indirect.gather [spmem:s1], $0x20, s9, s22, $0xb8;
	[tilespmem:$0x1D2C0] =	vst v63  }
0x255: {  	s9 =	sadd.s32 $0x200, s8  }
0x256: {  	[tilespmem:s28], [sflag:$0x1] =	stream.indirect.gather [spmem:s1], $0x20, s9, s22, $0xb8;
	[tilespmem:$0x1D2C0] =	vst v63  }
0x257: {  	s9 =	sadd.s32 $0x280, s8  }
0x258: {  	[tilespmem:s29], [sflag:$0x1] =	stream.indirect.gather [spmem:s1], $0x20, s9, s22, $0xb8;
	[tilespmem:$0x1D2C0] =	vst v63  }
0x259: {  	s9 =	sadd.s32 $0x300, s8  }
0x25a: {  	[tilespmem:s30], [sflag:$0x1] =	stream.indirect.gather [spmem:s1], $0x20, s9, s22, $0xb8;
	[tilespmem:$0x1D2C0] =	vst v63  }
0x25b: {  	s9 =	sadd.s32 $0x380, s8  }
0x25c: {  	[tilespmem:s31], [sflag:$0x1] =	stream.indirect.gather [spmem:s1], $0x20, s9, s22, $0xb8;
	[tilespmem:$0x1D2C0] =	vst v63  }
0x25d: {  	_ =	swait.ge [sflag:s0], $0x1000  }
0x25e: {  	[sflag:s0] =	ssyncset.done $0x0  }
0x25f: {  	[sflag:s0] =	ssyncadd.s32 $0xFFFFF000  }
0x260: {  	_ =	swait.ge [sflag:s0], $0x1000  }
0x261: {  	[sflag:s0] =	ssyncset.done $0x0  }
0x262: {  	[sflag:s0] =	ssyncadd.s32 $0xFFFFF000  }
0x263: {  	_ =	swait.ge [sflag:s0], $0x1000  }
0x264: {  	[sflag:s0] =	ssyncset.done $0x0  }
0x265: {  	[sflag:s0] =	ssyncadd.s32 $0xFFFFF000  }
0x266: {  	_ =	swait.ge [sflag:s0], $0x1000  }
0x267: {  	[sflag:s0] =	ssyncset.done $0x0  }
0x268: {  	[sflag:s0] =	ssyncadd.s32 $0xFFFFF000  }
0x269: {  	_ =	swait.ge [sflag:s0], $0x1000  }
0x26a: {  	[sflag:s0] =	ssyncset.done $0x0  }
0x26b: {  	[sflag:s0] =	ssyncadd.s32 $0xFFFFF000  }
0x26c: {  	_ =	swait.ge [sflag:s0], $0x1000  }
0x26d: {  	[sflag:s0] =	ssyncset.done $0x0  }
0x26e: {  	[sflag:s0] =	ssyncadd.s32 $0xFFFFF000  }
0x26f: {  	_ =	swait.ge [sflag:s0], $0x1000  }
0x270: {  	[sflag:s0] =	ssyncset.done $0x0  }
0x271: {  	[sflag:s0] =	ssyncadd.s32 $0xFFFFF000  }
0x272: {  	_ =	swait.ge [sflag:s0], $0x1000  }
0x273: {  	[sflag:s0] =	ssyncset.done $0x0  }
0x274: {  	s9 =	sadd.s32 $0x5000, s8;
	[sflag:s0] =	ssyncadd.s32 $0xFFFFF000  }
0x275: {  	[spmem:s3] =	stream.indirect.scatter.add.f32 [tilespmem:s23], [sflag:$0x2], $0x20, s9, s22, $0xb8;
	[tilespmem:$0x1D2C0] =	vst v63  }
0x276: {  	s9 =	sadd.s32 $0x5080, s8  }
0x277: {  	[spmem:s3] =	stream.indirect.scatter.add.f32 [tilespmem:s24], [sflag:$0x2], $0x20, s9, s22, $0xb8;
	[tilespmem:$0x1D2C0] =	vst v63  }
0x278: {  	s9 =	sadd.s32 $0x5100, s8  }
0x279: {  	[spmem:s3] =	stream.indirect.scatter.add.f32 [tilespmem:s25], [sflag:$0x2], $0x20, s9, s22, $0xb8;
	[tilespmem:$0x1D2C0] =	vst v63  }
0x27a: {  	s9 =	sadd.s32 $0x5180, s8  }
0x27b: {  	[spmem:s3] =	stream.indirect.scatter.add.f32 [tilespmem:s26], [sflag:$0x2], $0x20, s9, s22, $0xb8;
	[tilespmem:$0x1D2C0] =	vst v63  }
0x27c: {  	s9 =	sadd.s32 $0x5200, s8  }
0x27d: {  	[spmem:s3] =	stream.indirect.scatter.add.f32 [tilespmem:s28], [sflag:$0x2], $0x20, s9, s22, $0xb8;
	[tilespmem:$0x1D2C0] =	vst v63  }
.Ltmp3:
0x27e: {  	s9 =	sadd.s32 $0x5280, s8;
	(pc) =	sbr.rel @p1 .LBB2_8-.Ltmp3, $4  }
0x27f: {  	[spmem:s3] =	stream.indirect.scatter.add.f32 [tilespmem:s29], [sflag:$0x2], $0x20, s9, s22, $0xb8;
	[tilespmem:$0x1D2C0] =	vst v63  }
0x280: {  	s9 =	sadd.s32 $0x5300, s8  }
0x281: {  	[spmem:s3] =	stream.indirect.scatter.add.f32 [tilespmem:s30], [sflag:$0x2], $0x20, s9, s22, $0xb8;
	[tilespmem:$0x1D2C0] =	vst v63  }
0x282: {  	s8 =	sadd.s32 $0x5380, s8  }
0x283: {  	[spmem:s3] =	stream.indirect.scatter.add.f32 [tilespmem:s31], [sflag:$0x2], $0x20, s8, s22, $0xb8;
	[tilespmem:$0x1D2C0] =	vst v63  }
0x284: {  	s7 =	simm.s32 @!p0 $0x2  }
0x285: {  	_ =	swait.ge @!p0 [sflag:s7], $0x1000  }
0x286: {  	[sflag:s7] =	ssyncset.done @!p0 $0x0  }
0x287: {  	[sflag:s7] =	ssyncadd.s32 @!p0 $0xFFFFF000  }
0x288: {  	_ =	swait.ge @!p0 [sflag:s7], $0x1000  }
0x289: {  	[sflag:s7] =	ssyncset.done @!p0 $0x0  }
0x28a: {  	[sflag:s7] =	ssyncadd.s32 @!p0 $0xFFFFF000  }
0x28b: {  	_ =	swait.ge @!p0 [sflag:s7], $0x1000  }
0x28c: {  	[sflag:s7] =	ssyncset.done @!p0 $0x0  }
0x28d: {  	[sflag:s7] =	ssyncadd.s32 @!p0 $0xFFFFF000  }
0x28e: {  	_ =	swait.ge @!p0 [sflag:s7], $0x1000  }
0x28f: {  	[sflag:s7] =	ssyncset.done @!p0 $0x0  }
0x290: {  	[sflag:s7] =	ssyncadd.s32 @!p0 $0xFFFFF000  }
0x291: {  	_ =	swait.ge @!p0 [sflag:s7], $0x1000  }
0x292: {  	[sflag:s7] =	ssyncset.done @!p0 $0x0  }
0x293: {  	[sflag:s7] =	ssyncadd.s32 @!p0 $0xFFFFF000  }
0x294: {  	_ =	swait.ge @!p0 [sflag:s7], $0x1000  }
0x295: {  	[sflag:s7] =	ssyncset.done @!p0 $0x0  }
0x296: {  	[sflag:s7] =	ssyncadd.s32 @!p0 $0xFFFFF000  }
0x297: {  	_ =	swait.ge @!p0 [sflag:s7], $0x1000  }
0x298: {  	[sflag:s7] =	ssyncset.done @!p0 $0x0  }
0x299: {  	[sflag:s7] =	ssyncadd.s32 @!p0 $0xFFFFF000  }
0x29a: {  	_ =	swait.ge @!p0 [sflag:s7], $0x1000  }
0x29b: {  	[sflag:s7] =	ssyncset.done @!p0 $0x0  }
0x29c: {  	s6 =	sshra.s32 s6, $0x2;
	[sflag:s7] =	ssyncadd.s32 @!p0 $0xFFFFF000  }
0x29d: {  	[tilespmem:s23], [sflag:$0x1] =	stream.indirect.gather [spmem:s1], $0x20, s6, s22, $0xb8;
	[tilespmem:$0x1D2C0] =	vst v63  }
0x29e: {  	s10 =	sadd.s32 $0x80, s6  }
0x29f: {  	[tilespmem:s24], [sflag:$0x1] =	stream.indirect.gather [spmem:s1], $0x20, s10, s22, $0xb8;
	[tilespmem:$0x1D2C0] =	vst v63  }
0x2a0: {  	s11 =	sadd.s32 $0x100, s6  }
0x2a1: {  	[tilespmem:s25], [sflag:$0x1] =	stream.indirect.gather [spmem:s1], $0x20, s11, s22, $0xb8;
	[tilespmem:$0x1D2C0] =	vst v63  }
0x2a2: {  	s12 =	sadd.s32 $0x180, s6  }
0x2a3: {  	[tilespmem:s26], [sflag:$0x1] =	stream.indirect.gather [spmem:s1], $0x20, s12, s22, $0xb8;
	[tilespmem:$0x1D2C0] =	vst v63  }
0x2a4: {  	s14 =	sadd.s32 $0x200, s6  }
0x2a5: {  	[tilespmem:s28], [sflag:$0x1] =	stream.indirect.gather [spmem:s1], $0x20, s14, s22, $0xb8;
	[tilespmem:$0x1D2C0] =	vst v63  }
0x2a6: {  	s15 =	sadd.s32 $0x280, s6  }
0x2a7: {  	[tilespmem:s29], [sflag:$0x1] =	stream.indirect.gather [spmem:s1], $0x20, s15, s22, $0xb8;
	[tilespmem:$0x1D2C0] =	vst v63  }
0x2a8: {  	s17 =	sadd.s32 $0x300, s6  }
0x2a9: {  	[tilespmem:s30], [sflag:$0x1] =	stream.indirect.gather [spmem:s1], $0x20, s17, s22, $0xb8;
	[tilespmem:$0x1D2C0] =	vst v63  }
0x2aa: {  	s21 =	sadd.s32 $0x380, s6  }
0x2ab: {  	[tilespmem:s31], [sflag:$0x1] =	stream.indirect.gather [spmem:s1], $0x20, s21, s22, $0xb8;
	[tilespmem:$0x1D2C0] =	vst v63  }
0x2ac: {  	_ =	swait.ge [sflag:s0], $0x1000  }
0x2ad: {  	[sflag:s0] =	ssyncset.done $0x0  }
0x2ae: {  	[sflag:s0] =	ssyncadd.s32 $0xFFFFF000  }
0x2af: {  	_ =	swait.ge [sflag:s0], $0x1000  }
0x2b0: {  	[sflag:s0] =	ssyncset.done $0x0  }
0x2b1: {  	[sflag:s0] =	ssyncadd.s32 $0xFFFFF000  }
0x2b2: {  	_ =	swait.ge [sflag:s0], $0x1000  }
0x2b3: {  	[sflag:s0] =	ssyncset.done $0x0  }
0x2b4: {  	[sflag:s0] =	ssyncadd.s32 $0xFFFFF000  }
0x2b5: {  	_ =	swait.ge [sflag:s0], $0x1000  }
0x2b6: {  	[sflag:s0] =	ssyncset.done $0x0  }
0x2b7: {  	[sflag:s0] =	ssyncadd.s32 $0xFFFFF000  }
0x2b8: {  	_ =	swait.ge [sflag:s0], $0x1000  }
0x2b9: {  	[sflag:s0] =	ssyncset.done $0x0  }
0x2ba: {  	[sflag:s0] =	ssyncadd.s32 $0xFFFFF000  }
0x2bb: {  	_ =	swait.ge [sflag:s0], $0x1000  }
0x2bc: {  	[sflag:s0] =	ssyncset.done $0x0  }
0x2bd: {  	[sflag:s0] =	ssyncadd.s32 $0xFFFFF000  }
0x2be: {  	_ =	swait.ge [sflag:s0], $0x1000  }
0x2bf: {  	[sflag:s0] =	ssyncset.done $0x0  }
0x2c0: {  	[sflag:s0] =	ssyncadd.s32 $0xFFFFF000  }
0x2c1: {  	_ =	swait.ge [sflag:s0], $0x1000  }
0x2c2: {  	[sflag:s0] =	ssyncset.done $0x0  }
0x2c3: {  	s8 =	sadd.s32 $0x5000, s6;
	[sflag:s0] =	ssyncadd.s32 $0xFFFFF000  }
0x2c4: {  	[spmem:s3] =	stream.indirect.scatter.add.f32 [tilespmem:s23], [sflag:$0x2], $0x20, s8, s22, $0xb8;
	[tilespmem:$0x1D2C0] =	vst v63  }
0x2c5: {  	s9 =	sadd.s32 $0x5080, s6  }
0x2c6: {  	[spmem:s3] =	stream.indirect.scatter.add.f32 [tilespmem:s24], [sflag:$0x2], $0x20, s9, s22, $0xb8;
	[tilespmem:$0x1D2C0] =	vst v63  }
0x2c7: {  	s10 =	sadd.s32 $0x5100, s6  }
0x2c8: {  	[spmem:s3] =	stream.indirect.scatter.add.f32 [tilespmem:s25], [sflag:$0x2], $0x20, s10, s22, $0xb8;
	[tilespmem:$0x1D2C0] =	vst v63  }
0x2c9: {  	s11 =	sadd.s32 $0x5180, s6  }
0x2ca: {  	[spmem:s3] =	stream.indirect.scatter.add.f32 [tilespmem:s26], [sflag:$0x2], $0x20, s11, s22, $0xb8;
	[tilespmem:$0x1D2C0] =	vst v63  }
0x2cb: {  	s12 =	sadd.s32 $0x5200, s6  }
0x2cc: {  	[spmem:s3] =	stream.indirect.scatter.add.f32 [tilespmem:s28], [sflag:$0x2], $0x20, s12, s22, $0xb8;
	[tilespmem:$0x1D2C0] =	vst v63  }
0x2cd: {  	s14 =	sadd.s32 $0x5280, s6  }
0x2ce: {  	[spmem:s3] =	stream.indirect.scatter.add.f32 [tilespmem:s29], [sflag:$0x2], $0x20, s14, s22, $0xb8;
	[tilespmem:$0x1D2C0] =	vst v63  }
0x2cf: {  	s15 =	sadd.s32 $0x5300, s6  }
0x2d0: {  	[spmem:s3] =	stream.indirect.scatter.add.f32 [tilespmem:s30], [sflag:$0x2], $0x20, s15, s22, $0xb8;
	[tilespmem:$0x1D2C0] =	vst v63  }
0x2d1: {  	s6 =	sadd.s32 $0x5380, s6  }
0x2d2: {  	[spmem:s3] =	stream.indirect.scatter.add.f32 [tilespmem:s31], [sflag:$0x2], $0x20, s6, s22, $0xb8;
	[tilespmem:$0x1D2C0] =	vst v63  }
0x2d3: {  	_ =	swait.ge [sflag:s2], $0x1000  }
0x2d4: {  	[sflag:s2] =	ssyncset.done $0x0  }
0x2d5: {  	[sflag:s2] =	ssyncadd.s32 $0xFFFFF000  }
0x2d6: {  	_ =	swait.ge [sflag:s2], $0x1000  }
0x2d7: {  	[sflag:s2] =	ssyncset.done $0x0  }
0x2d8: {  	[sflag:s2] =	ssyncadd.s32 $0xFFFFF000  }
0x2d9: {  	_ =	swait.ge [sflag:s2], $0x1000  }
0x2da: {  	[sflag:s2] =	ssyncset.done $0x0  }
0x2db: {  	[sflag:s2] =	ssyncadd.s32 $0xFFFFF000  }
0x2dc: {  	_ =	swait.ge [sflag:s2], $0x1000  }
0x2dd: {  	[sflag:s2] =	ssyncset.done $0x0  }
0x2de: {  	[sflag:s2] =	ssyncadd.s32 $0xFFFFF000  }
0x2df: {  	_ =	swait.ge [sflag:s2], $0x1000  }
0x2e0: {  	[sflag:s2] =	ssyncset.done $0x0  }
0x2e1: {  	[sflag:s2] =	ssyncadd.s32 $0xFFFFF000  }
0x2e2: {  	_ =	swait.ge [sflag:s2], $0x1000  }
0x2e3: {  	[sflag:s2] =	ssyncset.done $0x0  }
0x2e4: {  	[sflag:s2] =	ssyncadd.s32 $0xFFFFF000  }
0x2e5: {  	_ =	swait.ge [sflag:s2], $0x1000  }
0x2e6: {  	[sflag:s2] =	ssyncset.done $0x0  }
0x2e7: {  	[sflag:s2] =	ssyncadd.s32 $0xFFFFF000  }
0x2e8: {  	_ =	swait.ge [sflag:s2], $0x1000  }
0x2e9: {  	[sflag:s2] =	ssyncset.done $0x0  }
0x2ea: {  	[sflag:s2] =	ssyncadd.s32 $0xFFFFF000  }
0x2eb: {  	[bflag:$0x0] =	sbarrier.arrive $0xFFFF  }
0x2ec: {  	s17 =	rddreg [dreg:$0xc]  }
0x2ed: {  	s8 =	rddreg [dreg:$0xe]  }
0x2ee: {  	[hbm:s17], [sflag:s13] =	dma.local [spmem:s8], $0xA00  }
0x2ef: {  	_ =	swait.ge [sflag:s16], $0xA00  }
0x2f0: {  	s20 =	sadd.s32 $0x1, s20;
	s21 =	rddreg [dreg:$0xa]  }
0x2f1: {  	p0 =	sne.s32 s20, s21  }
.Ltmp4:
0x2f2: {  	_ = 	snop;
	(pc) =	sbr.rel @p0 .LBB2_1-.Ltmp4, $3  }
0x2f3: {  	_ =	sdelay $0x1  }
0x2f4: {  	[sflag:s16] =	ssyncset.done $0x0  }
0x2f5: {  	[sflag:s16] =	ssyncadd.s32 $0xFFFFF600  }
0x2f6: {  	_ =	sfence.sel $0x180000  }
0x2f7: {  	[bflag:$0x0] =	sbarrier.arrive $0xFFFF  }
0x2f8: {  	_ =	strace $0x9000004D  }
0x2f9: {  	s0 =	stileid.u32;
	[bflag:$0x2] =	sbarrier.arrive $0xFFFF  }
0x2fa: {  	p0 =	sne.s32 s0, $0x0;
	s0 =	rddreg [dreg:$0x4]  }
0x2fb: {  	s0 =	sadd.s32 @!p0 $0x100000, s0  }
0x2fc: {  	[sflag:s0] =	ssyncadd.tile.s32 @!p0 $0x1;
	_ =	shalt  }
.Lfunc_end2:
_tile_overlayer_lowered:
.L_overlay_start_2:
0x2fd: {  	(tag) =	ssettag $0x2  }
0x2fe: {  	s0 =	rddreg [dreg:$0x0];
	s2 =	stileid.u32  }
0x2ff: {  	s1 =	rddreg [dreg:$0x1];
	p0 =	sne.s32 s2, $0x0  }
0x300: {  	s3 =	rddreg [dreg:$0x2];
	[bflag:$0x3] =	sbarrier.arrive $0xFFFF;
	s2 =	simm.s32 @!p0 $0x1C03  }
0x301: {  	[timem:s3], [sflag:s2] =	dma.local @!p0 [hbm:s0], s1  }
0x302: {  	s0 =	simm.s32 @!p0 $0x3  }
0x303: {  	_ =	swait.ge @!p0 [sflag:s0], s1  }
0x304: {  	s1 =	ssub.s32 @!p0 $0x0, s1;
	[sflag:s0] =	ssyncset.done @!p0 $0x0  }
0x305: {  	[sflag:s0] =	ssyncadd.s32 @!p0 s1  }
0x306: {  	[bflag:$0x3] =	sbarrier.arrive $0xFFFF  }
0x307: {  	_ =	shalt  }

// kernel: kernel.9.cloned.1.call-start
scs
__scs_entry_jumppad:
0x0: {  	(pc) =	sbr.rel $0x88, $3  }
0x1: {  	(tag) =	ssettag $0x0;
	lr =	simm.s32 $0x1  }
0x2: {  	[smem:$0x3F91] =	sst lr;
	_ =	strace $0xD0000000  }
0x3: {  	_ = 	snop  }
0x4: {  	_ = 	snop  }
0x5: {  	_ = 	snop  }
0x6: {  	_ = 	snop  }
0x7: {  	_ = 	snop  }
__scs_overlays_trampoline_lowered:
0x8: {  	[smem:$0x3FA0] =	sst s0  }
0x9: {  	[smem:$0x3FA1] =	sst s1  }
0xa: {  	[smem:$0x3FA2] =	sst s2  }
0xb: {  	[smem:$0x3FA3] =	sst s3  }
0xc: {  	[smem:$0x3FA4] =	sst s4  }
0xd: {  	[smem:$0x3FA5] =	sst s5  }
0xe: {  	[smem:$0x3FA6] =	sst s6  }
0xf: {  	[smem:$0x3FA7] =	sst s7  }
0x10: {  	[smem:$0x3FA8] =	sst s8  }
0x11: {  	[smem:$0x3FA9] =	sst s9;
	s0 =	simm.s32 @!p0 $0x0  }
0x12: {  	s1 =	sld [smem:$0x3F8F];
	s0 =	simm.s32 @p0 $0x1  }
0x13: {  	[smem:$0x3FAA] =	sst s0;
	s0 =	simm.s32 @!p1 $0x0  }
0x14: {  	s2 =	sld [smem:$0x3F8E];
	s0 =	simm.s32 @p1 $0x1  }
0x15: {  	[smem:$0x3FAB] =	sst s0;
	s0 =	simm.s32 @!p2 $0x0  }
0x16: {  	s3 =	sld [smem:$0x3FDB];
	s0 =	simm.s32 @p2 $0x1  }
0x17: {  	s4 =	simm.s32 $0x1BF5;
	[smem:$0x3FAD] =	sst s0  }
0x18: {  	s0 =	sld [smem:$0x3F90];
	_ =	swait.ge [sflag:s4], $0x0  }
0x19: {  	s7 =	sld [smem:$0x3F91]  }
0x1a: {  	s8 =	sadd.s32 $0xFFFFE003, lr  }
0x1b: {  	s9 =	sadd.s32 $0xFFFFFEF7, lr;
	s5 =	simm.s32 $0xFFFFFFFF;
	p2 =	slt.u32 s8, $0xFFFFF086  }
0x1c: {  	p1 =	slt.u32 s9, $0xF7A;
	s5 =	simm.s32 @!p2 $0x0  }
0x1d: {  	s5 =	simm.s32 @p1 $0x1;
	p0 =	seq.s32 s7, s2  }
0x1e: {  	s7 =	smul.u32 @!p0 $0xF7A, s2;
	p2 =	seq.s32 @!p0 s5, $0x0  }
0x1f: {  	s9 =	smul.u32 $0xF7A, s1;
	s8 =	simm.s32 @!p0 $0x1BF5;
	p2 =	por !p2, p0  }
0x20: {  	[sflag:s8] =	ssyncset.s32 @!p0 $0xFFFFF086;
	s6 =	sadd.s32 @!p0 s3, s7;
	s7 =	simm.s32 @!p0 $0x108  }
0x21: {  	s3 =	sadd.s32 s3, s9;
	s6 =	sadd.s32 @!p0 $0x88, s6;
	s7 =	simm.s32 @p2 $0x1082  }
0x22: {  	[simem:s7], [sflag:s8] =	dma.local @!p0 [hbm:s6], $0xF7A  }
0x23: {  	s9 =	sor.u32 $0xD0000000, s2;
	s6 =	simm.s32 $0x108;
	_ =	swait.ge @!p0 [sflag:s8], $0x0  }
0x24: {  	s3 =	sadd.s32 $0x88, s3;
	s6 =	simm.s32 @!p1 $0x1082;
	[sflag:s4] =	ssyncset.s32 $0xFFFFF086  }
0x25: {  	[simem:s6], [sflag:s4] =	dma.local [hbm:s3], $0xF7A  }
0x26: {  	[smem:$0x3F91] =	sst s1;
	(tag) =	ssettag s2;
	_ =	strace s9  }
0x27: {  	s1 =	sld [smem:$0x3FA1]  }
0x28: {  	s2 =	sld [smem:$0x3FA2]  }
0x29: {  	s4 =	sld [smem:$0x3FA4]  }
0x2a: {  	p0 =	seq.s32 s5, $0x0;
	s5 =	sld [smem:$0x3FA5]  }
0x2b: {  	s6 =	sld [smem:$0x3FA6]  }
0x2c: {  	s7 =	sld [smem:$0x3FA7]  }
0x2d: {  	s3 =	simm.s32 $0x108;
	s8 =	sld [smem:$0x3FA8]  }
0x2e: {  	s3 =	simm.s32 @!p0 $0x1082;
	s9 =	sld [smem:$0x3FA9]  }
0x2f: {  	lr =	sadd.s32 s0, s3;
	s0 =	sld [smem:$0x3FA0]  }
0x30: {  	s3 =	sld [smem:$0x3FA3]  }
0x31: {  	[smem:$0x3FAC] =	sst s10  }
0x32: {  	s10 =	sld [smem:$0x3FAA];
	_ =	sdelay $0x3  }
0x33: {  	p0 =	seq.s32 s10, $0x1;
	s10 =	sld [smem:$0x3FAC];
	_ =	sdelay $0x3  }
0x34: {  	[smem:$0x3FAC] =	sst s10  }
0x35: {  	s10 =	sld [smem:$0x3FAB];
	_ =	sdelay $0x3  }
0x36: {  	p1 =	seq.s32 s10, $0x1;
	s10 =	sld [smem:$0x3FAC];
	_ =	sdelay $0x3  }
0x37: {  	[smem:$0x3FAC] =	sst s10  }
0x38: {  	s10 =	sld [smem:$0x3FAD]  }
0x39: {  	_ = 	snop;
	(pc) =	sbr.ind lr, $3  }
0x3a: {  	_ = 	snop  }
0x3b: {  	_ = 	snop  }
0x3c: {  	p2 =	seq.s32 s10, $0x1;
	s10 =	sld [smem:$0x3FAC]  }
0x3d: {  	_ =	shalt  }
0x3e: {  	_ =	shalt  }
0x3f: {  	_ =	shalt  }
0x40: {  	_ =	shalt  }
0x41: {  	_ =	shalt  }
0x42: {  	_ =	shalt  }
0x43: {  	_ =	shalt  }
0x44: {  	_ =	shalt  }
0x45: {  	_ =	shalt  }
0x46: {  	_ =	shalt  }
0x47: {  	_ =	shalt  }
0x48: {  	_ =	shalt  }
0x49: {  	_ =	shalt  }
0x4a: {  	_ =	shalt  }
0x4b: {  	_ =	shalt  }
0x4c: {  	_ =	shalt  }
0x4d: {  	_ =	shalt  }
0x4e: {  	_ =	shalt  }
0x4f: {  	_ =	shalt  }
0x50: {  	_ =	shalt  }
0x51: {  	_ =	shalt  }
0x52: {  	_ =	shalt  }
0x53: {  	_ =	shalt  }
0x54: {  	_ =	shalt  }
0x55: {  	_ =	shalt  }
0x56: {  	_ =	shalt  }
0x57: {  	_ =	shalt  }
0x58: {  	_ =	shalt  }
0x59: {  	_ =	shalt  }
0x5a: {  	_ =	shalt  }
0x5b: {  	_ =	shalt  }
0x5c: {  	_ =	shalt  }
0x5d: {  	_ =	shalt  }
0x5e: {  	_ =	shalt  }
0x5f: {  	_ =	shalt  }
0x60: {  	_ =	shalt  }
0x61: {  	_ =	shalt  }
0x62: {  	_ =	shalt  }
0x63: {  	_ =	shalt  }
0x64: {  	_ =	shalt  }
0x65: {  	_ =	shalt  }
0x66: {  	_ =	shalt  }
0x67: {  	_ =	shalt  }
0x68: {  	_ =	shalt  }
0x69: {  	_ =	shalt  }
0x6a: {  	_ =	shalt  }
0x6b: {  	_ =	shalt  }
0x6c: {  	_ =	shalt  }
0x6d: {  	_ =	shalt  }
0x6e: {  	_ =	shalt  }
0x6f: {  	_ =	shalt  }
0x70: {  	_ =	shalt  }
0x71: {  	_ =	shalt  }
0x72: {  	_ =	shalt  }
0x73: {  	_ =	shalt  }
0x74: {  	_ =	shalt  }
0x75: {  	_ =	shalt  }
0x76: {  	_ =	shalt  }
0x77: {  	_ =	shalt  }
0x78: {  	_ =	shalt  }
0x79: {  	_ =	shalt  }
0x7a: {  	_ =	shalt  }
0x7b: {  	_ =	shalt  }
0x7c: {  	_ =	shalt  }
0x7d: {  	_ =	shalt  }
0x7e: {  	_ =	shalt  }
0x7f: {  	_ =	shalt  }
0x80: {  	_ =	shalt  }
0x81: {  	_ =	shalt  }
0x82: {  	_ =	shalt  }
0x83: {  	_ =	shalt  }
0x84: {  	_ =	shalt  }
0x85: {  	_ =	shalt  }
0x86: {  	_ =	shalt  }
0x87: {  	_ =	shalt  }
.Lfunc_end0:
.L_simem_size_0:
called_computation_lowered:
.L_overlay_start_0:
0x88: {  	s2 =	sld [smem:$0x3FD9]  }
0x89: {  	s3 =	sld [smem:$0x3FFE];
	_ =	sdelay $0x1  }
0x8a: {  	s1 =	srdreg.scid  }
0x8b: {  	s0 =	sand.u32 $0x1, s1  }
0x8c: {  	s17 =	sshll.u32 s0, $0xA;
	s2 =	sadd.s32 s3, s2  }
0x8d: {  	s2 =	sadd.s32 s2, s17  }
0x8e: {  	[smem:$0x3FB8] =	sst s2  }
0x8f: {  	_ = 	snop  }
0x90: {  	s2 =	sld [smem:$0x3FD0];
	(tm) =	ssettm $0x1  }
0x91: {  	s18 =	sld [smem:$0x3FFB];
	_ =	sdelay $0x3  }
0x92: {  	_ =	strace s18  }
0x93: {  	s3 =	sld [smem:$0x3FFC];
	_ =	sdelay $0x3  }
0x94: {  	_ =	strace s3  }
0x95: {  	s3 =	sld [smem:$0x3FFD];
	_ =	sdelay $0x3  }
0x96: {  	_ =	strace s3  }
0x97: {  	_ =	strace $0x8FFFFFFF  }
0x98: {  	s19 =	sld [smem:$0x3FDB];
	_ =	sdelay $0x1  }
0x99: {  	s4 =	simm.s32 $_scs_section_size  }
0x9a: {  	s5 =	simm.s32 $_size__tile_overlayer_lowered;
	s6 =	simm.s32 $_tile_overlayer_lowered  }
0x9b: {  	s22 =	simm.s32 $0x1BFF;
	s21 =	sshll.u32 s6, $0x1;
	s3 =	sadd.s32 s4, s19  }
0x9c: {  	s7 =	simm.s32 $0x0;
	s20 =	sshll.u32 s5, $0x1;
	s5 =	sadd.s32 s21, s3  }
0x9d: {  	[timem:s7], [sflag:s22] =	dma.local [hbm:s5], s20  }
0x9e: {  	_ =	swait.ge [sflag:s22], s20  }
0x9f: {  	s4 =	ssub.s32 $0x0, s20;
	[sflag:s22] =	ssyncset.done $0x0  }
0xa0: {  	[sflag:s22] =	ssyncadd.s32 s4;
	_ =	sdelay $0x1  }
0xa1: {  	s23 =	simm.s32 $0x1B8B  }
0xa2: {  	_ =	swait.ge [sflag:s23], $0x1  }
0xa3: {  	[sflag:s23] =	ssyncset.done $0x0  }
0xa4: {  	s25 =	simm.s32 $0x1B8E;
	s24 =	sld [smem:$0x3FFE];
	[sflag:s23] =	ssyncadd.s32 $0xFFFFFFFF  }
0xa5: {  	s26 =	simm.s32 $execute0_lowered;
	[smem:$0x3FD2] =	sst s25  }
0xa6: {  	s5 =	sshll.u32 s26, $0x1;
	_ =	strace $0x80000046;
	[dreg:$0x1] =	wrdreg $0xFFFFFFFF  }
0xa7: {  	s28 =	simm.s32 $_size_execute0_lowered;
	s3 =	sadd.s32 s3, s5;
	[dreg:$0x0] =	wrdreg $0x0  }
0xa8: {  	s5 =	sshll.u32 s28, $0x1;
	[dreg:$0x2] =	wrdreg s3  }
0xa9: {  	[dreg:$0x3] =	wrdreg s5  }
0xaa: {  	[dreg:$0x4] =	wrdreg $0xC0  }
0xab: {  	_ =	task [dreg:s7], $0x5FFFF  }
0xac: {  	[dreg:$0x1] =	wrdreg $0xFFFFFFFF  }
0xad: {  	[dreg:$0x0] =	wrdreg $0x60  }
0xae: {  	[dreg:$0x2] =	wrdreg s24  }
0xaf: {  	[dreg:$0x3] =	wrdreg s2  }
0xb0: {  	[dreg:$0x4] =	wrdreg $0x30000  }
0xb1: {  	[dreg:$0x5] =	wrdreg $0x9  }
0xb2: {  	_ =	task.clear_ibuf [dreg:s7], $0x6FFFF;
	_ =	strace $0x90000046  }
0xb3: {  	s29 =	simm.s32 $0x9;
	_ =	strace $0x80000048  }
0xb4: {  	_ =	swait.ge [sflag:s29], $0x1  }
0xb5: {  	[sflag:s29] =	ssyncadd.s32 $0xFFFFFFFF  }
0xb6: {  	_ =	strace $0x90000048  }
0xb7: {  	_ =	sfence  }
0xb8: {  	s30 =	sld [smem:$0x0];
	_ =	sdelay $0x2  }
0xb9: {  	s31 =	sshll.u32 s1, $0xD;
	s1 =	sshrl.u32 s1, $0x2  }
0xba: {  	s3 =	sand.u32 $0x4000, s31;
	s1 =	sadd.s32 s1, s30  }
0xbb: {  	s0 =	sor.u32 s3, s0;
	s1 =	sshll.u32 s1, $0x11  }
0xbc: {  	s0 =	sor.u32 s1, s0  }
0xbd: {  	s0 =	sadd.s32 $0x8F2B, s0  }
0xbe: {  	[sflag:s0] =	ssyncadd.remote.s32 $0x1  }
0xbf: {  	_ =	sfence.sel $0xFFFF  }
0xc0: {  	[dreg:$0x0] =	wrdreg $0xFFFFFFFF;
	(pc) =	sbr.abs _section_cstart, $3  }
0xc1: {  	[dreg:$0x1] =	wrdreg $0xFFFFFFFF  }
0xc2: {  	_ =	task.clear_ibuf [dreg:s7], $0x2FFFF;
	_ =	strace $0x9FFFFFFF  }
0xc3: {  	(tm) =	ssettm $0x7FFFFFFF  }
tec
execute0_lowered:
.L_overlay_start_1:
0x0: {  	(tag) =	ssettag $0x1  }
0x1: {  	s1 =	srdreg.scid;
	s5 =	rddreg [dreg:$0x0]  }
0x2: {  	s0 =	stileid.u32;
	s2 =	rddreg [dreg:$0x1]  }
0x3: {  	s3 =	rddreg [dreg:$0x2];
	s4 =	simm.s32 $0x0;
	s13 =	simm.s32 $0x80  }
0x4: {  	s14 =	simm.s32 $0x100;
	s15 =	simm.s32 $0x180;
	s16 =	simm.s32 $0x200  }
0x5: {  	s17 =	simm.s32 $0x280;
	s18 =	simm.s32 $0x300;
	s19 =	simm.s32 $0x380  }
0x6: {  	s20 =	simm.s32 $0x1;
	s21 =	simm.s32 $0x0;
	s6 =	sand.u32 $0x1, s1  }
0x7: {  	s30 =	sshll.u32 s0, $0x1;
	s8 =	smul.u32 $0x2800, s0;
	[smem:$0x7FF] =	sst s4  }
0x8: {  	s31 =	sshll.u32 s0, $0x6;
	s1 =	sor.u32 s6, s30;
	s9 =	smul.u32 $0x28000, s6  }
0x9: {  	s6 =	ssub.s32 $0x2, s6;
	s7 =	smul.u32 $0x500, s1;
	s1 =	rddreg [dreg:$0x3]  }
0xa: {  	_ =	strace $0x80000047;
	s10 =	sshrl.u32 s8, $0x3;
	s11 =	sshrl.u32 s6, $0x1  }
0xb: {  	s12 =	sadd.s32 s8, s3;
	s9 =	sadd.s32 s8, s9;
	s10 =	sadd.s32 s10, s5  }
0xc: {  	s11 =	ssub.s32 s6, s11;
	s6 =	sor.u32 $0x1C02, s31;
	s9 =	sshrl.u32 s9, $0x3  }
0xd: {  	s7 =	sadd.s32 s7, s5;
	s9 =	sadd.s32 s9, s5;
	s5 =	sadd.s32 $0xD000, s10  }
0xe: {  	s7 =	sadd.s32 $0x3000, s7;
	s10 =	sshrl.u32 s12, $0x3;
	s12 =	simm.s32 $0x2800  }
0xf: {  	s8 =	sadd.s32 $0x12000, s9;
	s9 =	smax.u32 s11, $0x1;
	s11 =	simm.s32 $0x2  }
.LBB2_1:
0x10: {  	[spmem:s10], [sflag:s6] =	dma.local [hbm:s5], $0x500  }
0x11: {  	_ =	swait.ge [sflag:s11], $0x500  }
0x12: {  	[sflag:s11] =	ssyncset.done $0x0  }
0x13: {  	[sflag:s11] =	ssyncadd.s32 $0xFFFFFB00  }
0x14: {  	[tilespmem:s12], [sflag:$0x2] =	stream.linear.gather [hbm4b:s2+s4], $0x800, $0x38;
	[tilespmem:$0x5800] =	vst v63  }
0x15: {  	_ =	swait.ge [sflag:s11], $0x800  }
0x16: {  	[sflag:s11] =	ssyncset.done $0x0  }
0x17: {  	[sflag:s11] =	ssyncadd.s32 $0xFFFFF800  }
0x18: {  	[tilespmem:s4], [sflag:$0x2] =	stream.linear.gather [hbm4b:s7+s4], $0x2800, $0x38;
	[tilespmem:$0x5800] =	vst v63  }
0x19: {  	_ =	swait.ge [sflag:s11], $0x2800  }
0x1a: {  	[sflag:s11] =	ssyncset.done $0x0  }
0x1b: {  	[sflag:s11] =	ssyncadd.s32 $0xFFFFD800  }
0x1c: {  	[bflag:$0x0] =	sbarrier.arrive $0xFFFF  }
0x1d: {  	[spmem:s3] =	stream.indirect.scatter.add.f32 [tilespmem:s12], [sflag:$0x1], $0x10, s4, s13, $0xb8;
	[tilespmem:$0x5800] =	vst v63  }
0x1e: {  	_ = 	snop  }
0x1f: {  	[spmem:s3] =	stream.indirect.scatter.add.f32 [tilespmem:s12], [sflag:$0x1], $0x10, s13, s13, $0xb8;
	[tilespmem:$0x5800] =	vst v63  }
0x20: {  	_ = 	snop  }
0x21: {  	[spmem:s3] =	stream.indirect.scatter.add.f32 [tilespmem:s12], [sflag:$0x1], $0x10, s14, s13, $0xb8;
	[tilespmem:$0x5800] =	vst v63  }
0x22: {  	_ = 	snop  }
0x23: {  	[spmem:s3] =	stream.indirect.scatter.add.f32 [tilespmem:s12], [sflag:$0x1], $0x10, s15, s13, $0xb8;
	[tilespmem:$0x5800] =	vst v63  }
0x24: {  	_ = 	snop  }
0x25: {  	[spmem:s3] =	stream.indirect.scatter.add.f32 [tilespmem:s12], [sflag:$0x1], $0x10, s16, s13, $0xb8;
	[tilespmem:$0x5800] =	vst v63  }
0x26: {  	_ = 	snop  }
0x27: {  	[spmem:s3] =	stream.indirect.scatter.add.f32 [tilespmem:s12], [sflag:$0x1], $0x10, s17, s13, $0xb8;
	[tilespmem:$0x5800] =	vst v63  }
0x28: {  	_ = 	snop  }
0x29: {  	[spmem:s3] =	stream.indirect.scatter.add.f32 [tilespmem:s12], [sflag:$0x1], $0x10, s18, s13, $0xb8;
	[tilespmem:$0x5800] =	vst v63  }
0x2a: {  	_ = 	snop  }
0x2b: {  	[spmem:s3] =	stream.indirect.scatter.add.f32 [tilespmem:s12], [sflag:$0x1], $0x10, s19, s13, $0xb8;
	[tilespmem:$0x5800] =	vst v63  }
0x2c: {  	_ =	swait.ge [sflag:s20], $0x800  }
0x2d: {  	[sflag:s20] =	ssyncset.done $0x0  }
0x2e: {  	[sflag:s20] =	ssyncadd.s32 $0xFFFFF800  }
0x2f: {  	_ =	swait.ge [sflag:s20], $0x800  }
0x30: {  	[sflag:s20] =	ssyncset.done $0x0  }
0x31: {  	[sflag:s20] =	ssyncadd.s32 $0xFFFFF800  }
0x32: {  	_ =	swait.ge [sflag:s20], $0x800  }
0x33: {  	[sflag:s20] =	ssyncset.done $0x0  }
0x34: {  	[sflag:s20] =	ssyncadd.s32 $0xFFFFF800  }
0x35: {  	_ =	swait.ge [sflag:s20], $0x800  }
0x36: {  	[sflag:s20] =	ssyncset.done $0x0  }
0x37: {  	[sflag:s20] =	ssyncadd.s32 $0xFFFFF800  }
0x38: {  	_ =	swait.ge [sflag:s20], $0x800  }
0x39: {  	[sflag:s20] =	ssyncset.done $0x0  }
0x3a: {  	[sflag:s20] =	ssyncadd.s32 $0xFFFFF800  }
0x3b: {  	_ =	swait.ge [sflag:s20], $0x800  }
0x3c: {  	[sflag:s20] =	ssyncset.done $0x0  }
0x3d: {  	[sflag:s20] =	ssyncadd.s32 $0xFFFFF800  }
0x3e: {  	_ =	swait.ge [sflag:s20], $0x800  }
0x3f: {  	[sflag:s20] =	ssyncset.done $0x0  }
0x40: {  	[sflag:s20] =	ssyncadd.s32 $0xFFFFF800  }
0x41: {  	_ =	swait.ge [sflag:s20], $0x800  }
0x42: {  	[sflag:s20] =	ssyncset.done $0x0  }
0x43: {  	s22 =	simm.s32 $0x400;
	[sflag:s20] =	ssyncadd.s32 $0xFFFFF800  }
0x44: {  	[spmem:s3] =	stream.indirect.scatter.add.f32 [tilespmem:s12], [sflag:$0x1], $0x10, s22, s13, $0xb8;
	[tilespmem:$0x5800] =	vst v63  }
0x45: {  	s25 =	simm.s32 $0x480  }
0x46: {  	[spmem:s3] =	stream.indirect.scatter.add.f32 [tilespmem:s12], [sflag:$0x1], $0x10, s25, s13, $0xb8;
	[tilespmem:$0x5800] =	vst v63  }
0x47: {  	s26 =	simm.s32 $0x500  }
0x48: {  	[spmem:s3] =	stream.indirect.scatter.add.f32 [tilespmem:s12], [sflag:$0x1], $0x10, s26, s13, $0xb8;
	[tilespmem:$0x5800] =	vst v63  }
0x49: {  	s28 =	simm.s32 $0x580  }
0x4a: {  	[spmem:s3] =	stream.indirect.scatter.add.f32 [tilespmem:s12], [sflag:$0x1], $0x10, s28, s13, $0xb8;
	[tilespmem:$0x5800] =	vst v63  }
0x4b: {  	s29 =	simm.s32 $0x600  }
0x4c: {  	[spmem:s3] =	stream.indirect.scatter.add.f32 [tilespmem:s12], [sflag:$0x1], $0x10, s29, s13, $0xb8;
	[tilespmem:$0x5800] =	vst v63  }
0x4d: {  	s30 =	simm.s32 $0x680  }
0x4e: {  	[spmem:s3] =	stream.indirect.scatter.add.f32 [tilespmem:s12], [sflag:$0x1], $0x10, s30, s13, $0xb8;
	[tilespmem:$0x5800] =	vst v63  }
0x4f: {  	s31 =	simm.s32 $0x700;
	s23 =	simm.s32 $0x780;
	s22 =	simm.s32 $0x1000  }
0x50: {  	[spmem:s3] =	stream.indirect.scatter.add.f32 [tilespmem:s12], [sflag:$0x1], $0x10, s31, s13, $0xb8;
	[tilespmem:$0x5800] =	vst v63  }
.LBB2_2:
0x51: {  	[spmem:s3] =	stream.indirect.scatter.add.f32 [tilespmem:s12], [sflag:$0x1], $0x10, s23, s13, $0xb8;
	[tilespmem:$0x5800] =	vst v63  }
0x52: {  	s23 =	smov.u32 s22  }
0x53: {  	p0 =	sne.s32 s22, $0x8000;
	s22 =	sadd.s32 $0x1000, s22;
	_ =	swait.ge [sflag:s20], $0x800  }
0x54: {  	[sflag:s20] =	ssyncset.done $0x0  }
0x55: {  	[sflag:s20] =	ssyncadd.s32 $0xFFFFF800  }
0x56: {  	_ =	swait.ge [sflag:s20], $0x800  }
0x57: {  	[sflag:s20] =	ssyncset.done $0x0  }
0x58: {  	[sflag:s20] =	ssyncadd.s32 $0xFFFFF800  }
0x59: {  	_ =	swait.ge [sflag:s20], $0x800  }
0x5a: {  	[sflag:s20] =	ssyncset.done $0x0  }
0x5b: {  	[sflag:s20] =	ssyncadd.s32 $0xFFFFF800  }
0x5c: {  	_ =	swait.ge [sflag:s20], $0x800  }
0x5d: {  	[sflag:s20] =	ssyncset.done $0x0  }
0x5e: {  	[sflag:s20] =	ssyncadd.s32 $0xFFFFF800  }
0x5f: {  	_ =	swait.ge [sflag:s20], $0x800  }
0x60: {  	[sflag:s20] =	ssyncset.done $0x0  }
0x61: {  	[sflag:s20] =	ssyncadd.s32 $0xFFFFF800  }
0x62: {  	_ =	swait.ge [sflag:s20], $0x800  }
0x63: {  	[sflag:s20] =	ssyncset.done $0x0  }
0x64: {  	[sflag:s20] =	ssyncadd.s32 $0xFFFFF800  }
0x65: {  	_ =	swait.ge [sflag:s20], $0x800  }
0x66: {  	[sflag:s20] =	ssyncset.done $0x0  }
0x67: {  	[sflag:s20] =	ssyncadd.s32 $0xFFFFF800  }
0x68: {  	_ =	swait.ge [sflag:s20], $0x800  }
0x69: {  	s23 =	sshra.s32 s23, $0x2;
	[sflag:s20] =	ssyncset.done $0x0  }
0x6a: {  	s24 =	sadd.s32 $0x400, s23;
	[sflag:s20] =	ssyncadd.s32 $0xFFFFF800  }
0x6b: {  	[spmem:s3] =	stream.indirect.scatter.add.f32 [tilespmem:s12], [sflag:$0x1], $0x10, s24, s13, $0xb8;
	[tilespmem:$0x5800] =	vst v63  }
0x6c: {  	s24 =	sadd.s32 $0x480, s23  }
0x6d: {  	[spmem:s3] =	stream.indirect.scatter.add.f32 [tilespmem:s12], [sflag:$0x1], $0x10, s24, s13, $0xb8;
	[tilespmem:$0x5800] =	vst v63  }
0x6e: {  	s24 =	sadd.s32 $0x500, s23  }
0x6f: {  	[spmem:s3] =	stream.indirect.scatter.add.f32 [tilespmem:s12], [sflag:$0x1], $0x10, s24, s13, $0xb8;
	[tilespmem:$0x5800] =	vst v63  }
0x70: {  	s24 =	sadd.s32 $0x580, s23  }
0x71: {  	[spmem:s3] =	stream.indirect.scatter.add.f32 [tilespmem:s12], [sflag:$0x1], $0x10, s24, s13, $0xb8;
	[tilespmem:$0x5800] =	vst v63  }
0x72: {  	s24 =	sadd.s32 $0x600, s23  }
0x73: {  	[spmem:s3] =	stream.indirect.scatter.add.f32 [tilespmem:s12], [sflag:$0x1], $0x10, s24, s13, $0xb8;
	[tilespmem:$0x5800] =	vst v63  }
.Ltmp0:
0x74: {  	s24 =	sadd.s32 $0x680, s23;
	(pc) =	sbr.rel @p0 .LBB2_2-.Ltmp0, $4  }
0x75: {  	[spmem:s3] =	stream.indirect.scatter.add.f32 [tilespmem:s12], [sflag:$0x1], $0x10, s24, s13, $0xb8;
	[tilespmem:$0x5800] =	vst v63  }
0x76: {  	s24 =	sadd.s32 $0x700, s23  }
0x77: {  	[spmem:s3] =	stream.indirect.scatter.add.f32 [tilespmem:s12], [sflag:$0x1], $0x10, s24, s13, $0xb8;
	[tilespmem:$0x5800] =	vst v63  }
0x78: {  	s23 =	sadd.s32 $0x780, s23  }
0x79: {  	[spmem:s3] =	stream.indirect.scatter.add.f32 [tilespmem:s12], [sflag:$0x1], $0x10, s23, s13, $0xb8;
	[tilespmem:$0x5800] =	vst v63  }
0x7a: {  	_ =	swait.ge [sflag:s20], $0x800  }
0x7b: {  	[sflag:s20] =	ssyncset.done $0x0  }
0x7c: {  	[sflag:s20] =	ssyncadd.s32 $0xFFFFF800  }
0x7d: {  	_ =	swait.ge [sflag:s20], $0x800  }
0x7e: {  	[sflag:s20] =	ssyncset.done $0x0  }
0x7f: {  	[sflag:s20] =	ssyncadd.s32 $0xFFFFF800  }
0x80: {  	_ =	swait.ge [sflag:s20], $0x800  }
0x81: {  	[sflag:s20] =	ssyncset.done $0x0  }
0x82: {  	[sflag:s20] =	ssyncadd.s32 $0xFFFFF800  }
0x83: {  	_ =	swait.ge [sflag:s20], $0x800  }
0x84: {  	[sflag:s20] =	ssyncset.done $0x0  }
0x85: {  	[sflag:s20] =	ssyncadd.s32 $0xFFFFF800  }
0x86: {  	_ =	swait.ge [sflag:s20], $0x800  }
0x87: {  	[sflag:s20] =	ssyncset.done $0x0  }
0x88: {  	[sflag:s20] =	ssyncadd.s32 $0xFFFFF800  }
0x89: {  	_ =	swait.ge [sflag:s20], $0x800  }
0x8a: {  	[sflag:s20] =	ssyncset.done $0x0  }
0x8b: {  	[sflag:s20] =	ssyncadd.s32 $0xFFFFF800  }
0x8c: {  	_ =	swait.ge [sflag:s20], $0x800  }
0x8d: {  	[sflag:s20] =	ssyncset.done $0x0  }
0x8e: {  	[sflag:s20] =	ssyncadd.s32 $0xFFFFF800  }
0x8f: {  	_ =	swait.ge [sflag:s20], $0x800  }
0x90: {  	s21 =	sadd.s32 $0x1, s21;
	[sflag:s20] =	ssyncset.done $0x0  }
0x91: {  	p0 =	sne.s32 s21, s9;
	[sflag:s20] =	ssyncadd.s32 $0xFFFFF800  }
.Ltmp1:
0x92: {  	[bflag:$0x0] =	sbarrier.arrive $0xFFFF;
	(pc) =	sbr.rel @p0 .LBB2_1-.Ltmp1, $4  }
0x93: {  	[hbm:s8], [sflag:s6] =	dma.local [spmem:s10], $0x500  }
0x94: {  	_ =	swait.ge [sflag:s11], $0x500  }
0x95: {  	[sflag:s11] =	ssyncset.done $0x0  }
0x96: {  	[sflag:s11] =	ssyncadd.s32 $0xFFFFFB00  }
0x97: {  	_ =	sfence.sel $0x180000  }
0x98: {  	[bflag:$0x0] =	sbarrier.arrive $0xFFFF  }
0x99: {  	p0 =	sne.s32 s0, $0x0;
	_ =	strace $0x90000047  }
0x9a: {  	s0 =	sadd.s32 @!p0 $0x100000, s1;
	[bflag:$0x2] =	sbarrier.arrive $0xFFFF  }
0x9b: {  	[sflag:s0] =	ssyncadd.tile.s32 @!p0 $0x1;
	_ =	shalt  }
.Lfunc_end2:
_tile_overlayer_lowered:
.L_overlay_start_2:
0x9c: {  	(tag) =	ssettag $0x2  }
0x9d: {  	s0 =	rddreg [dreg:$0x0];
	s2 =	stileid.u32  }
0x9e: {  	s1 =	rddreg [dreg:$0x1];
	p0 =	sne.s32 s2, $0x0  }
0x9f: {  	s3 =	rddreg [dreg:$0x2];
	[bflag:$0x3] =	sbarrier.arrive $0xFFFF;
	s2 =	simm.s32 @!p0 $0x1C02  }
0xa0: {  	[timem:s3], [sflag:s2] =	dma.local @!p0 [hbm:s0], s1  }
0xa1: {  	s0 =	simm.s32 @!p0 $0x2  }
0xa2: {  	_ =	swait.ge @!p0 [sflag:s0], s1  }
0xa3: {  	s1 =	ssub.s32 @!p0 $0x0, s1;
	[sflag:s0] =	ssyncset.done @!p0 $0x0  }
0xa4: {  	[sflag:s0] =	ssyncadd.s32 @!p0 s1  }
0xa5: {  	[bflag:$0x3] =	sbarrier.arrive $0xFFFF  }
0xa6: {  	_ =	shalt  }

</sc_bundles>
